<compile_context>
chip_gen: v7x
topology: tpu7x:2x2x1
jax: 0.10.2.dev20260603
libtpu: 0.0.44.dev20260713+nightly
codegen_flags: <defaults>
</compile_context>

<pallas_src>
import jax
import jax.numpy as jnp
from jax import lax
from jax.experimental import pallas as pl
from jax.experimental.pallas import tpu as pltpu
from jax.experimental.pallas import tpu_sc as plsc

N_NODES = 10000
NP = 10240
D = 128
E = 320000
NC, NS = 2, 16
NW = NC * NS
CHUNK = 64
NCH = E // CHUNK
CPW_LO = NCH // NW
NREM = NCH - CPW_LO * NW
CPW_HI = CPW_LO + 1
ROWS_PT = NP // NS
BLK = 1024
F32 = jnp.float32


def _sc_mesh():
    return plsc.VectorSubcoreMesh(
        core_axis_name="c", subcore_axis_name="s", num_cores=NC, num_subcores=NS
    )


def _deg_body(edges_hbm, out_hbm, locdeg, dbuf):
    wid = lax.axis_index("c") * NS + lax.axis_index("s")
    zeros16 = jnp.zeros((16,), F32)

    def zero_body(i, carry):
        locdeg[pl.ds(i * 16, 16)] = zeros16
        return carry

    lax.fori_loop(0, NP // 16, zero_body, 0)
    base_e = (CPW_LO * wid + jnp.minimum(wid, NREM)) * CHUNK
    pltpu.sync_copy(edges_hbm.at[pl.ds(E + base_e, CPW_LO * CHUNK)], dbuf.at[pl.ds(0, CPW_LO * CHUNK)])

    @pl.when(wid < NREM)
    def _():
        pltpu.sync_copy(
            edges_hbm.at[pl.ds(E + base_e + CPW_LO * CHUNK, CHUNK)],
            dbuf.at[pl.ds(CPW_LO * CHUNK, CHUNK)],
        )

    ones16 = jnp.ones((16,), F32)

    def cnt_body(j, carry):
        idx = dbuf[pl.ds(j * 16, 16)]
        plsc.addupdate_scatter(locdeg, [idx], ones16)
        return carry

    n16 = (CPW_LO * CHUNK) // 16 + jnp.where(wid < NREM, CHUNK // 16, 0)
    lax.fori_loop(0, n16, cnt_body, 0)
    pltpu.sync_copy(locdeg, out_hbm.at[wid])


def _deg_call(edges):
    k = pl.kernel(
        _deg_body,
        out_type=jax.ShapeDtypeStruct((NW, NP), F32),
        mesh=_sc_mesh(),
        scratch_types=[
            pltpu.VMEM((NP,), F32),
            pltpu.VMEM((CPW_HI * CHUNK,), jnp.int32),
        ],
        compiler_params=pltpu.CompilerParams(needs_layout_passes=False),
    )
    return k(edges)


def _agg_body(
    edges_hbm, g_hbm, zeros_hbm, out_hbm,
    pks, rows, acc, gs0, gs1, gs2, gs3,
    is0, is1, is2, is3, is4, is5, is6, is7,
):
    cid = lax.axis_index("c")
    sid = lax.axis_index("s")
    wid = cid * NS + sid
    base_c = CPW_LO * wid + jnp.minimum(wid, NREM)
    n_w = CPW_LO + jnp.where(wid < NREM, 1, 0)
    gsem = (gs0, gs1, gs2, gs3)
    isem = (is0, is1, is2, is3, is4, is5, is6, is7)

    def idx_issue(k, s):
        off = (base_c + k) * CHUNK
        pltpu.async_copy(edges_hbm.at[pl.ds(off, CHUNK)], pks.at[s, 0], isem[s])
        pltpu.async_copy(edges_hbm.at[pl.ds(E + off, CHUNK)], pks.at[s, 1], isem[s])

    def idx_wait(k, s):
        off = (base_c + k) * CHUNK
        pltpu.make_async_copy(edges_hbm.at[pl.ds(off, CHUNK)], pks.at[s, 0], isem[s]).wait()
        pltpu.make_async_copy(edges_hbm.at[pl.ds(E + off, CHUNK)], pks.at[s, 1], isem[s]).wait()

    for s in range(8):
        idx_issue(s, s)
    for s in range(4):
        idx_wait(s, s)
        pltpu.async_copy(g_hbm.at[pks.at[s, 0]], rows.at[s], gsem[s])
    pltpu.sync_copy(zeros_hbm, acc.at[pl.ds(sid * ROWS_PT, ROWS_PT)])
    plsc.subcore_barrier()

    def body8(j, carry):
        for b8 in range(8):
            c = 8 * j + b8
            r4 = b8 % 4

            @pl.when(c < n_w)
            def _():
                pltpu.make_async_copy(g_hbm.at[pks.at[b8, 0]], rows.at[r4], gsem[r4]).wait()
                pltpu.sync_copy(rows.at[r4], acc.at[pks.at[b8, 1]], add=True)

            @pl.when(c + 8 < n_w)
            def _():
                idx_issue(c + 8, b8)

            @pl.when(c + 4 < n_w)
            def _():
                s4 = (b8 + 4) % 8
                idx_wait(c + 4, s4)
                pltpu.async_copy(g_hbm.at[pks.at[s4, 0]], rows.at[r4], gsem[r4])

        return carry

    lax.fori_loop(0, (CPW_HI + 7) // 8, body8, 0)
    plsc.subcore_barrier()
    pltpu.sync_copy(
        acc.at[pl.ds(sid * ROWS_PT, ROWS_PT)],
        out_hbm.at[cid, pl.ds(sid * ROWS_PT, ROWS_PT)],
    )


def _agg_call(edges, g, zstripe):
    k = pl.kernel(
        _agg_body,
        out_type=jax.ShapeDtypeStruct((NC, NP, D), F32),
        mesh=_sc_mesh(),
        scratch_types=[
            pltpu.VMEM((8, 2, CHUNK), jnp.int32),
            pltpu.VMEM((4, CHUNK, D), F32),
            pltpu.VMEM_SHARED((NP, D), F32),
        ]
        + [pltpu.SemaphoreType.DMA] * 12,
        compiler_params=pltpu.CompilerParams(needs_layout_passes=False),
    )
    return k(edges, g, zstripe)


def _tc_a_body(dega_ref, x_ref, w1_ref, g1_ref):
    deg = 1.0 + jnp.sum(dega_ref[...], axis=0)
    dv = lax.rsqrt(deg)[:, None]
    h = jnp.dot(x_ref[...], w1_ref[...], preferred_element_type=F32)
    g1_ref[...] = dv * h


def _tc_a(dega, xp, W1):
    return pl.pallas_call(
        _tc_a_body,
        grid=(NP // BLK,),
        in_specs=[
            pl.BlockSpec((NW, BLK), lambda i: (0, i)),
            pl.BlockSpec((BLK, D), lambda i: (i, 0)),
            pl.BlockSpec((D, D), lambda i: (0, 0)),
        ],
        out_specs=pl.BlockSpec((BLK, D), lambda i: (i, 0)),
        out_shape=jax.ShapeDtypeStruct((NP, D), F32),
    )(dega, xp, W1)


def _tc_mid_body(p_ref, g_ref, dega_ref, b_ref, w_ref, out_ref):
    dv = lax.rsqrt(1.0 + jnp.sum(dega_ref[...], axis=0))[:, None]
    s = p_ref[0] + p_ref[1] + g_ref[...]
    t = jnp.maximum(dv * s + b_ref[...], 0.0)
    out_ref[...] = dv * jnp.dot(t, w_ref[...], preferred_element_type=F32)


def _tc_final_body(p_ref, g_ref, dega_ref, b_ref, w_ref, bo_ref, out_ref):
    dv = lax.rsqrt(1.0 + jnp.sum(dega_ref[...], axis=0))[:, None]
    s = p_ref[0] + p_ref[1] + g_ref[...]
    t = jnp.maximum(dv * s + b_ref[...], 0.0)
    out_ref[...] = jnp.dot(t, w_ref[...], preferred_element_type=F32) + bo_ref[...]


def _combine_specs():
    in_specs = [
        pl.BlockSpec((NC, BLK, D), lambda i: (0, i, 0)),
        pl.BlockSpec((BLK, D), lambda i: (i, 0)),
        pl.BlockSpec((NW, BLK), lambda i: (0, i)),
        pl.BlockSpec((1, D), lambda i: (0, 0)),
        pl.BlockSpec((D, D), lambda i: (0, 0)),
    ]
    return in_specs


def _tc_mid(p, g, dega, br, W):
    return pl.pallas_call(
        _tc_mid_body,
        grid=(NP // BLK,),
        in_specs=_combine_specs(),
        out_specs=pl.BlockSpec((BLK, D), lambda i: (i, 0)),
        out_shape=jax.ShapeDtypeStruct((NP, D), F32),
    )(p, g, dega, br, W)


def _tc_final(p, g, dega, br, Wo, bor, dout):
    in_specs = [
        pl.BlockSpec((NC, BLK, D), lambda i: (0, i, 0)),
        pl.BlockSpec((BLK, D), lambda i: (i, 0)),
        pl.BlockSpec((NW, BLK), lambda i: (0, i)),
        pl.BlockSpec((1, D), lambda i: (0, 0)),
        pl.BlockSpec((D, dout), lambda i: (0, 0)),
        pl.BlockSpec((1, dout), lambda i: (0, 0)),
    ]
    return pl.pallas_call(
        _tc_final_body,
        grid=(NP // BLK,),
        in_specs=in_specs,
        out_specs=pl.BlockSpec((BLK, dout), lambda i: (i, 0)),
        out_shape=jax.ShapeDtypeStruct((NP, dout), F32),
    )(p, g, dega, br, Wo, bor)


def kernel(x, edge_index, W1, b1, W2, b2, Wout, bout):
    edges = edge_index.astype(jnp.int32).reshape(2 * E)
    zstripe = jnp.zeros((ROWS_PT, D), F32)
    b1r = b1.reshape(1, D)
    b2r = b2.reshape(1, D)
    dout = Wout.shape[1]
    bor = bout.reshape(1, dout)

    dega = _deg_call(edges)
    g1 = _tc_a(dega, x, W1)
    p1 = _agg_call(edges, g1, zstripe)
    g2 = _tc_mid(p1, g1, dega, b1r, W2)
    p2 = _agg_call(edges, g2, zstripe)
    return _tc_final(p2, g2, dega, b2r, Wout, bor, dout)[:N_NODES]

# --- scband reference (transcript-rebuilt; emitter-appended) ---
"""Pipeline reference for scband-simple-gcn-9440338117504 (READ-ONLY COPY).

The authoritative reference and input builder live on the scoring server;
editing this copy changes nothing except your own understanding.
"""

import jax, jax.numpy as jnp
import numpy as np

N_NODES = 10000
N_EDGES = 320000
D_IN = 128
D_HID = 128
D_OUT = 2


def setup_inputs(seed: int = 0) -> dict:
    key = jax.random.key(seed)
    k = jax.random.split(key, 8)
    x = jax.random.normal(k[0], (N_NODES, D_IN), dtype=jnp.float32)
    edge_index = jax.random.randint(k[1], (2, N_EDGES), 0, N_NODES, dtype=jnp.int64)
    # GCNConv weights (glorot-style scale) and biases
    W1 = jax.random.normal(k[2], (D_IN, D_HID), dtype=jnp.float32) * (1.0 / np.sqrt(D_IN))
    b1 = jnp.zeros((D_HID,), dtype=jnp.float32)
    W2 = jax.random.normal(k[3], (D_HID, D_HID), dtype=jnp.float32) * (1.0 / np.sqrt(D_HID))
    b2 = jnp.zeros((D_HID,), dtype=jnp.float32)
    Wout = jax.random.normal(k[4], (D_HID, D_OUT), dtype=jnp.float32) * (1.0 / np.sqrt(D_HID))
    bout = jnp.zeros((D_OUT,), dtype=jnp.float32)
    return {"x": x, "edge_index": edge_index, "W1": W1, "b1": b1, "W2": W2, "b2": b2, "Wout": Wout, "bout": bout}


def _gcn_conv(x, edge_index, W, b, n_nodes):
    # x' = x @ W
    h = x @ W
    src = edge_index[0]
    dst = edge_index[1]
    # add self-loops (PyG GCNConv default)
    loop = jnp.arange(n_nodes, dtype=src.dtype)
    src = jnp.concatenate([src, loop])
    dst = jnp.concatenate([dst, loop])
    # symmetric normalization: D^{-1/2} A D^{-1/2}
    deg = jnp.zeros((n_nodes,), dtype=h.dtype).at[dst].add(1.0)
    deg_inv_sqrt = jnp.where(deg > 0, deg ** -0.5, 0.0)
    norm = deg_inv_sqrt[src] * deg_inv_sqrt[dst]
    # message = norm * x'[src]; aggregate by scatter-add into dst
    msg = h[src] * norm[:, None]
    out = jnp.zeros_like(h).at[dst].add(msg)
    return out + b


def reference(x, edge_index, W1, b1, W2, b2, Wout, bout):
    # eval mode: dropout is identity
    h = _gcn_conv(x, edge_index, W1, b1, N_NODES)
    h = jax.nn.relu(h)
    h = _gcn_conv(h, edge_index, W2, b2, N_NODES)
    h = jax.nn.relu(h)
    return h @ Wout + bout

if __name__ == "__main__":
    import jax
    _d = setup_inputs()
    print(jax.jit(kernel)(*tuple(_d.values())))

</pallas_src>

<mosaic_0001>
#map = affine_map<(d0, d1) -> (0)>
#map1 = affine_map<(d0, d1) -> (0, 0)>
module attributes {stable_mosaic.version = 14 : i64} {
  func.func @_deg_body(%arg0: i32, %arg1: i32, %arg2: memref<640000xi32, #tpu.memory_space<hbm>>, %arg3: memref<32x10240xf32, #tpu.memory_space<hbm>>, %arg4: memref<10240xf32, #tpu.memory_space<vmem>>, %arg5: memref<10048xi32, #tpu.memory_space<vmem>>) attributes {dimension_semantics = [#tpu.dimension_semantics<core_parallel>, #tpu.dimension_semantics<subcore_parallel>], iteration_bounds = array<i64: 2, 16>, scalar_prefetch = 0 : i64, scratch_operands = 2 : i64, tpu.core_type = #tpu.core_type<sc_vector_subcore>, window_params = [{transform_indices = #map}, {transform_indices = #map1}]} {
    %mul3A = arith.constant 16 : i32
    %mul3A_0 = arith.muli %arg0, %mul3A : i32
    %add3A = arith.addi %mul3A_0, %arg1 : i32
    %broadcast_in_dim3A = arith.constant 0.000000e+00 : f32
    %broadcast_in_dim3A_1 = vector.broadcast %broadcast_in_dim3A : f32 to vector<16xf32>
    %scan3A = arith.constant 0 : i32
    %scan3A_2 = arith.constant 0 : i32
    %scan3A_3 = arith.constant 640 : i32
    %scan3A_4 = arith.addi %scan3A_2, %scan3A_3 : i32
    %scan3A_5 = arith.constant 1 : i32
    scf.for %scan3A_33 = %scan3A_2 to %scan3A_4 step %scan3A_5  : i32 {
      %mul3A_34 = arith.constant 16 : i32
      %mul3A_35 = arith.muli %scan3A_33, %mul3A_34 : i32
      %swap3A = arith.index_cast %mul3A_35 : i32 to index
      %swap3A_36 = tpu.vector_load %arg4[%swap3A] {strides = array<i32>} : memref<10240xf32, #tpu.memory_space<vmem>>, vector<16xf32>,
      tpu.vector_store %arg4[%swap3A], %broadcast_in_dim3A_1 {strides = array<i32>} : memref<10240xf32, #tpu.memory_space<vmem>>, vector<16xf32>,
    }
    %scan3A_6 = arith.constant 640 : i32
    %mul3A_7 = arith.constant 156 : i32
    %mul3A_8 = arith.muli %mul3A_7, %add3A : i32
    %min3A = arith.constant 8 : i32
    %min3A_9 = arith.minsi %add3A, %min3A : i32
    %add3A_10 = arith.addi %mul3A_8, %min3A_9 : i32
    %mul3A_11 = arith.constant 64 : i32
    %mul3A_12 = arith.muli %add3A_10, %mul3A_11 : i32
    %add3A_13 = arith.constant 320000 : i32
    %add3A_14 = arith.addi %add3A_13, %mul3A_12 : i32
    "tpu.region"() ({
      %run_scoped3A = tpu.sem_alloc : memref<!tpu.dma_semaphore, #tpu.memory_space<semaphore_mem>>
      %dma_start3A = arith.constant 0 : i32
      %dma_start3A_33 = tpu.memref_slice %arg5[%dma_start3A] : memref<10048xi32, #tpu.memory_space<vmem>> -> memref<9984xi32, #tpu.memory_space<vmem>>
      %dma_start3A_34 = tpu.memref_slice %arg2[%add3A_14] : memref<640000xi32, #tpu.memory_space<hbm>> -> memref<9984xi32, #tpu.memory_space<hbm>>
      %dma_start3A_35 = arith.constant 0 : i32
      %dma_start3A_36 = tpu.memref_slice %arg5[%dma_start3A_35] : memref<10048xi32, #tpu.memory_space<vmem>> -> memref<9984xi32, #tpu.memory_space<vmem>>
      %dma_start3A_37 = tpu.memref_slice %arg2[%add3A_14] : memref<640000xi32, #tpu.memory_space<hbm>> -> memref<9984xi32, #tpu.memory_space<hbm>>
      tpu.enqueue_dma source(%dma_start3A_37 : memref<9984xi32, #tpu.memory_space<hbm>>) target(%dma_start3A_36 : memref<9984xi32, #tpu.memory_space<vmem>>) target_semaphore(%run_scoped3A : memref<!tpu.dma_semaphore, #tpu.memory_space<semaphore_mem>>)
      %dma_wait3A = arith.constant 0 : i32
      %dma_wait3A_38 = tpu.memref_slice %arg5[%dma_wait3A] : memref<10048xi32, #tpu.memory_space<vmem>> -> memref<9984xi32, #tpu.memory_space<vmem>>
      %dma_wait3A_39 = tpu.memref_slice %arg2[%add3A_14] : memref<640000xi32, #tpu.memory_space<hbm>> -> memref<9984xi32, #tpu.memory_space<hbm>>
      %dma_wait3A_40 = arith.constant 0 : i32
      %dma_wait3A_41 = tpu.memref_slice %arg5[%dma_wait3A_40] : memref<10048xi32, #tpu.memory_space<vmem>> -> memref<9984xi32, #tpu.memory_space<vmem>>
      %dma_wait3A_42 = tpu.memref_slice %arg2[%add3A_14] : memref<640000xi32, #tpu.memory_space<hbm>> -> memref<9984xi32, #tpu.memory_space<hbm>>
      tpu.wait_dma2 semaphore(%run_scoped3A : memref<!tpu.dma_semaphore, #tpu.memory_space<semaphore_mem>>) src(%dma_wait3A_42 : memref<9984xi32, #tpu.memory_space<hbm>>) dst(%dma_wait3A_41 : memref<9984xi32, #tpu.memory_space<vmem>>)
      tpu.yield
    }) : () -> ()
    %lt3A = arith.constant 8 : i32
    %lt3A_15 = arith.cmpi slt, %add3A, %lt3A : i32
    %convert_element_type3A = arith.extui %lt3A_15 : i1 to i32
    %cond3A = arith.constant 0 : i32
    %cond3A_16 = arith.cmpi ne, %convert_element_type3A, %cond3A : i32
    scf.if %cond3A_16 {
      %add3A_33 = arith.constant 320000 : i32
      %add3A_34 = arith.addi %add3A_33, %mul3A_12 : i32
      %add3A_35 = arith.constant 9984 : i32
      %add3A_36 = arith.addi %add3A_34, %add3A_35 : i32
      "tpu.region"() ({
        %run_scoped3A = tpu.sem_alloc : memref<!tpu.dma_semaphore, #tpu.memory_space<semaphore_mem>>
        %dma_start3A = arith.constant 9984 : i32
        %dma_start3A_37 = tpu.memref_slice %arg5[%dma_start3A] : memref<10048xi32, #tpu.memory_space<vmem>> -> memref<64xi32, #tpu.memory_space<vmem>>
        %dma_start3A_38 = tpu.memref_slice %arg2[%add3A_36] : memref<640000xi32, #tpu.memory_space<hbm>> -> memref<64xi32, #tpu.memory_space<hbm>>
        %dma_start3A_39 = arith.constant 9984 : i32
        %dma_start3A_40 = tpu.memref_slice %arg5[%dma_start3A_39] : memref<10048xi32, #tpu.memory_space<vmem>> -> memref<64xi32, #tpu.memory_space<vmem>>
        %dma_start3A_41 = tpu.memref_slice %arg2[%add3A_36] : memref<640000xi32, #tpu.memory_space<hbm>> -> memref<64xi32, #tpu.memory_space<hbm>>
        tpu.enqueue_dma source(%dma_start3A_41 : memref<64xi32, #tpu.memory_space<hbm>>) target(%dma_start3A_40 : memref<64xi32, #tpu.memory_space<vmem>>) target_semaphore(%run_scoped3A : memref<!tpu.dma_semaphore, #tpu.memory_space<semaphore_mem>>)
        %dma_wait3A = arith.constant 9984 : i32
        %dma_wait3A_42 = tpu.memref_slice %arg5[%dma_wait3A] : memref<10048xi32, #tpu.memory_space<vmem>> -> memref<64xi32, #tpu.memory_space<vmem>>
        %dma_wait3A_43 = tpu.memref_slice %arg2[%add3A_36] : memref<640000xi32, #tpu.memory_space<hbm>> -> memref<64xi32, #tpu.memory_space<hbm>>
        %dma_wait3A_44 = arith.constant 9984 : i32
        %dma_wait3A_45 = tpu.memref_slice %arg5[%dma_wait3A_44] : memref<10048xi32, #tpu.memory_space<vmem>> -> memref<64xi32, #tpu.memory_space<vmem>>
        %dma_wait3A_46 = tpu.memref_slice %arg2[%add3A_36] : memref<640000xi32, #tpu.memory_space<hbm>> -> memref<64xi32, #tpu.memory_space<hbm>>
        tpu.wait_dma2 semaphore(%run_scoped3A : memref<!tpu.dma_semaphore, #tpu.memory_space<semaphore_mem>>) src(%dma_wait3A_46 : memref<64xi32, #tpu.memory_space<hbm>>) dst(%dma_wait3A_45 : memref<64xi32, #tpu.memory_space<vmem>>)
        tpu.yield
      }) : () -> ()
    } else {
    }
    %broadcast_in_dim3A_17 = arith.constant 1.000000e+00 : f32
    %broadcast_in_dim3A_18 = vector.broadcast %broadcast_in_dim3A_17 : f32 to vector<16xf32>
    %lt3A_19 = arith.constant 8 : i32
    %lt3A_20 = arith.cmpi slt, %add3A, %lt3A_19 : i32
    %jit3A = arith.constant 4 : i32
    %jit3A_21 = arith.constant 0 : i32
    %select_n3A = arith.select %lt3A_20, %jit3A, %jit3A_21 : i32
    %add3A_22 = arith.constant 624 : i32
    %add3A_23 = arith.addi %add3A_22, %select_n3A : i32
    %while3A = arith.constant 0 : i32
    %while3A_24 = arith.constant 0 : i32
    %while3A_25 = arith.subi %add3A_23, %while3A_24 : i32
    %while3A_26 = arith.addi %while3A_24, %while3A_25 : i32
    %while3A_27 = arith.constant 1 : i32
    %while3A_28 = arith.divsi %while3A_25, %while3A_27 : i32
    %while3A_29 = arith.muli %while3A_28, %while3A_27 : i32
    %while3A_30 = arith.addi %while3A_24, %while3A_29 : i32
    %while3A_31 = arith.constant 1 : i32
    scf.for %while3A_33 = %while3A_24 to %while3A_30 step %while3A_31  : i32 {
      %mul3A_34 = arith.constant 16 : i32
      %mul3A_35 = arith.muli %while3A_33, %mul3A_34 : i32
      %get3A = arith.index_cast %mul3A_35 : i32 to index
      %get3A_36 = tpu.vector_load %arg5[%get3A] {strides = array<i32>} : memref<10048xi32, #tpu.memory_space<vmem>>, vector<16xi32>,
      tpu.vector_store_idx %arg4[%get3A_36], %broadcast_in_dim3A_18 {add = true} : memref<10240xf32, #tpu.memory_space<vmem>>[vector<16xi32>], vector<16xf32>,
    }
    %while3A_32 = arith.constant 1 : i32
    scf.for %while3A_33 = %while3A_30 to %while3A_26 step %while3A_32  : i32 {
      %mul3A_34 = arith.constant 16 : i32
      %mul3A_35 = arith.muli %while3A_33, %mul3A_34 : i32
      %get3A = arith.index_cast %mul3A_35 : i32 to index
      %get3A_36 = tpu.vector_load %arg5[%get3A] {strides = array<i32>} : memref<10048xi32, #tpu.memory_space<vmem>>, vector<16xi32>,
      tpu.vector_store_idx %arg4[%get3A_36], %broadcast_in_dim3A_18 {add = true} : memref<10240xf32, #tpu.memory_space<vmem>>[vector<16xi32>], vector<16xf32>,
    }
    "tpu.region"() ({
      %run_scoped3A = tpu.sem_alloc : memref<!tpu.dma_semaphore, #tpu.memory_space<semaphore_mem>>
      %dma_start3A = arith.constant 0 : i32
      %dma_start3A_33 = tpu.memref_slice %arg3[%add3A, %dma_start3A] : memref<32x10240xf32, #tpu.memory_space<hbm>> -> memref<1x10240xf32, #tpu.memory_space<hbm>>
      %dma_start3A_34 = tpu.memref_squeeze %dma_start3A_33 : memref<1x10240xf32, #tpu.memory_space<hbm>> -> memref<10240xf32, #tpu.memory_space<hbm>>
      %dma_start3A_35 = arith.constant 0 : i32
      %dma_start3A_36 = tpu.memref_slice %arg3[%add3A, %dma_start3A_35] : memref<32x10240xf32, #tpu.memory_space<hbm>> -> memref<1x10240xf32, #tpu.memory_space<hbm>>
      %dma_start3A_37 = tpu.memref_squeeze %dma_start3A_36 : memref<1x10240xf32, #tpu.memory_space<hbm>> -> memref<10240xf32, #tpu.memory_space<hbm>>
      tpu.enqueue_dma source(%arg4 : memref<10240xf32, #tpu.memory_space<vmem>>) target(%dma_start3A_37 : memref<10240xf32, #tpu.memory_space<hbm>>) target_semaphore(%run_scoped3A : memref<!tpu.dma_semaphore, #tpu.memory_space<semaphore_mem>>)
      %dma_wait3A = arith.constant 0 : i32
      %dma_wait3A_38 = tpu.memref_slice %arg3[%add3A, %dma_wait3A] : memref<32x10240xf32, #tpu.memory_space<hbm>> -> memref<1x10240xf32, #tpu.memory_space<hbm>>
      %dma_wait3A_39 = tpu.memref_squeeze %dma_wait3A_38 : memref<1x10240xf32, #tpu.memory_space<hbm>> -> memref<10240xf32, #tpu.memory_space<hbm>>
      %dma_wait3A_40 = arith.constant 0 : i32
      %dma_wait3A_41 = tpu.memref_slice %arg3[%add3A, %dma_wait3A_40] : memref<32x10240xf32, #tpu.memory_space<hbm>> -> memref<1x10240xf32, #tpu.memory_space<hbm>>
      %dma_wait3A_42 = tpu.memref_squeeze %dma_wait3A_41 : memref<1x10240xf32, #tpu.memory_space<hbm>> -> memref<10240xf32, #tpu.memory_space<hbm>>
      tpu.wait_dma2 semaphore(%run_scoped3A : memref<!tpu.dma_semaphore, #tpu.memory_space<semaphore_mem>>) src(%arg4 : memref<10240xf32, #tpu.memory_space<vmem>>) dst(%dma_wait3A_42 : memref<10240xf32, #tpu.memory_space<hbm>>)
      tpu.yield
    }) : () -> ()
    return
  }
}

#map = affine_map<(d0, d1) -> (0)>
#map1 = affine_map<(d0, d1) -> (0, 0)>
#map2 = affine_map<(d0, d1) -> (0, 0, 0)>
module attributes {stable_mosaic.version = 14 : i64} {
  func.func @_agg_body(%arg0: i32, %arg1: i32, %arg2: memref<640000xi32, #tpu.memory_space<hbm>>, %arg3: memref<10240x128xf32, #tpu.memory_space<hbm>>, %arg4: memref<640x128xf32, #tpu.memory_space<hbm>>, %arg5: memref<2x10240x128xf32, #tpu.memory_space<hbm>>, %arg6: memref<8x2x64xi32, #tpu.memory_space<vmem>>, %arg7: memref<4x64x128xf32, #tpu.memory_space<vmem>>, %arg8: memref<10240x128xf32, #tpu.memory_space<vmem_shared>>, %arg9: memref<!tpu.dma_semaphore, #tpu.memory_space<semaphore_mem>>, %arg10: memref<!tpu.dma_semaphore, #tpu.memory_space<semaphore_mem>>, %arg11: memref<!tpu.dma_semaphore, #tpu.memory_space<semaphore_mem>>, %arg12: memref<!tpu.dma_semaphore, #tpu.memory_space<semaphore_mem>>, %arg13: memref<!tpu.dma_semaphore, #tpu.memory_space<semaphore_mem>>, %arg14: memref<!tpu.dma_semaphore, #tpu.memory_space<semaphore_mem>>, %arg15: memref<!tpu.dma_semaphore, #tpu.memory_space<semaphore_mem>>, %arg16: memref<!tpu.dma_semaphore, #tpu.memory_space<semaphore_mem>>, %arg17: memref<!tpu.dma_semaphore, #tpu.memory_space<semaphore_mem>>, %arg18: memref<!tpu.dma_semaphore, #tpu.memory_space<semaphore_mem>>, %arg19: memref<!tpu.dma_semaphore, #tpu.memory_space<semaphore_mem>>, %arg20: memref<!tpu.dma_semaphore, #tpu.memory_space<semaphore_mem>>) attributes {dimension_semantics = [#tpu.dimension_semantics<core_parallel>, #tpu.dimension_semantics<subcore_parallel>], iteration_bounds = array<i64: 2, 16>, scalar_prefetch = 0 : i64, scratch_operands = 15 : i64, tpu.core_type = #tpu.core_type<sc_vector_subcore>, window_params = [{transform_indices = #map}, {transform_indices = #map1}, {transform_indices = #map1}, {transform_indices = #map2}]} {
    %mul3A = arith.constant 16 : i32
    %mul3A_0 = arith.muli %arg0, %mul3A : i32
    %add3A = arith.addi %mul3A_0, %arg1 : i32
    %mul3A_1 = arith.constant 156 : i32
    %mul3A_2 = arith.muli %mul3A_1, %add3A : i32
    %min3A = arith.constant 8 : i32
    %min3A_3 = arith.minsi %add3A, %min3A : i32
    %add3A_4 = arith.addi %mul3A_2, %min3A_3 : i32
    %lt3A = arith.constant 8 : i32
    %lt3A_5 = arith.cmpi slt, %add3A, %lt3A : i32
    %jit3A = arith.constant 1 : i32
    %jit3A_6 = arith.constant 0 : i32
    %select_n3A = arith.select %lt3A_5, %jit3A, %jit3A_6 : i32
    %add3A_7 = arith.constant 156 : i32
    %add3A_8 = arith.addi %add3A_7, %select_n3A : i32
    %add3A_9 = arith.constant 0 : i32
    %add3A_10 = arith.addi %add3A_4, %add3A_9 : i32
    %mul3A_11 = arith.constant 64 : i32
    %mul3A_12 = arith.muli %add3A_10, %mul3A_11 : i32
    %dma_start3A = arith.constant 0 : i32
    %dma_start3A_13 = arith.constant 0 : i32
    %dma_start3A_14 = arith.constant 0 : i32
    %dma_start3A_15 = tpu.memref_slice %arg6[%dma_start3A, %dma_start3A_13, %dma_start3A_14] : memref<8x2x64xi32, #tpu.memory_space<vmem>> -> memref<1x1x64xi32, #tpu.memory_space<vmem>>
    %dma_start3A_16 = tpu.memref_squeeze %dma_start3A_15 : memref<1x1x64xi32, #tpu.memory_space<vmem>> -> memref<64xi32, #tpu.memory_space<vmem>>
    %dma_start3A_17 = tpu.memref_slice %arg2[%mul3A_12] : memref<640000xi32, #tpu.memory_space<hbm>> -> memref<64xi32, #tpu.memory_space<hbm>>
    %dma_start3A_18 = arith.constant 0 : i32
    %dma_start3A_19 = tpu.memref_slice %arg6[%dma_start3A, %dma_start3A_13, %dma_start3A_18] : memref<8x2x64xi32, #tpu.memory_space<vmem>> -> memref<1x1x64xi32, #tpu.memory_space<vmem>>
    %dma_start3A_20 = tpu.memref_squeeze %dma_start3A_19 : memref<1x1x64xi32, #tpu.memory_space<vmem>> -> memref<64xi32, #tpu.memory_space<vmem>>
    %dma_start3A_21 = tpu.memref_slice %arg2[%mul3A_12] : memref<640000xi32, #tpu.memory_space<hbm>> -> memref<64xi32, #tpu.memory_space<hbm>>
    tpu.enqueue_dma source(%dma_start3A_21 : memref<64xi32, #tpu.memory_space<hbm>>) target(%dma_start3A_20 : memref<64xi32, #tpu.memory_space<vmem>>) target_semaphore(%arg13 : memref<!tpu.dma_semaphore, #tpu.memory_space<semaphore_mem>>)
    %add3A_22 = arith.constant 320000 : i32
    %add3A_23 = arith.addi %add3A_22, %mul3A_12 : i32
    %dma_start3A_24 = arith.constant 0 : i32
    %dma_start3A_25 = arith.constant 1 : i32
    %dma_start3A_26 = arith.constant 0 : i32
    %dma_start3A_27 = tpu.memref_slice %arg6[%dma_start3A_24, %dma_start3A_25, %dma_start3A_26] : memref<8x2x64xi32, #tpu.memory_space<vmem>> -> memref<1x1x64xi32, #tpu.memory_space<vmem>>
    %dma_start3A_28 = tpu.memref_squeeze %dma_start3A_27 : memref<1x1x64xi32, #tpu.memory_space<vmem>> -> memref<64xi32, #tpu.memory_space<vmem>>
    %dma_start3A_29 = tpu.memref_slice %arg2[%add3A_23] : memref<640000xi32, #tpu.memory_space<hbm>> -> memref<64xi32, #tpu.memory_space<hbm>>
    %dma_start3A_30 = arith.constant 0 : i32
    %dma_start3A_31 = tpu.memref_slice %arg6[%dma_start3A_24, %dma_start3A_25, %dma_start3A_30] : memref<8x2x64xi32, #tpu.memory_space<vmem>> -> memref<1x1x64xi32, #tpu.memory_space<vmem>>
    %dma_start3A_32 = tpu.memref_squeeze %dma_start3A_31 : memref<1x1x64xi32, #tpu.memory_space<vmem>> -> memref<64xi32, #tpu.memory_space<vmem>>
    %dma_start3A_33 = tpu.memref_slice %arg2[%add3A_23] : memref<640000xi32, #tpu.memory_space<hbm>> -> memref<64xi32, #tpu.memory_space<hbm>>
    tpu.enqueue_dma source(%dma_start3A_33 : memref<64xi32, #tpu.memory_space<hbm>>) target(%dma_start3A_32 : memref<64xi32, #tpu.memory_space<vmem>>) target_semaphore(%arg13 : memref<!tpu.dma_semaphore, #tpu.memory_space<semaphore_mem>>)
    %add3A_34 = arith.constant 1 : i32
    %add3A_35 = arith.addi %add3A_4, %add3A_34 : i32
    %mul3A_36 = arith.constant 64 : i32
    %mul3A_37 = arith.muli %add3A_35, %mul3A_36 : i32
    %dma_start3A_38 = arith.constant 1 : i32
    %dma_start3A_39 = arith.constant 0 : i32
    %dma_start3A_40 = arith.constant 0 : i32
    %dma_start3A_41 = tpu.memref_slice %arg6[%dma_start3A_38, %dma_start3A_39, %dma_start3A_40] : memref<8x2x64xi32, #tpu.memory_space<vmem>> -> memref<1x1x64xi32, #tpu.memory_space<vmem>>
    %dma_start3A_42 = tpu.memref_squeeze %dma_start3A_41 : memref<1x1x64xi32, #tpu.memory_space<vmem>> -> memref<64xi32, #tpu.memory_space<vmem>>
    %dma_start3A_43 = tpu.memref_slice %arg2[%mul3A_37] : memref<640000xi32, #tpu.memory_space<hbm>> -> memref<64xi32, #tpu.memory_space<hbm>>
    %dma_start3A_44 = arith.constant 0 : i32
    %dma_start3A_45 = tpu.memref_slice %arg6[%dma_start3A_38, %dma_start3A_39, %dma_start3A_44] : memref<8x2x64xi32, #tpu.memory_space<vmem>> -> memref<1x1x64xi32, #tpu.memory_space<vmem>>
    %dma_start3A_46 = tpu.memref_squeeze %dma_start3A_45 : memref<1x1x64xi32, #tpu.memory_space<vmem>> -> memref<64xi32, #tpu.memory_space<vmem>>
    %dma_start3A_47 = tpu.memref_slice %arg2[%mul3A_37] : memref<640000xi32, #tpu.memory_space<hbm>> -> memref<64xi32, #tpu.memory_space<hbm>>
    tpu.enqueue_dma source(%dma_start3A_47 : memref<64xi32, #tpu.memory_space<hbm>>) target(%dma_start3A_46 : memref<64xi32, #tpu.memory_space<vmem>>) target_semaphore(%arg14 : memref<!tpu.dma_semaphore, #tpu.memory_space<semaphore_mem>>)
    %add3A_48 = arith.constant 320000 : i32
    %add3A_49 = arith.addi %add3A_48, %mul3A_37 : i32
    %dma_start3A_50 = arith.constant 1 : i32
    %dma_start3A_51 = arith.constant 1 : i32
    %dma_start3A_52 = arith.constant 0 : i32
    %dma_start3A_53 = tpu.memref_slice %arg6[%dma_start3A_50, %dma_start3A_51, %dma_start3A_52] : memref<8x2x64xi32, #tpu.memory_space<vmem>> -> memref<1x1x64xi32, #tpu.memory_space<vmem>>
    %dma_start3A_54 = tpu.memref_squeeze %dma_start3A_53 : memref<1x1x64xi32, #tpu.memory_space<vmem>> -> memref<64xi32, #tpu.memory_space<vmem>>
    %dma_start3A_55 = tpu.memref_slice %arg2[%add3A_49] : memref<640000xi32, #tpu.memory_space<hbm>> -> memref<64xi32, #tpu.memory_space<hbm>>
    %dma_start3A_56 = arith.constant 0 : i32
    %dma_start3A_57 = tpu.memref_slice %arg6[%dma_start3A_50, %dma_start3A_51, %dma_start3A_56] : memref<8x2x64xi32, #tpu.memory_space<vmem>> -> memref<1x1x64xi32, #tpu.memory_space<vmem>>
    %dma_start3A_58 = tpu.memref_squeeze %dma_start3A_57 : memref<1x1x64xi32, #tpu.memory_space<vmem>> -> memref<64xi32, #tpu.memory_space<vmem>>
    %dma_start3A_59 = tpu.memref_slice %arg2[%add3A_49] : memref<640000xi32, #tpu.memory_space<hbm>> -> memref<64xi32, #tpu.memory_space<hbm>>
    tpu.enqueue_dma source(%dma_start3A_59 : memref<64xi32, #tpu.memory_space<hbm>>) target(%dma_start3A_58 : memref<64xi32, #tpu.memory_space<vmem>>) target_semaphore(%arg14 : memref<!tpu.dma_semaphore, #tpu.memory_space<semaphore_mem>>)
    %add3A_60 = arith.constant 2 : i32
    %add3A_61 = arith.addi %add3A_4, %add3A_60 : i32
    %mul3A_62 = arith.constant 64 : i32
    %mul3A_63 = arith.muli %add3A_61, %mul3A_62 : i32
    %dma_start3A_64 = arith.constant 2 : i32
    %dma_start3A_65 = arith.constant 0 : i32
    %dma_start3A_66 = arith.constant 0 : i32
    %dma_start3A_67 = tpu.memref_slice %arg6[%dma_start3A_64, %dma_start3A_65, %dma_start3A_66] : memref<8x2x64xi32, #tpu.memory_space<vmem>> -> memref<1x1x64xi32, #tpu.memory_space<vmem>>
    %dma_start3A_68 = tpu.memref_squeeze %dma_start3A_67 : memref<1x1x64xi32, #tpu.memory_space<vmem>> -> memref<64xi32, #tpu.memory_space<vmem>>
    %dma_start3A_69 = tpu.memref_slice %arg2[%mul3A_63] : memref<640000xi32, #tpu.memory_space<hbm>> -> memref<64xi32, #tpu.memory_space<hbm>>
    %dma_start3A_70 = arith.constant 0 : i32
    %dma_start3A_71 = tpu.memref_slice %arg6[%dma_start3A_64, %dma_start3A_65, %dma_start3A_70] : memref<8x2x64xi32, #tpu.memory_space<vmem>> -> memref<1x1x64xi32, #tpu.memory_space<vmem>>
    %dma_start3A_72 = tpu.memref_squeeze %dma_start3A_71 : memref<1x1x64xi32, #tpu.memory_space<vmem>> -> memref<64xi32, #tpu.memory_space<vmem>>
    %dma_start3A_73 = tpu.memref_slice %arg2[%mul3A_63] : memref<640000xi32, #tpu.memory_space<hbm>> -> memref<64xi32, #tpu.memory_space<hbm>>
    tpu.enqueue_dma source(%dma_start3A_73 : memref<64xi32, #tpu.memory_space<hbm>>) target(%dma_start3A_72 : memref<64xi32, #tpu.memory_space<vmem>>) target_semaphore(%arg15 : memref<!tpu.dma_semaphore, #tpu.memory_space<semaphore_mem>>)
    %add3A_74 = arith.constant 320000 : i32
    %add3A_75 = arith.addi %add3A_74, %mul3A_63 : i32
    %dma_start3A_76 = arith.constant 2 : i32
    %dma_start3A_77 = arith.constant 1 : i32
    %dma_start3A_78 = arith.constant 0 : i32
    %dma_start3A_79 = tpu.memref_slice %arg6[%dma_start3A_76, %dma_start3A_77, %dma_start3A_78] : memref<8x2x64xi32, #tpu.memory_space<vmem>> -> memref<1x1x64xi32, #tpu.memory_space<vmem>>
    %dma_start3A_80 = tpu.memref_squeeze %dma_start3A_79 : memref<1x1x64xi32, #tpu.memory_space<vmem>> -> memref<64xi32, #tpu.memory_space<vmem>>
    %dma_start3A_81 = tpu.memref_slice %arg2[%add3A_75] : memref<640000xi32, #tpu.memory_space<hbm>> -> memref<64xi32, #tpu.memory_space<hbm>>
    %dma_start3A_82 = arith.constant 0 : i32
    %dma_start3A_83 = tpu.memref_slice %arg6[%dma_start3A_76, %dma_start3A_77, %dma_start3A_82] : memref<8x2x64xi32, #tpu.memory_space<vmem>> -> memref<1x1x64xi32, #tpu.memory_space<vmem>>
    %dma_start3A_84 = tpu.memref_squeeze %dma_start3A_83 : memref<1x1x64xi32, #tpu.memory_space<vmem>> -> memref<64xi32, #tpu.memory_space<vmem>>
    %dma_start3A_85 = tpu.memref_slice %arg2[%add3A_75] : memref<640000xi32, #tpu.memory_space<hbm>> -> memref<64xi32, #tpu.memory_space<hbm>>
    tpu.enqueue_dma source(%dma_start3A_85 : memref<64xi32, #tpu.memory_space<hbm>>) target(%dma_start3A_84 : memref<64xi32, #tpu.memory_space<vmem>>) target_semaphore(%arg15 : memref<!tpu.dma_semaphore, #tpu.memory_space<semaphore_mem>>)
    %add3A_86 = arith.constant 3 : i32
    %add3A_87 = arith.addi %add3A_4, %add3A_86 : i32
    %mul3A_88 = arith.constant 64 : i32
    %mul3A_89 = arith.muli %add3A_87, %mul3A_88 : i32
    %dma_start3A_90 = arith.constant 3 : i32
    %dma_start3A_91 = arith.constant 0 : i32
    %dma_start3A_92 = arith.constant 0 : i32
    %dma_start3A_93 = tpu.memref_slice %arg6[%dma_start3A_90, %dma_start3A_91, %dma_start3A_92] : memref<8x2x64xi32, #tpu.memory_space<vmem>> -> memref<1x1x64xi32, #tpu.memory_space<vmem>>
    %dma_start3A_94 = tpu.memref_squeeze %dma_start3A_93 : memref<1x1x64xi32, #tpu.memory_space<vmem>> -> memref<64xi32, #tpu.memory_space<vmem>>
    %dma_start3A_95 = tpu.memref_slice %arg2[%mul3A_89] : memref<640000xi32, #tpu.memory_space<hbm>> -> memref<64xi32, #tpu.memory_space<hbm>>
    %dma_start3A_96 = arith.constant 0 : i32
    %dma_start3A_97 = tpu.memref_slice %arg6[%dma_start3A_90, %dma_start3A_91, %dma_start3A_96] : memref<8x2x64xi32, #tpu.memory_space<vmem>> -> memref<1x1x64xi32, #tpu.memory_space<vmem>>
    %dma_start3A_98 = tpu.memref_squeeze %dma_start3A_97 : memref<1x1x64xi32, #tpu.memory_space<vmem>> -> memref<64xi32, #tpu.memory_space<vmem>>
    %dma_start3A_99 = tpu.memref_slice %arg2[%mul3A_89] : memref<640000xi32, #tpu.memory_space<hbm>> -> memref<64xi32, #tpu.memory_space<hbm>>
    tpu.enqueue_dma source(%dma_start3A_99 : memref<64xi32, #tpu.memory_space<hbm>>) target(%dma_start3A_98 : memref<64xi32, #tpu.memory_space<vmem>>) target_semaphore(%arg16 : memref<!tpu.dma_semaphore, #tpu.memory_space<semaphore_mem>>)
    %add3A_100 = arith.constant 320000 : i32
    %add3A_101 = arith.addi %add3A_100, %mul3A_89 : i32
    %dma_start3A_102 = arith.constant 3 : i32
    %dma_start3A_103 = arith.constant 1 : i32
    %dma_start3A_104 = arith.constant 0 : i32
    %dma_start3A_105 = tpu.memref_slice %arg6[%dma_start3A_102, %dma_start3A_103, %dma_start3A_104] : memref<8x2x64xi32, #tpu.memory_space<vmem>> -> memref<1x1x64xi32, #tpu.memory_space<vmem>>
    %dma_start3A_106 = tpu.memref_squeeze %dma_start3A_105 : memref<1x1x64xi32, #tpu.memory_space<vmem>> -> memref<64xi32, #tpu.memory_space<vmem>>
    %dma_start3A_107 = tpu.memref_slice %arg2[%add3A_101] : memref<640000xi32, #tpu.memory_space<hbm>> -> memref<64xi32, #tpu.memory_space<hbm>>
    %dma_start3A_108 = arith.constant 0 : i32
    %dma_start3A_109 = tpu.memref_slice %arg6[%dma_start3A_102, %dma_start3A_103, %dma_start3A_108] : memref<8x2x64xi32, #tpu.memory_space<vmem>> -> memref<1x1x64xi32, #tpu.memory_space<vmem>>
    %dma_start3A_110 = tpu.memref_squeeze %dma_start3A_109 : memref<1x1x64xi32, #tpu.memory_space<vmem>> -> memref<64xi32, #tpu.memory_space<vmem>>
    %dma_start3A_111 = tpu.memref_slice %arg2[%add3A_101] : memref<640000xi32, #tpu.memory_space<hbm>> -> memref<64xi32, #tpu.memory_space<hbm>>
    tpu.enqueue_dma source(%dma_start3A_111 : memref<64xi32, #tpu.memory_space<hbm>>) target(%dma_start3A_110 : memref<64xi32, #tpu.memory_space<vmem>>) target_semaphore(%arg16 : memref<!tpu.dma_semaphore, #tpu.memory_space<semaphore_mem>>)
    %add3A_112 = arith.constant 4 : i32
    %add3A_113 = arith.addi %add3A_4, %add3A_112 : i32
    %mul3A_114 = arith.constant 64 : i32
    %mul3A_115 = arith.muli %add3A_113, %mul3A_114 : i32
    %dma_start3A_116 = arith.constant 4 : i32
    %dma_start3A_117 = arith.constant 0 : i32
    %dma_start3A_118 = arith.constant 0 : i32
    %dma_start3A_119 = tpu.memref_slice %arg6[%dma_start3A_116, %dma_start3A_117, %dma_start3A_118] : memref<8x2x64xi32, #tpu.memory_space<vmem>> -> memref<1x1x64xi32, #tpu.memory_space<vmem>>
    %dma_start3A_120 = tpu.memref_squeeze %dma_start3A_119 : memref<1x1x64xi32, #tpu.memory_space<vmem>> -> memref<64xi32, #tpu.memory_space<vmem>>
    %dma_start3A_121 = tpu.memref_slice %arg2[%mul3A_115] : memref<640000xi32, #tpu.memory_space<hbm>> -> memref<64xi32, #tpu.memory_space<hbm>>
    %dma_start3A_122 = arith.constant 0 : i32
    %dma_start3A_123 = tpu.memref_slice %arg6[%dma_start3A_116, %dma_start3A_117, %dma_start3A_122] : memref<8x2x64xi32, #tpu.memory_space<vmem>> -> memref<1x1x64xi32, #tpu.memory_space<vmem>>
    %dma_start3A_124 = tpu.memref_squeeze %dma_start3A_123 : memref<1x1x64xi32, #tpu.memory_space<vmem>> -> memref<64xi32, #tpu.memory_space<vmem>>
    %dma_start3A_125 = tpu.memref_slice %arg2[%mul3A_115] : memref<640000xi32, #tpu.memory_space<hbm>> -> memref<64xi32, #tpu.memory_space<hbm>>
    tpu.enqueue_dma source(%dma_start3A_125 : memref<64xi32, #tpu.memory_space<hbm>>) target(%dma_start3A_124 : memref<64xi32, #tpu.memory_space<vmem>>) target_semaphore(%arg17 : memref<!tpu.dma_semaphore, #tpu.memory_space<semaphore_mem>>)
    %add3A_126 = arith.constant 320000 : i32
    %add3A_127 = arith.addi %add3A_126, %mul3A_115 : i32
    %dma_start3A_128 = arith.constant 4 : i32
    %dma_start3A_129 = arith.constant 1 : i32
    %dma_start3A_130 = arith.constant 0 : i32
    %dma_start3A_131 = tpu.memref_slice %arg6[%dma_start3A_128, %dma_start3A_129, %dma_start3A_130] : memref<8x2x64xi32, #tpu.memory_space<vmem>> -> memref<1x1x64xi32, #tpu.memory_space<vmem>>
    %dma_start3A_132 = tpu.memref_squeeze %dma_start3A_131 : memref<1x1x64xi32, #tpu.memory_space<vmem>> -> memref<64xi32, #tpu.memory_space<vmem>>
    %dma_start3A_133 = tpu.memref_slice %arg2[%add3A_127] : memref<640000xi32, #tpu.memory_space<hbm>> -> memref<64xi32, #tpu.memory_space<hbm>>
    %dma_start3A_134 = arith.constant 0 : i32
    %dma_start3A_135 = tpu.memref_slice %arg6[%dma_start3A_128, %dma_start3A_129, %dma_start3A_134] : memref<8x2x64xi32, #tpu.memory_space<vmem>> -> memref<1x1x64xi32, #tpu.memory_space<vmem>>
    %dma_start3A_136 = tpu.memref_squeeze %dma_start3A_135 : memref<1x1x64xi32, #tpu.memory_space<vmem>> -> memref<64xi32, #tpu.memory_space<vmem>>
    %dma_start3A_137 = tpu.memref_slice %arg2[%add3A_127] : memref<640000xi32, #tpu.memory_space<hbm>> -> memref<64xi32, #tpu.memory_space<hbm>>
    tpu.enqueue_dma source(%dma_start3A_137 : memref<64xi32, #tpu.memory_space<hbm>>) target(%dma_start3A_136 : memref<64xi32, #tpu.memory_space<vmem>>) target_semaphore(%arg17 : memref<!tpu.dma_semaphore, #tpu.memory_space<semaphore_mem>>)
    %add3A_138 = arith.constant 5 : i32
    %add3A_139 = arith.addi %add3A_4, %add3A_138 : i32
    %mul3A_140 = arith.constant 64 : i32
    %mul3A_141 = arith.muli %add3A_139, %mul3A_140 : i32
    %dma_start3A_142 = arith.constant 5 : i32
    %dma_start3A_143 = arith.constant 0 : i32
    %dma_start3A_144 = arith.constant 0 : i32
    %dma_start3A_145 = tpu.memref_slice %arg6[%dma_start3A_142, %dma_start3A_143, %dma_start3A_144] : memref<8x2x64xi32, #tpu.memory_space<vmem>> -> memref<1x1x64xi32, #tpu.memory_space<vmem>>
    %dma_start3A_146 = tpu.memref_squeeze %dma_start3A_145 : memref<1x1x64xi32, #tpu.memory_space<vmem>> -> memref<64xi32, #tpu.memory_space<vmem>>
    %dma_start3A_147 = tpu.memref_slice %arg2[%mul3A_141] : memref<640000xi32, #tpu.memory_space<hbm>> -> memref<64xi32, #tpu.memory_space<hbm>>
    %dma_start3A_148 = arith.constant 0 : i32
    %dma_start3A_149 = tpu.memref_slice %arg6[%dma_start3A_142, %dma_start3A_143, %dma_start3A_148] : memref<8x2x64xi32, #tpu.memory_space<vmem>> -> memref<1x1x64xi32, #tpu.memory_space<vmem>>
    %dma_start3A_150 = tpu.memref_squeeze %dma_start3A_149 : memref<1x1x64xi32, #tpu.memory_space<vmem>> -> memref<64xi32, #tpu.memory_space<vmem>>
    %dma_start3A_151 = tpu.memref_slice %arg2[%mul3A_141] : memref<640000xi32, #tpu.memory_space<hbm>> -> memref<64xi32, #tpu.memory_space<hbm>>
    tpu.enqueue_dma source(%dma_start3A_151 : memref<64xi32, #tpu.memory_space<hbm>>) target(%dma_start3A_150 : memref<64xi32, #tpu.memory_space<vmem>>) target_semaphore(%arg18 : memref<!tpu.dma_semaphore, #tpu.memory_space<semaphore_mem>>)
    %add3A_152 = arith.constant 320000 : i32
    %add3A_153 = arith.addi %add3A_152, %mul3A_141 : i32
    %dma_start3A_154 = arith.constant 5 : i32
    %dma_start3A_155 = arith.constant 1 : i32
    %dma_start3A_156 = arith.constant 0 : i32
    %dma_start3A_157 = tpu.memref_slice %arg6[%dma_start3A_154, %dma_start3A_155, %dma_start3A_156] : memref<8x2x64xi32, #tpu.memory_space<vmem>> -> memref<1x1x64xi32, #tpu.memory_space<vmem>>
    %dma_start3A_158 = tpu.memref_squeeze %dma_start3A_157 : memref<1x1x64xi32, #tpu.memory_space<vmem>> -> memref<64xi32, #tpu.memory_space<vmem>>
    %dma_start3A_159 = tpu.memref_slice %arg2[%add3A_153] : memref<640000xi32, #tpu.memory_space<hbm>> -> memref<64xi32, #tpu.memory_space<hbm>>
    %dma_start3A_160 = arith.constant 0 : i32
    %dma_start3A_161 = tpu.memref_slice %arg6[%dma_start3A_154, %dma_start3A_155, %dma_start3A_160] : memref<8x2x64xi32, #tpu.memory_space<vmem>> -> memref<1x1x64xi32, #tpu.memory_space<vmem>>
    %dma_start3A_162 = tpu.memref_squeeze %dma_start3A_161 : memref<1x1x64xi32, #tpu.memory_space<vmem>> -> memref<64xi32, #tpu.memory_space<vmem>>
    %dma_start3A_163 = tpu.memref_slice %arg2[%add3A_153] : memref<640000xi32, #tpu.memory_space<hbm>> -> memref<64xi32, #tpu.memory_space<hbm>>
    tpu.enqueue_dma source(%dma_start3A_163 : memref<64xi32, #tpu.memory_space<hbm>>) target(%dma_start3A_162 : memref<64xi32, #tpu.memory_space<vmem>>) target_semaphore(%arg18 : memref<!tpu.dma_semaphore, #tpu.memory_space<semaphore_mem>>)
    %add3A_164 = arith.constant 6 : i32
    %add3A_165 = arith.addi %add3A_4, %add3A_164 : i32
    %mul3A_166 = arith.constant 64 : i32
    %mul3A_167 = arith.muli %add3A_165, %mul3A_166 : i32
    %dma_start3A_168 = arith.constant 6 : i32
    %dma_start3A_169 = arith.constant 0 : i32
    %dma_start3A_170 = arith.constant 0 : i32
    %dma_start3A_171 = tpu.memref_slice %arg6[%dma_start3A_168, %dma_start3A_169, %dma_start3A_170] : memref<8x2x64xi32, #tpu.memory_space<vmem>> -> memref<1x1x64xi32, #tpu.memory_space<vmem>>
    %dma_start3A_172 = tpu.memref_squeeze %dma_start3A_171 : memref<1x1x64xi32, #tpu.memory_space<vmem>> -> memref<64xi32, #tpu.memory_space<vmem>>
    %dma_start3A_173 = tpu.memref_slice %arg2[%mul3A_167] : memref<640000xi32, #tpu.memory_space<hbm>> -> memref<64xi32, #tpu.memory_space<hbm>>
    %dma_start3A_174 = arith.constant 0 : i32
    %dma_start3A_175 = tpu.memref_slice %arg6[%dma_start3A_168, %dma_start3A_169, %dma_start3A_174] : memref<8x2x64xi32, #tpu.memory_space<vmem>> -> memref<1x1x64xi32, #tpu.memory_space<vmem>>
    %dma_start3A_176 = tpu.memref_squeeze %dma_start3A_175 : memref<1x1x64xi32, #tpu.memory_space<vmem>> -> memref<64xi32, #tpu.memory_space<vmem>>
    %dma_start3A_177 = tpu.memref_slice %arg2[%mul3A_167] : memref<640000xi32, #tpu.memory_space<hbm>> -> memref<64xi32, #tpu.memory_space<hbm>>
    tpu.enqueue_dma source(%dma_start3A_177 : memref<64xi32, #tpu.memory_space<hbm>>) target(%dma_start3A_176 : memref<64xi32, #tpu.memory_space<vmem>>) target_semaphore(%arg19 : memref<!tpu.dma_semaphore, #tpu.memory_space<semaphore_mem>>)
    %add3A_178 = arith.constant 320000 : i32
    %add3A_179 = arith.addi %add3A_178, %mul3A_167 : i32
    %dma_start3A_180 = arith.constant 6 : i32
    %dma_start3A_181 = arith.constant 1 : i32
    %dma_start3A_182 = arith.constant 0 : i32
    %dma_start3A_183 = tpu.memref_slice %arg6[%dma_start3A_180, %dma_start3A_181, %dma_start3A_182] : memref<8x2x64xi32, #tpu.memory_space<vmem>> -> memref<1x1x64xi32, #tpu.memory_space<vmem>>
    %dma_start3A_184 = tpu.memref_squeeze %dma_start3A_183 : memref<1x1x64xi32, #tpu.memory_space<vmem>> -> memref<64xi32, #tpu.memory_space<vmem>>
    %dma_start3A_185 = tpu.memref_slice %arg2[%add3A_179] : memref<640000xi32, #tpu.memory_space<hbm>> -> memref<64xi32, #tpu.memory_space<hbm>>
    %dma_start3A_186 = arith.constant 0 : i32
    %dma_start3A_187 = tpu.memref_slice %arg6[%dma_start3A_180, %dma_start3A_181, %dma_start3A_186] : memref<8x2x64xi32, #tpu.memory_space<vmem>> -> memref<1x1x64xi32, #tpu.memory_space<vmem>>
    %dma_start3A_188 = tpu.memref_squeeze %dma_start3A_187 : memref<1x1x64xi32, #tpu.memory_space<vmem>> -> memref<64xi32, #tpu.memory_space<vmem>>
    %dma_start3A_189 = tpu.memref_slice %arg2[%add3A_179] : memref<640000xi32, #tpu.memory_space<hbm>> -> memref<64xi32, #tpu.memory_space<hbm>>
    tpu.enqueue_dma source(%dma_start3A_189 : memref<64xi32, #tpu.memory_space<hbm>>) target(%dma_start3A_188 : memref<64xi32, #tpu.memory_space<vmem>>) target_semaphore(%arg19 : memref<!tpu.dma_semaphore, #tpu.memory_space<semaphore_mem>>)
    %add3A_190 = arith.constant 7 : i32
    %add3A_191 = arith.addi %add3A_4, %add3A_190 : i32
    %mul3A_192 = arith.constant 64 : i32
    %mul3A_193 = arith.muli %add3A_191, %mul3A_192 : i32
    %dma_start3A_194 = arith.constant 7 : i32
    %dma_start3A_195 = arith.constant 0 : i32
    %dma_start3A_196 = arith.constant 0 : i32
    %dma_start3A_197 = tpu.memref_slice %arg6[%dma_start3A_194, %dma_start3A_195, %dma_start3A_196] : memref<8x2x64xi32, #tpu.memory_space<vmem>> -> memref<1x1x64xi32, #tpu.memory_space<vmem>>
    %dma_start3A_198 = tpu.memref_squeeze %dma_start3A_197 : memref<1x1x64xi32, #tpu.memory_space<vmem>> -> memref<64xi32, #tpu.memory_space<vmem>>
    %dma_start3A_199 = tpu.memref_slice %arg2[%mul3A_193] : memref<640000xi32, #tpu.memory_space<hbm>> -> memref<64xi32, #tpu.memory_space<hbm>>
    %dma_start3A_200 = arith.constant 0 : i32
    %dma_start3A_201 = tpu.memref_slice %arg6[%dma_start3A_194, %dma_start3A_195, %dma_start3A_200] : memref<8x2x64xi32, #tpu.memory_space<vmem>> -> memref<1x1x64xi32, #tpu.memory_space<vmem>>
    %dma_start3A_202 = tpu.memref_squeeze %dma_start3A_201 : memref<1x1x64xi32, #tpu.memory_space<vmem>> -> memref<64xi32, #tpu.memory_space<vmem>>
    %dma_start3A_203 = tpu.memref_slice %arg2[%mul3A_193] : memref<640000xi32, #tpu.memory_space<hbm>> -> memref<64xi32, #tpu.memory_space<hbm>>
    tpu.enqueue_dma source(%dma_start3A_203 : memref<64xi32, #tpu.memory_space<hbm>>) target(%dma_start3A_202 : memref<64xi32, #tpu.memory_space<vmem>>) target_semaphore(%arg20 : memref<!tpu.dma_semaphore, #tpu.memory_space<semaphore_mem>>)
    %add3A_204 = arith.constant 320000 : i32
    %add3A_205 = arith.addi %add3A_204, %mul3A_193 : i32
    %dma_start3A_206 = arith.constant 7 : i32
    %dma_start3A_207 = arith.constant 1 : i32
    %dma_start3A_208 = arith.constant 0 : i32
    %dma_start3A_209 = tpu.memref_slice %arg6[%dma_start3A_206, %dma_start3A_207, %dma_start3A_208] : memref<8x2x64xi32, #tpu.memory_space<vmem>> -> memref<1x1x64xi32, #tpu.memory_space<vmem>>
    %dma_start3A_210 = tpu.memref_squeeze %dma_start3A_209 : memref<1x1x64xi32, #tpu.memory_space<vmem>> -> memref<64xi32, #tpu.memory_space<vmem>>
    %dma_start3A_211 = tpu.memref_slice %arg2[%add3A_205] : memref<640000xi32, #tpu.memory_space<hbm>> -> memref<64xi32, #tpu.memory_space<hbm>>
    %dma_start3A_212 = arith.constant 0 : i32
    %dma_start3A_213 = tpu.memref_slice %arg6[%dma_start3A_206, %dma_start3A_207, %dma_start3A_212] : memref<8x2x64xi32, #tpu.memory_space<vmem>> -> memref<1x1x64xi32, #tpu.memory_space<vmem>>
    %dma_start3A_214 = tpu.memref_squeeze %dma_start3A_213 : memref<1x1x64xi32, #tpu.memory_space<vmem>> -> memref<64xi32, #tpu.memory_space<vmem>>
    %dma_start3A_215 = tpu.memref_slice %arg2[%add3A_205] : memref<640000xi32, #tpu.memory_space<hbm>> -> memref<64xi32, #tpu.memory_space<hbm>>
    tpu.enqueue_dma source(%dma_start3A_215 : memref<64xi32, #tpu.memory_space<hbm>>) target(%dma_start3A_214 : memref<64xi32, #tpu.memory_space<vmem>>) target_semaphore(%arg20 : memref<!tpu.dma_semaphore, #tpu.memory_space<semaphore_mem>>)
    %add3A_216 = arith.constant 0 : i32
    %add3A_217 = arith.addi %add3A_4, %add3A_216 : i32
    %mul3A_218 = arith.constant 64 : i32
    %mul3A_219 = arith.muli %add3A_217, %mul3A_218 : i32
    %dma_wait3A = arith.constant 0 : i32
    %dma_wait3A_220 = arith.constant 0 : i32
    %dma_wait3A_221 = arith.constant 0 : i32
    %dma_wait3A_222 = tpu.memref_slice %arg6[%dma_wait3A, %dma_wait3A_220, %dma_wait3A_221] : memref<8x2x64xi32, #tpu.memory_space<vmem>> -> memref<1x1x64xi32, #tpu.memory_space<vmem>>
    %dma_wait3A_223 = tpu.memref_squeeze %dma_wait3A_222 : memref<1x1x64xi32, #tpu.memory_space<vmem>> -> memref<64xi32, #tpu.memory_space<vmem>>
    %dma_wait3A_224 = tpu.memref_slice %arg2[%mul3A_219] : memref<640000xi32, #tpu.memory_space<hbm>> -> memref<64xi32, #tpu.memory_space<hbm>>
    %dma_wait3A_225 = arith.constant 0 : i32
    %dma_wait3A_226 = tpu.memref_slice %arg6[%dma_wait3A, %dma_wait3A_220, %dma_wait3A_225] : memref<8x2x64xi32, #tpu.memory_space<vmem>> -> memref<1x1x64xi32, #tpu.memory_space<vmem>>
    %dma_wait3A_227 = tpu.memref_squeeze %dma_wait3A_226 : memref<1x1x64xi32, #tpu.memory_space<vmem>> -> memref<64xi32, #tpu.memory_space<vmem>>
    %dma_wait3A_228 = tpu.memref_slice %arg2[%mul3A_219] : memref<640000xi32, #tpu.memory_space<hbm>> -> memref<64xi32, #tpu.memory_space<hbm>>
    tpu.wait_dma2 semaphore(%arg13 : memref<!tpu.dma_semaphore, #tpu.memory_space<semaphore_mem>>) src(%dma_wait3A_228 : memref<64xi32, #tpu.memory_space<hbm>>) dst(%dma_wait3A_227 : memref<64xi32, #tpu.memory_space<vmem>>)
    %add3A_229 = arith.constant 320000 : i32
    %add3A_230 = arith.addi %add3A_229, %mul3A_219 : i32
    %dma_wait3A_231 = arith.constant 0 : i32
    %dma_wait3A_232 = arith.constant 1 : i32
    %dma_wait3A_233 = arith.constant 0 : i32
    %dma_wait3A_234 = tpu.memref_slice %arg6[%dma_wait3A_231, %dma_wait3A_232, %dma_wait3A_233] : memref<8x2x64xi32, #tpu.memory_space<vmem>> -> memref<1x1x64xi32, #tpu.memory_space<vmem>>
    %dma_wait3A_235 = tpu.memref_squeeze %dma_wait3A_234 : memref<1x1x64xi32, #tpu.memory_space<vmem>> -> memref<64xi32, #tpu.memory_space<vmem>>
    %dma_wait3A_236 = tpu.memref_slice %arg2[%add3A_230] : memref<640000xi32, #tpu.memory_space<hbm>> -> memref<64xi32, #tpu.memory_space<hbm>>
    %dma_wait3A_237 = arith.constant 0 : i32
    %dma_wait3A_238 = tpu.memref_slice %arg6[%dma_wait3A_231, %dma_wait3A_232, %dma_wait3A_237] : memref<8x2x64xi32, #tpu.memory_space<vmem>> -> memref<1x1x64xi32, #tpu.memory_space<vmem>>
    %dma_wait3A_239 = tpu.memref_squeeze %dma_wait3A_238 : memref<1x1x64xi32, #tpu.memory_space<vmem>> -> memref<64xi32, #tpu.memory_space<vmem>>
    %dma_wait3A_240 = tpu.memref_slice %arg2[%add3A_230] : memref<640000xi32, #tpu.memory_space<hbm>> -> memref<64xi32, #tpu.memory_space<hbm>>
    tpu.wait_dma2 semaphore(%arg13 : memref<!tpu.dma_semaphore, #tpu.memory_space<semaphore_mem>>) src(%dma_wait3A_240 : memref<64xi32, #tpu.memory_space<hbm>>) dst(%dma_wait3A_239 : memref<64xi32, #tpu.memory_space<vmem>>)
    %dma_start3A_241 = arith.constant 0 : i32
    %dma_start3A_242 = arith.constant 0 : i32
    %dma_start3A_243 = arith.constant 0 : i32
    %dma_start3A_244 = arith.constant 0 : i32
    %dma_start3A_245 = arith.constant 0 : i32
    %dma_start3A_246 = tpu.memref_slice %arg7[%dma_start3A_243, %dma_start3A_244, %dma_start3A_245] : memref<4x64x128xf32, #tpu.memory_space<vmem>> -> memref<1x64x128xf32, #tpu.memory_space<vmem>>
    %dma_start3A_247 = tpu.memref_squeeze %dma_start3A_246 : memref<1x64x128xf32, #tpu.memory_space<vmem>> -> memref<64x128xf32, #tpu.memory_space<vmem>>
    %dma_start3A_248 = arith.constant 0 : i32
    %dma_start3A_249 = tpu.memref_slice %arg6[%dma_start3A_241, %dma_start3A_242, %dma_start3A_248] : memref<8x2x64xi32, #tpu.memory_space<vmem>> -> memref<1x1x64xi32, #tpu.memory_space<vmem>>
    %dma_start3A_250 = tpu.memref_squeeze %dma_start3A_249 : memref<1x1x64xi32, #tpu.memory_space<vmem>> -> memref<64xi32, #tpu.memory_space<vmem>>
    %dma_start3A_251 = arith.constant 0 : i32
    %dma_start3A_252 = arith.constant 0 : i32
    %dma_start3A_253 = tpu.memref_slice %arg3[%dma_start3A_251, %dma_start3A_252] : memref<10240x128xf32, #tpu.memory_space<hbm>> -> memref<10240x128xf32, #tpu.memory_space<hbm>>
    tpu.enqueue_indirect_dma source(%dma_start3A_253 : memref<10240x128xf32, #tpu.memory_space<hbm>>) target(%dma_start3A_247 : memref<64x128xf32, #tpu.memory_space<vmem>>) offsets(%dma_start3A_250 : memref<64xi32, #tpu.memory_space<vmem>>) semaphore(%arg9 : memref<!tpu.dma_semaphore, #tpu.memory_space<semaphore_mem>>)
    %add3A_254 = arith.constant 1 : i32
    %add3A_255 = arith.addi %add3A_4, %add3A_254 : i32
    %mul3A_256 = arith.constant 64 : i32
    %mul3A_257 = arith.muli %add3A_255, %mul3A_256 : i32
    %dma_wait3A_258 = arith.constant 1 : i32
    %dma_wait3A_259 = arith.constant 0 : i32
    %dma_wait3A_260 = arith.constant 0 : i32
    %dma_wait3A_261 = tpu.memref_slice %arg6[%dma_wait3A_258, %dma_wait3A_259, %dma_wait3A_260] : memref<8x2x64xi32, #tpu.memory_space<vmem>> -> memref<1x1x64xi32, #tpu.memory_space<vmem>>
    %dma_wait3A_262 = tpu.memref_squeeze %dma_wait3A_261 : memref<1x1x64xi32, #tpu.memory_space<vmem>> -> memref<64xi32, #tpu.memory_space<vmem>>
    %dma_wait3A_263 = tpu.memref_slice %arg2[%mul3A_257] : memref<640000xi32, #tpu.memory_space<hbm>> -> memref<64xi32, #tpu.memory_space<hbm>>
    %dma_wait3A_264 = arith.constant 0 : i32
    %dma_wait3A_265 = tpu.memref_slice %arg6[%dma_wait3A_258, %dma_wait3A_259, %dma_wait3A_264] : memref<8x2x64xi32, #tpu.memory_space<vmem>> -> memref<1x1x64xi32, #tpu.memory_space<vmem>>
    %dma_wait3A_266 = tpu.memref_squeeze %dma_wait3A_265 : memref<1x1x64xi32, #tpu.memory_space<vmem>> -> memref<64xi32, #tpu.memory_space<vmem>>
    %dma_wait3A_267 = tpu.memref_slice %arg2[%mul3A_257] : memref<640000xi32, #tpu.memory_space<hbm>> -> memref<64xi32, #tpu.memory_space<hbm>>
    tpu.wait_dma2 semaphore(%arg14 : memref<!tpu.dma_semaphore, #tpu.memory_space<semaphore_mem>>) src(%dma_wait3A_267 : memref<64xi32, #tpu.memory_space<hbm>>) dst(%dma_wait3A_266 : memref<64xi32, #tpu.memory_space<vmem>>)
    %add3A_268 = arith.constant 320000 : i32
    %add3A_269 = arith.addi %add3A_268, %mul3A_257 : i32
    %dma_wait3A_270 = arith.constant 1 : i32
    %dma_wait3A_271 = arith.constant 1 : i32
    %dma_wait3A_272 = arith.constant 0 : i32
    %dma_wait3A_273 = tpu.memref_slice %arg6[%dma_wait3A_270, %dma_wait3A_271, %dma_wait3A_272] : memref<8x2x64xi32, #tpu.memory_space<vmem>> -> memref<1x1x64xi32, #tpu.memory_space<vmem>>
    %dma_wait3A_274 = tpu.memref_squeeze %dma_wait3A_273 : memref<1x1x64xi32, #tpu.memory_space<vmem>> -> memref<64xi32, #tpu.memory_space<vmem>>
    %dma_wait3A_275 = tpu.memref_slice %arg2[%add3A_269] : memref<640000xi32, #tpu.memory_space<hbm>> -> memref<64xi32, #tpu.memory_space<hbm>>
    %dma_wait3A_276 = arith.constant 0 : i32
    %dma_wait3A_277 = tpu.memref_slice %arg6[%dma_wait3A_270, %dma_wait3A_271, %dma_wait3A_276] : memref<8x2x64xi32, #tpu.memory_space<vmem>> -> memref<1x1x64xi32, #tpu.memory_space<vmem>>
    %dma_wait3A_278 = tpu.memref_squeeze %dma_wait3A_277 : memref<1x1x64xi32, #tpu.memory_space<vmem>> -> memref<64xi32, #tpu.memory_space<vmem>>
    %dma_wait3A_279 = tpu.memref_slice %arg2[%add3A_269] : memref<640000xi32, #tpu.memory_space<hbm>> -> memref<64xi32, #tpu.memory_space<hbm>>
    tpu.wait_dma2 semaphore(%arg14 : memref<!tpu.dma_semaphore, #tpu.memory_space<semaphore_mem>>) src(%dma_wait3A_279 : memref<64xi32, #tpu.memory_space<hbm>>) dst(%dma_wait3A_278 : memref<64xi32, #tpu.memory_space<vmem>>)
    %dma_start3A_280 = arith.constant 1 : i32
    %dma_start3A_281 = arith.constant 0 : i32
    %dma_start3A_282 = arith.constant 1 : i32
    %dma_start3A_283 = arith.constant 0 : i32
    %dma_start3A_284 = arith.constant 0 : i32
    %dma_start3A_285 = tpu.memref_slice %arg7[%dma_start3A_282, %dma_start3A_283, %dma_start3A_284] : memref<4x64x128xf32, #tpu.memory_space<vmem>> -> memref<1x64x128xf32, #tpu.memory_space<vmem>>
    %dma_start3A_286 = tpu.memref_squeeze %dma_start3A_285 : memref<1x64x128xf32, #tpu.memory_space<vmem>> -> memref<64x128xf32, #tpu.memory_space<vmem>>
    %dma_start3A_287 = arith.constant 0 : i32
    %dma_start3A_288 = tpu.memref_slice %arg6[%dma_start3A_280, %dma_start3A_281, %dma_start3A_287] : memref<8x2x64xi32, #tpu.memory_space<vmem>> -> memref<1x1x64xi32, #tpu.memory_space<vmem>>
    %dma_start3A_289 = tpu.memref_squeeze %dma_start3A_288 : memref<1x1x64xi32, #tpu.memory_space<vmem>> -> memref<64xi32, #tpu.memory_space<vmem>>
    %dma_start3A_290 = arith.constant 0 : i32
    %dma_start3A_291 = arith.constant 0 : i32
    %dma_start3A_292 = tpu.memref_slice %arg3[%dma_start3A_290, %dma_start3A_291] : memref<10240x128xf32, #tpu.memory_space<hbm>> -> memref<10240x128xf32, #tpu.memory_space<hbm>>
    tpu.enqueue_indirect_dma source(%dma_start3A_292 : memref<10240x128xf32, #tpu.memory_space<hbm>>) target(%dma_start3A_286 : memref<64x128xf32, #tpu.memory_space<vmem>>) offsets(%dma_start3A_289 : memref<64xi32, #tpu.memory_space<vmem>>) semaphore(%arg10 : memref<!tpu.dma_semaphore, #tpu.memory_space<semaphore_mem>>)
    %add3A_293 = arith.constant 2 : i32
    %add3A_294 = arith.addi %add3A_4, %add3A_293 : i32
    %mul3A_295 = arith.constant 64 : i32
    %mul3A_296 = arith.muli %add3A_294, %mul3A_295 : i32
    %dma_wait3A_297 = arith.constant 2 : i32
    %dma_wait3A_298 = arith.constant 0 : i32
    %dma_wait3A_299 = arith.constant 0 : i32
    %dma_wait3A_300 = tpu.memref_slice %arg6[%dma_wait3A_297, %dma_wait3A_298, %dma_wait3A_299] : memref<8x2x64xi32, #tpu.memory_space<vmem>> -> memref<1x1x64xi32, #tpu.memory_space<vmem>>
    %dma_wait3A_301 = tpu.memref_squeeze %dma_wait3A_300 : memref<1x1x64xi32, #tpu.memory_space<vmem>> -> memref<64xi32, #tpu.memory_space<vmem>>
    %dma_wait3A_302 = tpu.memref_slice %arg2[%mul3A_296] : memref<640000xi32, #tpu.memory_space<hbm>> -> memref<64xi32, #tpu.memory_space<hbm>>
    %dma_wait3A_303 = arith.constant 0 : i32
    %dma_wait3A_304 = tpu.memref_slice %arg6[%dma_wait3A_297, %dma_wait3A_298, %dma_wait3A_303] : memref<8x2x64xi32, #tpu.memory_space<vmem>> -> memref<1x1x64xi32, #tpu.memory_space<vmem>>
    %dma_wait3A_305 = tpu.memref_squeeze %dma_wait3A_304 : memref<1x1x64xi32, #tpu.memory_space<vmem>> -> memref<64xi32, #tpu.memory_space<vmem>>
    %dma_wait3A_306 = tpu.memref_slice %arg2[%mul3A_296] : memref<640000xi32, #tpu.memory_space<hbm>> -> memref<64xi32, #tpu.memory_space<hbm>>
    tpu.wait_dma2 semaphore(%arg15 : memref<!tpu.dma_semaphore, #tpu.memory_space<semaphore_mem>>) src(%dma_wait3A_306 : memref<64xi32, #tpu.memory_space<hbm>>) dst(%dma_wait3A_305 : memref<64xi32, #tpu.memory_space<vmem>>)
    %add3A_307 = arith.constant 320000 : i32
    %add3A_308 = arith.addi %add3A_307, %mul3A_296 : i32
    %dma_wait3A_309 = arith.constant 2 : i32
    %dma_wait3A_310 = arith.constant 1 : i32
    %dma_wait3A_311 = arith.constant 0 : i32
    %dma_wait3A_312 = tpu.memref_slice %arg6[%dma_wait3A_309, %dma_wait3A_310, %dma_wait3A_311] : memref<8x2x64xi32, #tpu.memory_space<vmem>> -> memref<1x1x64xi32, #tpu.memory_space<vmem>>
    %dma_wait3A_313 = tpu.memref_squeeze %dma_wait3A_312 : memref<1x1x64xi32, #tpu.memory_space<vmem>> -> memref<64xi32, #tpu.memory_space<vmem>>
    %dma_wait3A_314 = tpu.memref_slice %arg2[%add3A_308] : memref<640000xi32, #tpu.memory_space<hbm>> -> memref<64xi32, #tpu.memory_space<hbm>>
    %dma_wait3A_315 = arith.constant 0 : i32
    %dma_wait3A_316 = tpu.memref_slice %arg6[%dma_wait3A_309, %dma_wait3A_310, %dma_wait3A_315] : memref<8x2x64xi32, #tpu.memory_space<vmem>> -> memref<1x1x64xi32, #tpu.memory_space<vmem>>
    %dma_wait3A_317 = tpu.memref_squeeze %dma_wait3A_316 : memref<1x1x64xi32, #tpu.memory_space<vmem>> -> memref<64xi32, #tpu.memory_space<vmem>>
    %dma_wait3A_318 = tpu.memref_slice %arg2[%add3A_308] : memref<640000xi32, #tpu.memory_space<hbm>> -> memref<64xi32, #tpu.memory_space<hbm>>
    tpu.wait_dma2 semaphore(%arg15 : memref<!tpu.dma_semaphore, #tpu.memory_space<semaphore_mem>>) src(%dma_wait3A_318 : memref<64xi32, #tpu.memory_space<hbm>>) dst(%dma_wait3A_317 : memref<64xi32, #tpu.memory_space<vmem>>)
    %dma_start3A_319 = arith.constant 2 : i32
    %dma_start3A_320 = arith.constant 0 : i32
    %dma_start3A_321 = arith.constant 2 : i32
    %dma_start3A_322 = arith.constant 0 : i32
    %dma_start3A_323 = arith.constant 0 : i32
    %dma_start3A_324 = tpu.memref_slice %arg7[%dma_start3A_321, %dma_start3A_322, %dma_start3A_323] : memref<4x64x128xf32, #tpu.memory_space<vmem>> -> memref<1x64x128xf32, #tpu.memory_space<vmem>>
    %dma_start3A_325 = tpu.memref_squeeze %dma_start3A_324 : memref<1x64x128xf32, #tpu.memory_space<vmem>> -> memref<64x128xf32, #tpu.memory_space<vmem>>
    %dma_start3A_326 = arith.constant 0 : i32
    %dma_start3A_327 = tpu.memref_slice %arg6[%dma_start3A_319, %dma_start3A_320, %dma_start3A_326] : memref<8x2x64xi32, #tpu.memory_space<vmem>> -> memref<1x1x64xi32, #tpu.memory_space<vmem>>
    %dma_start3A_328 = tpu.memref_squeeze %dma_start3A_327 : memref<1x1x64xi32, #tpu.memory_space<vmem>> -> memref<64xi32, #tpu.memory_space<vmem>>
    %dma_start3A_329 = arith.constant 0 : i32
    %dma_start3A_330 = arith.constant 0 : i32
    %dma_start3A_331 = tpu.memref_slice %arg3[%dma_start3A_329, %dma_start3A_330] : memref<10240x128xf32, #tpu.memory_space<hbm>> -> memref<10240x128xf32, #tpu.memory_space<hbm>>
    tpu.enqueue_indirect_dma source(%dma_start3A_331 : memref<10240x128xf32, #tpu.memory_space<hbm>>) target(%dma_start3A_325 : memref<64x128xf32, #tpu.memory_space<vmem>>) offsets(%dma_start3A_328 : memref<64xi32, #tpu.memory_space<vmem>>) semaphore(%arg11 : memref<!tpu.dma_semaphore, #tpu.memory_space<semaphore_mem>>)
    %add3A_332 = arith.constant 3 : i32
    %add3A_333 = arith.addi %add3A_4, %add3A_332 : i32
    %mul3A_334 = arith.constant 64 : i32
    %mul3A_335 = arith.muli %add3A_333, %mul3A_334 : i32
    %dma_wait3A_336 = arith.constant 3 : i32
    %dma_wait3A_337 = arith.constant 0 : i32
    %dma_wait3A_338 = arith.constant 0 : i32
    %dma_wait3A_339 = tpu.memref_slice %arg6[%dma_wait3A_336, %dma_wait3A_337, %dma_wait3A_338] : memref<8x2x64xi32, #tpu.memory_space<vmem>> -> memref<1x1x64xi32, #tpu.memory_space<vmem>>
    %dma_wait3A_340 = tpu.memref_squeeze %dma_wait3A_339 : memref<1x1x64xi32, #tpu.memory_space<vmem>> -> memref<64xi32, #tpu.memory_space<vmem>>
    %dma_wait3A_341 = tpu.memref_slice %arg2[%mul3A_335] : memref<640000xi32, #tpu.memory_space<hbm>> -> memref<64xi32, #tpu.memory_space<hbm>>
    %dma_wait3A_342 = arith.constant 0 : i32
    %dma_wait3A_343 = tpu.memref_slice %arg6[%dma_wait3A_336, %dma_wait3A_337, %dma_wait3A_342] : memref<8x2x64xi32, #tpu.memory_space<vmem>> -> memref<1x1x64xi32, #tpu.memory_space<vmem>>
    %dma_wait3A_344 = tpu.memref_squeeze %dma_wait3A_343 : memref<1x1x64xi32, #tpu.memory_space<vmem>> -> memref<64xi32, #tpu.memory_space<vmem>>
    %dma_wait3A_345 = tpu.memref_slice %arg2[%mul3A_335] : memref<640000xi32, #tpu.memory_space<hbm>> -> memref<64xi32, #tpu.memory_space<hbm>>
    tpu.wait_dma2 semaphore(%arg16 : memref<!tpu.dma_semaphore, #tpu.memory_space<semaphore_mem>>) src(%dma_wait3A_345 : memref<64xi32, #tpu.memory_space<hbm>>) dst(%dma_wait3A_344 : memref<64xi32, #tpu.memory_space<vmem>>)
    %add3A_346 = arith.constant 320000 : i32
    %add3A_347 = arith.addi %add3A_346, %mul3A_335 : i32
    %dma_wait3A_348 = arith.constant 3 : i32
    %dma_wait3A_349 = arith.constant 1 : i32
    %dma_wait3A_350 = arith.constant 0 : i32
    %dma_wait3A_351 = tpu.memref_slice %arg6[%dma_wait3A_348, %dma_wait3A_349, %dma_wait3A_350] : memref<8x2x64xi32, #tpu.memory_space<vmem>> -> memref<1x1x64xi32, #tpu.memory_space<vmem>>
    %dma_wait3A_352 = tpu.memref_squeeze %dma_wait3A_351 : memref<1x1x64xi32, #tpu.memory_space<vmem>> -> memref<64xi32, #tpu.memory_space<vmem>>
    %dma_wait3A_353 = tpu.memref_slice %arg2[%add3A_347] : memref<640000xi32, #tpu.memory_space<hbm>> -> memref<64xi32, #tpu.memory_space<hbm>>
    %dma_wait3A_354 = arith.constant 0 : i32
    %dma_wait3A_355 = tpu.memref_slice %arg6[%dma_wait3A_348, %dma_wait3A_349, %dma_wait3A_354] : memref<8x2x64xi32, #tpu.memory_space<vmem>> -> memref<1x1x64xi32, #tpu.memory_space<vmem>>
    %dma_wait3A_356 = tpu.memref_squeeze %dma_wait3A_355 : memref<1x1x64xi32, #tpu.memory_space<vmem>> -> memref<64xi32, #tpu.memory_space<vmem>>
    %dma_wait3A_357 = tpu.memref_slice %arg2[%add3A_347] : memref<640000xi32, #tpu.memory_space<hbm>> -> memref<64xi32, #tpu.memory_space<hbm>>
    tpu.wait_dma2 semaphore(%arg16 : memref<!tpu.dma_semaphore, #tpu.memory_space<semaphore_mem>>) src(%dma_wait3A_357 : memref<64xi32, #tpu.memory_space<hbm>>) dst(%dma_wait3A_356 : memref<64xi32, #tpu.memory_space<vmem>>)
    %dma_start3A_358 = arith.constant 3 : i32
    %dma_start3A_359 = arith.constant 0 : i32
    %dma_start3A_360 = arith.constant 3 : i32
    %dma_start3A_361 = arith.constant 0 : i32
    %dma_start3A_362 = arith.constant 0 : i32
    %dma_start3A_363 = tpu.memref_slice %arg7[%dma_start3A_360, %dma_start3A_361, %dma_start3A_362] : memref<4x64x128xf32, #tpu.memory_space<vmem>> -> memref<1x64x128xf32, #tpu.memory_space<vmem>>
    %dma_start3A_364 = tpu.memref_squeeze %dma_start3A_363 : memref<1x64x128xf32, #tpu.memory_space<vmem>> -> memref<64x128xf32, #tpu.memory_space<vmem>>
    %dma_start3A_365 = arith.constant 0 : i32
    %dma_start3A_366 = tpu.memref_slice %arg6[%dma_start3A_358, %dma_start3A_359, %dma_start3A_365] : memref<8x2x64xi32, #tpu.memory_space<vmem>> -> memref<1x1x64xi32, #tpu.memory_space<vmem>>
    %dma_start3A_367 = tpu.memref_squeeze %dma_start3A_366 : memref<1x1x64xi32, #tpu.memory_space<vmem>> -> memref<64xi32, #tpu.memory_space<vmem>>
    %dma_start3A_368 = arith.constant 0 : i32
    %dma_start3A_369 = arith.constant 0 : i32
    %dma_start3A_370 = tpu.memref_slice %arg3[%dma_start3A_368, %dma_start3A_369] : memref<10240x128xf32, #tpu.memory_space<hbm>> -> memref<10240x128xf32, #tpu.memory_space<hbm>>
    tpu.enqueue_indirect_dma source(%dma_start3A_370 : memref<10240x128xf32, #tpu.memory_space<hbm>>) target(%dma_start3A_364 : memref<64x128xf32, #tpu.memory_space<vmem>>) offsets(%dma_start3A_367 : memref<64xi32, #tpu.memory_space<vmem>>) semaphore(%arg12 : memref<!tpu.dma_semaphore, #tpu.memory_space<semaphore_mem>>)
    %mul3A_371 = arith.constant 640 : i32
    %mul3A_372 = arith.muli %arg1, %mul3A_371 : i32
    "tpu.region"() ({
      %run_scoped3A = tpu.sem_alloc : memref<!tpu.dma_semaphore, #tpu.memory_space<semaphore_mem>>
      %dma_start3A_383 = arith.constant 0 : i32
      %dma_start3A_384 = tpu.memref_slice %arg8[%mul3A_372, %dma_start3A_383] : memref<10240x128xf32, #tpu.memory_space<vmem_shared>> -> memref<640x128xf32, #tpu.memory_space<vmem_shared>>
      tpu.enqueue_dma source(%arg4 : memref<640x128xf32, #tpu.memory_space<hbm>>) target(%dma_start3A_384 : memref<640x128xf32, #tpu.memory_space<vmem_shared>>) target_semaphore(%run_scoped3A : memref<!tpu.dma_semaphore, #tpu.memory_space<semaphore_mem>>)
      %dma_wait3A_385 = arith.constant 0 : i32
      %dma_wait3A_386 = tpu.memref_slice %arg8[%mul3A_372, %dma_wait3A_385] : memref<10240x128xf32, #tpu.memory_space<vmem_shared>> -> memref<640x128xf32, #tpu.memory_space<vmem_shared>>
      tpu.wait_dma2 semaphore(%run_scoped3A : memref<!tpu.dma_semaphore, #tpu.memory_space<semaphore_mem>>) src(%arg4 : memref<640x128xf32, #tpu.memory_space<hbm>>) dst(%dma_wait3A_386 : memref<640x128xf32, #tpu.memory_space<vmem_shared>>)
      tpu.yield
    }) : () -> ()
    %barrier3A = arith.constant 0 : index
    tpu.barrier barrier_id(%barrier3A)
    %scan3A = arith.constant 0 : i32
    %scan3A_373 = arith.constant 0 : i32
    %scan3A_374 = arith.constant 20 : i32
    %scan3A_375 = arith.addi %scan3A_373, %scan3A_374 : i32
    %scan3A_376 = arith.constant 1 : i32
    scf.for %scan3A_383 = %scan3A_373 to %scan3A_375 step %scan3A_376  : i32 {
      %mul3A_384 = arith.constant 8 : i32
      %mul3A_385 = arith.muli %mul3A_384, %scan3A_383 : i32
      %add3A_386 = arith.constant 0 : i32
      %add3A_387 = arith.addi %mul3A_385, %add3A_386 : i32
      %lt3A_388 = arith.cmpi slt, %add3A_387, %add3A_8 : i32
      %convert_element_type3A = arith.extui %lt3A_388 : i1 to i32
      %cond3A = arith.constant 0 : i32
      %cond3A_389 = arith.cmpi ne, %convert_element_type3A, %cond3A : i32
      scf.if %cond3A_389 {
        %dma_wait3A_542 = arith.constant 0 : i32
        %dma_wait3A_543 = arith.constant 0 : i32
        %dma_wait3A_544 = arith.constant 0 : i32
        %dma_wait3A_545 = arith.constant 0 : i32
        %dma_wait3A_546 = arith.constant 0 : i32
        %dma_wait3A_547 = tpu.memref_slice %arg7[%dma_wait3A_544, %dma_wait3A_545, %dma_wait3A_546] : memref<4x64x128xf32, #tpu.memory_space<vmem>> -> memref<1x64x128xf32, #tpu.memory_space<vmem>>
        %dma_wait3A_548 = tpu.memref_squeeze %dma_wait3A_547 : memref<1x64x128xf32, #tpu.memory_space<vmem>> -> memref<64x128xf32, #tpu.memory_space<vmem>>
        %dma_wait3A_549 = arith.constant 0 : i32
        %dma_wait3A_550 = tpu.memref_slice %arg6[%dma_wait3A_542, %dma_wait3A_543, %dma_wait3A_549] : memref<8x2x64xi32, #tpu.memory_space<vmem>> -> memref<1x1x64xi32, #tpu.memory_space<vmem>>
        %dma_wait3A_551 = tpu.memref_squeeze %dma_wait3A_550 : memref<1x1x64xi32, #tpu.memory_space<vmem>> -> memref<64xi32, #tpu.memory_space<vmem>>
        %dma_wait3A_552 = arith.constant 0 : i32
        %dma_wait3A_553 = arith.constant 0 : i32
        %dma_wait3A_554 = tpu.memref_slice %arg3[%dma_wait3A_552, %dma_wait3A_553] : memref<10240x128xf32, #tpu.memory_space<hbm>> -> memref<10240x128xf32, #tpu.memory_space<hbm>>
        tpu.wait_indirect_dma semaphore(%arg9 : memref<!tpu.dma_semaphore, #tpu.memory_space<semaphore_mem>>) src(%dma_wait3A_554 : memref<10240x128xf32, #tpu.memory_space<hbm>>) dst(%dma_wait3A_548 : memref<64x128xf32, #tpu.memory_space<vmem>>)
        %run_scoped3A = arith.constant 0 : i32
        %run_scoped3A_555 = arith.constant 0 : i32
        %run_scoped3A_556 = arith.constant 1 : i32
        "tpu.region"() ({
          %run_scoped3A_557 = tpu.sem_alloc : memref<!tpu.dma_semaphore, #tpu.memory_space<semaphore_mem>>
          %dma_start3A_558 = arith.constant 0 : i32
          %dma_start3A_559 = arith.constant 0 : i32
          %dma_start3A_560 = tpu.memref_slice %arg7[%run_scoped3A, %dma_start3A_558, %dma_start3A_559] : memref<4x64x128xf32, #tpu.memory_space<vmem>> -> memref<1x64x128xf32, #tpu.memory_space<vmem>>
          %dma_start3A_561 = tpu.memref_squeeze %dma_start3A_560 : memref<1x64x128xf32, #tpu.memory_space<vmem>> -> memref<64x128xf32, #tpu.memory_space<vmem>>
          %dma_start3A_562 = arith.constant 0 : i32
          %dma_start3A_563 = tpu.memref_slice %arg6[%run_scoped3A_555, %run_scoped3A_556, %dma_start3A_562] : memref<8x2x64xi32, #tpu.memory_space<vmem>> -> memref<1x1x64xi32, #tpu.memory_space<vmem>>
          %dma_start3A_564 = tpu.memref_squeeze %dma_start3A_563 : memref<1x1x64xi32, #tpu.memory_space<vmem>> -> memref<64xi32, #tpu.memory_space<vmem>>
          %dma_start3A_565 = arith.constant 0 : i32
          %dma_start3A_566 = arith.constant 0 : i32
          %dma_start3A_567 = tpu.memref_slice %arg8[%dma_start3A_565, %dma_start3A_566] : memref<10240x128xf32, #tpu.memory_space<vmem_shared>> -> memref<10240x128xf32, #tpu.memory_space<vmem_shared>>
          tpu.enqueue_indirect_dma source(%dma_start3A_561 : memref<64x128xf32, #tpu.memory_space<vmem>>) target(%dma_start3A_567 : memref<10240x128xf32, #tpu.memory_space<vmem_shared>>) offsets(%dma_start3A_564 : memref<64xi32, #tpu.memory_space<vmem>>) semaphore(%run_scoped3A_557 : memref<!tpu.dma_semaphore, #tpu.memory_space<semaphore_mem>>) {add = true}
          %dma_wait3A_568 = arith.constant 0 : i32
          %dma_wait3A_569 = arith.constant 0 : i32
          %dma_wait3A_570 = tpu.memref_slice %arg7[%run_scoped3A, %dma_wait3A_568, %dma_wait3A_569] : memref<4x64x128xf32, #tpu.memory_space<vmem>> -> memref<1x64x128xf32, #tpu.memory_space<vmem>>
          %dma_wait3A_571 = tpu.memref_squeeze %dma_wait3A_570 : memref<1x64x128xf32, #tpu.memory_space<vmem>> -> memref<64x128xf32, #tpu.memory_space<vmem>>
          %dma_wait3A_572 = arith.constant 0 : i32
          %dma_wait3A_573 = tpu.memref_slice %arg6[%run_scoped3A_555, %run_scoped3A_556, %dma_wait3A_572] : memref<8x2x64xi32, #tpu.memory_space<vmem>> -> memref<1x1x64xi32, #tpu.memory_space<vmem>>
          %dma_wait3A_574 = tpu.memref_squeeze %dma_wait3A_573 : memref<1x1x64xi32, #tpu.memory_space<vmem>> -> memref<64xi32, #tpu.memory_space<vmem>>
          %dma_wait3A_575 = arith.constant 0 : i32
          %dma_wait3A_576 = arith.constant 0 : i32
          %dma_wait3A_577 = tpu.memref_slice %arg8[%dma_wait3A_575, %dma_wait3A_576] : memref<10240x128xf32, #tpu.memory_space<vmem_shared>> -> memref<10240x128xf32, #tpu.memory_space<vmem_shared>>
          tpu.wait_indirect_dma semaphore(%run_scoped3A_557 : memref<!tpu.dma_semaphore, #tpu.memory_space<semaphore_mem>>) src(%dma_wait3A_571 : memref<64x128xf32, #tpu.memory_space<vmem>>) dst(%dma_wait3A_577 : memref<10240x128xf32, #tpu.memory_space<vmem_shared>>)
          tpu.yield
        }) : () -> ()
      } else {
      }
      %add3A_390 = arith.constant 8 : i32
      %add3A_391 = arith.addi %add3A_387, %add3A_390 : i32
      %lt3A_392 = arith.cmpi slt, %add3A_391, %add3A_8 : i32
      %convert_element_type3A_393 = arith.extui %lt3A_392 : i1 to i32
      %cond3A_394 = arith.constant 0 : i32
      %cond3A_395 = arith.cmpi ne, %convert_element_type3A_393, %cond3A_394 : i32
      scf.if %cond3A_395 {
        %add3A_542 = arith.constant 8 : i32
        %add3A_543 = arith.addi %add3A_387, %add3A_542 : i32
        %add3A_544 = arith.addi %add3A_4, %add3A_543 : i32
        %mul3A_545 = arith.constant 64 : i32
        %mul3A_546 = arith.muli %add3A_544, %mul3A_545 : i32
        %dma_start3A_547 = arith.constant 0 : i32
        %dma_start3A_548 = arith.constant 0 : i32
        %dma_start3A_549 = arith.constant 0 : i32
        %dma_start3A_550 = tpu.memref_slice %arg6[%dma_start3A_547, %dma_start3A_548, %dma_start3A_549] : memref<8x2x64xi32, #tpu.memory_space<vmem>> -> memref<1x1x64xi32, #tpu.memory_space<vmem>>
        %dma_start3A_551 = tpu.memref_squeeze %dma_start3A_550 : memref<1x1x64xi32, #tpu.memory_space<vmem>> -> memref<64xi32, #tpu.memory_space<vmem>>
        %dma_start3A_552 = tpu.memref_slice %arg2[%mul3A_546] : memref<640000xi32, #tpu.memory_space<hbm>> -> memref<64xi32, #tpu.memory_space<hbm>>
        %dma_start3A_553 = arith.constant 0 : i32
        %dma_start3A_554 = tpu.memref_slice %arg6[%dma_start3A_547, %dma_start3A_548, %dma_start3A_553] : memref<8x2x64xi32, #tpu.memory_space<vmem>> -> memref<1x1x64xi32, #tpu.memory_space<vmem>>
        %dma_start3A_555 = tpu.memref_squeeze %dma_start3A_554 : memref<1x1x64xi32, #tpu.memory_space<vmem>> -> memref<64xi32, #tpu.memory_space<vmem>>
        %dma_start3A_556 = tpu.memref_slice %arg2[%mul3A_546] : memref<640000xi32, #tpu.memory_space<hbm>> -> memref<64xi32, #tpu.memory_space<hbm>>
        tpu.enqueue_dma source(%dma_start3A_556 : memref<64xi32, #tpu.memory_space<hbm>>) target(%dma_start3A_555 : memref<64xi32, #tpu.memory_space<vmem>>) target_semaphore(%arg13 : memref<!tpu.dma_semaphore, #tpu.memory_space<semaphore_mem>>)
        %add3A_557 = arith.constant 320000 : i32
        %add3A_558 = arith.addi %add3A_557, %mul3A_546 : i32
        %dma_start3A_559 = arith.constant 0 : i32
        %dma_start3A_560 = arith.constant 1 : i32
        %dma_start3A_561 = arith.constant 0 : i32
        %dma_start3A_562 = tpu.memref_slice %arg6[%dma_start3A_559, %dma_start3A_560, %dma_start3A_561] : memref<8x2x64xi32, #tpu.memory_space<vmem>> -> memref<1x1x64xi32, #tpu.memory_space<vmem>>
        %dma_start3A_563 = tpu.memref_squeeze %dma_start3A_562 : memref<1x1x64xi32, #tpu.memory_space<vmem>> -> memref<64xi32, #tpu.memory_space<vmem>>
        %dma_start3A_564 = tpu.memref_slice %arg2[%add3A_558] : memref<640000xi32, #tpu.memory_space<hbm>> -> memref<64xi32, #tpu.memory_space<hbm>>
        %dma_start3A_565 = arith.constant 0 : i32
        %dma_start3A_566 = tpu.memref_slice %arg6[%dma_start3A_559, %dma_start3A_560, %dma_start3A_565] : memref<8x2x64xi32, #tpu.memory_space<vmem>> -> memref<1x1x64xi32, #tpu.memory_space<vmem>>
        %dma_start3A_567 = tpu.memref_squeeze %dma_start3A_566 : memref<1x1x64xi32, #tpu.memory_space<vmem>> -> memref<64xi32, #tpu.memory_space<vmem>>
        %dma_start3A_568 = tpu.memref_slice %arg2[%add3A_558] : memref<640000xi32, #tpu.memory_space<hbm>> -> memref<64xi32, #tpu.memory_space<hbm>>
        tpu.enqueue_dma source(%dma_start3A_568 : memref<64xi32, #tpu.memory_space<hbm>>) target(%dma_start3A_567 : memref<64xi32, #tpu.memory_space<vmem>>) target_semaphore(%arg13 : memref<!tpu.dma_semaphore, #tpu.memory_space<semaphore_mem>>)
      } else {
      }
      %add3A_396 = arith.constant 4 : i32
      %add3A_397 = arith.addi %add3A_387, %add3A_396 : i32
      %lt3A_398 = arith.cmpi slt, %add3A_397, %add3A_8 : i32
      %convert_element_type3A_399 = arith.extui %lt3A_398 : i1 to i32
      %cond3A_400 = arith.constant 0 : i32
      %cond3A_401 = arith.cmpi ne, %convert_element_type3A_399, %cond3A_400 : i32
      scf.if %cond3A_401 {
        %add3A_542 = arith.constant 4 : i32
        %add3A_543 = arith.addi %add3A_387, %add3A_542 : i32
        %add3A_544 = arith.addi %add3A_4, %add3A_543 : i32
        %mul3A_545 = arith.constant 64 : i32
        %mul3A_546 = arith.muli %add3A_544, %mul3A_545 : i32
        %dma_wait3A_547 = arith.constant 4 : i32
        %dma_wait3A_548 = arith.constant 0 : i32
        %dma_wait3A_549 = arith.constant 0 : i32
        %dma_wait3A_550 = tpu.memref_slice %arg6[%dma_wait3A_547, %dma_wait3A_548, %dma_wait3A_549] : memref<8x2x64xi32, #tpu.memory_space<vmem>> -> memref<1x1x64xi32, #tpu.memory_space<vmem>>
        %dma_wait3A_551 = tpu.memref_squeeze %dma_wait3A_550 : memref<1x1x64xi32, #tpu.memory_space<vmem>> -> memref<64xi32, #tpu.memory_space<vmem>>
        %dma_wait3A_552 = tpu.memref_slice %arg2[%mul3A_546] : memref<640000xi32, #tpu.memory_space<hbm>> -> memref<64xi32, #tpu.memory_space<hbm>>
        %dma_wait3A_553 = arith.constant 0 : i32
        %dma_wait3A_554 = tpu.memref_slice %arg6[%dma_wait3A_547, %dma_wait3A_548, %dma_wait3A_553] : memref<8x2x64xi32, #tpu.memory_space<vmem>> -> memref<1x1x64xi32, #tpu.memory_space<vmem>>
        %dma_wait3A_555 = tpu.memref_squeeze %dma_wait3A_554 : memref<1x1x64xi32, #tpu.memory_space<vmem>> -> memref<64xi32, #tpu.memory_space<vmem>>
        %dma_wait3A_556 = tpu.memref_slice %arg2[%mul3A_546] : memref<640000xi32, #tpu.memory_space<hbm>> -> memref<64xi32, #tpu.memory_space<hbm>>
        tpu.wait_dma2 semaphore(%arg17 : memref<!tpu.dma_semaphore, #tpu.memory_space<semaphore_mem>>) src(%dma_wait3A_556 : memref<64xi32, #tpu.memory_space<hbm>>) dst(%dma_wait3A_555 : memref<64xi32, #tpu.memory_space<vmem>>)
        %add3A_557 = arith.constant 320000 : i32
        %add3A_558 = arith.addi %add3A_557, %mul3A_546 : i32
        %dma_wait3A_559 = arith.constant 4 : i32
        %dma_wait3A_560 = arith.constant 1 : i32
        %dma_wait3A_561 = arith.constant 0 : i32
        %dma_wait3A_562 = tpu.memref_slice %arg6[%dma_wait3A_559, %dma_wait3A_560, %dma_wait3A_561] : memref<8x2x64xi32, #tpu.memory_space<vmem>> -> memref<1x1x64xi32, #tpu.memory_space<vmem>>
        %dma_wait3A_563 = tpu.memref_squeeze %dma_wait3A_562 : memref<1x1x64xi32, #tpu.memory_space<vmem>> -> memref<64xi32, #tpu.memory_space<vmem>>
        %dma_wait3A_564 = tpu.memref_slice %arg2[%add3A_558] : memref<640000xi32, #tpu.memory_space<hbm>> -> memref<64xi32, #tpu.memory_space<hbm>>
        %dma_wait3A_565 = arith.constant 0 : i32
        %dma_wait3A_566 = tpu.memref_slice %arg6[%dma_wait3A_559, %dma_wait3A_560, %dma_wait3A_565] : memref<8x2x64xi32, #tpu.memory_space<vmem>> -> memref<1x1x64xi32, #tpu.memory_space<vmem>>
        %dma_wait3A_567 = tpu.memref_squeeze %dma_wait3A_566 : memref<1x1x64xi32, #tpu.memory_space<vmem>> -> memref<64xi32, #tpu.memory_space<vmem>>
        %dma_wait3A_568 = tpu.memref_slice %arg2[%add3A_558] : memref<640000xi32, #tpu.memory_space<hbm>> -> memref<64xi32, #tpu.memory_space<hbm>>
        tpu.wait_dma2 semaphore(%arg17 : memref<!tpu.dma_semaphore, #tpu.memory_space<semaphore_mem>>) src(%dma_wait3A_568 : memref<64xi32, #tpu.memory_space<hbm>>) dst(%dma_wait3A_567 : memref<64xi32, #tpu.memory_space<vmem>>)
        %dma_start3A_569 = arith.constant 4 : i32
        %dma_start3A_570 = arith.constant 0 : i32
        %dma_start3A_571 = arith.constant 0 : i32
        %dma_start3A_572 = arith.constant 0 : i32
        %dma_start3A_573 = arith.constant 0 : i32
        %dma_start3A_574 = tpu.memref_slice %arg7[%dma_start3A_571, %dma_start3A_572, %dma_start3A_573] : memref<4x64x128xf32, #tpu.memory_space<vmem>> -> memref<1x64x128xf32, #tpu.memory_space<vmem>>
        %dma_start3A_575 = tpu.memref_squeeze %dma_start3A_574 : memref<1x64x128xf32, #tpu.memory_space<vmem>> -> memref<64x128xf32, #tpu.memory_space<vmem>>
        %dma_start3A_576 = arith.constant 0 : i32
        %dma_start3A_577 = tpu.memref_slice %arg6[%dma_start3A_569, %dma_start3A_570, %dma_start3A_576] : memref<8x2x64xi32, #tpu.memory_space<vmem>> -> memref<1x1x64xi32, #tpu.memory_space<vmem>>
        %dma_start3A_578 = tpu.memref_squeeze %dma_start3A_577 : memref<1x1x64xi32, #tpu.memory_space<vmem>> -> memref<64xi32, #tpu.memory_space<vmem>>
        %dma_start3A_579 = arith.constant 0 : i32
        %dma_start3A_580 = arith.constant 0 : i32
        %dma_start3A_581 = tpu.memref_slice %arg3[%dma_start3A_579, %dma_start3A_580] : memref<10240x128xf32, #tpu.memory_space<hbm>> -> memref<10240x128xf32, #tpu.memory_space<hbm>>
        tpu.enqueue_indirect_dma source(%dma_start3A_581 : memref<10240x128xf32, #tpu.memory_space<hbm>>) target(%dma_start3A_575 : memref<64x128xf32, #tpu.memory_space<vmem>>) offsets(%dma_start3A_578 : memref<64xi32, #tpu.memory_space<vmem>>) semaphore(%arg9 : memref<!tpu.dma_semaphore, #tpu.memory_space<semaphore_mem>>)
      } else {
      }
      %mul3A_402 = arith.constant 8 : i32
      %mul3A_403 = arith.muli %mul3A_402, %scan3A_383 : i32
      %add3A_404 = arith.constant 1 : i32
      %add3A_405 = arith.addi %mul3A_403, %add3A_404 : i32
      %lt3A_406 = arith.cmpi slt, %add3A_405, %add3A_8 : i32
      %convert_element_type3A_407 = arith.extui %lt3A_406 : i1 to i32
      %cond3A_408 = arith.constant 0 : i32
      %cond3A_409 = arith.cmpi ne, %convert_element_type3A_407, %cond3A_408 : i32
      scf.if %cond3A_409 {
        %dma_wait3A_542 = arith.constant 1 : i32
        %dma_wait3A_543 = arith.constant 0 : i32
        %dma_wait3A_544 = arith.constant 1 : i32
        %dma_wait3A_545 = arith.constant 0 : i32
        %dma_wait3A_546 = arith.constant 0 : i32
        %dma_wait3A_547 = tpu.memref_slice %arg7[%dma_wait3A_544, %dma_wait3A_545, %dma_wait3A_546] : memref<4x64x128xf32, #tpu.memory_space<vmem>> -> memref<1x64x128xf32, #tpu.memory_space<vmem>>
        %dma_wait3A_548 = tpu.memref_squeeze %dma_wait3A_547 : memref<1x64x128xf32, #tpu.memory_space<vmem>> -> memref<64x128xf32, #tpu.memory_space<vmem>>
        %dma_wait3A_549 = arith.constant 0 : i32
        %dma_wait3A_550 = tpu.memref_slice %arg6[%dma_wait3A_542, %dma_wait3A_543, %dma_wait3A_549] : memref<8x2x64xi32, #tpu.memory_space<vmem>> -> memref<1x1x64xi32, #tpu.memory_space<vmem>>
        %dma_wait3A_551 = tpu.memref_squeeze %dma_wait3A_550 : memref<1x1x64xi32, #tpu.memory_space<vmem>> -> memref<64xi32, #tpu.memory_space<vmem>>
        %dma_wait3A_552 = arith.constant 0 : i32
        %dma_wait3A_553 = arith.constant 0 : i32
        %dma_wait3A_554 = tpu.memref_slice %arg3[%dma_wait3A_552, %dma_wait3A_553] : memref<10240x128xf32, #tpu.memory_space<hbm>> -> memref<10240x128xf32, #tpu.memory_space<hbm>>
        tpu.wait_indirect_dma semaphore(%arg10 : memref<!tpu.dma_semaphore, #tpu.memory_space<semaphore_mem>>) src(%dma_wait3A_554 : memref<10240x128xf32, #tpu.memory_space<hbm>>) dst(%dma_wait3A_548 : memref<64x128xf32, #tpu.memory_space<vmem>>)
        %run_scoped3A = arith.constant 1 : i32
        %run_scoped3A_555 = arith.constant 1 : i32
        %run_scoped3A_556 = arith.constant 1 : i32
        "tpu.region"() ({
          %run_scoped3A_557 = tpu.sem_alloc : memref<!tpu.dma_semaphore, #tpu.memory_space<semaphore_mem>>
          %dma_start3A_558 = arith.constant 0 : i32
          %dma_start3A_559 = arith.constant 0 : i32
          %dma_start3A_560 = tpu.memref_slice %arg7[%run_scoped3A, %dma_start3A_558, %dma_start3A_559] : memref<4x64x128xf32, #tpu.memory_space<vmem>> -> memref<1x64x128xf32, #tpu.memory_space<vmem>>
          %dma_start3A_561 = tpu.memref_squeeze %dma_start3A_560 : memref<1x64x128xf32, #tpu.memory_space<vmem>> -> memref<64x128xf32, #tpu.memory_space<vmem>>
          %dma_start3A_562 = arith.constant 0 : i32
          %dma_start3A_563 = tpu.memref_slice %arg6[%run_scoped3A_555, %run_scoped3A_556, %dma_start3A_562] : memref<8x2x64xi32, #tpu.memory_space<vmem>> -> memref<1x1x64xi32, #tpu.memory_space<vmem>>
          %dma_start3A_564 = tpu.memref_squeeze %dma_start3A_563 : memref<1x1x64xi32, #tpu.memory_space<vmem>> -> memref<64xi32, #tpu.memory_space<vmem>>
          %dma_start3A_565 = arith.constant 0 : i32
          %dma_start3A_566 = arith.constant 0 : i32
          %dma_start3A_567 = tpu.memref_slice %arg8[%dma_start3A_565, %dma_start3A_566] : memref<10240x128xf32, #tpu.memory_space<vmem_shared>> -> memref<10240x128xf32, #tpu.memory_space<vmem_shared>>
          tpu.enqueue_indirect_dma source(%dma_start3A_561 : memref<64x128xf32, #tpu.memory_space<vmem>>) target(%dma_start3A_567 : memref<10240x128xf32, #tpu.memory_space<vmem_shared>>) offsets(%dma_start3A_564 : memref<64xi32, #tpu.memory_space<vmem>>) semaphore(%run_scoped3A_557 : memref<!tpu.dma_semaphore, #tpu.memory_space<semaphore_mem>>) {add = true}
          %dma_wait3A_568 = arith.constant 0 : i32
          %dma_wait3A_569 = arith.constant 0 : i32
          %dma_wait3A_570 = tpu.memref_slice %arg7[%run_scoped3A, %dma_wait3A_568, %dma_wait3A_569] : memref<4x64x128xf32, #tpu.memory_space<vmem>> -> memref<1x64x128xf32, #tpu.memory_space<vmem>>
          %dma_wait3A_571 = tpu.memref_squeeze %dma_wait3A_570 : memref<1x64x128xf32, #tpu.memory_space<vmem>> -> memref<64x128xf32, #tpu.memory_space<vmem>>
          %dma_wait3A_572 = arith.constant 0 : i32
          %dma_wait3A_573 = tpu.memref_slice %arg6[%run_scoped3A_555, %run_scoped3A_556, %dma_wait3A_572] : memref<8x2x64xi32, #tpu.memory_space<vmem>> -> memref<1x1x64xi32, #tpu.memory_space<vmem>>
          %dma_wait3A_574 = tpu.memref_squeeze %dma_wait3A_573 : memref<1x1x64xi32, #tpu.memory_space<vmem>> -> memref<64xi32, #tpu.memory_space<vmem>>
          %dma_wait3A_575 = arith.constant 0 : i32
          %dma_wait3A_576 = arith.constant 0 : i32
          %dma_wait3A_577 = tpu.memref_slice %arg8[%dma_wait3A_575, %dma_wait3A_576] : memref<10240x128xf32, #tpu.memory_space<vmem_shared>> -> memref<10240x128xf32, #tpu.memory_space<vmem_shared>>
          tpu.wait_indirect_dma semaphore(%run_scoped3A_557 : memref<!tpu.dma_semaphore, #tpu.memory_space<semaphore_mem>>) src(%dma_wait3A_571 : memref<64x128xf32, #tpu.memory_space<vmem>>) dst(%dma_wait3A_577 : memref<10240x128xf32, #tpu.memory_space<vmem_shared>>)
          tpu.yield
        }) : () -> ()
      } else {
      }
      %add3A_410 = arith.constant 8 : i32
      %add3A_411 = arith.addi %add3A_405, %add3A_410 : i32
      %lt3A_412 = arith.cmpi slt, %add3A_411, %add3A_8 : i32
      %convert_element_type3A_413 = arith.extui %lt3A_412 : i1 to i32
      %cond3A_414 = arith.constant 0 : i32
      %cond3A_415 = arith.cmpi ne, %convert_element_type3A_413, %cond3A_414 : i32
      scf.if %cond3A_415 {
        %add3A_542 = arith.constant 8 : i32
        %add3A_543 = arith.addi %add3A_405, %add3A_542 : i32
        %add3A_544 = arith.addi %add3A_4, %add3A_543 : i32
        %mul3A_545 = arith.constant 64 : i32
        %mul3A_546 = arith.muli %add3A_544, %mul3A_545 : i32
        %dma_start3A_547 = arith.constant 1 : i32
        %dma_start3A_548 = arith.constant 0 : i32
        %dma_start3A_549 = arith.constant 0 : i32
        %dma_start3A_550 = tpu.memref_slice %arg6[%dma_start3A_547, %dma_start3A_548, %dma_start3A_549] : memref<8x2x64xi32, #tpu.memory_space<vmem>> -> memref<1x1x64xi32, #tpu.memory_space<vmem>>
        %dma_start3A_551 = tpu.memref_squeeze %dma_start3A_550 : memref<1x1x64xi32, #tpu.memory_space<vmem>> -> memref<64xi32, #tpu.memory_space<vmem>>
        %dma_start3A_552 = tpu.memref_slice %arg2[%mul3A_546] : memref<640000xi32, #tpu.memory_space<hbm>> -> memref<64xi32, #tpu.memory_space<hbm>>
        %dma_start3A_553 = arith.constant 0 : i32
        %dma_start3A_554 = tpu.memref_slice %arg6[%dma_start3A_547, %dma_start3A_548, %dma_start3A_553] : memref<8x2x64xi32, #tpu.memory_space<vmem>> -> memref<1x1x64xi32, #tpu.memory_space<vmem>>
        %dma_start3A_555 = tpu.memref_squeeze %dma_start3A_554 : memref<1x1x64xi32, #tpu.memory_space<vmem>> -> memref<64xi32, #tpu.memory_space<vmem>>
        %dma_start3A_556 = tpu.memref_slice %arg2[%mul3A_546] : memref<640000xi32, #tpu.memory_space<hbm>> -> memref<64xi32, #tpu.memory_space<hbm>>
        tpu.enqueue_dma source(%dma_start3A_556 : memref<64xi32, #tpu.memory_space<hbm>>) target(%dma_start3A_555 : memref<64xi32, #tpu.memory_space<vmem>>) target_semaphore(%arg14 : memref<!tpu.dma_semaphore, #tpu.memory_space<semaphore_mem>>)
        %add3A_557 = arith.constant 320000 : i32
        %add3A_558 = arith.addi %add3A_557, %mul3A_546 : i32
        %dma_start3A_559 = arith.constant 1 : i32
        %dma_start3A_560 = arith.constant 1 : i32
        %dma_start3A_561 = arith.constant 0 : i32
        %dma_start3A_562 = tpu.memref_slice %arg6[%dma_start3A_559, %dma_start3A_560, %dma_start3A_561] : memref<8x2x64xi32, #tpu.memory_space<vmem>> -> memref<1x1x64xi32, #tpu.memory_space<vmem>>
        %dma_start3A_563 = tpu.memref_squeeze %dma_start3A_562 : memref<1x1x64xi32, #tpu.memory_space<vmem>> -> memref<64xi32, #tpu.memory_space<vmem>>
        %dma_start3A_564 = tpu.memref_slice %arg2[%add3A_558] : memref<640000xi32, #tpu.memory_space<hbm>> -> memref<64xi32, #tpu.memory_space<hbm>>
        %dma_start3A_565 = arith.constant 0 : i32
        %dma_start3A_566 = tpu.memref_slice %arg6[%dma_start3A_559, %dma_start3A_560, %dma_start3A_565] : memref<8x2x64xi32, #tpu.memory_space<vmem>> -> memref<1x1x64xi32, #tpu.memory_space<vmem>>
        %dma_start3A_567 = tpu.memref_squeeze %dma_start3A_566 : memref<1x1x64xi32, #tpu.memory_space<vmem>> -> memref<64xi32, #tpu.memory_space<vmem>>
        %dma_start3A_568 = tpu.memref_slice %arg2[%add3A_558] : memref<640000xi32, #tpu.memory_space<hbm>> -> memref<64xi32, #tpu.memory_space<hbm>>
        tpu.enqueue_dma source(%dma_start3A_568 : memref<64xi32, #tpu.memory_space<hbm>>) target(%dma_start3A_567 : memref<64xi32, #tpu.memory_space<vmem>>) target_semaphore(%arg14 : memref<!tpu.dma_semaphore, #tpu.memory_space<semaphore_mem>>)
      } else {
      }
      %add3A_416 = arith.constant 4 : i32
      %add3A_417 = arith.addi %add3A_405, %add3A_416 : i32
      %lt3A_418 = arith.cmpi slt, %add3A_417, %add3A_8 : i32
      %convert_element_type3A_419 = arith.extui %lt3A_418 : i1 to i32
      %cond3A_420 = arith.constant 0 : i32
      %cond3A_421 = arith.cmpi ne, %convert_element_type3A_419, %cond3A_420 : i32
      scf.if %cond3A_421 {
        %add3A_542 = arith.constant 4 : i32
        %add3A_543 = arith.addi %add3A_405, %add3A_542 : i32
        %add3A_544 = arith.addi %add3A_4, %add3A_543 : i32
        %mul3A_545 = arith.constant 64 : i32
        %mul3A_546 = arith.muli %add3A_544, %mul3A_545 : i32
        %dma_wait3A_547 = arith.constant 5 : i32
        %dma_wait3A_548 = arith.constant 0 : i32
        %dma_wait3A_549 = arith.constant 0 : i32
        %dma_wait3A_550 = tpu.memref_slice %arg6[%dma_wait3A_547, %dma_wait3A_548, %dma_wait3A_549] : memref<8x2x64xi32, #tpu.memory_space<vmem>> -> memref<1x1x64xi32, #tpu.memory_space<vmem>>
        %dma_wait3A_551 = tpu.memref_squeeze %dma_wait3A_550 : memref<1x1x64xi32, #tpu.memory_space<vmem>> -> memref<64xi32, #tpu.memory_space<vmem>>
        %dma_wait3A_552 = tpu.memref_slice %arg2[%mul3A_546] : memref<640000xi32, #tpu.memory_space<hbm>> -> memref<64xi32, #tpu.memory_space<hbm>>
        %dma_wait3A_553 = arith.constant 0 : i32
        %dma_wait3A_554 = tpu.memref_slice %arg6[%dma_wait3A_547, %dma_wait3A_548, %dma_wait3A_553] : memref<8x2x64xi32, #tpu.memory_space<vmem>> -> memref<1x1x64xi32, #tpu.memory_space<vmem>>
        %dma_wait3A_555 = tpu.memref_squeeze %dma_wait3A_554 : memref<1x1x64xi32, #tpu.memory_space<vmem>> -> memref<64xi32, #tpu.memory_space<vmem>>
        %dma_wait3A_556 = tpu.memref_slice %arg2[%mul3A_546] : memref<640000xi32, #tpu.memory_space<hbm>> -> memref<64xi32, #tpu.memory_space<hbm>>
        tpu.wait_dma2 semaphore(%arg18 : memref<!tpu.dma_semaphore, #tpu.memory_space<semaphore_mem>>) src(%dma_wait3A_556 : memref<64xi32, #tpu.memory_space<hbm>>) dst(%dma_wait3A_555 : memref<64xi32, #tpu.memory_space<vmem>>)
        %add3A_557 = arith.constant 320000 : i32
        %add3A_558 = arith.addi %add3A_557, %mul3A_546 : i32
        %dma_wait3A_559 = arith.constant 5 : i32
        %dma_wait3A_560 = arith.constant 1 : i32
        %dma_wait3A_561 = arith.constant 0 : i32
        %dma_wait3A_562 = tpu.memref_slice %arg6[%dma_wait3A_559, %dma_wait3A_560, %dma_wait3A_561] : memref<8x2x64xi32, #tpu.memory_space<vmem>> -> memref<1x1x64xi32, #tpu.memory_space<vmem>>
        %dma_wait3A_563 = tpu.memref_squeeze %dma_wait3A_562 : memref<1x1x64xi32, #tpu.memory_space<vmem>> -> memref<64xi32, #tpu.memory_space<vmem>>
        %dma_wait3A_564 = tpu.memref_slice %arg2[%add3A_558] : memref<640000xi32, #tpu.memory_space<hbm>> -> memref<64xi32, #tpu.memory_space<hbm>>
        %dma_wait3A_565 = arith.constant 0 : i32
        %dma_wait3A_566 = tpu.memref_slice %arg6[%dma_wait3A_559, %dma_wait3A_560, %dma_wait3A_565] : memref<8x2x64xi32, #tpu.memory_space<vmem>> -> memref<1x1x64xi32, #tpu.memory_space<vmem>>
        %dma_wait3A_567 = tpu.memref_squeeze %dma_wait3A_566 : memref<1x1x64xi32, #tpu.memory_space<vmem>> -> memref<64xi32, #tpu.memory_space<vmem>>
        %dma_wait3A_568 = tpu.memref_slice %arg2[%add3A_558] : memref<640000xi32, #tpu.memory_space<hbm>> -> memref<64xi32, #tpu.memory_space<hbm>>
        tpu.wait_dma2 semaphore(%arg18 : memref<!tpu.dma_semaphore, #tpu.memory_space<semaphore_mem>>) src(%dma_wait3A_568 : memref<64xi32, #tpu.memory_space<hbm>>) dst(%dma_wait3A_567 : memref<64xi32, #tpu.memory_space<vmem>>)
        %dma_start3A_569 = arith.constant 5 : i32
        %dma_start3A_570 = arith.constant 0 : i32
        %dma_start3A_571 = arith.constant 1 : i32
        %dma_start3A_572 = arith.constant 0 : i32
        %dma_start3A_573 = arith.constant 0 : i32
        %dma_start3A_574 = tpu.memref_slice %arg7[%dma_start3A_571, %dma_start3A_572, %dma_start3A_573] : memref<4x64x128xf32, #tpu.memory_space<vmem>> -> memref<1x64x128xf32, #tpu.memory_space<vmem>>
        %dma_start3A_575 = tpu.memref_squeeze %dma_start3A_574 : memref<1x64x128xf32, #tpu.memory_space<vmem>> -> memref<64x128xf32, #tpu.memory_space<vmem>>
        %dma_start3A_576 = arith.constant 0 : i32
        %dma_start3A_577 = tpu.memref_slice %arg6[%dma_start3A_569, %dma_start3A_570, %dma_start3A_576] : memref<8x2x64xi32, #tpu.memory_space<vmem>> -> memref<1x1x64xi32, #tpu.memory_space<vmem>>
        %dma_start3A_578 = tpu.memref_squeeze %dma_start3A_577 : memref<1x1x64xi32, #tpu.memory_space<vmem>> -> memref<64xi32, #tpu.memory_space<vmem>>
        %dma_start3A_579 = arith.constant 0 : i32
        %dma_start3A_580 = arith.constant 0 : i32
        %dma_start3A_581 = tpu.memref_slice %arg3[%dma_start3A_579, %dma_start3A_580] : memref<10240x128xf32, #tpu.memory_space<hbm>> -> memref<10240x128xf32, #tpu.memory_space<hbm>>
        tpu.enqueue_indirect_dma source(%dma_start3A_581 : memref<10240x128xf32, #tpu.memory_space<hbm>>) target(%dma_start3A_575 : memref<64x128xf32, #tpu.memory_space<vmem>>) offsets(%dma_start3A_578 : memref<64xi32, #tpu.memory_space<vmem>>) semaphore(%arg10 : memref<!tpu.dma_semaphore, #tpu.memory_space<semaphore_mem>>)
      } else {
      }
      %mul3A_422 = arith.constant 8 : i32
      %mul3A_423 = arith.muli %mul3A_422, %scan3A_383 : i32
      %add3A_424 = arith.constant 2 : i32
      %add3A_425 = arith.addi %mul3A_423, %add3A_424 : i32
      %lt3A_426 = arith.cmpi slt, %add3A_425, %add3A_8 : i32
      %convert_element_type3A_427 = arith.extui %lt3A_426 : i1 to i32
      %cond3A_428 = arith.constant 0 : i32
      %cond3A_429 = arith.cmpi ne, %convert_element_type3A_427, %cond3A_428 : i32
      scf.if %cond3A_429 {
        %dma_wait3A_542 = arith.constant 2 : i32
        %dma_wait3A_543 = arith.constant 0 : i32
        %dma_wait3A_544 = arith.constant 2 : i32
        %dma_wait3A_545 = arith.constant 0 : i32
        %dma_wait3A_546 = arith.constant 0 : i32
        %dma_wait3A_547 = tpu.memref_slice %arg7[%dma_wait3A_544, %dma_wait3A_545, %dma_wait3A_546] : memref<4x64x128xf32, #tpu.memory_space<vmem>> -> memref<1x64x128xf32, #tpu.memory_space<vmem>>
        %dma_wait3A_548 = tpu.memref_squeeze %dma_wait3A_547 : memref<1x64x128xf32, #tpu.memory_space<vmem>> -> memref<64x128xf32, #tpu.memory_space<vmem>>
        %dma_wait3A_549 = arith.constant 0 : i32
        %dma_wait3A_550 = tpu.memref_slice %arg6[%dma_wait3A_542, %dma_wait3A_543, %dma_wait3A_549] : memref<8x2x64xi32, #tpu.memory_space<vmem>> -> memref<1x1x64xi32, #tpu.memory_space<vmem>>
        %dma_wait3A_551 = tpu.memref_squeeze %dma_wait3A_550 : memref<1x1x64xi32, #tpu.memory_space<vmem>> -> memref<64xi32, #tpu.memory_space<vmem>>
        %dma_wait3A_552 = arith.constant 0 : i32
        %dma_wait3A_553 = arith.constant 0 : i32
        %dma_wait3A_554 = tpu.memref_slice %arg3[%dma_wait3A_552, %dma_wait3A_553] : memref<10240x128xf32, #tpu.memory_space<hbm>> -> memref<10240x128xf32, #tpu.memory_space<hbm>>
        tpu.wait_indirect_dma semaphore(%arg11 : memref<!tpu.dma_semaphore, #tpu.memory_space<semaphore_mem>>) src(%dma_wait3A_554 : memref<10240x128xf32, #tpu.memory_space<hbm>>) dst(%dma_wait3A_548 : memref<64x128xf32, #tpu.memory_space<vmem>>)
        %run_scoped3A = arith.constant 2 : i32
        %run_scoped3A_555 = arith.constant 2 : i32
        %run_scoped3A_556 = arith.constant 1 : i32
        "tpu.region"() ({
          %run_scoped3A_557 = tpu.sem_alloc : memref<!tpu.dma_semaphore, #tpu.memory_space<semaphore_mem>>
          %dma_start3A_558 = arith.constant 0 : i32
          %dma_start3A_559 = arith.constant 0 : i32
          %dma_start3A_560 = tpu.memref_slice %arg7[%run_scoped3A, %dma_start3A_558, %dma_start3A_559] : memref<4x64x128xf32, #tpu.memory_space<vmem>> -> memref<1x64x128xf32, #tpu.memory_space<vmem>>
          %dma_start3A_561 = tpu.memref_squeeze %dma_start3A_560 : memref<1x64x128xf32, #tpu.memory_space<vmem>> -> memref<64x128xf32, #tpu.memory_space<vmem>>
          %dma_start3A_562 = arith.constant 0 : i32
          %dma_start3A_563 = tpu.memref_slice %arg6[%run_scoped3A_555, %run_scoped3A_556, %dma_start3A_562] : memref<8x2x64xi32, #tpu.memory_space<vmem>> -> memref<1x1x64xi32, #tpu.memory_space<vmem>>
          %dma_start3A_564 = tpu.memref_squeeze %dma_start3A_563 : memref<1x1x64xi32, #tpu.memory_space<vmem>> -> memref<64xi32, #tpu.memory_space<vmem>>
          %dma_start3A_565 = arith.constant 0 : i32
          %dma_start3A_566 = arith.constant 0 : i32
          %dma_start3A_567 = tpu.memref_slice %arg8[%dma_start3A_565, %dma_start3A_566] : memref<10240x128xf32, #tpu.memory_space<vmem_shared>> -> memref<10240x128xf32, #tpu.memory_space<vmem_shared>>
          tpu.enqueue_indirect_dma source(%dma_start3A_561 : memref<64x128xf32, #tpu.memory_space<vmem>>) target(%dma_start3A_567 : memref<10240x128xf32, #tpu.memory_space<vmem_shared>>) offsets(%dma_start3A_564 : memref<64xi32, #tpu.memory_space<vmem>>) semaphore(%run_scoped3A_557 : memref<!tpu.dma_semaphore, #tpu.memory_space<semaphore_mem>>) {add = true}
          %dma_wait3A_568 = arith.constant 0 : i32
          %dma_wait3A_569 = arith.constant 0 : i32
          %dma_wait3A_570 = tpu.memref_slice %arg7[%run_scoped3A, %dma_wait3A_568, %dma_wait3A_569] : memref<4x64x128xf32, #tpu.memory_space<vmem>> -> memref<1x64x128xf32, #tpu.memory_space<vmem>>
          %dma_wait3A_571 = tpu.memref_squeeze %dma_wait3A_570 : memref<1x64x128xf32, #tpu.memory_space<vmem>> -> memref<64x128xf32, #tpu.memory_space<vmem>>
          %dma_wait3A_572 = arith.constant 0 : i32
          %dma_wait3A_573 = tpu.memref_slice %arg6[%run_scoped3A_555, %run_scoped3A_556, %dma_wait3A_572] : memref<8x2x64xi32, #tpu.memory_space<vmem>> -> memref<1x1x64xi32, #tpu.memory_space<vmem>>
          %dma_wait3A_574 = tpu.memref_squeeze %dma_wait3A_573 : memref<1x1x64xi32, #tpu.memory_space<vmem>> -> memref<64xi32, #tpu.memory_space<vmem>>
          %dma_wait3A_575 = arith.constant 0 : i32
          %dma_wait3A_576 = arith.constant 0 : i32
          %dma_wait3A_577 = tpu.memref_slice %arg8[%dma_wait3A_575, %dma_wait3A_576] : memref<10240x128xf32, #tpu.memory_space<vmem_shared>> -> memref<10240x128xf32, #tpu.memory_space<vmem_shared>>
          tpu.wait_indirect_dma semaphore(%run_scoped3A_557 : memref<!tpu.dma_semaphore, #tpu.memory_space<semaphore_mem>>) src(%dma_wait3A_571 : memref<64x128xf32, #tpu.memory_space<vmem>>) dst(%dma_wait3A_577 : memref<10240x128xf32, #tpu.memory_space<vmem_shared>>)
          tpu.yield
        }) : () -> ()
      } else {
      }
      %add3A_430 = arith.constant 8 : i32
      %add3A_431 = arith.addi %add3A_425, %add3A_430 : i32
      %lt3A_432 = arith.cmpi slt, %add3A_431, %add3A_8 : i32
      %convert_element_type3A_433 = arith.extui %lt3A_432 : i1 to i32
      %cond3A_434 = arith.constant 0 : i32
      %cond3A_435 = arith.cmpi ne, %convert_element_type3A_433, %cond3A_434 : i32
      scf.if %cond3A_435 {
        %add3A_542 = arith.constant 8 : i32
        %add3A_543 = arith.addi %add3A_425, %add3A_542 : i32
        %add3A_544 = arith.addi %add3A_4, %add3A_543 : i32
        %mul3A_545 = arith.constant 64 : i32
        %mul3A_546 = arith.muli %add3A_544, %mul3A_545 : i32
        %dma_start3A_547 = arith.constant 2 : i32
        %dma_start3A_548 = arith.constant 0 : i32
        %dma_start3A_549 = arith.constant 0 : i32
        %dma_start3A_550 = tpu.memref_slice %arg6[%dma_start3A_547, %dma_start3A_548, %dma_start3A_549] : memref<8x2x64xi32, #tpu.memory_space<vmem>> -> memref<1x1x64xi32, #tpu.memory_space<vmem>>
        %dma_start3A_551 = tpu.memref_squeeze %dma_start3A_550 : memref<1x1x64xi32, #tpu.memory_space<vmem>> -> memref<64xi32, #tpu.memory_space<vmem>>
        %dma_start3A_552 = tpu.memref_slice %arg2[%mul3A_546] : memref<640000xi32, #tpu.memory_space<hbm>> -> memref<64xi32, #tpu.memory_space<hbm>>
        %dma_start3A_553 = arith.constant 0 : i32
        %dma_start3A_554 = tpu.memref_slice %arg6[%dma_start3A_547, %dma_start3A_548, %dma_start3A_553] : memref<8x2x64xi32, #tpu.memory_space<vmem>> -> memref<1x1x64xi32, #tpu.memory_space<vmem>>
        %dma_start3A_555 = tpu.memref_squeeze %dma_start3A_554 : memref<1x1x64xi32, #tpu.memory_space<vmem>> -> memref<64xi32, #tpu.memory_space<vmem>>
        %dma_start3A_556 = tpu.memref_slice %arg2[%mul3A_546] : memref<640000xi32, #tpu.memory_space<hbm>> -> memref<64xi32, #tpu.memory_space<hbm>>
        tpu.enqueue_dma source(%dma_start3A_556 : memref<64xi32, #tpu.memory_space<hbm>>) target(%dma_start3A_555 : memref<64xi32, #tpu.memory_space<vmem>>) target_semaphore(%arg15 : memref<!tpu.dma_semaphore, #tpu.memory_space<semaphore_mem>>)
        %add3A_557 = arith.constant 320000 : i32
        %add3A_558 = arith.addi %add3A_557, %mul3A_546 : i32
        %dma_start3A_559 = arith.constant 2 : i32
        %dma_start3A_560 = arith.constant 1 : i32
        %dma_start3A_561 = arith.constant 0 : i32
        %dma_start3A_562 = tpu.memref_slice %arg6[%dma_start3A_559, %dma_start3A_560, %dma_start3A_561] : memref<8x2x64xi32, #tpu.memory_space<vmem>> -> memref<1x1x64xi32, #tpu.memory_space<vmem>>
        %dma_start3A_563 = tpu.memref_squeeze %dma_start3A_562 : memref<1x1x64xi32, #tpu.memory_space<vmem>> -> memref<64xi32, #tpu.memory_space<vmem>>
        %dma_start3A_564 = tpu.memref_slice %arg2[%add3A_558] : memref<640000xi32, #tpu.memory_space<hbm>> -> memref<64xi32, #tpu.memory_space<hbm>>
        %dma_start3A_565 = arith.constant 0 : i32
        %dma_start3A_566 = tpu.memref_slice %arg6[%dma_start3A_559, %dma_start3A_560, %dma_start3A_565] : memref<8x2x64xi32, #tpu.memory_space<vmem>> -> memref<1x1x64xi32, #tpu.memory_space<vmem>>
        %dma_start3A_567 = tpu.memref_squeeze %dma_start3A_566 : memref<1x1x64xi32, #tpu.memory_space<vmem>> -> memref<64xi32, #tpu.memory_space<vmem>>
        %dma_start3A_568 = tpu.memref_slice %arg2[%add3A_558] : memref<640000xi32, #tpu.memory_space<hbm>> -> memref<64xi32, #tpu.memory_space<hbm>>
        tpu.enqueue_dma source(%dma_start3A_568 : memref<64xi32, #tpu.memory_space<hbm>>) target(%dma_start3A_567 : memref<64xi32, #tpu.memory_space<vmem>>) target_semaphore(%arg15 : memref<!tpu.dma_semaphore, #tpu.memory_space<semaphore_mem>>)
      } else {
      }
      %add3A_436 = arith.constant 4 : i32
      %add3A_437 = arith.addi %add3A_425, %add3A_436 : i32
      %lt3A_438 = arith.cmpi slt, %add3A_437, %add3A_8 : i32
      %convert_element_type3A_439 = arith.extui %lt3A_438 : i1 to i32
      %cond3A_440 = arith.constant 0 : i32
      %cond3A_441 = arith.cmpi ne, %convert_element_type3A_439, %cond3A_440 : i32
      scf.if %cond3A_441 {
        %add3A_542 = arith.constant 4 : i32
        %add3A_543 = arith.addi %add3A_425, %add3A_542 : i32
        %add3A_544 = arith.addi %add3A_4, %add3A_543 : i32
        %mul3A_545 = arith.constant 64 : i32
        %mul3A_546 = arith.muli %add3A_544, %mul3A_545 : i32
        %dma_wait3A_547 = arith.constant 6 : i32
        %dma_wait3A_548 = arith.constant 0 : i32
        %dma_wait3A_549 = arith.constant 0 : i32
        %dma_wait3A_550 = tpu.memref_slice %arg6[%dma_wait3A_547, %dma_wait3A_548, %dma_wait3A_549] : memref<8x2x64xi32, #tpu.memory_space<vmem>> -> memref<1x1x64xi32, #tpu.memory_space<vmem>>
        %dma_wait3A_551 = tpu.memref_squeeze %dma_wait3A_550 : memref<1x1x64xi32, #tpu.memory_space<vmem>> -> memref<64xi32, #tpu.memory_space<vmem>>
        %dma_wait3A_552 = tpu.memref_slice %arg2[%mul3A_546] : memref<640000xi32, #tpu.memory_space<hbm>> -> memref<64xi32, #tpu.memory_space<hbm>>
        %dma_wait3A_553 = arith.constant 0 : i32
        %dma_wait3A_554 = tpu.memref_slice %arg6[%dma_wait3A_547, %dma_wait3A_548, %dma_wait3A_553] : memref<8x2x64xi32, #tpu.memory_space<vmem>> -> memref<1x1x64xi32, #tpu.memory_space<vmem>>
        %dma_wait3A_555 = tpu.memref_squeeze %dma_wait3A_554 : memref<1x1x64xi32, #tpu.memory_space<vmem>> -> memref<64xi32, #tpu.memory_space<vmem>>
        %dma_wait3A_556 = tpu.memref_slice %arg2[%mul3A_546] : memref<640000xi32, #tpu.memory_space<hbm>> -> memref<64xi32, #tpu.memory_space<hbm>>
        tpu.wait_dma2 semaphore(%arg19 : memref<!tpu.dma_semaphore, #tpu.memory_space<semaphore_mem>>) src(%dma_wait3A_556 : memref<64xi32, #tpu.memory_space<hbm>>) dst(%dma_wait3A_555 : memref<64xi32, #tpu.memory_space<vmem>>)
        %add3A_557 = arith.constant 320000 : i32
        %add3A_558 = arith.addi %add3A_557, %mul3A_546 : i32
        %dma_wait3A_559 = arith.constant 6 : i32
        %dma_wait3A_560 = arith.constant 1 : i32
        %dma_wait3A_561 = arith.constant 0 : i32
        %dma_wait3A_562 = tpu.memref_slice %arg6[%dma_wait3A_559, %dma_wait3A_560, %dma_wait3A_561] : memref<8x2x64xi32, #tpu.memory_space<vmem>> -> memref<1x1x64xi32, #tpu.memory_space<vmem>>
        %dma_wait3A_563 = tpu.memref_squeeze %dma_wait3A_562 : memref<1x1x64xi32, #tpu.memory_space<vmem>> -> memref<64xi32, #tpu.memory_space<vmem>>
        %dma_wait3A_564 = tpu.memref_slice %arg2[%add3A_558] : memref<640000xi32, #tpu.memory_space<hbm>> -> memref<64xi32, #tpu.memory_space<hbm>>
        %dma_wait3A_565 = arith.constant 0 : i32
        %dma_wait3A_566 = tpu.memref_slice %arg6[%dma_wait3A_559, %dma_wait3A_560, %dma_wait3A_565] : memref<8x2x64xi32, #tpu.memory_space<vmem>> -> memref<1x1x64xi32, #tpu.memory_space<vmem>>
        %dma_wait3A_567 = tpu.memref_squeeze %dma_wait3A_566 : memref<1x1x64xi32, #tpu.memory_space<vmem>> -> memref<64xi32, #tpu.memory_space<vmem>>
        %dma_wait3A_568 = tpu.memref_slice %arg2[%add3A_558] : memref<640000xi32, #tpu.memory_space<hbm>> -> memref<64xi32, #tpu.memory_space<hbm>>
        tpu.wait_dma2 semaphore(%arg19 : memref<!tpu.dma_semaphore, #tpu.memory_space<semaphore_mem>>) src(%dma_wait3A_568 : memref<64xi32, #tpu.memory_space<hbm>>) dst(%dma_wait3A_567 : memref<64xi32, #tpu.memory_space<vmem>>)
        %dma_start3A_569 = arith.constant 6 : i32
        %dma_start3A_570 = arith.constant 0 : i32
        %dma_start3A_571 = arith.constant 2 : i32
        %dma_start3A_572 = arith.constant 0 : i32
        %dma_start3A_573 = arith.constant 0 : i32
        %dma_start3A_574 = tpu.memref_slice %arg7[%dma_start3A_571, %dma_start3A_572, %dma_start3A_573] : memref<4x64x128xf32, #tpu.memory_space<vmem>> -> memref<1x64x128xf32, #tpu.memory_space<vmem>>
        %dma_start3A_575 = tpu.memref_squeeze %dma_start3A_574 : memref<1x64x128xf32, #tpu.memory_space<vmem>> -> memref<64x128xf32, #tpu.memory_space<vmem>>
        %dma_start3A_576 = arith.constant 0 : i32
        %dma_start3A_577 = tpu.memref_slice %arg6[%dma_start3A_569, %dma_start3A_570, %dma_start3A_576] : memref<8x2x64xi32, #tpu.memory_space<vmem>> -> memref<1x1x64xi32, #tpu.memory_space<vmem>>
        %dma_start3A_578 = tpu.memref_squeeze %dma_start3A_577 : memref<1x1x64xi32, #tpu.memory_space<vmem>> -> memref<64xi32, #tpu.memory_space<vmem>>
        %dma_start3A_579 = arith.constant 0 : i32
        %dma_start3A_580 = arith.constant 0 : i32
        %dma_start3A_581 = tpu.memref_slice %arg3[%dma_start3A_579, %dma_start3A_580] : memref<10240x128xf32, #tpu.memory_space<hbm>> -> memref<10240x128xf32, #tpu.memory_space<hbm>>
        tpu.enqueue_indirect_dma source(%dma_start3A_581 : memref<10240x128xf32, #tpu.memory_space<hbm>>) target(%dma_start3A_575 : memref<64x128xf32, #tpu.memory_space<vmem>>) offsets(%dma_start3A_578 : memref<64xi32, #tpu.memory_space<vmem>>) semaphore(%arg11 : memref<!tpu.dma_semaphore, #tpu.memory_space<semaphore_mem>>)
      } else {
      }
      %mul3A_442 = arith.constant 8 : i32
      %mul3A_443 = arith.muli %mul3A_442, %scan3A_383 : i32
      %add3A_444 = arith.constant 3 : i32
      %add3A_445 = arith.addi %mul3A_443, %add3A_444 : i32
      %lt3A_446 = arith.cmpi slt, %add3A_445, %add3A_8 : i32
      %convert_element_type3A_447 = arith.extui %lt3A_446 : i1 to i32
      %cond3A_448 = arith.constant 0 : i32
      %cond3A_449 = arith.cmpi ne, %convert_element_type3A_447, %cond3A_448 : i32
      scf.if %cond3A_449 {
        %dma_wait3A_542 = arith.constant 3 : i32
        %dma_wait3A_543 = arith.constant 0 : i32
        %dma_wait3A_544 = arith.constant 3 : i32
        %dma_wait3A_545 = arith.constant 0 : i32
        %dma_wait3A_546 = arith.constant 0 : i32
        %dma_wait3A_547 = tpu.memref_slice %arg7[%dma_wait3A_544, %dma_wait3A_545, %dma_wait3A_546] : memref<4x64x128xf32, #tpu.memory_space<vmem>> -> memref<1x64x128xf32, #tpu.memory_space<vmem>>
        %dma_wait3A_548 = tpu.memref_squeeze %dma_wait3A_547 : memref<1x64x128xf32, #tpu.memory_space<vmem>> -> memref<64x128xf32, #tpu.memory_space<vmem>>
        %dma_wait3A_549 = arith.constant 0 : i32
        %dma_wait3A_550 = tpu.memref_slice %arg6[%dma_wait3A_542, %dma_wait3A_543, %dma_wait3A_549] : memref<8x2x64xi32, #tpu.memory_space<vmem>> -> memref<1x1x64xi32, #tpu.memory_space<vmem>>
        %dma_wait3A_551 = tpu.memref_squeeze %dma_wait3A_550 : memref<1x1x64xi32, #tpu.memory_space<vmem>> -> memref<64xi32, #tpu.memory_space<vmem>>
        %dma_wait3A_552 = arith.constant 0 : i32
        %dma_wait3A_553 = arith.constant 0 : i32
        %dma_wait3A_554 = tpu.memref_slice %arg3[%dma_wait3A_552, %dma_wait3A_553] : memref<10240x128xf32, #tpu.memory_space<hbm>> -> memref<10240x128xf32, #tpu.memory_space<hbm>>
        tpu.wait_indirect_dma semaphore(%arg12 : memref<!tpu.dma_semaphore, #tpu.memory_space<semaphore_mem>>) src(%dma_wait3A_554 : memref<10240x128xf32, #tpu.memory_space<hbm>>) dst(%dma_wait3A_548 : memref<64x128xf32, #tpu.memory_space<vmem>>)
        %run_scoped3A = arith.constant 3 : i32
        %run_scoped3A_555 = arith.constant 3 : i32
        %run_scoped3A_556 = arith.constant 1 : i32
        "tpu.region"() ({
          %run_scoped3A_557 = tpu.sem_alloc : memref<!tpu.dma_semaphore, #tpu.memory_space<semaphore_mem>>
          %dma_start3A_558 = arith.constant 0 : i32
          %dma_start3A_559 = arith.constant 0 : i32
          %dma_start3A_560 = tpu.memref_slice %arg7[%run_scoped3A, %dma_start3A_558, %dma_start3A_559] : memref<4x64x128xf32, #tpu.memory_space<vmem>> -> memref<1x64x128xf32, #tpu.memory_space<vmem>>
          %dma_start3A_561 = tpu.memref_squeeze %dma_start3A_560 : memref<1x64x128xf32, #tpu.memory_space<vmem>> -> memref<64x128xf32, #tpu.memory_space<vmem>>
          %dma_start3A_562 = arith.constant 0 : i32
          %dma_start3A_563 = tpu.memref_slice %arg6[%run_scoped3A_555, %run_scoped3A_556, %dma_start3A_562] : memref<8x2x64xi32, #tpu.memory_space<vmem>> -> memref<1x1x64xi32, #tpu.memory_space<vmem>>
          %dma_start3A_564 = tpu.memref_squeeze %dma_start3A_563 : memref<1x1x64xi32, #tpu.memory_space<vmem>> -> memref<64xi32, #tpu.memory_space<vmem>>
          %dma_start3A_565 = arith.constant 0 : i32
          %dma_start3A_566 = arith.constant 0 : i32
          %dma_start3A_567 = tpu.memref_slice %arg8[%dma_start3A_565, %dma_start3A_566] : memref<10240x128xf32, #tpu.memory_space<vmem_shared>> -> memref<10240x128xf32, #tpu.memory_space<vmem_shared>>
          tpu.enqueue_indirect_dma source(%dma_start3A_561 : memref<64x128xf32, #tpu.memory_space<vmem>>) target(%dma_start3A_567 : memref<10240x128xf32, #tpu.memory_space<vmem_shared>>) offsets(%dma_start3A_564 : memref<64xi32, #tpu.memory_space<vmem>>) semaphore(%run_scoped3A_557 : memref<!tpu.dma_semaphore, #tpu.memory_space<semaphore_mem>>) {add = true}
          %dma_wait3A_568 = arith.constant 0 : i32
          %dma_wait3A_569 = arith.constant 0 : i32
          %dma_wait3A_570 = tpu.memref_slice %arg7[%run_scoped3A, %dma_wait3A_568, %dma_wait3A_569] : memref<4x64x128xf32, #tpu.memory_space<vmem>> -> memref<1x64x128xf32, #tpu.memory_space<vmem>>
          %dma_wait3A_571 = tpu.memref_squeeze %dma_wait3A_570 : memref<1x64x128xf32, #tpu.memory_space<vmem>> -> memref<64x128xf32, #tpu.memory_space<vmem>>
          %dma_wait3A_572 = arith.constant 0 : i32
          %dma_wait3A_573 = tpu.memref_slice %arg6[%run_scoped3A_555, %run_scoped3A_556, %dma_wait3A_572] : memref<8x2x64xi32, #tpu.memory_space<vmem>> -> memref<1x1x64xi32, #tpu.memory_space<vmem>>
          %dma_wait3A_574 = tpu.memref_squeeze %dma_wait3A_573 : memref<1x1x64xi32, #tpu.memory_space<vmem>> -> memref<64xi32, #tpu.memory_space<vmem>>
          %dma_wait3A_575 = arith.constant 0 : i32
          %dma_wait3A_576 = arith.constant 0 : i32
          %dma_wait3A_577 = tpu.memref_slice %arg8[%dma_wait3A_575, %dma_wait3A_576] : memref<10240x128xf32, #tpu.memory_space<vmem_shared>> -> memref<10240x128xf32, #tpu.memory_space<vmem_shared>>
          tpu.wait_indirect_dma semaphore(%run_scoped3A_557 : memref<!tpu.dma_semaphore, #tpu.memory_space<semaphore_mem>>) src(%dma_wait3A_571 : memref<64x128xf32, #tpu.memory_space<vmem>>) dst(%dma_wait3A_577 : memref<10240x128xf32, #tpu.memory_space<vmem_shared>>)
          tpu.yield
        }) : () -> ()
      } else {
      }
      %add3A_450 = arith.constant 8 : i32
      %add3A_451 = arith.addi %add3A_445, %add3A_450 : i32
      %lt3A_452 = arith.cmpi slt, %add3A_451, %add3A_8 : i32
      %convert_element_type3A_453 = arith.extui %lt3A_452 : i1 to i32
      %cond3A_454 = arith.constant 0 : i32
      %cond3A_455 = arith.cmpi ne, %convert_element_type3A_453, %cond3A_454 : i32
      scf.if %cond3A_455 {
        %add3A_542 = arith.constant 8 : i32
        %add3A_543 = arith.addi %add3A_445, %add3A_542 : i32
        %add3A_544 = arith.addi %add3A_4, %add3A_543 : i32
        %mul3A_545 = arith.constant 64 : i32
        %mul3A_546 = arith.muli %add3A_544, %mul3A_545 : i32
        %dma_start3A_547 = arith.constant 3 : i32
        %dma_start3A_548 = arith.constant 0 : i32
        %dma_start3A_549 = arith.constant 0 : i32
        %dma_start3A_550 = tpu.memref_slice %arg6[%dma_start3A_547, %dma_start3A_548, %dma_start3A_549] : memref<8x2x64xi32, #tpu.memory_space<vmem>> -> memref<1x1x64xi32, #tpu.memory_space<vmem>>
        %dma_start3A_551 = tpu.memref_squeeze %dma_start3A_550 : memref<1x1x64xi32, #tpu.memory_space<vmem>> -> memref<64xi32, #tpu.memory_space<vmem>>
        %dma_start3A_552 = tpu.memref_slice %arg2[%mul3A_546] : memref<640000xi32, #tpu.memory_space<hbm>> -> memref<64xi32, #tpu.memory_space<hbm>>
        %dma_start3A_553 = arith.constant 0 : i32
        %dma_start3A_554 = tpu.memref_slice %arg6[%dma_start3A_547, %dma_start3A_548, %dma_start3A_553] : memref<8x2x64xi32, #tpu.memory_space<vmem>> -> memref<1x1x64xi32, #tpu.memory_space<vmem>>
        %dma_start3A_555 = tpu.memref_squeeze %dma_start3A_554 : memref<1x1x64xi32, #tpu.memory_space<vmem>> -> memref<64xi32, #tpu.memory_space<vmem>>
        %dma_start3A_556 = tpu.memref_slice %arg2[%mul3A_546] : memref<640000xi32, #tpu.memory_space<hbm>> -> memref<64xi32, #tpu.memory_space<hbm>>
        tpu.enqueue_dma source(%dma_start3A_556 : memref<64xi32, #tpu.memory_space<hbm>>) target(%dma_start3A_555 : memref<64xi32, #tpu.memory_space<vmem>>) target_semaphore(%arg16 : memref<!tpu.dma_semaphore, #tpu.memory_space<semaphore_mem>>)
        %add3A_557 = arith.constant 320000 : i32
        %add3A_558 = arith.addi %add3A_557, %mul3A_546 : i32
        %dma_start3A_559 = arith.constant 3 : i32
        %dma_start3A_560 = arith.constant 1 : i32
        %dma_start3A_561 = arith.constant 0 : i32
        %dma_start3A_562 = tpu.memref_slice %arg6[%dma_start3A_559, %dma_start3A_560, %dma_start3A_561] : memref<8x2x64xi32, #tpu.memory_space<vmem>> -> memref<1x1x64xi32, #tpu.memory_space<vmem>>
        %dma_start3A_563 = tpu.memref_squeeze %dma_start3A_562 : memref<1x1x64xi32, #tpu.memory_space<vmem>> -> memref<64xi32, #tpu.memory_space<vmem>>
        %dma_start3A_564 = tpu.memref_slice %arg2[%add3A_558] : memref<640000xi32, #tpu.memory_space<hbm>> -> memref<64xi32, #tpu.memory_space<hbm>>
        %dma_start3A_565 = arith.constant 0 : i32
        %dma_start3A_566 = tpu.memref_slice %arg6[%dma_start3A_559, %dma_start3A_560, %dma_start3A_565] : memref<8x2x64xi32, #tpu.memory_space<vmem>> -> memref<1x1x64xi32, #tpu.memory_space<vmem>>
        %dma_start3A_567 = tpu.memref_squeeze %dma_start3A_566 : memref<1x1x64xi32, #tpu.memory_space<vmem>> -> memref<64xi32, #tpu.memory_space<vmem>>
        %dma_start3A_568 = tpu.memref_slice %arg2[%add3A_558] : memref<640000xi32, #tpu.memory_space<hbm>> -> memref<64xi32, #tpu.memory_space<hbm>>
        tpu.enqueue_dma source(%dma_start3A_568 : memref<64xi32, #tpu.memory_space<hbm>>) target(%dma_start3A_567 : memref<64xi32, #tpu.memory_space<vmem>>) target_semaphore(%arg16 : memref<!tpu.dma_semaphore, #tpu.memory_space<semaphore_mem>>)
      } else {
      }
      %add3A_456 = arith.constant 4 : i32
      %add3A_457 = arith.addi %add3A_445, %add3A_456 : i32
      %lt3A_458 = arith.cmpi slt, %add3A_457, %add3A_8 : i32
      %convert_element_type3A_459 = arith.extui %lt3A_458 : i1 to i32
      %cond3A_460 = arith.constant 0 : i32
      %cond3A_461 = arith.cmpi ne, %convert_element_type3A_459, %cond3A_460 : i32
      scf.if %cond3A_461 {
        %add3A_542 = arith.constant 4 : i32
        %add3A_543 = arith.addi %add3A_445, %add3A_542 : i32
        %add3A_544 = arith.addi %add3A_4, %add3A_543 : i32
        %mul3A_545 = arith.constant 64 : i32
        %mul3A_546 = arith.muli %add3A_544, %mul3A_545 : i32
        %dma_wait3A_547 = arith.constant 7 : i32
        %dma_wait3A_548 = arith.constant 0 : i32
        %dma_wait3A_549 = arith.constant 0 : i32
        %dma_wait3A_550 = tpu.memref_slice %arg6[%dma_wait3A_547, %dma_wait3A_548, %dma_wait3A_549] : memref<8x2x64xi32, #tpu.memory_space<vmem>> -> memref<1x1x64xi32, #tpu.memory_space<vmem>>
        %dma_wait3A_551 = tpu.memref_squeeze %dma_wait3A_550 : memref<1x1x64xi32, #tpu.memory_space<vmem>> -> memref<64xi32, #tpu.memory_space<vmem>>
        %dma_wait3A_552 = tpu.memref_slice %arg2[%mul3A_546] : memref<640000xi32, #tpu.memory_space<hbm>> -> memref<64xi32, #tpu.memory_space<hbm>>
        %dma_wait3A_553 = arith.constant 0 : i32
        %dma_wait3A_554 = tpu.memref_slice %arg6[%dma_wait3A_547, %dma_wait3A_548, %dma_wait3A_553] : memref<8x2x64xi32, #tpu.memory_space<vmem>> -> memref<1x1x64xi32, #tpu.memory_space<vmem>>
        %dma_wait3A_555 = tpu.memref_squeeze %dma_wait3A_554 : memref<1x1x64xi32, #tpu.memory_space<vmem>> -> memref<64xi32, #tpu.memory_space<vmem>>
        %dma_wait3A_556 = tpu.memref_slice %arg2[%mul3A_546] : memref<640000xi32, #tpu.memory_space<hbm>> -> memref<64xi32, #tpu.memory_space<hbm>>
        tpu.wait_dma2 semaphore(%arg20 : memref<!tpu.dma_semaphore, #tpu.memory_space<semaphore_mem>>) src(%dma_wait3A_556 : memref<64xi32, #tpu.memory_space<hbm>>) dst(%dma_wait3A_555 : memref<64xi32, #tpu.memory_space<vmem>>)
        %add3A_557 = arith.constant 320000 : i32
        %add3A_558 = arith.addi %add3A_557, %mul3A_546 : i32
        %dma_wait3A_559 = arith.constant 7 : i32
        %dma_wait3A_560 = arith.constant 1 : i32
        %dma_wait3A_561 = arith.constant 0 : i32
        %dma_wait3A_562 = tpu.memref_slice %arg6[%dma_wait3A_559, %dma_wait3A_560, %dma_wait3A_561] : memref<8x2x64xi32, #tpu.memory_space<vmem>> -> memref<1x1x64xi32, #tpu.memory_space<vmem>>
        %dma_wait3A_563 = tpu.memref_squeeze %dma_wait3A_562 : memref<1x1x64xi32, #tpu.memory_space<vmem>> -> memref<64xi32, #tpu.memory_space<vmem>>
        %dma_wait3A_564 = tpu.memref_slice %arg2[%add3A_558] : memref<640000xi32, #tpu.memory_space<hbm>> -> memref<64xi32, #tpu.memory_space<hbm>>
        %dma_wait3A_565 = arith.constant 0 : i32
        %dma_wait3A_566 = tpu.memref_slice %arg6[%dma_wait3A_559, %dma_wait3A_560, %dma_wait3A_565] : memref<8x2x64xi32, #tpu.memory_space<vmem>> -> memref<1x1x64xi32, #tpu.memory_space<vmem>>
        %dma_wait3A_567 = tpu.memref_squeeze %dma_wait3A_566 : memref<1x1x64xi32, #tpu.memory_space<vmem>> -> memref<64xi32, #tpu.memory_space<vmem>>
        %dma_wait3A_568 = tpu.memref_slice %arg2[%add3A_558] : memref<640000xi32, #tpu.memory_space<hbm>> -> memref<64xi32, #tpu.memory_space<hbm>>
        tpu.wait_dma2 semaphore(%arg20 : memref<!tpu.dma_semaphore, #tpu.memory_space<semaphore_mem>>) src(%dma_wait3A_568 : memref<64xi32, #tpu.memory_space<hbm>>) dst(%dma_wait3A_567 : memref<64xi32, #tpu.memory_space<vmem>>)
        %dma_start3A_569 = arith.constant 7 : i32
        %dma_start3A_570 = arith.constant 0 : i32
        %dma_start3A_571 = arith.constant 3 : i32
        %dma_start3A_572 = arith.constant 0 : i32
        %dma_start3A_573 = arith.constant 0 : i32
        %dma_start3A_574 = tpu.memref_slice %arg7[%dma_start3A_571, %dma_start3A_572, %dma_start3A_573] : memref<4x64x128xf32, #tpu.memory_space<vmem>> -> memref<1x64x128xf32, #tpu.memory_space<vmem>>
        %dma_start3A_575 = tpu.memref_squeeze %dma_start3A_574 : memref<1x64x128xf32, #tpu.memory_space<vmem>> -> memref<64x128xf32, #tpu.memory_space<vmem>>
        %dma_start3A_576 = arith.constant 0 : i32
        %dma_start3A_577 = tpu.memref_slice %arg6[%dma_start3A_569, %dma_start3A_570, %dma_start3A_576] : memref<8x2x64xi32, #tpu.memory_space<vmem>> -> memref<1x1x64xi32, #tpu.memory_space<vmem>>
        %dma_start3A_578 = tpu.memref_squeeze %dma_start3A_577 : memref<1x1x64xi32, #tpu.memory_space<vmem>> -> memref<64xi32, #tpu.memory_space<vmem>>
        %dma_start3A_579 = arith.constant 0 : i32
        %dma_start3A_580 = arith.constant 0 : i32
        %dma_start3A_581 = tpu.memref_slice %arg3[%dma_start3A_579, %dma_start3A_580] : memref<10240x128xf32, #tpu.memory_space<hbm>> -> memref<10240x128xf32, #tpu.memory_space<hbm>>
        tpu.enqueue_indirect_dma source(%dma_start3A_581 : memref<10240x128xf32, #tpu.memory_space<hbm>>) target(%dma_start3A_575 : memref<64x128xf32, #tpu.memory_space<vmem>>) offsets(%dma_start3A_578 : memref<64xi32, #tpu.memory_space<vmem>>) semaphore(%arg12 : memref<!tpu.dma_semaphore, #tpu.memory_space<semaphore_mem>>)
      } else {
      }
      %mul3A_462 = arith.constant 8 : i32
      %mul3A_463 = arith.muli %mul3A_462, %scan3A_383 : i32
      %add3A_464 = arith.constant 4 : i32
      %add3A_465 = arith.addi %mul3A_463, %add3A_464 : i32
      %lt3A_466 = arith.cmpi slt, %add3A_465, %add3A_8 : i32
      %convert_element_type3A_467 = arith.extui %lt3A_466 : i1 to i32
      %cond3A_468 = arith.constant 0 : i32
      %cond3A_469 = arith.cmpi ne, %convert_element_type3A_467, %cond3A_468 : i32
      scf.if %cond3A_469 {
        %dma_wait3A_542 = arith.constant 4 : i32
        %dma_wait3A_543 = arith.constant 0 : i32
        %dma_wait3A_544 = arith.constant 0 : i32
        %dma_wait3A_545 = arith.constant 0 : i32
        %dma_wait3A_546 = arith.constant 0 : i32
        %dma_wait3A_547 = tpu.memref_slice %arg7[%dma_wait3A_544, %dma_wait3A_545, %dma_wait3A_546] : memref<4x64x128xf32, #tpu.memory_space<vmem>> -> memref<1x64x128xf32, #tpu.memory_space<vmem>>
        %dma_wait3A_548 = tpu.memref_squeeze %dma_wait3A_547 : memref<1x64x128xf32, #tpu.memory_space<vmem>> -> memref<64x128xf32, #tpu.memory_space<vmem>>
        %dma_wait3A_549 = arith.constant 0 : i32
        %dma_wait3A_550 = tpu.memref_slice %arg6[%dma_wait3A_542, %dma_wait3A_543, %dma_wait3A_549] : memref<8x2x64xi32, #tpu.memory_space<vmem>> -> memref<1x1x64xi32, #tpu.memory_space<vmem>>
        %dma_wait3A_551 = tpu.memref_squeeze %dma_wait3A_550 : memref<1x1x64xi32, #tpu.memory_space<vmem>> -> memref<64xi32, #tpu.memory_space<vmem>>
        %dma_wait3A_552 = arith.constant 0 : i32
        %dma_wait3A_553 = arith.constant 0 : i32
        %dma_wait3A_554 = tpu.memref_slice %arg3[%dma_wait3A_552, %dma_wait3A_553] : memref<10240x128xf32, #tpu.memory_space<hbm>> -> memref<10240x128xf32, #tpu.memory_space<hbm>>
        tpu.wait_indirect_dma semaphore(%arg9 : memref<!tpu.dma_semaphore, #tpu.memory_space<semaphore_mem>>) src(%dma_wait3A_554 : memref<10240x128xf32, #tpu.memory_space<hbm>>) dst(%dma_wait3A_548 : memref<64x128xf32, #tpu.memory_space<vmem>>)
        %run_scoped3A = arith.constant 0 : i32
        %run_scoped3A_555 = arith.constant 4 : i32
        %run_scoped3A_556 = arith.constant 1 : i32
        "tpu.region"() ({
          %run_scoped3A_557 = tpu.sem_alloc : memref<!tpu.dma_semaphore, #tpu.memory_space<semaphore_mem>>
          %dma_start3A_558 = arith.constant 0 : i32
          %dma_start3A_559 = arith.constant 0 : i32
          %dma_start3A_560 = tpu.memref_slice %arg7[%run_scoped3A, %dma_start3A_558, %dma_start3A_559] : memref<4x64x128xf32, #tpu.memory_space<vmem>> -> memref<1x64x128xf32, #tpu.memory_space<vmem>>
          %dma_start3A_561 = tpu.memref_squeeze %dma_start3A_560 : memref<1x64x128xf32, #tpu.memory_space<vmem>> -> memref<64x128xf32, #tpu.memory_space<vmem>>
          %dma_start3A_562 = arith.constant 0 : i32
          %dma_start3A_563 = tpu.memref_slice %arg6[%run_scoped3A_555, %run_scoped3A_556, %dma_start3A_562] : memref<8x2x64xi32, #tpu.memory_space<vmem>> -> memref<1x1x64xi32, #tpu.memory_space<vmem>>
          %dma_start3A_564 = tpu.memref_squeeze %dma_start3A_563 : memref<1x1x64xi32, #tpu.memory_space<vmem>> -> memref<64xi32, #tpu.memory_space<vmem>>
          %dma_start3A_565 = arith.constant 0 : i32
          %dma_start3A_566 = arith.constant 0 : i32
          %dma_start3A_567 = tpu.memref_slice %arg8[%dma_start3A_565, %dma_start3A_566] : memref<10240x128xf32, #tpu.memory_space<vmem_shared>> -> memref<10240x128xf32, #tpu.memory_space<vmem_shared>>
          tpu.enqueue_indirect_dma source(%dma_start3A_561 : memref<64x128xf32, #tpu.memory_space<vmem>>) target(%dma_start3A_567 : memref<10240x128xf32, #tpu.memory_space<vmem_shared>>) offsets(%dma_start3A_564 : memref<64xi32, #tpu.memory_space<vmem>>) semaphore(%run_scoped3A_557 : memref<!tpu.dma_semaphore, #tpu.memory_space<semaphore_mem>>) {add = true}
          %dma_wait3A_568 = arith.constant 0 : i32
          %dma_wait3A_569 = arith.constant 0 : i32
          %dma_wait3A_570 = tpu.memref_slice %arg7[%run_scoped3A, %dma_wait3A_568, %dma_wait3A_569] : memref<4x64x128xf32, #tpu.memory_space<vmem>> -> memref<1x64x128xf32, #tpu.memory_space<vmem>>
          %dma_wait3A_571 = tpu.memref_squeeze %dma_wait3A_570 : memref<1x64x128xf32, #tpu.memory_space<vmem>> -> memref<64x128xf32, #tpu.memory_space<vmem>>
          %dma_wait3A_572 = arith.constant 0 : i32
          %dma_wait3A_573 = tpu.memref_slice %arg6[%run_scoped3A_555, %run_scoped3A_556, %dma_wait3A_572] : memref<8x2x64xi32, #tpu.memory_space<vmem>> -> memref<1x1x64xi32, #tpu.memory_space<vmem>>
          %dma_wait3A_574 = tpu.memref_squeeze %dma_wait3A_573 : memref<1x1x64xi32, #tpu.memory_space<vmem>> -> memref<64xi32, #tpu.memory_space<vmem>>
          %dma_wait3A_575 = arith.constant 0 : i32
          %dma_wait3A_576 = arith.constant 0 : i32
          %dma_wait3A_577 = tpu.memref_slice %arg8[%dma_wait3A_575, %dma_wait3A_576] : memref<10240x128xf32, #tpu.memory_space<vmem_shared>> -> memref<10240x128xf32, #tpu.memory_space<vmem_shared>>
          tpu.wait_indirect_dma semaphore(%run_scoped3A_557 : memref<!tpu.dma_semaphore, #tpu.memory_space<semaphore_mem>>) src(%dma_wait3A_571 : memref<64x128xf32, #tpu.memory_space<vmem>>) dst(%dma_wait3A_577 : memref<10240x128xf32, #tpu.memory_space<vmem_shared>>)
          tpu.yield
        }) : () -> ()
      } else {
      }
      %add3A_470 = arith.constant 8 : i32
      %add3A_471 = arith.addi %add3A_465, %add3A_470 : i32
      %lt3A_472 = arith.cmpi slt, %add3A_471, %add3A_8 : i32
      %convert_element_type3A_473 = arith.extui %lt3A_472 : i1 to i32
      %cond3A_474 = arith.constant 0 : i32
      %cond3A_475 = arith.cmpi ne, %convert_element_type3A_473, %cond3A_474 : i32
      scf.if %cond3A_475 {
        %add3A_542 = arith.constant 8 : i32
        %add3A_543 = arith.addi %add3A_465, %add3A_542 : i32
        %add3A_544 = arith.addi %add3A_4, %add3A_543 : i32
        %mul3A_545 = arith.constant 64 : i32
        %mul3A_546 = arith.muli %add3A_544, %mul3A_545 : i32
        %dma_start3A_547 = arith.constant 4 : i32
        %dma_start3A_548 = arith.constant 0 : i32
        %dma_start3A_549 = arith.constant 0 : i32
        %dma_start3A_550 = tpu.memref_slice %arg6[%dma_start3A_547, %dma_start3A_548, %dma_start3A_549] : memref<8x2x64xi32, #tpu.memory_space<vmem>> -> memref<1x1x64xi32, #tpu.memory_space<vmem>>
        %dma_start3A_551 = tpu.memref_squeeze %dma_start3A_550 : memref<1x1x64xi32, #tpu.memory_space<vmem>> -> memref<64xi32, #tpu.memory_space<vmem>>
        %dma_start3A_552 = tpu.memref_slice %arg2[%mul3A_546] : memref<640000xi32, #tpu.memory_space<hbm>> -> memref<64xi32, #tpu.memory_space<hbm>>
        %dma_start3A_553 = arith.constant 0 : i32
        %dma_start3A_554 = tpu.memref_slice %arg6[%dma_start3A_547, %dma_start3A_548, %dma_start3A_553] : memref<8x2x64xi32, #tpu.memory_space<vmem>> -> memref<1x1x64xi32, #tpu.memory_space<vmem>>
        %dma_start3A_555 = tpu.memref_squeeze %dma_start3A_554 : memref<1x1x64xi32, #tpu.memory_space<vmem>> -> memref<64xi32, #tpu.memory_space<vmem>>
        %dma_start3A_556 = tpu.memref_slice %arg2[%mul3A_546] : memref<640000xi32, #tpu.memory_space<hbm>> -> memref<64xi32, #tpu.memory_space<hbm>>
        tpu.enqueue_dma source(%dma_start3A_556 : memref<64xi32, #tpu.memory_space<hbm>>) target(%dma_start3A_555 : memref<64xi32, #tpu.memory_space<vmem>>) target_semaphore(%arg17 : memref<!tpu.dma_semaphore, #tpu.memory_space<semaphore_mem>>)
        %add3A_557 = arith.constant 320000 : i32
        %add3A_558 = arith.addi %add3A_557, %mul3A_546 : i32
        %dma_start3A_559 = arith.constant 4 : i32
        %dma_start3A_560 = arith.constant 1 : i32
        %dma_start3A_561 = arith.constant 0 : i32
        %dma_start3A_562 = tpu.memref_slice %arg6[%dma_start3A_559, %dma_start3A_560, %dma_start3A_561] : memref<8x2x64xi32, #tpu.memory_space<vmem>> -> memref<1x1x64xi32, #tpu.memory_space<vmem>>
        %dma_start3A_563 = tpu.memref_squeeze %dma_start3A_562 : memref<1x1x64xi32, #tpu.memory_space<vmem>> -> memref<64xi32, #tpu.memory_space<vmem>>
        %dma_start3A_564 = tpu.memref_slice %arg2[%add3A_558] : memref<640000xi32, #tpu.memory_space<hbm>> -> memref<64xi32, #tpu.memory_space<hbm>>
        %dma_start3A_565 = arith.constant 0 : i32
        %dma_start3A_566 = tpu.memref_slice %arg6[%dma_start3A_559, %dma_start3A_560, %dma_start3A_565] : memref<8x2x64xi32, #tpu.memory_space<vmem>> -> memref<1x1x64xi32, #tpu.memory_space<vmem>>
        %dma_start3A_567 = tpu.memref_squeeze %dma_start3A_566 : memref<1x1x64xi32, #tpu.memory_space<vmem>> -> memref<64xi32, #tpu.memory_space<vmem>>
        %dma_start3A_568 = tpu.memref_slice %arg2[%add3A_558] : memref<640000xi32, #tpu.memory_space<hbm>> -> memref<64xi32, #tpu.memory_space<hbm>>
        tpu.enqueue_dma source(%dma_start3A_568 : memref<64xi32, #tpu.memory_space<hbm>>) target(%dma_start3A_567 : memref<64xi32, #tpu.memory_space<vmem>>) target_semaphore(%arg17 : memref<!tpu.dma_semaphore, #tpu.memory_space<semaphore_mem>>)
      } else {
      }
      %add3A_476 = arith.constant 4 : i32
      %add3A_477 = arith.addi %add3A_465, %add3A_476 : i32
      %lt3A_478 = arith.cmpi slt, %add3A_477, %add3A_8 : i32
      %convert_element_type3A_479 = arith.extui %lt3A_478 : i1 to i32
      %cond3A_480 = arith.constant 0 : i32
      %cond3A_481 = arith.cmpi ne, %convert_element_type3A_479, %cond3A_480 : i32
      scf.if %cond3A_481 {
        %add3A_542 = arith.constant 4 : i32
        %add3A_543 = arith.addi %add3A_465, %add3A_542 : i32
        %add3A_544 = arith.addi %add3A_4, %add3A_543 : i32
        %mul3A_545 = arith.constant 64 : i32
        %mul3A_546 = arith.muli %add3A_544, %mul3A_545 : i32
        %dma_wait3A_547 = arith.constant 0 : i32
        %dma_wait3A_548 = arith.constant 0 : i32
        %dma_wait3A_549 = arith.constant 0 : i32
        %dma_wait3A_550 = tpu.memref_slice %arg6[%dma_wait3A_547, %dma_wait3A_548, %dma_wait3A_549] : memref<8x2x64xi32, #tpu.memory_space<vmem>> -> memref<1x1x64xi32, #tpu.memory_space<vmem>>
        %dma_wait3A_551 = tpu.memref_squeeze %dma_wait3A_550 : memref<1x1x64xi32, #tpu.memory_space<vmem>> -> memref<64xi32, #tpu.memory_space<vmem>>
        %dma_wait3A_552 = tpu.memref_slice %arg2[%mul3A_546] : memref<640000xi32, #tpu.memory_space<hbm>> -> memref<64xi32, #tpu.memory_space<hbm>>
        %dma_wait3A_553 = arith.constant 0 : i32
        %dma_wait3A_554 = tpu.memref_slice %arg6[%dma_wait3A_547, %dma_wait3A_548, %dma_wait3A_553] : memref<8x2x64xi32, #tpu.memory_space<vmem>> -> memref<1x1x64xi32, #tpu.memory_space<vmem>>
        %dma_wait3A_555 = tpu.memref_squeeze %dma_wait3A_554 : memref<1x1x64xi32, #tpu.memory_space<vmem>> -> memref<64xi32, #tpu.memory_space<vmem>>
        %dma_wait3A_556 = tpu.memref_slice %arg2[%mul3A_546] : memref<640000xi32, #tpu.memory_space<hbm>> -> memref<64xi32, #tpu.memory_space<hbm>>
        tpu.wait_dma2 semaphore(%arg13 : memref<!tpu.dma_semaphore, #tpu.memory_space<semaphore_mem>>) src(%dma_wait3A_556 : memref<64xi32, #tpu.memory_space<hbm>>) dst(%dma_wait3A_555 : memref<64xi32, #tpu.memory_space<vmem>>)
        %add3A_557 = arith.constant 320000 : i32
        %add3A_558 = arith.addi %add3A_557, %mul3A_546 : i32
        %dma_wait3A_559 = arith.constant 0 : i32
        %dma_wait3A_560 = arith.constant 1 : i32
        %dma_wait3A_561 = arith.constant 0 : i32
        %dma_wait3A_562 = tpu.memref_slice %arg6[%dma_wait3A_559, %dma_wait3A_560, %dma_wait3A_561] : memref<8x2x64xi32, #tpu.memory_space<vmem>> -> memref<1x1x64xi32, #tpu.memory_space<vmem>>
        %dma_wait3A_563 = tpu.memref_squeeze %dma_wait3A_562 : memref<1x1x64xi32, #tpu.memory_space<vmem>> -> memref<64xi32, #tpu.memory_space<vmem>>
        %dma_wait3A_564 = tpu.memref_slice %arg2[%add3A_558] : memref<640000xi32, #tpu.memory_space<hbm>> -> memref<64xi32, #tpu.memory_space<hbm>>
        %dma_wait3A_565 = arith.constant 0 : i32
        %dma_wait3A_566 = tpu.memref_slice %arg6[%dma_wait3A_559, %dma_wait3A_560, %dma_wait3A_565] : memref<8x2x64xi32, #tpu.memory_space<vmem>> -> memref<1x1x64xi32, #tpu.memory_space<vmem>>
        %dma_wait3A_567 = tpu.memref_squeeze %dma_wait3A_566 : memref<1x1x64xi32, #tpu.memory_space<vmem>> -> memref<64xi32, #tpu.memory_space<vmem>>
        %dma_wait3A_568 = tpu.memref_slice %arg2[%add3A_558] : memref<640000xi32, #tpu.memory_space<hbm>> -> memref<64xi32, #tpu.memory_space<hbm>>
        tpu.wait_dma2 semaphore(%arg13 : memref<!tpu.dma_semaphore, #tpu.memory_space<semaphore_mem>>) src(%dma_wait3A_568 : memref<64xi32, #tpu.memory_space<hbm>>) dst(%dma_wait3A_567 : memref<64xi32, #tpu.memory_space<vmem>>)
        %dma_start3A_569 = arith.constant 0 : i32
        %dma_start3A_570 = arith.constant 0 : i32
        %dma_start3A_571 = arith.constant 0 : i32
        %dma_start3A_572 = arith.constant 0 : i32
        %dma_start3A_573 = arith.constant 0 : i32
        %dma_start3A_574 = tpu.memref_slice %arg7[%dma_start3A_571, %dma_start3A_572, %dma_start3A_573] : memref<4x64x128xf32, #tpu.memory_space<vmem>> -> memref<1x64x128xf32, #tpu.memory_space<vmem>>
        %dma_start3A_575 = tpu.memref_squeeze %dma_start3A_574 : memref<1x64x128xf32, #tpu.memory_space<vmem>> -> memref<64x128xf32, #tpu.memory_space<vmem>>
        %dma_start3A_576 = arith.constant 0 : i32
        %dma_start3A_577 = tpu.memref_slice %arg6[%dma_start3A_569, %dma_start3A_570, %dma_start3A_576] : memref<8x2x64xi32, #tpu.memory_space<vmem>> -> memref<1x1x64xi32, #tpu.memory_space<vmem>>
        %dma_start3A_578 = tpu.memref_squeeze %dma_start3A_577 : memref<1x1x64xi32, #tpu.memory_space<vmem>> -> memref<64xi32, #tpu.memory_space<vmem>>
        %dma_start3A_579 = arith.constant 0 : i32
        %dma_start3A_580 = arith.constant 0 : i32
        %dma_start3A_581 = tpu.memref_slice %arg3[%dma_start3A_579, %dma_start3A_580] : memref<10240x128xf32, #tpu.memory_space<hbm>> -> memref<10240x128xf32, #tpu.memory_space<hbm>>
        tpu.enqueue_indirect_dma source(%dma_start3A_581 : memref<10240x128xf32, #tpu.memory_space<hbm>>) target(%dma_start3A_575 : memref<64x128xf32, #tpu.memory_space<vmem>>) offsets(%dma_start3A_578 : memref<64xi32, #tpu.memory_space<vmem>>) semaphore(%arg9 : memref<!tpu.dma_semaphore, #tpu.memory_space<semaphore_mem>>)
      } else {
      }
      %mul3A_482 = arith.constant 8 : i32
      %mul3A_483 = arith.muli %mul3A_482, %scan3A_383 : i32
      %add3A_484 = arith.constant 5 : i32
      %add3A_485 = arith.addi %mul3A_483, %add3A_484 : i32
      %lt3A_486 = arith.cmpi slt, %add3A_485, %add3A_8 : i32
      %convert_element_type3A_487 = arith.extui %lt3A_486 : i1 to i32
      %cond3A_488 = arith.constant 0 : i32
      %cond3A_489 = arith.cmpi ne, %convert_element_type3A_487, %cond3A_488 : i32
      scf.if %cond3A_489 {
        %dma_wait3A_542 = arith.constant 5 : i32
        %dma_wait3A_543 = arith.constant 0 : i32
        %dma_wait3A_544 = arith.constant 1 : i32
        %dma_wait3A_545 = arith.constant 0 : i32
        %dma_wait3A_546 = arith.constant 0 : i32
        %dma_wait3A_547 = tpu.memref_slice %arg7[%dma_wait3A_544, %dma_wait3A_545, %dma_wait3A_546] : memref<4x64x128xf32, #tpu.memory_space<vmem>> -> memref<1x64x128xf32, #tpu.memory_space<vmem>>
        %dma_wait3A_548 = tpu.memref_squeeze %dma_wait3A_547 : memref<1x64x128xf32, #tpu.memory_space<vmem>> -> memref<64x128xf32, #tpu.memory_space<vmem>>
        %dma_wait3A_549 = arith.constant 0 : i32
        %dma_wait3A_550 = tpu.memref_slice %arg6[%dma_wait3A_542, %dma_wait3A_543, %dma_wait3A_549] : memref<8x2x64xi32, #tpu.memory_space<vmem>> -> memref<1x1x64xi32, #tpu.memory_space<vmem>>
        %dma_wait3A_551 = tpu.memref_squeeze %dma_wait3A_550 : memref<1x1x64xi32, #tpu.memory_space<vmem>> -> memref<64xi32, #tpu.memory_space<vmem>>
        %dma_wait3A_552 = arith.constant 0 : i32
        %dma_wait3A_553 = arith.constant 0 : i32
        %dma_wait3A_554 = tpu.memref_slice %arg3[%dma_wait3A_552, %dma_wait3A_553] : memref<10240x128xf32, #tpu.memory_space<hbm>> -> memref<10240x128xf32, #tpu.memory_space<hbm>>
        tpu.wait_indirect_dma semaphore(%arg10 : memref<!tpu.dma_semaphore, #tpu.memory_space<semaphore_mem>>) src(%dma_wait3A_554 : memref<10240x128xf32, #tpu.memory_space<hbm>>) dst(%dma_wait3A_548 : memref<64x128xf32, #tpu.memory_space<vmem>>)
        %run_scoped3A = arith.constant 1 : i32
        %run_scoped3A_555 = arith.constant 5 : i32
        %run_scoped3A_556 = arith.constant 1 : i32
        "tpu.region"() ({
          %run_scoped3A_557 = tpu.sem_alloc : memref<!tpu.dma_semaphore, #tpu.memory_space<semaphore_mem>>
          %dma_start3A_558 = arith.constant 0 : i32
          %dma_start3A_559 = arith.constant 0 : i32
          %dma_start3A_560 = tpu.memref_slice %arg7[%run_scoped3A, %dma_start3A_558, %dma_start3A_559] : memref<4x64x128xf32, #tpu.memory_space<vmem>> -> memref<1x64x128xf32, #tpu.memory_space<vmem>>
          %dma_start3A_561 = tpu.memref_squeeze %dma_start3A_560 : memref<1x64x128xf32, #tpu.memory_space<vmem>> -> memref<64x128xf32, #tpu.memory_space<vmem>>
          %dma_start3A_562 = arith.constant 0 : i32
          %dma_start3A_563 = tpu.memref_slice %arg6[%run_scoped3A_555, %run_scoped3A_556, %dma_start3A_562] : memref<8x2x64xi32, #tpu.memory_space<vmem>> -> memref<1x1x64xi32, #tpu.memory_space<vmem>>
          %dma_start3A_564 = tpu.memref_squeeze %dma_start3A_563 : memref<1x1x64xi32, #tpu.memory_space<vmem>> -> memref<64xi32, #tpu.memory_space<vmem>>
          %dma_start3A_565 = arith.constant 0 : i32
          %dma_start3A_566 = arith.constant 0 : i32
          %dma_start3A_567 = tpu.memref_slice %arg8[%dma_start3A_565, %dma_start3A_566] : memref<10240x128xf32, #tpu.memory_space<vmem_shared>> -> memref<10240x128xf32, #tpu.memory_space<vmem_shared>>
          tpu.enqueue_indirect_dma source(%dma_start3A_561 : memref<64x128xf32, #tpu.memory_space<vmem>>) target(%dma_start3A_567 : memref<10240x128xf32, #tpu.memory_space<vmem_shared>>) offsets(%dma_start3A_564 : memref<64xi32, #tpu.memory_space<vmem>>) semaphore(%run_scoped3A_557 : memref<!tpu.dma_semaphore, #tpu.memory_space<semaphore_mem>>) {add = true}
          %dma_wait3A_568 = arith.constant 0 : i32
          %dma_wait3A_569 = arith.constant 0 : i32
          %dma_wait3A_570 = tpu.memref_slice %arg7[%run_scoped3A, %dma_wait3A_568, %dma_wait3A_569] : memref<4x64x128xf32, #tpu.memory_space<vmem>> -> memref<1x64x128xf32, #tpu.memory_space<vmem>>
          %dma_wait3A_571 = tpu.memref_squeeze %dma_wait3A_570 : memref<1x64x128xf32, #tpu.memory_space<vmem>> -> memref<64x128xf32, #tpu.memory_space<vmem>>
          %dma_wait3A_572 = arith.constant 0 : i32
          %dma_wait3A_573 = tpu.memref_slice %arg6[%run_scoped3A_555, %run_scoped3A_556, %dma_wait3A_572] : memref<8x2x64xi32, #tpu.memory_space<vmem>> -> memref<1x1x64xi32, #tpu.memory_space<vmem>>
          %dma_wait3A_574 = tpu.memref_squeeze %dma_wait3A_573 : memref<1x1x64xi32, #tpu.memory_space<vmem>> -> memref<64xi32, #tpu.memory_space<vmem>>
          %dma_wait3A_575 = arith.constant 0 : i32
          %dma_wait3A_576 = arith.constant 0 : i32
          %dma_wait3A_577 = tpu.memref_slice %arg8[%dma_wait3A_575, %dma_wait3A_576] : memref<10240x128xf32, #tpu.memory_space<vmem_shared>> -> memref<10240x128xf32, #tpu.memory_space<vmem_shared>>
          tpu.wait_indirect_dma semaphore(%run_scoped3A_557 : memref<!tpu.dma_semaphore, #tpu.memory_space<semaphore_mem>>) src(%dma_wait3A_571 : memref<64x128xf32, #tpu.memory_space<vmem>>) dst(%dma_wait3A_577 : memref<10240x128xf32, #tpu.memory_space<vmem_shared>>)
          tpu.yield
        }) : () -> ()
      } else {
      }
      %add3A_490 = arith.constant 8 : i32
      %add3A_491 = arith.addi %add3A_485, %add3A_490 : i32
      %lt3A_492 = arith.cmpi slt, %add3A_491, %add3A_8 : i32
      %convert_element_type3A_493 = arith.extui %lt3A_492 : i1 to i32
      %cond3A_494 = arith.constant 0 : i32
      %cond3A_495 = arith.cmpi ne, %convert_element_type3A_493, %cond3A_494 : i32
      scf.if %cond3A_495 {
        %add3A_542 = arith.constant 8 : i32
        %add3A_543 = arith.addi %add3A_485, %add3A_542 : i32
        %add3A_544 = arith.addi %add3A_4, %add3A_543 : i32
        %mul3A_545 = arith.constant 64 : i32
        %mul3A_546 = arith.muli %add3A_544, %mul3A_545 : i32
        %dma_start3A_547 = arith.constant 5 : i32
        %dma_start3A_548 = arith.constant 0 : i32
        %dma_start3A_549 = arith.constant 0 : i32
        %dma_start3A_550 = tpu.memref_slice %arg6[%dma_start3A_547, %dma_start3A_548, %dma_start3A_549] : memref<8x2x64xi32, #tpu.memory_space<vmem>> -> memref<1x1x64xi32, #tpu.memory_space<vmem>>
        %dma_start3A_551 = tpu.memref_squeeze %dma_start3A_550 : memref<1x1x64xi32, #tpu.memory_space<vmem>> -> memref<64xi32, #tpu.memory_space<vmem>>
        %dma_start3A_552 = tpu.memref_slice %arg2[%mul3A_546] : memref<640000xi32, #tpu.memory_space<hbm>> -> memref<64xi32, #tpu.memory_space<hbm>>
        %dma_start3A_553 = arith.constant 0 : i32
        %dma_start3A_554 = tpu.memref_slice %arg6[%dma_start3A_547, %dma_start3A_548, %dma_start3A_553] : memref<8x2x64xi32, #tpu.memory_space<vmem>> -> memref<1x1x64xi32, #tpu.memory_space<vmem>>
        %dma_start3A_555 = tpu.memref_squeeze %dma_start3A_554 : memref<1x1x64xi32, #tpu.memory_space<vmem>> -> memref<64xi32, #tpu.memory_space<vmem>>
        %dma_start3A_556 = tpu.memref_slice %arg2[%mul3A_546] : memref<640000xi32, #tpu.memory_space<hbm>> -> memref<64xi32, #tpu.memory_space<hbm>>
        tpu.enqueue_dma source(%dma_start3A_556 : memref<64xi32, #tpu.memory_space<hbm>>) target(%dma_start3A_555 : memref<64xi32, #tpu.memory_space<vmem>>) target_semaphore(%arg18 : memref<!tpu.dma_semaphore, #tpu.memory_space<semaphore_mem>>)
        %add3A_557 = arith.constant 320000 : i32
        %add3A_558 = arith.addi %add3A_557, %mul3A_546 : i32
        %dma_start3A_559 = arith.constant 5 : i32
        %dma_start3A_560 = arith.constant 1 : i32
        %dma_start3A_561 = arith.constant 0 : i32
        %dma_start3A_562 = tpu.memref_slice %arg6[%dma_start3A_559, %dma_start3A_560, %dma_start3A_561] : memref<8x2x64xi32, #tpu.memory_space<vmem>> -> memref<1x1x64xi32, #tpu.memory_space<vmem>>
        %dma_start3A_563 = tpu.memref_squeeze %dma_start3A_562 : memref<1x1x64xi32, #tpu.memory_space<vmem>> -> memref<64xi32, #tpu.memory_space<vmem>>
        %dma_start3A_564 = tpu.memref_slice %arg2[%add3A_558] : memref<640000xi32, #tpu.memory_space<hbm>> -> memref<64xi32, #tpu.memory_space<hbm>>
        %dma_start3A_565 = arith.constant 0 : i32
        %dma_start3A_566 = tpu.memref_slice %arg6[%dma_start3A_559, %dma_start3A_560, %dma_start3A_565] : memref<8x2x64xi32, #tpu.memory_space<vmem>> -> memref<1x1x64xi32, #tpu.memory_space<vmem>>
        %dma_start3A_567 = tpu.memref_squeeze %dma_start3A_566 : memref<1x1x64xi32, #tpu.memory_space<vmem>> -> memref<64xi32, #tpu.memory_space<vmem>>
        %dma_start3A_568 = tpu.memref_slice %arg2[%add3A_558] : memref<640000xi32, #tpu.memory_space<hbm>> -> memref<64xi32, #tpu.memory_space<hbm>>
        tpu.enqueue_dma source(%dma_start3A_568 : memref<64xi32, #tpu.memory_space<hbm>>) target(%dma_start3A_567 : memref<64xi32, #tpu.memory_space<vmem>>) target_semaphore(%arg18 : memref<!tpu.dma_semaphore, #tpu.memory_space<semaphore_mem>>)
      } else {
      }
      %add3A_496 = arith.constant 4 : i32
      %add3A_497 = arith.addi %add3A_485, %add3A_496 : i32
      %lt3A_498 = arith.cmpi slt, %add3A_497, %add3A_8 : i32
      %convert_element_type3A_499 = arith.extui %lt3A_498 : i1 to i32
      %cond3A_500 = arith.constant 0 : i32
      %cond3A_501 = arith.cmpi ne, %convert_element_type3A_499, %cond3A_500 : i32
      scf.if %cond3A_501 {
        %add3A_542 = arith.constant 4 : i32
        %add3A_543 = arith.addi %add3A_485, %add3A_542 : i32
        %add3A_544 = arith.addi %add3A_4, %add3A_543 : i32
        %mul3A_545 = arith.constant 64 : i32
        %mul3A_546 = arith.muli %add3A_544, %mul3A_545 : i32
        %dma_wait3A_547 = arith.constant 1 : i32
        %dma_wait3A_548 = arith.constant 0 : i32
        %dma_wait3A_549 = arith.constant 0 : i32
        %dma_wait3A_550 = tpu.memref_slice %arg6[%dma_wait3A_547, %dma_wait3A_548, %dma_wait3A_549] : memref<8x2x64xi32, #tpu.memory_space<vmem>> -> memref<1x1x64xi32, #tpu.memory_space<vmem>>
        %dma_wait3A_551 = tpu.memref_squeeze %dma_wait3A_550 : memref<1x1x64xi32, #tpu.memory_space<vmem>> -> memref<64xi32, #tpu.memory_space<vmem>>
        %dma_wait3A_552 = tpu.memref_slice %arg2[%mul3A_546] : memref<640000xi32, #tpu.memory_space<hbm>> -> memref<64xi32, #tpu.memory_space<hbm>>
        %dma_wait3A_553 = arith.constant 0 : i32
        %dma_wait3A_554 = tpu.memref_slice %arg6[%dma_wait3A_547, %dma_wait3A_548, %dma_wait3A_553] : memref<8x2x64xi32, #tpu.memory_space<vmem>> -> memref<1x1x64xi32, #tpu.memory_space<vmem>>
        %dma_wait3A_555 = tpu.memref_squeeze %dma_wait3A_554 : memref<1x1x64xi32, #tpu.memory_space<vmem>> -> memref<64xi32, #tpu.memory_space<vmem>>
        %dma_wait3A_556 = tpu.memref_slice %arg2[%mul3A_546] : memref<640000xi32, #tpu.memory_space<hbm>> -> memref<64xi32, #tpu.memory_space<hbm>>
        tpu.wait_dma2 semaphore(%arg14 : memref<!tpu.dma_semaphore, #tpu.memory_space<semaphore_mem>>) src(%dma_wait3A_556 : memref<64xi32, #tpu.memory_space<hbm>>) dst(%dma_wait3A_555 : memref<64xi32, #tpu.memory_space<vmem>>)
        %add3A_557 = arith.constant 320000 : i32
        %add3A_558 = arith.addi %add3A_557, %mul3A_546 : i32
        %dma_wait3A_559 = arith.constant 1 : i32
        %dma_wait3A_560 = arith.constant 1 : i32
        %dma_wait3A_561 = arith.constant 0 : i32
        %dma_wait3A_562 = tpu.memref_slice %arg6[%dma_wait3A_559, %dma_wait3A_560, %dma_wait3A_561] : memref<8x2x64xi32, #tpu.memory_space<vmem>> -> memref<1x1x64xi32, #tpu.memory_space<vmem>>
        %dma_wait3A_563 = tpu.memref_squeeze %dma_wait3A_562 : memref<1x1x64xi32, #tpu.memory_space<vmem>> -> memref<64xi32, #tpu.memory_space<vmem>>
        %dma_wait3A_564 = tpu.memref_slice %arg2[%add3A_558] : memref<640000xi32, #tpu.memory_space<hbm>> -> memref<64xi32, #tpu.memory_space<hbm>>
        %dma_wait3A_565 = arith.constant 0 : i32
        %dma_wait3A_566 = tpu.memref_slice %arg6[%dma_wait3A_559, %dma_wait3A_560, %dma_wait3A_565] : memref<8x2x64xi32, #tpu.memory_space<vmem>> -> memref<1x1x64xi32, #tpu.memory_space<vmem>>
        %dma_wait3A_567 = tpu.memref_squeeze %dma_wait3A_566 : memref<1x1x64xi32, #tpu.memory_space<vmem>> -> memref<64xi32, #tpu.memory_space<vmem>>
        %dma_wait3A_568 = tpu.memref_slice %arg2[%add3A_558] : memref<640000xi32, #tpu.memory_space<hbm>> -> memref<64xi32, #tpu.memory_space<hbm>>
        tpu.wait_dma2 semaphore(%arg14 : memref<!tpu.dma_semaphore, #tpu.memory_space<semaphore_mem>>) src(%dma_wait3A_568 : memref<64xi32, #tpu.memory_space<hbm>>) dst(%dma_wait3A_567 : memref<64xi32, #tpu.memory_space<vmem>>)
        %dma_start3A_569 = arith.constant 1 : i32
        %dma_start3A_570 = arith.constant 0 : i32
        %dma_start3A_571 = arith.constant 1 : i32
        %dma_start3A_572 = arith.constant 0 : i32
        %dma_start3A_573 = arith.constant 0 : i32
        %dma_start3A_574 = tpu.memref_slice %arg7[%dma_start3A_571, %dma_start3A_572, %dma_start3A_573] : memref<4x64x128xf32, #tpu.memory_space<vmem>> -> memref<1x64x128xf32, #tpu.memory_space<vmem>>
        %dma_start3A_575 = tpu.memref_squeeze %dma_start3A_574 : memref<1x64x128xf32, #tpu.memory_space<vmem>> -> memref<64x128xf32, #tpu.memory_space<vmem>>
        %dma_start3A_576 = arith.constant 0 : i32
        %dma_start3A_577 = tpu.memref_slice %arg6[%dma_start3A_569, %dma_start3A_570, %dma_start3A_576] : memref<8x2x64xi32, #tpu.memory_space<vmem>> -> memref<1x1x64xi32, #tpu.memory_space<vmem>>
        %dma_start3A_578 = tpu.memref_squeeze %dma_start3A_577 : memref<1x1x64xi32, #tpu.memory_space<vmem>> -> memref<64xi32, #tpu.memory_space<vmem>>
        %dma_start3A_579 = arith.constant 0 : i32
        %dma_start3A_580 = arith.constant 0 : i32
        %dma_start3A_581 = tpu.memref_slice %arg3[%dma_start3A_579, %dma_start3A_580] : memref<10240x128xf32, #tpu.memory_space<hbm>> -> memref<10240x128xf32, #tpu.memory_space<hbm>>
        tpu.enqueue_indirect_dma source(%dma_start3A_581 : memref<10240x128xf32, #tpu.memory_space<hbm>>) target(%dma_start3A_575 : memref<64x128xf32, #tpu.memory_space<vmem>>) offsets(%dma_start3A_578 : memref<64xi32, #tpu.memory_space<vmem>>) semaphore(%arg10 : memref<!tpu.dma_semaphore, #tpu.memory_space<semaphore_mem>>)
      } else {
      }
      %mul3A_502 = arith.constant 8 : i32
      %mul3A_503 = arith.muli %mul3A_502, %scan3A_383 : i32
      %add3A_504 = arith.constant 6 : i32
      %add3A_505 = arith.addi %mul3A_503, %add3A_504 : i32
      %lt3A_506 = arith.cmpi slt, %add3A_505, %add3A_8 : i32
      %convert_element_type3A_507 = arith.extui %lt3A_506 : i1 to i32
      %cond3A_508 = arith.constant 0 : i32
      %cond3A_509 = arith.cmpi ne, %convert_element_type3A_507, %cond3A_508 : i32
      scf.if %cond3A_509 {
        %dma_wait3A_542 = arith.constant 6 : i32
        %dma_wait3A_543 = arith.constant 0 : i32
        %dma_wait3A_544 = arith.constant 2 : i32
        %dma_wait3A_545 = arith.constant 0 : i32
        %dma_wait3A_546 = arith.constant 0 : i32
        %dma_wait3A_547 = tpu.memref_slice %arg7[%dma_wait3A_544, %dma_wait3A_545, %dma_wait3A_546] : memref<4x64x128xf32, #tpu.memory_space<vmem>> -> memref<1x64x128xf32, #tpu.memory_space<vmem>>
        %dma_wait3A_548 = tpu.memref_squeeze %dma_wait3A_547 : memref<1x64x128xf32, #tpu.memory_space<vmem>> -> memref<64x128xf32, #tpu.memory_space<vmem>>
        %dma_wait3A_549 = arith.constant 0 : i32
        %dma_wait3A_550 = tpu.memref_slice %arg6[%dma_wait3A_542, %dma_wait3A_543, %dma_wait3A_549] : memref<8x2x64xi32, #tpu.memory_space<vmem>> -> memref<1x1x64xi32, #tpu.memory_space<vmem>>
        %dma_wait3A_551 = tpu.memref_squeeze %dma_wait3A_550 : memref<1x1x64xi32, #tpu.memory_space<vmem>> -> memref<64xi32, #tpu.memory_space<vmem>>
        %dma_wait3A_552 = arith.constant 0 : i32
        %dma_wait3A_553 = arith.constant 0 : i32
        %dma_wait3A_554 = tpu.memref_slice %arg3[%dma_wait3A_552, %dma_wait3A_553] : memref<10240x128xf32, #tpu.memory_space<hbm>> -> memref<10240x128xf32, #tpu.memory_space<hbm>>
        tpu.wait_indirect_dma semaphore(%arg11 : memref<!tpu.dma_semaphore, #tpu.memory_space<semaphore_mem>>) src(%dma_wait3A_554 : memref<10240x128xf32, #tpu.memory_space<hbm>>) dst(%dma_wait3A_548 : memref<64x128xf32, #tpu.memory_space<vmem>>)
        %run_scoped3A = arith.constant 2 : i32
        %run_scoped3A_555 = arith.constant 6 : i32
        %run_scoped3A_556 = arith.constant 1 : i32
        "tpu.region"() ({
          %run_scoped3A_557 = tpu.sem_alloc : memref<!tpu.dma_semaphore, #tpu.memory_space<semaphore_mem>>
          %dma_start3A_558 = arith.constant 0 : i32
          %dma_start3A_559 = arith.constant 0 : i32
          %dma_start3A_560 = tpu.memref_slice %arg7[%run_scoped3A, %dma_start3A_558, %dma_start3A_559] : memref<4x64x128xf32, #tpu.memory_space<vmem>> -> memref<1x64x128xf32, #tpu.memory_space<vmem>>
          %dma_start3A_561 = tpu.memref_squeeze %dma_start3A_560 : memref<1x64x128xf32, #tpu.memory_space<vmem>> -> memref<64x128xf32, #tpu.memory_space<vmem>>
          %dma_start3A_562 = arith.constant 0 : i32
          %dma_start3A_563 = tpu.memref_slice %arg6[%run_scoped3A_555, %run_scoped3A_556, %dma_start3A_562] : memref<8x2x64xi32, #tpu.memory_space<vmem>> -> memref<1x1x64xi32, #tpu.memory_space<vmem>>
          %dma_start3A_564 = tpu.memref_squeeze %dma_start3A_563 : memref<1x1x64xi32, #tpu.memory_space<vmem>> -> memref<64xi32, #tpu.memory_space<vmem>>
          %dma_start3A_565 = arith.constant 0 : i32
          %dma_start3A_566 = arith.constant 0 : i32
          %dma_start3A_567 = tpu.memref_slice %arg8[%dma_start3A_565, %dma_start3A_566] : memref<10240x128xf32, #tpu.memory_space<vmem_shared>> -> memref<10240x128xf32, #tpu.memory_space<vmem_shared>>
          tpu.enqueue_indirect_dma source(%dma_start3A_561 : memref<64x128xf32, #tpu.memory_space<vmem>>) target(%dma_start3A_567 : memref<10240x128xf32, #tpu.memory_space<vmem_shared>>) offsets(%dma_start3A_564 : memref<64xi32, #tpu.memory_space<vmem>>) semaphore(%run_scoped3A_557 : memref<!tpu.dma_semaphore, #tpu.memory_space<semaphore_mem>>) {add = true}
          %dma_wait3A_568 = arith.constant 0 : i32
          %dma_wait3A_569 = arith.constant 0 : i32
          %dma_wait3A_570 = tpu.memref_slice %arg7[%run_scoped3A, %dma_wait3A_568, %dma_wait3A_569] : memref<4x64x128xf32, #tpu.memory_space<vmem>> -> memref<1x64x128xf32, #tpu.memory_space<vmem>>
          %dma_wait3A_571 = tpu.memref_squeeze %dma_wait3A_570 : memref<1x64x128xf32, #tpu.memory_space<vmem>> -> memref<64x128xf32, #tpu.memory_space<vmem>>
          %dma_wait3A_572 = arith.constant 0 : i32
          %dma_wait3A_573 = tpu.memref_slice %arg6[%run_scoped3A_555, %run_scoped3A_556, %dma_wait3A_572] : memref<8x2x64xi32, #tpu.memory_space<vmem>> -> memref<1x1x64xi32, #tpu.memory_space<vmem>>
          %dma_wait3A_574 = tpu.memref_squeeze %dma_wait3A_573 : memref<1x1x64xi32, #tpu.memory_space<vmem>> -> memref<64xi32, #tpu.memory_space<vmem>>
          %dma_wait3A_575 = arith.constant 0 : i32
          %dma_wait3A_576 = arith.constant 0 : i32
          %dma_wait3A_577 = tpu.memref_slice %arg8[%dma_wait3A_575, %dma_wait3A_576] : memref<10240x128xf32, #tpu.memory_space<vmem_shared>> -> memref<10240x128xf32, #tpu.memory_space<vmem_shared>>
          tpu.wait_indirect_dma semaphore(%run_scoped3A_557 : memref<!tpu.dma_semaphore, #tpu.memory_space<semaphore_mem>>) src(%dma_wait3A_571 : memref<64x128xf32, #tpu.memory_space<vmem>>) dst(%dma_wait3A_577 : memref<10240x128xf32, #tpu.memory_space<vmem_shared>>)
          tpu.yield
        }) : () -> ()
      } else {
      }
      %add3A_510 = arith.constant 8 : i32
      %add3A_511 = arith.addi %add3A_505, %add3A_510 : i32
      %lt3A_512 = arith.cmpi slt, %add3A_511, %add3A_8 : i32
      %convert_element_type3A_513 = arith.extui %lt3A_512 : i1 to i32
      %cond3A_514 = arith.constant 0 : i32
      %cond3A_515 = arith.cmpi ne, %convert_element_type3A_513, %cond3A_514 : i32
      scf.if %cond3A_515 {
        %add3A_542 = arith.constant 8 : i32
        %add3A_543 = arith.addi %add3A_505, %add3A_542 : i32
        %add3A_544 = arith.addi %add3A_4, %add3A_543 : i32
        %mul3A_545 = arith.constant 64 : i32
        %mul3A_546 = arith.muli %add3A_544, %mul3A_545 : i32
        %dma_start3A_547 = arith.constant 6 : i32
        %dma_start3A_548 = arith.constant 0 : i32
        %dma_start3A_549 = arith.constant 0 : i32
        %dma_start3A_550 = tpu.memref_slice %arg6[%dma_start3A_547, %dma_start3A_548, %dma_start3A_549] : memref<8x2x64xi32, #tpu.memory_space<vmem>> -> memref<1x1x64xi32, #tpu.memory_space<vmem>>
        %dma_start3A_551 = tpu.memref_squeeze %dma_start3A_550 : memref<1x1x64xi32, #tpu.memory_space<vmem>> -> memref<64xi32, #tpu.memory_space<vmem>>
        %dma_start3A_552 = tpu.memref_slice %arg2[%mul3A_546] : memref<640000xi32, #tpu.memory_space<hbm>> -> memref<64xi32, #tpu.memory_space<hbm>>
        %dma_start3A_553 = arith.constant 0 : i32
        %dma_start3A_554 = tpu.memref_slice %arg6[%dma_start3A_547, %dma_start3A_548, %dma_start3A_553] : memref<8x2x64xi32, #tpu.memory_space<vmem>> -> memref<1x1x64xi32, #tpu.memory_space<vmem>>
        %dma_start3A_555 = tpu.memref_squeeze %dma_start3A_554 : memref<1x1x64xi32, #tpu.memory_space<vmem>> -> memref<64xi32, #tpu.memory_space<vmem>>
        %dma_start3A_556 = tpu.memref_slice %arg2[%mul3A_546] : memref<640000xi32, #tpu.memory_space<hbm>> -> memref<64xi32, #tpu.memory_space<hbm>>
        tpu.enqueue_dma source(%dma_start3A_556 : memref<64xi32, #tpu.memory_space<hbm>>) target(%dma_start3A_555 : memref<64xi32, #tpu.memory_space<vmem>>) target_semaphore(%arg19 : memref<!tpu.dma_semaphore, #tpu.memory_space<semaphore_mem>>)
        %add3A_557 = arith.constant 320000 : i32
        %add3A_558 = arith.addi %add3A_557, %mul3A_546 : i32
        %dma_start3A_559 = arith.constant 6 : i32
        %dma_start3A_560 = arith.constant 1 : i32
        %dma_start3A_561 = arith.constant 0 : i32
        %dma_start3A_562 = tpu.memref_slice %arg6[%dma_start3A_559, %dma_start3A_560, %dma_start3A_561] : memref<8x2x64xi32, #tpu.memory_space<vmem>> -> memref<1x1x64xi32, #tpu.memory_space<vmem>>
        %dma_start3A_563 = tpu.memref_squeeze %dma_start3A_562 : memref<1x1x64xi32, #tpu.memory_space<vmem>> -> memref<64xi32, #tpu.memory_space<vmem>>
        %dma_start3A_564 = tpu.memref_slice %arg2[%add3A_558] : memref<640000xi32, #tpu.memory_space<hbm>> -> memref<64xi32, #tpu.memory_space<hbm>>
        %dma_start3A_565 = arith.constant 0 : i32
        %dma_start3A_566 = tpu.memref_slice %arg6[%dma_start3A_559, %dma_start3A_560, %dma_start3A_565] : memref<8x2x64xi32, #tpu.memory_space<vmem>> -> memref<1x1x64xi32, #tpu.memory_space<vmem>>
        %dma_start3A_567 = tpu.memref_squeeze %dma_start3A_566 : memref<1x1x64xi32, #tpu.memory_space<vmem>> -> memref<64xi32, #tpu.memory_space<vmem>>
        %dma_start3A_568 = tpu.memref_slice %arg2[%add3A_558] : memref<640000xi32, #tpu.memory_space<hbm>> -> memref<64xi32, #tpu.memory_space<hbm>>
        tpu.enqueue_dma source(%dma_start3A_568 : memref<64xi32, #tpu.memory_space<hbm>>) target(%dma_start3A_567 : memref<64xi32, #tpu.memory_space<vmem>>) target_semaphore(%arg19 : memref<!tpu.dma_semaphore, #tpu.memory_space<semaphore_mem>>)
      } else {
      }
      %add3A_516 = arith.constant 4 : i32
      %add3A_517 = arith.addi %add3A_505, %add3A_516 : i32
      %lt3A_518 = arith.cmpi slt, %add3A_517, %add3A_8 : i32
      %convert_element_type3A_519 = arith.extui %lt3A_518 : i1 to i32
      %cond3A_520 = arith.constant 0 : i32
      %cond3A_521 = arith.cmpi ne, %convert_element_type3A_519, %cond3A_520 : i32
      scf.if %cond3A_521 {
        %add3A_542 = arith.constant 4 : i32
        %add3A_543 = arith.addi %add3A_505, %add3A_542 : i32
        %add3A_544 = arith.addi %add3A_4, %add3A_543 : i32
        %mul3A_545 = arith.constant 64 : i32
        %mul3A_546 = arith.muli %add3A_544, %mul3A_545 : i32
        %dma_wait3A_547 = arith.constant 2 : i32
        %dma_wait3A_548 = arith.constant 0 : i32
        %dma_wait3A_549 = arith.constant 0 : i32
        %dma_wait3A_550 = tpu.memref_slice %arg6[%dma_wait3A_547, %dma_wait3A_548, %dma_wait3A_549] : memref<8x2x64xi32, #tpu.memory_space<vmem>> -> memref<1x1x64xi32, #tpu.memory_space<vmem>>
        %dma_wait3A_551 = tpu.memref_squeeze %dma_wait3A_550 : memref<1x1x64xi32, #tpu.memory_space<vmem>> -> memref<64xi32, #tpu.memory_space<vmem>>
        %dma_wait3A_552 = tpu.memref_slice %arg2[%mul3A_546] : memref<640000xi32, #tpu.memory_space<hbm>> -> memref<64xi32, #tpu.memory_space<hbm>>
        %dma_wait3A_553 = arith.constant 0 : i32
        %dma_wait3A_554 = tpu.memref_slice %arg6[%dma_wait3A_547, %dma_wait3A_548, %dma_wait3A_553] : memref<8x2x64xi32, #tpu.memory_space<vmem>> -> memref<1x1x64xi32, #tpu.memory_space<vmem>>
        %dma_wait3A_555 = tpu.memref_squeeze %dma_wait3A_554 : memref<1x1x64xi32, #tpu.memory_space<vmem>> -> memref<64xi32, #tpu.memory_space<vmem>>
        %dma_wait3A_556 = tpu.memref_slice %arg2[%mul3A_546] : memref<640000xi32, #tpu.memory_space<hbm>> -> memref<64xi32, #tpu.memory_space<hbm>>
        tpu.wait_dma2 semaphore(%arg15 : memref<!tpu.dma_semaphore, #tpu.memory_space<semaphore_mem>>) src(%dma_wait3A_556 : memref<64xi32, #tpu.memory_space<hbm>>) dst(%dma_wait3A_555 : memref<64xi32, #tpu.memory_space<vmem>>)
        %add3A_557 = arith.constant 320000 : i32
        %add3A_558 = arith.addi %add3A_557, %mul3A_546 : i32
        %dma_wait3A_559 = arith.constant 2 : i32
        %dma_wait3A_560 = arith.constant 1 : i32
        %dma_wait3A_561 = arith.constant 0 : i32
        %dma_wait3A_562 = tpu.memref_slice %arg6[%dma_wait3A_559, %dma_wait3A_560, %dma_wait3A_561] : memref<8x2x64xi32, #tpu.memory_space<vmem>> -> memref<1x1x64xi32, #tpu.memory_space<vmem>>
        %dma_wait3A_563 = tpu.memref_squeeze %dma_wait3A_562 : memref<1x1x64xi32, #tpu.memory_space<vmem>> -> memref<64xi32, #tpu.memory_space<vmem>>
        %dma_wait3A_564 = tpu.memref_slice %arg2[%add3A_558] : memref<640000xi32, #tpu.memory_space<hbm>> -> memref<64xi32, #tpu.memory_space<hbm>>
        %dma_wait3A_565 = arith.constant 0 : i32
        %dma_wait3A_566 = tpu.memref_slice %arg6[%dma_wait3A_559, %dma_wait3A_560, %dma_wait3A_565] : memref<8x2x64xi32, #tpu.memory_space<vmem>> -> memref<1x1x64xi32, #tpu.memory_space<vmem>>
        %dma_wait3A_567 = tpu.memref_squeeze %dma_wait3A_566 : memref<1x1x64xi32, #tpu.memory_space<vmem>> -> memref<64xi32, #tpu.memory_space<vmem>>
        %dma_wait3A_568 = tpu.memref_slice %arg2[%add3A_558] : memref<640000xi32, #tpu.memory_space<hbm>> -> memref<64xi32, #tpu.memory_space<hbm>>
        tpu.wait_dma2 semaphore(%arg15 : memref<!tpu.dma_semaphore, #tpu.memory_space<semaphore_mem>>) src(%dma_wait3A_568 : memref<64xi32, #tpu.memory_space<hbm>>) dst(%dma_wait3A_567 : memref<64xi32, #tpu.memory_space<vmem>>)
        %dma_start3A_569 = arith.constant 2 : i32
        %dma_start3A_570 = arith.constant 0 : i32
        %dma_start3A_571 = arith.constant 2 : i32
        %dma_start3A_572 = arith.constant 0 : i32
        %dma_start3A_573 = arith.constant 0 : i32
        %dma_start3A_574 = tpu.memref_slice %arg7[%dma_start3A_571, %dma_start3A_572, %dma_start3A_573] : memref<4x64x128xf32, #tpu.memory_space<vmem>> -> memref<1x64x128xf32, #tpu.memory_space<vmem>>
        %dma_start3A_575 = tpu.memref_squeeze %dma_start3A_574 : memref<1x64x128xf32, #tpu.memory_space<vmem>> -> memref<64x128xf32, #tpu.memory_space<vmem>>
        %dma_start3A_576 = arith.constant 0 : i32
        %dma_start3A_577 = tpu.memref_slice %arg6[%dma_start3A_569, %dma_start3A_570, %dma_start3A_576] : memref<8x2x64xi32, #tpu.memory_space<vmem>> -> memref<1x1x64xi32, #tpu.memory_space<vmem>>
        %dma_start3A_578 = tpu.memref_squeeze %dma_start3A_577 : memref<1x1x64xi32, #tpu.memory_space<vmem>> -> memref<64xi32, #tpu.memory_space<vmem>>
        %dma_start3A_579 = arith.constant 0 : i32
        %dma_start3A_580 = arith.constant 0 : i32
        %dma_start3A_581 = tpu.memref_slice %arg3[%dma_start3A_579, %dma_start3A_580] : memref<10240x128xf32, #tpu.memory_space<hbm>> -> memref<10240x128xf32, #tpu.memory_space<hbm>>
        tpu.enqueue_indirect_dma source(%dma_start3A_581 : memref<10240x128xf32, #tpu.memory_space<hbm>>) target(%dma_start3A_575 : memref<64x128xf32, #tpu.memory_space<vmem>>) offsets(%dma_start3A_578 : memref<64xi32, #tpu.memory_space<vmem>>) semaphore(%arg11 : memref<!tpu.dma_semaphore, #tpu.memory_space<semaphore_mem>>)
      } else {
      }
      %mul3A_522 = arith.constant 8 : i32
      %mul3A_523 = arith.muli %mul3A_522, %scan3A_383 : i32
      %add3A_524 = arith.constant 7 : i32
      %add3A_525 = arith.addi %mul3A_523, %add3A_524 : i32
      %lt3A_526 = arith.cmpi slt, %add3A_525, %add3A_8 : i32
      %convert_element_type3A_527 = arith.extui %lt3A_526 : i1 to i32
      %cond3A_528 = arith.constant 0 : i32
      %cond3A_529 = arith.cmpi ne, %convert_element_type3A_527, %cond3A_528 : i32
      scf.if %cond3A_529 {
        %dma_wait3A_542 = arith.constant 7 : i32
        %dma_wait3A_543 = arith.constant 0 : i32
        %dma_wait3A_544 = arith.constant 3 : i32
        %dma_wait3A_545 = arith.constant 0 : i32
        %dma_wait3A_546 = arith.constant 0 : i32
        %dma_wait3A_547 = tpu.memref_slice %arg7[%dma_wait3A_544, %dma_wait3A_545, %dma_wait3A_546] : memref<4x64x128xf32, #tpu.memory_space<vmem>> -> memref<1x64x128xf32, #tpu.memory_space<vmem>>
        %dma_wait3A_548 = tpu.memref_squeeze %dma_wait3A_547 : memref<1x64x128xf32, #tpu.memory_space<vmem>> -> memref<64x128xf32, #tpu.memory_space<vmem>>
        %dma_wait3A_549 = arith.constant 0 : i32
        %dma_wait3A_550 = tpu.memref_slice %arg6[%dma_wait3A_542, %dma_wait3A_543, %dma_wait3A_549] : memref<8x2x64xi32, #tpu.memory_space<vmem>> -> memref<1x1x64xi32, #tpu.memory_space<vmem>>
        %dma_wait3A_551 = tpu.memref_squeeze %dma_wait3A_550 : memref<1x1x64xi32, #tpu.memory_space<vmem>> -> memref<64xi32, #tpu.memory_space<vmem>>
        %dma_wait3A_552 = arith.constant 0 : i32
        %dma_wait3A_553 = arith.constant 0 : i32
        %dma_wait3A_554 = tpu.memref_slice %arg3[%dma_wait3A_552, %dma_wait3A_553] : memref<10240x128xf32, #tpu.memory_space<hbm>> -> memref<10240x128xf32, #tpu.memory_space<hbm>>
        tpu.wait_indirect_dma semaphore(%arg12 : memref<!tpu.dma_semaphore, #tpu.memory_space<semaphore_mem>>) src(%dma_wait3A_554 : memref<10240x128xf32, #tpu.memory_space<hbm>>) dst(%dma_wait3A_548 : memref<64x128xf32, #tpu.memory_space<vmem>>)
        %run_scoped3A = arith.constant 3 : i32
        %run_scoped3A_555 = arith.constant 7 : i32
        %run_scoped3A_556 = arith.constant 1 : i32
        "tpu.region"() ({
          %run_scoped3A_557 = tpu.sem_alloc : memref<!tpu.dma_semaphore, #tpu.memory_space<semaphore_mem>>
          %dma_start3A_558 = arith.constant 0 : i32
          %dma_start3A_559 = arith.constant 0 : i32
          %dma_start3A_560 = tpu.memref_slice %arg7[%run_scoped3A, %dma_start3A_558, %dma_start3A_559] : memref<4x64x128xf32, #tpu.memory_space<vmem>> -> memref<1x64x128xf32, #tpu.memory_space<vmem>>
          %dma_start3A_561 = tpu.memref_squeeze %dma_start3A_560 : memref<1x64x128xf32, #tpu.memory_space<vmem>> -> memref<64x128xf32, #tpu.memory_space<vmem>>
          %dma_start3A_562 = arith.constant 0 : i32
          %dma_start3A_563 = tpu.memref_slice %arg6[%run_scoped3A_555, %run_scoped3A_556, %dma_start3A_562] : memref<8x2x64xi32, #tpu.memory_space<vmem>> -> memref<1x1x64xi32, #tpu.memory_space<vmem>>
          %dma_start3A_564 = tpu.memref_squeeze %dma_start3A_563 : memref<1x1x64xi32, #tpu.memory_space<vmem>> -> memref<64xi32, #tpu.memory_space<vmem>>
          %dma_start3A_565 = arith.constant 0 : i32
          %dma_start3A_566 = arith.constant 0 : i32
          %dma_start3A_567 = tpu.memref_slice %arg8[%dma_start3A_565, %dma_start3A_566] : memref<10240x128xf32, #tpu.memory_space<vmem_shared>> -> memref<10240x128xf32, #tpu.memory_space<vmem_shared>>
          tpu.enqueue_indirect_dma source(%dma_start3A_561 : memref<64x128xf32, #tpu.memory_space<vmem>>) target(%dma_start3A_567 : memref<10240x128xf32, #tpu.memory_space<vmem_shared>>) offsets(%dma_start3A_564 : memref<64xi32, #tpu.memory_space<vmem>>) semaphore(%run_scoped3A_557 : memref<!tpu.dma_semaphore, #tpu.memory_space<semaphore_mem>>) {add = true}
          %dma_wait3A_568 = arith.constant 0 : i32
          %dma_wait3A_569 = arith.constant 0 : i32
          %dma_wait3A_570 = tpu.memref_slice %arg7[%run_scoped3A, %dma_wait3A_568, %dma_wait3A_569] : memref<4x64x128xf32, #tpu.memory_space<vmem>> -> memref<1x64x128xf32, #tpu.memory_space<vmem>>
          %dma_wait3A_571 = tpu.memref_squeeze %dma_wait3A_570 : memref<1x64x128xf32, #tpu.memory_space<vmem>> -> memref<64x128xf32, #tpu.memory_space<vmem>>
          %dma_wait3A_572 = arith.constant 0 : i32
          %dma_wait3A_573 = tpu.memref_slice %arg6[%run_scoped3A_555, %run_scoped3A_556, %dma_wait3A_572] : memref<8x2x64xi32, #tpu.memory_space<vmem>> -> memref<1x1x64xi32, #tpu.memory_space<vmem>>
          %dma_wait3A_574 = tpu.memref_squeeze %dma_wait3A_573 : memref<1x1x64xi32, #tpu.memory_space<vmem>> -> memref<64xi32, #tpu.memory_space<vmem>>
          %dma_wait3A_575 = arith.constant 0 : i32
          %dma_wait3A_576 = arith.constant 0 : i32
          %dma_wait3A_577 = tpu.memref_slice %arg8[%dma_wait3A_575, %dma_wait3A_576] : memref<10240x128xf32, #tpu.memory_space<vmem_shared>> -> memref<10240x128xf32, #tpu.memory_space<vmem_shared>>
          tpu.wait_indirect_dma semaphore(%run_scoped3A_557 : memref<!tpu.dma_semaphore, #tpu.memory_space<semaphore_mem>>) src(%dma_wait3A_571 : memref<64x128xf32, #tpu.memory_space<vmem>>) dst(%dma_wait3A_577 : memref<10240x128xf32, #tpu.memory_space<vmem_shared>>)
          tpu.yield
        }) : () -> ()
      } else {
      }
      %add3A_530 = arith.constant 8 : i32
      %add3A_531 = arith.addi %add3A_525, %add3A_530 : i32
      %lt3A_532 = arith.cmpi slt, %add3A_531, %add3A_8 : i32
      %convert_element_type3A_533 = arith.extui %lt3A_532 : i1 to i32
      %cond3A_534 = arith.constant 0 : i32
      %cond3A_535 = arith.cmpi ne, %convert_element_type3A_533, %cond3A_534 : i32
      scf.if %cond3A_535 {
        %add3A_542 = arith.constant 8 : i32
        %add3A_543 = arith.addi %add3A_525, %add3A_542 : i32
        %add3A_544 = arith.addi %add3A_4, %add3A_543 : i32
        %mul3A_545 = arith.constant 64 : i32
        %mul3A_546 = arith.muli %add3A_544, %mul3A_545 : i32
        %dma_start3A_547 = arith.constant 7 : i32
        %dma_start3A_548 = arith.constant 0 : i32
        %dma_start3A_549 = arith.constant 0 : i32
        %dma_start3A_550 = tpu.memref_slice %arg6[%dma_start3A_547, %dma_start3A_548, %dma_start3A_549] : memref<8x2x64xi32, #tpu.memory_space<vmem>> -> memref<1x1x64xi32, #tpu.memory_space<vmem>>
        %dma_start3A_551 = tpu.memref_squeeze %dma_start3A_550 : memref<1x1x64xi32, #tpu.memory_space<vmem>> -> memref<64xi32, #tpu.memory_space<vmem>>
        %dma_start3A_552 = tpu.memref_slice %arg2[%mul3A_546] : memref<640000xi32, #tpu.memory_space<hbm>> -> memref<64xi32, #tpu.memory_space<hbm>>
        %dma_start3A_553 = arith.constant 0 : i32
        %dma_start3A_554 = tpu.memref_slice %arg6[%dma_start3A_547, %dma_start3A_548, %dma_start3A_553] : memref<8x2x64xi32, #tpu.memory_space<vmem>> -> memref<1x1x64xi32, #tpu.memory_space<vmem>>
        %dma_start3A_555 = tpu.memref_squeeze %dma_start3A_554 : memref<1x1x64xi32, #tpu.memory_space<vmem>> -> memref<64xi32, #tpu.memory_space<vmem>>
        %dma_start3A_556 = tpu.memref_slice %arg2[%mul3A_546] : memref<640000xi32, #tpu.memory_space<hbm>> -> memref<64xi32, #tpu.memory_space<hbm>>
        tpu.enqueue_dma source(%dma_start3A_556 : memref<64xi32, #tpu.memory_space<hbm>>) target(%dma_start3A_555 : memref<64xi32, #tpu.memory_space<vmem>>) target_semaphore(%arg20 : memref<!tpu.dma_semaphore, #tpu.memory_space<semaphore_mem>>)
        %add3A_557 = arith.constant 320000 : i32
        %add3A_558 = arith.addi %add3A_557, %mul3A_546 : i32
        %dma_start3A_559 = arith.constant 7 : i32
        %dma_start3A_560 = arith.constant 1 : i32
        %dma_start3A_561 = arith.constant 0 : i32
        %dma_start3A_562 = tpu.memref_slice %arg6[%dma_start3A_559, %dma_start3A_560, %dma_start3A_561] : memref<8x2x64xi32, #tpu.memory_space<vmem>> -> memref<1x1x64xi32, #tpu.memory_space<vmem>>
        %dma_start3A_563 = tpu.memref_squeeze %dma_start3A_562 : memref<1x1x64xi32, #tpu.memory_space<vmem>> -> memref<64xi32, #tpu.memory_space<vmem>>
        %dma_start3A_564 = tpu.memref_slice %arg2[%add3A_558] : memref<640000xi32, #tpu.memory_space<hbm>> -> memref<64xi32, #tpu.memory_space<hbm>>
        %dma_start3A_565 = arith.constant 0 : i32
        %dma_start3A_566 = tpu.memref_slice %arg6[%dma_start3A_559, %dma_start3A_560, %dma_start3A_565] : memref<8x2x64xi32, #tpu.memory_space<vmem>> -> memref<1x1x64xi32, #tpu.memory_space<vmem>>
        %dma_start3A_567 = tpu.memref_squeeze %dma_start3A_566 : memref<1x1x64xi32, #tpu.memory_space<vmem>> -> memref<64xi32, #tpu.memory_space<vmem>>
        %dma_start3A_568 = tpu.memref_slice %arg2[%add3A_558] : memref<640000xi32, #tpu.memory_space<hbm>> -> memref<64xi32, #tpu.memory_space<hbm>>
        tpu.enqueue_dma source(%dma_start3A_568 : memref<64xi32, #tpu.memory_space<hbm>>) target(%dma_start3A_567 : memref<64xi32, #tpu.memory_space<vmem>>) target_semaphore(%arg20 : memref<!tpu.dma_semaphore, #tpu.memory_space<semaphore_mem>>)
      } else {
      }
      %add3A_536 = arith.constant 4 : i32
      %add3A_537 = arith.addi %add3A_525, %add3A_536 : i32
      %lt3A_538 = arith.cmpi slt, %add3A_537, %add3A_8 : i32
      %convert_element_type3A_539 = arith.extui %lt3A_538 : i1 to i32
      %cond3A_540 = arith.constant 0 : i32
      %cond3A_541 = arith.cmpi ne, %convert_element_type3A_539, %cond3A_540 : i32
      scf.if %cond3A_541 {
        %add3A_542 = arith.constant 4 : i32
        %add3A_543 = arith.addi %add3A_525, %add3A_542 : i32
        %add3A_544 = arith.addi %add3A_4, %add3A_543 : i32
        %mul3A_545 = arith.constant 64 : i32
        %mul3A_546 = arith.muli %add3A_544, %mul3A_545 : i32
        %dma_wait3A_547 = arith.constant 3 : i32
        %dma_wait3A_548 = arith.constant 0 : i32
        %dma_wait3A_549 = arith.constant 0 : i32
        %dma_wait3A_550 = tpu.memref_slice %arg6[%dma_wait3A_547, %dma_wait3A_548, %dma_wait3A_549] : memref<8x2x64xi32, #tpu.memory_space<vmem>> -> memref<1x1x64xi32, #tpu.memory_space<vmem>>
        %dma_wait3A_551 = tpu.memref_squeeze %dma_wait3A_550 : memref<1x1x64xi32, #tpu.memory_space<vmem>> -> memref<64xi32, #tpu.memory_space<vmem>>
        %dma_wait3A_552 = tpu.memref_slice %arg2[%mul3A_546] : memref<640000xi32, #tpu.memory_space<hbm>> -> memref<64xi32, #tpu.memory_space<hbm>>
        %dma_wait3A_553 = arith.constant 0 : i32
        %dma_wait3A_554 = tpu.memref_slice %arg6[%dma_wait3A_547, %dma_wait3A_548, %dma_wait3A_553] : memref<8x2x64xi32, #tpu.memory_space<vmem>> -> memref<1x1x64xi32, #tpu.memory_space<vmem>>
        %dma_wait3A_555 = tpu.memref_squeeze %dma_wait3A_554 : memref<1x1x64xi32, #tpu.memory_space<vmem>> -> memref<64xi32, #tpu.memory_space<vmem>>
        %dma_wait3A_556 = tpu.memref_slice %arg2[%mul3A_546] : memref<640000xi32, #tpu.memory_space<hbm>> -> memref<64xi32, #tpu.memory_space<hbm>>
        tpu.wait_dma2 semaphore(%arg16 : memref<!tpu.dma_semaphore, #tpu.memory_space<semaphore_mem>>) src(%dma_wait3A_556 : memref<64xi32, #tpu.memory_space<hbm>>) dst(%dma_wait3A_555 : memref<64xi32, #tpu.memory_space<vmem>>)
        %add3A_557 = arith.constant 320000 : i32
        %add3A_558 = arith.addi %add3A_557, %mul3A_546 : i32
        %dma_wait3A_559 = arith.constant 3 : i32
        %dma_wait3A_560 = arith.constant 1 : i32
        %dma_wait3A_561 = arith.constant 0 : i32
        %dma_wait3A_562 = tpu.memref_slice %arg6[%dma_wait3A_559, %dma_wait3A_560, %dma_wait3A_561] : memref<8x2x64xi32, #tpu.memory_space<vmem>> -> memref<1x1x64xi32, #tpu.memory_space<vmem>>
        %dma_wait3A_563 = tpu.memref_squeeze %dma_wait3A_562 : memref<1x1x64xi32, #tpu.memory_space<vmem>> -> memref<64xi32, #tpu.memory_space<vmem>>
        %dma_wait3A_564 = tpu.memref_slice %arg2[%add3A_558] : memref<640000xi32, #tpu.memory_space<hbm>> -> memref<64xi32, #tpu.memory_space<hbm>>
        %dma_wait3A_565 = arith.constant 0 : i32
        %dma_wait3A_566 = tpu.memref_slice %arg6[%dma_wait3A_559, %dma_wait3A_560, %dma_wait3A_565] : memref<8x2x64xi32, #tpu.memory_space<vmem>> -> memref<1x1x64xi32, #tpu.memory_space<vmem>>
        %dma_wait3A_567 = tpu.memref_squeeze %dma_wait3A_566 : memref<1x1x64xi32, #tpu.memory_space<vmem>> -> memref<64xi32, #tpu.memory_space<vmem>>
        %dma_wait3A_568 = tpu.memref_slice %arg2[%add3A_558] : memref<640000xi32, #tpu.memory_space<hbm>> -> memref<64xi32, #tpu.memory_space<hbm>>
        tpu.wait_dma2 semaphore(%arg16 : memref<!tpu.dma_semaphore, #tpu.memory_space<semaphore_mem>>) src(%dma_wait3A_568 : memref<64xi32, #tpu.memory_space<hbm>>) dst(%dma_wait3A_567 : memref<64xi32, #tpu.memory_space<vmem>>)
        %dma_start3A_569 = arith.constant 3 : i32
        %dma_start3A_570 = arith.constant 0 : i32
        %dma_start3A_571 = arith.constant 3 : i32
        %dma_start3A_572 = arith.constant 0 : i32
        %dma_start3A_573 = arith.constant 0 : i32
        %dma_start3A_574 = tpu.memref_slice %arg7[%dma_start3A_571, %dma_start3A_572, %dma_start3A_573] : memref<4x64x128xf32, #tpu.memory_space<vmem>> -> memref<1x64x128xf32, #tpu.memory_space<vmem>>
        %dma_start3A_575 = tpu.memref_squeeze %dma_start3A_574 : memref<1x64x128xf32, #tpu.memory_space<vmem>> -> memref<64x128xf32, #tpu.memory_space<vmem>>
        %dma_start3A_576 = arith.constant 0 : i32
        %dma_start3A_577 = tpu.memref_slice %arg6[%dma_start3A_569, %dma_start3A_570, %dma_start3A_576] : memref<8x2x64xi32, #tpu.memory_space<vmem>> -> memref<1x1x64xi32, #tpu.memory_space<vmem>>
        %dma_start3A_578 = tpu.memref_squeeze %dma_start3A_577 : memref<1x1x64xi32, #tpu.memory_space<vmem>> -> memref<64xi32, #tpu.memory_space<vmem>>
        %dma_start3A_579 = arith.constant 0 : i32
        %dma_start3A_580 = arith.constant 0 : i32
        %dma_start3A_581 = tpu.memref_slice %arg3[%dma_start3A_579, %dma_start3A_580] : memref<10240x128xf32, #tpu.memory_space<hbm>> -> memref<10240x128xf32, #tpu.memory_space<hbm>>
        tpu.enqueue_indirect_dma source(%dma_start3A_581 : memref<10240x128xf32, #tpu.memory_space<hbm>>) target(%dma_start3A_575 : memref<64x128xf32, #tpu.memory_space<vmem>>) offsets(%dma_start3A_578 : memref<64xi32, #tpu.memory_space<vmem>>) semaphore(%arg12 : memref<!tpu.dma_semaphore, #tpu.memory_space<semaphore_mem>>)
      } else {
      }
    }
    %scan3A_377 = arith.constant 20 : i32
    %barrier3A_378 = arith.constant 0 : index
    tpu.barrier barrier_id(%barrier3A_378)
    %mul3A_379 = arith.constant 640 : i32
    %mul3A_380 = arith.muli %arg1, %mul3A_379 : i32
    %mul3A_381 = arith.constant 640 : i32
    %mul3A_382 = arith.muli %arg1, %mul3A_381 : i32
    "tpu.region"() ({
      %run_scoped3A = tpu.sem_alloc : memref<!tpu.dma_semaphore, #tpu.memory_space<semaphore_mem>>
      %dma_start3A_383 = arith.constant 0 : i32
      %dma_start3A_384 = tpu.memref_slice %arg5[%arg0, %mul3A_382, %dma_start3A_383] : memref<2x10240x128xf32, #tpu.memory_space<hbm>> -> memref<1x640x128xf32, #tpu.memory_space<hbm>>
      %dma_start3A_385 = tpu.memref_squeeze %dma_start3A_384 : memref<1x640x128xf32, #tpu.memory_space<hbm>> -> memref<640x128xf32, #tpu.memory_space<hbm>>
      %dma_start3A_386 = arith.constant 0 : i32
      %dma_start3A_387 = tpu.memref_slice %arg8[%mul3A_380, %dma_start3A_386] : memref<10240x128xf32, #tpu.memory_space<vmem_shared>> -> memref<640x128xf32, #tpu.memory_space<vmem_shared>>
      tpu.enqueue_dma source(%dma_start3A_387 : memref<640x128xf32, #tpu.memory_space<vmem_shared>>) target(%dma_start3A_385 : memref<640x128xf32, #tpu.memory_space<hbm>>) target_semaphore(%run_scoped3A : memref<!tpu.dma_semaphore, #tpu.memory_space<semaphore_mem>>)
      %dma_wait3A_388 = arith.constant 0 : i32
      %dma_wait3A_389 = tpu.memref_slice %arg5[%arg0, %mul3A_382, %dma_wait3A_388] : memref<2x10240x128xf32, #tpu.memory_space<hbm>> -> memref<1x640x128xf32, #tpu.memory_space<hbm>>
      %dma_wait3A_390 = tpu.memref_squeeze %dma_wait3A_389 : memref<1x640x128xf32, #tpu.memory_space<hbm>> -> memref<640x128xf32, #tpu.memory_space<hbm>>
      %dma_wait3A_391 = arith.constant 0 : i32
      %dma_wait3A_392 = tpu.memref_slice %arg8[%mul3A_380, %dma_wait3A_391] : memref<10240x128xf32, #tpu.memory_space<vmem_shared>> -> memref<640x128xf32, #tpu.memory_space<vmem_shared>>
      tpu.wait_dma2 semaphore(%run_scoped3A : memref<!tpu.dma_semaphore, #tpu.memory_space<semaphore_mem>>) src(%dma_wait3A_392 : memref<640x128xf32, #tpu.memory_space<vmem_shared>>) dst(%dma_wait3A_390 : memref<640x128xf32, #tpu.memory_space<hbm>>)
      tpu.yield
    }) : () -> ()
    return
  }
}

#map = affine_map<(d0, d1) -> (0)>
#map1 = affine_map<(d0, d1) -> (0, 0)>
#map2 = affine_map<(d0, d1) -> (0, 0, 0)>
module attributes {stable_mosaic.version = 14 : i64} {
  func.func @_agg_body(%arg0: i32, %arg1: i32, %arg2: memref<640000xi32, #tpu.memory_space<hbm>>, %arg3: memref<10240x128xf32, #tpu.memory_space<hbm>>, %arg4: memref<640x128xf32, #tpu.memory_space<hbm>>, %arg5: memref<2x10240x128xf32, #tpu.memory_space<hbm>>, %arg6: memref<8x2x64xi32, #tpu.memory_space<vmem>>, %arg7: memref<4x64x128xf32, #tpu.memory_space<vmem>>, %arg8: memref<10240x128xf32, #tpu.memory_space<vmem_shared>>, %arg9: memref<!tpu.dma_semaphore, #tpu.memory_space<semaphore_mem>>, %arg10: memref<!tpu.dma_semaphore, #tpu.memory_space<semaphore_mem>>, %arg11: memref<!tpu.dma_semaphore, #tpu.memory_space<semaphore_mem>>, %arg12: memref<!tpu.dma_semaphore, #tpu.memory_space<semaphore_mem>>, %arg13: memref<!tpu.dma_semaphore, #tpu.memory_space<semaphore_mem>>, %arg14: memref<!tpu.dma_semaphore, #tpu.memory_space<semaphore_mem>>, %arg15: memref<!tpu.dma_semaphore, #tpu.memory_space<semaphore_mem>>, %arg16: memref<!tpu.dma_semaphore, #tpu.memory_space<semaphore_mem>>, %arg17: memref<!tpu.dma_semaphore, #tpu.memory_space<semaphore_mem>>, %arg18: memref<!tpu.dma_semaphore, #tpu.memory_space<semaphore_mem>>, %arg19: memref<!tpu.dma_semaphore, #tpu.memory_space<semaphore_mem>>, %arg20: memref<!tpu.dma_semaphore, #tpu.memory_space<semaphore_mem>>) attributes {dimension_semantics = [#tpu.dimension_semantics<core_parallel>, #tpu.dimension_semantics<subcore_parallel>], iteration_bounds = array<i64: 2, 16>, scalar_prefetch = 0 : i64, scratch_operands = 15 : i64, tpu.core_type = #tpu.core_type<sc_vector_subcore>, window_params = [{transform_indices = #map}, {transform_indices = #map1}, {transform_indices = #map1}, {transform_indices = #map2}]} {
    %mul3A = arith.constant 16 : i32
    %mul3A_0 = arith.muli %arg0, %mul3A : i32
    %add3A = arith.addi %mul3A_0, %arg1 : i32
    %mul3A_1 = arith.constant 156 : i32
    %mul3A_2 = arith.muli %mul3A_1, %add3A : i32
    %min3A = arith.constant 8 : i32
    %min3A_3 = arith.minsi %add3A, %min3A : i32
    %add3A_4 = arith.addi %mul3A_2, %min3A_3 : i32
    %lt3A = arith.constant 8 : i32
    %lt3A_5 = arith.cmpi slt, %add3A, %lt3A : i32
    %jit3A = arith.constant 1 : i32
    %jit3A_6 = arith.constant 0 : i32
    %select_n3A = arith.select %lt3A_5, %jit3A, %jit3A_6 : i32
    %add3A_7 = arith.constant 156 : i32
    %add3A_8 = arith.addi %add3A_7, %select_n3A : i32
    %add3A_9 = arith.constant 0 : i32
    %add3A_10 = arith.addi %add3A_4, %add3A_9 : i32
    %mul3A_11 = arith.constant 64 : i32
    %mul3A_12 = arith.muli %add3A_10, %mul3A_11 : i32
    %dma_start3A = arith.constant 0 : i32
    %dma_start3A_13 = arith.constant 0 : i32
    %dma_start3A_14 = arith.constant 0 : i32
    %dma_start3A_15 = tpu.memref_slice %arg6[%dma_start3A, %dma_start3A_13, %dma_start3A_14] : memref<8x2x64xi32, #tpu.memory_space<vmem>> -> memref<1x1x64xi32, #tpu.memory_space<vmem>>
    %dma_start3A_16 = tpu.memref_squeeze %dma_start3A_15 : memref<1x1x64xi32, #tpu.memory_space<vmem>> -> memref<64xi32, #tpu.memory_space<vmem>>
    %dma_start3A_17 = tpu.memref_slice %arg2[%mul3A_12] : memref<640000xi32, #tpu.memory_space<hbm>> -> memref<64xi32, #tpu.memory_space<hbm>>
    %dma_start3A_18 = arith.constant 0 : i32
    %dma_start3A_19 = tpu.memref_slice %arg6[%dma_start3A, %dma_start3A_13, %dma_start3A_18] : memref<8x2x64xi32, #tpu.memory_space<vmem>> -> memref<1x1x64xi32, #tpu.memory_space<vmem>>
    %dma_start3A_20 = tpu.memref_squeeze %dma_start3A_19 : memref<1x1x64xi32, #tpu.memory_space<vmem>> -> memref<64xi32, #tpu.memory_space<vmem>>
    %dma_start3A_21 = tpu.memref_slice %arg2[%mul3A_12] : memref<640000xi32, #tpu.memory_space<hbm>> -> memref<64xi32, #tpu.memory_space<hbm>>
    tpu.enqueue_dma source(%dma_start3A_21 : memref<64xi32, #tpu.memory_space<hbm>>) target(%dma_start3A_20 : memref<64xi32, #tpu.memory_space<vmem>>) target_semaphore(%arg13 : memref<!tpu.dma_semaphore, #tpu.memory_space<semaphore_mem>>)
    %add3A_22 = arith.constant 320000 : i32
    %add3A_23 = arith.addi %add3A_22, %mul3A_12 : i32
    %dma_start3A_24 = arith.constant 0 : i32
    %dma_start3A_25 = arith.constant 1 : i32
    %dma_start3A_26 = arith.constant 0 : i32
    %dma_start3A_27 = tpu.memref_slice %arg6[%dma_start3A_24, %dma_start3A_25, %dma_start3A_26] : memref<8x2x64xi32, #tpu.memory_space<vmem>> -> memref<1x1x64xi32, #tpu.memory_space<vmem>>
    %dma_start3A_28 = tpu.memref_squeeze %dma_start3A_27 : memref<1x1x64xi32, #tpu.memory_space<vmem>> -> memref<64xi32, #tpu.memory_space<vmem>>
    %dma_start3A_29 = tpu.memref_slice %arg2[%add3A_23] : memref<640000xi32, #tpu.memory_space<hbm>> -> memref<64xi32, #tpu.memory_space<hbm>>
    %dma_start3A_30 = arith.constant 0 : i32
    %dma_start3A_31 = tpu.memref_slice %arg6[%dma_start3A_24, %dma_start3A_25, %dma_start3A_30] : memref<8x2x64xi32, #tpu.memory_space<vmem>> -> memref<1x1x64xi32, #tpu.memory_space<vmem>>
    %dma_start3A_32 = tpu.memref_squeeze %dma_start3A_31 : memref<1x1x64xi32, #tpu.memory_space<vmem>> -> memref<64xi32, #tpu.memory_space<vmem>>
    %dma_start3A_33 = tpu.memref_slice %arg2[%add3A_23] : memref<640000xi32, #tpu.memory_space<hbm>> -> memref<64xi32, #tpu.memory_space<hbm>>
    tpu.enqueue_dma source(%dma_start3A_33 : memref<64xi32, #tpu.memory_space<hbm>>) target(%dma_start3A_32 : memref<64xi32, #tpu.memory_space<vmem>>) target_semaphore(%arg13 : memref<!tpu.dma_semaphore, #tpu.memory_space<semaphore_mem>>)
    %add3A_34 = arith.constant 1 : i32
    %add3A_35 = arith.addi %add3A_4, %add3A_34 : i32
    %mul3A_36 = arith.constant 64 : i32
    %mul3A_37 = arith.muli %add3A_35, %mul3A_36 : i32
    %dma_start3A_38 = arith.constant 1 : i32
    %dma_start3A_39 = arith.constant 0 : i32
    %dma_start3A_40 = arith.constant 0 : i32
    %dma_start3A_41 = tpu.memref_slice %arg6[%dma_start3A_38, %dma_start3A_39, %dma_start3A_40] : memref<8x2x64xi32, #tpu.memory_space<vmem>> -> memref<1x1x64xi32, #tpu.memory_space<vmem>>
    %dma_start3A_42 = tpu.memref_squeeze %dma_start3A_41 : memref<1x1x64xi32, #tpu.memory_space<vmem>> -> memref<64xi32, #tpu.memory_space<vmem>>
    %dma_start3A_43 = tpu.memref_slice %arg2[%mul3A_37] : memref<640000xi32, #tpu.memory_space<hbm>> -> memref<64xi32, #tpu.memory_space<hbm>>
    %dma_start3A_44 = arith.constant 0 : i32
    %dma_start3A_45 = tpu.memref_slice %arg6[%dma_start3A_38, %dma_start3A_39, %dma_start3A_44] : memref<8x2x64xi32, #tpu.memory_space<vmem>> -> memref<1x1x64xi32, #tpu.memory_space<vmem>>
    %dma_start3A_46 = tpu.memref_squeeze %dma_start3A_45 : memref<1x1x64xi32, #tpu.memory_space<vmem>> -> memref<64xi32, #tpu.memory_space<vmem>>
    %dma_start3A_47 = tpu.memref_slice %arg2[%mul3A_37] : memref<640000xi32, #tpu.memory_space<hbm>> -> memref<64xi32, #tpu.memory_space<hbm>>
    tpu.enqueue_dma source(%dma_start3A_47 : memref<64xi32, #tpu.memory_space<hbm>>) target(%dma_start3A_46 : memref<64xi32, #tpu.memory_space<vmem>>) target_semaphore(%arg14 : memref<!tpu.dma_semaphore, #tpu.memory_space<semaphore_mem>>)
    %add3A_48 = arith.constant 320000 : i32
    %add3A_49 = arith.addi %add3A_48, %mul3A_37 : i32
    %dma_start3A_50 = arith.constant 1 : i32
    %dma_start3A_51 = arith.constant 1 : i32
    %dma_start3A_52 = arith.constant 0 : i32
    %dma_start3A_53 = tpu.memref_slice %arg6[%dma_start3A_50, %dma_start3A_51, %dma_start3A_52] : memref<8x2x64xi32, #tpu.memory_space<vmem>> -> memref<1x1x64xi32, #tpu.memory_space<vmem>>
    %dma_start3A_54 = tpu.memref_squeeze %dma_start3A_53 : memref<1x1x64xi32, #tpu.memory_space<vmem>> -> memref<64xi32, #tpu.memory_space<vmem>>
    %dma_start3A_55 = tpu.memref_slice %arg2[%add3A_49] : memref<640000xi32, #tpu.memory_space<hbm>> -> memref<64xi32, #tpu.memory_space<hbm>>
    %dma_start3A_56 = arith.constant 0 : i32
    %dma_start3A_57 = tpu.memref_slice %arg6[%dma_start3A_50, %dma_start3A_51, %dma_start3A_56] : memref<8x2x64xi32, #tpu.memory_space<vmem>> -> memref<1x1x64xi32, #tpu.memory_space<vmem>>
    %dma_start3A_58 = tpu.memref_squeeze %dma_start3A_57 : memref<1x1x64xi32, #tpu.memory_space<vmem>> -> memref<64xi32, #tpu.memory_space<vmem>>
    %dma_start3A_59 = tpu.memref_slice %arg2[%add3A_49] : memref<640000xi32, #tpu.memory_space<hbm>> -> memref<64xi32, #tpu.memory_space<hbm>>
    tpu.enqueue_dma source(%dma_start3A_59 : memref<64xi32, #tpu.memory_space<hbm>>) target(%dma_start3A_58 : memref<64xi32, #tpu.memory_space<vmem>>) target_semaphore(%arg14 : memref<!tpu.dma_semaphore, #tpu.memory_space<semaphore_mem>>)
    %add3A_60 = arith.constant 2 : i32
    %add3A_61 = arith.addi %add3A_4, %add3A_60 : i32
    %mul3A_62 = arith.constant 64 : i32
    %mul3A_63 = arith.muli %add3A_61, %mul3A_62 : i32
    %dma_start3A_64 = arith.constant 2 : i32
    %dma_start3A_65 = arith.constant 0 : i32
    %dma_start3A_66 = arith.constant 0 : i32
    %dma_start3A_67 = tpu.memref_slice %arg6[%dma_start3A_64, %dma_start3A_65, %dma_start3A_66] : memref<8x2x64xi32, #tpu.memory_space<vmem>> -> memref<1x1x64xi32, #tpu.memory_space<vmem>>
    %dma_start3A_68 = tpu.memref_squeeze %dma_start3A_67 : memref<1x1x64xi32, #tpu.memory_space<vmem>> -> memref<64xi32, #tpu.memory_space<vmem>>
    %dma_start3A_69 = tpu.memref_slice %arg2[%mul3A_63] : memref<640000xi32, #tpu.memory_space<hbm>> -> memref<64xi32, #tpu.memory_space<hbm>>
    %dma_start3A_70 = arith.constant 0 : i32
    %dma_start3A_71 = tpu.memref_slice %arg6[%dma_start3A_64, %dma_start3A_65, %dma_start3A_70] : memref<8x2x64xi32, #tpu.memory_space<vmem>> -> memref<1x1x64xi32, #tpu.memory_space<vmem>>
    %dma_start3A_72 = tpu.memref_squeeze %dma_start3A_71 : memref<1x1x64xi32, #tpu.memory_space<vmem>> -> memref<64xi32, #tpu.memory_space<vmem>>
    %dma_start3A_73 = tpu.memref_slice %arg2[%mul3A_63] : memref<640000xi32, #tpu.memory_space<hbm>> -> memref<64xi32, #tpu.memory_space<hbm>>
    tpu.enqueue_dma source(%dma_start3A_73 : memref<64xi32, #tpu.memory_space<hbm>>) target(%dma_start3A_72 : memref<64xi32, #tpu.memory_space<vmem>>) target_semaphore(%arg15 : memref<!tpu.dma_semaphore, #tpu.memory_space<semaphore_mem>>)
    %add3A_74 = arith.constant 320000 : i32
    %add3A_75 = arith.addi %add3A_74, %mul3A_63 : i32
    %dma_start3A_76 = arith.constant 2 : i32
    %dma_start3A_77 = arith.constant 1 : i32
    %dma_start3A_78 = arith.constant 0 : i32
    %dma_start3A_79 = tpu.memref_slice %arg6[%dma_start3A_76, %dma_start3A_77, %dma_start3A_78] : memref<8x2x64xi32, #tpu.memory_space<vmem>> -> memref<1x1x64xi32, #tpu.memory_space<vmem>>
    %dma_start3A_80 = tpu.memref_squeeze %dma_start3A_79 : memref<1x1x64xi32, #tpu.memory_space<vmem>> -> memref<64xi32, #tpu.memory_space<vmem>>
    %dma_start3A_81 = tpu.memref_slice %arg2[%add3A_75] : memref<640000xi32, #tpu.memory_space<hbm>> -> memref<64xi32, #tpu.memory_space<hbm>>
    %dma_start3A_82 = arith.constant 0 : i32
    %dma_start3A_83 = tpu.memref_slice %arg6[%dma_start3A_76, %dma_start3A_77, %dma_start3A_82] : memref<8x2x64xi32, #tpu.memory_space<vmem>> -> memref<1x1x64xi32, #tpu.memory_space<vmem>>
    %dma_start3A_84 = tpu.memref_squeeze %dma_start3A_83 : memref<1x1x64xi32, #tpu.memory_space<vmem>> -> memref<64xi32, #tpu.memory_space<vmem>>
    %dma_start3A_85 = tpu.memref_slice %arg2[%add3A_75] : memref<640000xi32, #tpu.memory_space<hbm>> -> memref<64xi32, #tpu.memory_space<hbm>>
    tpu.enqueue_dma source(%dma_start3A_85 : memref<64xi32, #tpu.memory_space<hbm>>) target(%dma_start3A_84 : memref<64xi32, #tpu.memory_space<vmem>>) target_semaphore(%arg15 : memref<!tpu.dma_semaphore, #tpu.memory_space<semaphore_mem>>)
    %add3A_86 = arith.constant 3 : i32
    %add3A_87 = arith.addi %add3A_4, %add3A_86 : i32
    %mul3A_88 = arith.constant 64 : i32
    %mul3A_89 = arith.muli %add3A_87, %mul3A_88 : i32
    %dma_start3A_90 = arith.constant 3 : i32
    %dma_start3A_91 = arith.constant 0 : i32
    %dma_start3A_92 = arith.constant 0 : i32
    %dma_start3A_93 = tpu.memref_slice %arg6[%dma_start3A_90, %dma_start3A_91, %dma_start3A_92] : memref<8x2x64xi32, #tpu.memory_space<vmem>> -> memref<1x1x64xi32, #tpu.memory_space<vmem>>
    %dma_start3A_94 = tpu.memref_squeeze %dma_start3A_93 : memref<1x1x64xi32, #tpu.memory_space<vmem>> -> memref<64xi32, #tpu.memory_space<vmem>>
    %dma_start3A_95 = tpu.memref_slice %arg2[%mul3A_89] : memref<640000xi32, #tpu.memory_space<hbm>> -> memref<64xi32, #tpu.memory_space<hbm>>
    %dma_start3A_96 = arith.constant 0 : i32
    %dma_start3A_97 = tpu.memref_slice %arg6[%dma_start3A_90, %dma_start3A_91, %dma_start3A_96] : memref<8x2x64xi32, #tpu.memory_space<vmem>> -> memref<1x1x64xi32, #tpu.memory_space<vmem>>
    %dma_start3A_98 = tpu.memref_squeeze %dma_start3A_97 : memref<1x1x64xi32, #tpu.memory_space<vmem>> -> memref<64xi32, #tpu.memory_space<vmem>>
    %dma_start3A_99 = tpu.memref_slice %arg2[%mul3A_89] : memref<640000xi32, #tpu.memory_space<hbm>> -> memref<64xi32, #tpu.memory_space<hbm>>
    tpu.enqueue_dma source(%dma_start3A_99 : memref<64xi32, #tpu.memory_space<hbm>>) target(%dma_start3A_98 : memref<64xi32, #tpu.memory_space<vmem>>) target_semaphore(%arg16 : memref<!tpu.dma_semaphore, #tpu.memory_space<semaphore_mem>>)
    %add3A_100 = arith.constant 320000 : i32
    %add3A_101 = arith.addi %add3A_100, %mul3A_89 : i32
    %dma_start3A_102 = arith.constant 3 : i32
    %dma_start3A_103 = arith.constant 1 : i32
    %dma_start3A_104 = arith.constant 0 : i32
    %dma_start3A_105 = tpu.memref_slice %arg6[%dma_start3A_102, %dma_start3A_103, %dma_start3A_104] : memref<8x2x64xi32, #tpu.memory_space<vmem>> -> memref<1x1x64xi32, #tpu.memory_space<vmem>>
    %dma_start3A_106 = tpu.memref_squeeze %dma_start3A_105 : memref<1x1x64xi32, #tpu.memory_space<vmem>> -> memref<64xi32, #tpu.memory_space<vmem>>
    %dma_start3A_107 = tpu.memref_slice %arg2[%add3A_101] : memref<640000xi32, #tpu.memory_space<hbm>> -> memref<64xi32, #tpu.memory_space<hbm>>
    %dma_start3A_108 = arith.constant 0 : i32
    %dma_start3A_109 = tpu.memref_slice %arg6[%dma_start3A_102, %dma_start3A_103, %dma_start3A_108] : memref<8x2x64xi32, #tpu.memory_space<vmem>> -> memref<1x1x64xi32, #tpu.memory_space<vmem>>
    %dma_start3A_110 = tpu.memref_squeeze %dma_start3A_109 : memref<1x1x64xi32, #tpu.memory_space<vmem>> -> memref<64xi32, #tpu.memory_space<vmem>>
    %dma_start3A_111 = tpu.memref_slice %arg2[%add3A_101] : memref<640000xi32, #tpu.memory_space<hbm>> -> memref<64xi32, #tpu.memory_space<hbm>>
    tpu.enqueue_dma source(%dma_start3A_111 : memref<64xi32, #tpu.memory_space<hbm>>) target(%dma_start3A_110 : memref<64xi32, #tpu.memory_space<vmem>>) target_semaphore(%arg16 : memref<!tpu.dma_semaphore, #tpu.memory_space<semaphore_mem>>)
    %add3A_112 = arith.constant 4 : i32
    %add3A_113 = arith.addi %add3A_4, %add3A_112 : i32
    %mul3A_114 = arith.constant 64 : i32
    %mul3A_115 = arith.muli %add3A_113, %mul3A_114 : i32
    %dma_start3A_116 = arith.constant 4 : i32
    %dma_start3A_117 = arith.constant 0 : i32
    %dma_start3A_118 = arith.constant 0 : i32
    %dma_start3A_119 = tpu.memref_slice %arg6[%dma_start3A_116, %dma_start3A_117, %dma_start3A_118] : memref<8x2x64xi32, #tpu.memory_space<vmem>> -> memref<1x1x64xi32, #tpu.memory_space<vmem>>
    %dma_start3A_120 = tpu.memref_squeeze %dma_start3A_119 : memref<1x1x64xi32, #tpu.memory_space<vmem>> -> memref<64xi32, #tpu.memory_space<vmem>>
    %dma_start3A_121 = tpu.memref_slice %arg2[%mul3A_115] : memref<640000xi32, #tpu.memory_space<hbm>> -> memref<64xi32, #tpu.memory_space<hbm>>
    %dma_start3A_122 = arith.constant 0 : i32
    %dma_start3A_123 = tpu.memref_slice %arg6[%dma_start3A_116, %dma_start3A_117, %dma_start3A_122] : memref<8x2x64xi32, #tpu.memory_space<vmem>> -> memref<1x1x64xi32, #tpu.memory_space<vmem>>
    %dma_start3A_124 = tpu.memref_squeeze %dma_start3A_123 : memref<1x1x64xi32, #tpu.memory_space<vmem>> -> memref<64xi32, #tpu.memory_space<vmem>>
    %dma_start3A_125 = tpu.memref_slice %arg2[%mul3A_115] : memref<640000xi32, #tpu.memory_space<hbm>> -> memref<64xi32, #tpu.memory_space<hbm>>
    tpu.enqueue_dma source(%dma_start3A_125 : memref<64xi32, #tpu.memory_space<hbm>>) target(%dma_start3A_124 : memref<64xi32, #tpu.memory_space<vmem>>) target_semaphore(%arg17 : memref<!tpu.dma_semaphore, #tpu.memory_space<semaphore_mem>>)
    %add3A_126 = arith.constant 320000 : i32
    %add3A_127 = arith.addi %add3A_126, %mul3A_115 : i32
    %dma_start3A_128 = arith.constant 4 : i32
    %dma_start3A_129 = arith.constant 1 : i32
    %dma_start3A_130 = arith.constant 0 : i32
    %dma_start3A_131 = tpu.memref_slice %arg6[%dma_start3A_128, %dma_start3A_129, %dma_start3A_130] : memref<8x2x64xi32, #tpu.memory_space<vmem>> -> memref<1x1x64xi32, #tpu.memory_space<vmem>>
    %dma_start3A_132 = tpu.memref_squeeze %dma_start3A_131 : memref<1x1x64xi32, #tpu.memory_space<vmem>> -> memref<64xi32, #tpu.memory_space<vmem>>
    %dma_start3A_133 = tpu.memref_slice %arg2[%add3A_127] : memref<640000xi32, #tpu.memory_space<hbm>> -> memref<64xi32, #tpu.memory_space<hbm>>
    %dma_start3A_134 = arith.constant 0 : i32
    %dma_start3A_135 = tpu.memref_slice %arg6[%dma_start3A_128, %dma_start3A_129, %dma_start3A_134] : memref<8x2x64xi32, #tpu.memory_space<vmem>> -> memref<1x1x64xi32, #tpu.memory_space<vmem>>
    %dma_start3A_136 = tpu.memref_squeeze %dma_start3A_135 : memref<1x1x64xi32, #tpu.memory_space<vmem>> -> memref<64xi32, #tpu.memory_space<vmem>>
    %dma_start3A_137 = tpu.memref_slice %arg2[%add3A_127] : memref<640000xi32, #tpu.memory_space<hbm>> -> memref<64xi32, #tpu.memory_space<hbm>>
    tpu.enqueue_dma source(%dma_start3A_137 : memref<64xi32, #tpu.memory_space<hbm>>) target(%dma_start3A_136 : memref<64xi32, #tpu.memory_space<vmem>>) target_semaphore(%arg17 : memref<!tpu.dma_semaphore, #tpu.memory_space<semaphore_mem>>)
    %add3A_138 = arith.constant 5 : i32
    %add3A_139 = arith.addi %add3A_4, %add3A_138 : i32
    %mul3A_140 = arith.constant 64 : i32
    %mul3A_141 = arith.muli %add3A_139, %mul3A_140 : i32
    %dma_start3A_142 = arith.constant 5 : i32
    %dma_start3A_143 = arith.constant 0 : i32
    %dma_start3A_144 = arith.constant 0 : i32
    %dma_start3A_145 = tpu.memref_slice %arg6[%dma_start3A_142, %dma_start3A_143, %dma_start3A_144] : memref<8x2x64xi32, #tpu.memory_space<vmem>> -> memref<1x1x64xi32, #tpu.memory_space<vmem>>
    %dma_start3A_146 = tpu.memref_squeeze %dma_start3A_145 : memref<1x1x64xi32, #tpu.memory_space<vmem>> -> memref<64xi32, #tpu.memory_space<vmem>>
    %dma_start3A_147 = tpu.memref_slice %arg2[%mul3A_141] : memref<640000xi32, #tpu.memory_space<hbm>> -> memref<64xi32, #tpu.memory_space<hbm>>
    %dma_start3A_148 = arith.constant 0 : i32
    %dma_start3A_149 = tpu.memref_slice %arg6[%dma_start3A_142, %dma_start3A_143, %dma_start3A_148] : memref<8x2x64xi32, #tpu.memory_space<vmem>> -> memref<1x1x64xi32, #tpu.memory_space<vmem>>
    %dma_start3A_150 = tpu.memref_squeeze %dma_start3A_149 : memref<1x1x64xi32, #tpu.memory_space<vmem>> -> memref<64xi32, #tpu.memory_space<vmem>>
    %dma_start3A_151 = tpu.memref_slice %arg2[%mul3A_141] : memref<640000xi32, #tpu.memory_space<hbm>> -> memref<64xi32, #tpu.memory_space<hbm>>
    tpu.enqueue_dma source(%dma_start3A_151 : memref<64xi32, #tpu.memory_space<hbm>>) target(%dma_start3A_150 : memref<64xi32, #tpu.memory_space<vmem>>) target_semaphore(%arg18 : memref<!tpu.dma_semaphore, #tpu.memory_space<semaphore_mem>>)
    %add3A_152 = arith.constant 320000 : i32
    %add3A_153 = arith.addi %add3A_152, %mul3A_141 : i32
    %dma_start3A_154 = arith.constant 5 : i32
    %dma_start3A_155 = arith.constant 1 : i32
    %dma_start3A_156 = arith.constant 0 : i32
    %dma_start3A_157 = tpu.memref_slice %arg6[%dma_start3A_154, %dma_start3A_155, %dma_start3A_156] : memref<8x2x64xi32, #tpu.memory_space<vmem>> -> memref<1x1x64xi32, #tpu.memory_space<vmem>>
    %dma_start3A_158 = tpu.memref_squeeze %dma_start3A_157 : memref<1x1x64xi32, #tpu.memory_space<vmem>> -> memref<64xi32, #tpu.memory_space<vmem>>
    %dma_start3A_159 = tpu.memref_slice %arg2[%add3A_153] : memref<640000xi32, #tpu.memory_space<hbm>> -> memref<64xi32, #tpu.memory_space<hbm>>
    %dma_start3A_160 = arith.constant 0 : i32
    %dma_start3A_161 = tpu.memref_slice %arg6[%dma_start3A_154, %dma_start3A_155, %dma_start3A_160] : memref<8x2x64xi32, #tpu.memory_space<vmem>> -> memref<1x1x64xi32, #tpu.memory_space<vmem>>
    %dma_start3A_162 = tpu.memref_squeeze %dma_start3A_161 : memref<1x1x64xi32, #tpu.memory_space<vmem>> -> memref<64xi32, #tpu.memory_space<vmem>>
    %dma_start3A_163 = tpu.memref_slice %arg2[%add3A_153] : memref<640000xi32, #tpu.memory_space<hbm>> -> memref<64xi32, #tpu.memory_space<hbm>>
    tpu.enqueue_dma source(%dma_start3A_163 : memref<64xi32, #tpu.memory_space<hbm>>) target(%dma_start3A_162 : memref<64xi32, #tpu.memory_space<vmem>>) target_semaphore(%arg18 : memref<!tpu.dma_semaphore, #tpu.memory_space<semaphore_mem>>)
    %add3A_164 = arith.constant 6 : i32
    %add3A_165 = arith.addi %add3A_4, %add3A_164 : i32
    %mul3A_166 = arith.constant 64 : i32
    %mul3A_167 = arith.muli %add3A_165, %mul3A_166 : i32
    %dma_start3A_168 = arith.constant 6 : i32
    %dma_start3A_169 = arith.constant 0 : i32
    %dma_start3A_170 = arith.constant 0 : i32
    %dma_start3A_171 = tpu.memref_slice %arg6[%dma_start3A_168, %dma_start3A_169, %dma_start3A_170] : memref<8x2x64xi32, #tpu.memory_space<vmem>> -> memref<1x1x64xi32, #tpu.memory_space<vmem>>
    %dma_start3A_172 = tpu.memref_squeeze %dma_start3A_171 : memref<1x1x64xi32, #tpu.memory_space<vmem>> -> memref<64xi32, #tpu.memory_space<vmem>>
    %dma_start3A_173 = tpu.memref_slice %arg2[%mul3A_167] : memref<640000xi32, #tpu.memory_space<hbm>> -> memref<64xi32, #tpu.memory_space<hbm>>
    %dma_start3A_174 = arith.constant 0 : i32
    %dma_start3A_175 = tpu.memref_slice %arg6[%dma_start3A_168, %dma_start3A_169, %dma_start3A_174] : memref<8x2x64xi32, #tpu.memory_space<vmem>> -> memref<1x1x64xi32, #tpu.memory_space<vmem>>
    %dma_start3A_176 = tpu.memref_squeeze %dma_start3A_175 : memref<1x1x64xi32, #tpu.memory_space<vmem>> -> memref<64xi32, #tpu.memory_space<vmem>>
    %dma_start3A_177 = tpu.memref_slice %arg2[%mul3A_167] : memref<640000xi32, #tpu.memory_space<hbm>> -> memref<64xi32, #tpu.memory_space<hbm>>
    tpu.enqueue_dma source(%dma_start3A_177 : memref<64xi32, #tpu.memory_space<hbm>>) target(%dma_start3A_176 : memref<64xi32, #tpu.memory_space<vmem>>) target_semaphore(%arg19 : memref<!tpu.dma_semaphore, #tpu.memory_space<semaphore_mem>>)
    %add3A_178 = arith.constant 320000 : i32
    %add3A_179 = arith.addi %add3A_178, %mul3A_167 : i32
    %dma_start3A_180 = arith.constant 6 : i32
    %dma_start3A_181 = arith.constant 1 : i32
    %dma_start3A_182 = arith.constant 0 : i32
    %dma_start3A_183 = tpu.memref_slice %arg6[%dma_start3A_180, %dma_start3A_181, %dma_start3A_182] : memref<8x2x64xi32, #tpu.memory_space<vmem>> -> memref<1x1x64xi32, #tpu.memory_space<vmem>>
    %dma_start3A_184 = tpu.memref_squeeze %dma_start3A_183 : memref<1x1x64xi32, #tpu.memory_space<vmem>> -> memref<64xi32, #tpu.memory_space<vmem>>
    %dma_start3A_185 = tpu.memref_slice %arg2[%add3A_179] : memref<640000xi32, #tpu.memory_space<hbm>> -> memref<64xi32, #tpu.memory_space<hbm>>
    %dma_start3A_186 = arith.constant 0 : i32
    %dma_start3A_187 = tpu.memref_slice %arg6[%dma_start3A_180, %dma_start3A_181, %dma_start3A_186] : memref<8x2x64xi32, #tpu.memory_space<vmem>> -> memref<1x1x64xi32, #tpu.memory_space<vmem>>
    %dma_start3A_188 = tpu.memref_squeeze %dma_start3A_187 : memref<1x1x64xi32, #tpu.memory_space<vmem>> -> memref<64xi32, #tpu.memory_space<vmem>>
    %dma_start3A_189 = tpu.memref_slice %arg2[%add3A_179] : memref<640000xi32, #tpu.memory_space<hbm>> -> memref<64xi32, #tpu.memory_space<hbm>>
    tpu.enqueue_dma source(%dma_start3A_189 : memref<64xi32, #tpu.memory_space<hbm>>) target(%dma_start3A_188 : memref<64xi32, #tpu.memory_space<vmem>>) target_semaphore(%arg19 : memref<!tpu.dma_semaphore, #tpu.memory_space<semaphore_mem>>)
    %add3A_190 = arith.constant 7 : i32
    %add3A_191 = arith.addi %add3A_4, %add3A_190 : i32
    %mul3A_192 = arith.constant 64 : i32
    %mul3A_193 = arith.muli %add3A_191, %mul3A_192 : i32
    %dma_start3A_194 = arith.constant 7 : i32
    %dma_start3A_195 = arith.constant 0 : i32
    %dma_start3A_196 = arith.constant 0 : i32
    %dma_start3A_197 = tpu.memref_slice %arg6[%dma_start3A_194, %dma_start3A_195, %dma_start3A_196] : memref<8x2x64xi32, #tpu.memory_space<vmem>> -> memref<1x1x64xi32, #tpu.memory_space<vmem>>
    %dma_start3A_198 = tpu.memref_squeeze %dma_start3A_197 : memref<1x1x64xi32, #tpu.memory_space<vmem>> -> memref<64xi32, #tpu.memory_space<vmem>>
    %dma_start3A_199 = tpu.memref_slice %arg2[%mul3A_193] : memref<640000xi32, #tpu.memory_space<hbm>> -> memref<64xi32, #tpu.memory_space<hbm>>
    %dma_start3A_200 = arith.constant 0 : i32
    %dma_start3A_201 = tpu.memref_slice %arg6[%dma_start3A_194, %dma_start3A_195, %dma_start3A_200] : memref<8x2x64xi32, #tpu.memory_space<vmem>> -> memref<1x1x64xi32, #tpu.memory_space<vmem>>
    %dma_start3A_202 = tpu.memref_squeeze %dma_start3A_201 : memref<1x1x64xi32, #tpu.memory_space<vmem>> -> memref<64xi32, #tpu.memory_space<vmem>>
    %dma_start3A_203 = tpu.memref_slice %arg2[%mul3A_193] : memref<640000xi32, #tpu.memory_space<hbm>> -> memref<64xi32, #tpu.memory_space<hbm>>
    tpu.enqueue_dma source(%dma_start3A_203 : memref<64xi32, #tpu.memory_space<hbm>>) target(%dma_start3A_202 : memref<64xi32, #tpu.memory_space<vmem>>) target_semaphore(%arg20 : memref<!tpu.dma_semaphore, #tpu.memory_space<semaphore_mem>>)
    %add3A_204 = arith.constant 320000 : i32
    %add3A_205 = arith.addi %add3A_204, %mul3A_193 : i32
    %dma_start3A_206 = arith.constant 7 : i32
    %dma_start3A_207 = arith.constant 1 : i32
    %dma_start3A_208 = arith.constant 0 : i32
    %dma_start3A_209 = tpu.memref_slice %arg6[%dma_start3A_206, %dma_start3A_207, %dma_start3A_208] : memref<8x2x64xi32, #tpu.memory_space<vmem>> -> memref<1x1x64xi32, #tpu.memory_space<vmem>>
    %dma_start3A_210 = tpu.memref_squeeze %dma_start3A_209 : memref<1x1x64xi32, #tpu.memory_space<vmem>> -> memref<64xi32, #tpu.memory_space<vmem>>
    %dma_start3A_211 = tpu.memref_slice %arg2[%add3A_205] : memref<640000xi32, #tpu.memory_space<hbm>> -> memref<64xi32, #tpu.memory_space<hbm>>
    %dma_start3A_212 = arith.constant 0 : i32
    %dma_start3A_213 = tpu.memref_slice %arg6[%dma_start3A_206, %dma_start3A_207, %dma_start3A_212] : memref<8x2x64xi32, #tpu.memory_space<vmem>> -> memref<1x1x64xi32, #tpu.memory_space<vmem>>
    %dma_start3A_214 = tpu.memref_squeeze %dma_start3A_213 : memref<1x1x64xi32, #tpu.memory_space<vmem>> -> memref<64xi32, #tpu.memory_space<vmem>>
    %dma_start3A_215 = tpu.memref_slice %arg2[%add3A_205] : memref<640000xi32, #tpu.memory_space<hbm>> -> memref<64xi32, #tpu.memory_space<hbm>>
    tpu.enqueue_dma source(%dma_start3A_215 : memref<64xi32, #tpu.memory_space<hbm>>) target(%dma_start3A_214 : memref<64xi32, #tpu.memory_space<vmem>>) target_semaphore(%arg20 : memref<!tpu.dma_semaphore, #tpu.memory_space<semaphore_mem>>)
    %add3A_216 = arith.constant 0 : i32
    %add3A_217 = arith.addi %add3A_4, %add3A_216 : i32
    %mul3A_218 = arith.constant 64 : i32
    %mul3A_219 = arith.muli %add3A_217, %mul3A_218 : i32
    %dma_wait3A = arith.constant 0 : i32
    %dma_wait3A_220 = arith.constant 0 : i32
    %dma_wait3A_221 = arith.constant 0 : i32
    %dma_wait3A_222 = tpu.memref_slice %arg6[%dma_wait3A, %dma_wait3A_220, %dma_wait3A_221] : memref<8x2x64xi32, #tpu.memory_space<vmem>> -> memref<1x1x64xi32, #tpu.memory_space<vmem>>
    %dma_wait3A_223 = tpu.memref_squeeze %dma_wait3A_222 : memref<1x1x64xi32, #tpu.memory_space<vmem>> -> memref<64xi32, #tpu.memory_space<vmem>>
    %dma_wait3A_224 = tpu.memref_slice %arg2[%mul3A_219] : memref<640000xi32, #tpu.memory_space<hbm>> -> memref<64xi32, #tpu.memory_space<hbm>>
    %dma_wait3A_225 = arith.constant 0 : i32
    %dma_wait3A_226 = tpu.memref_slice %arg6[%dma_wait3A, %dma_wait3A_220, %dma_wait3A_225] : memref<8x2x64xi32, #tpu.memory_space<vmem>> -> memref<1x1x64xi32, #tpu.memory_space<vmem>>
    %dma_wait3A_227 = tpu.memref_squeeze %dma_wait3A_226 : memref<1x1x64xi32, #tpu.memory_space<vmem>> -> memref<64xi32, #tpu.memory_space<vmem>>
    %dma_wait3A_228 = tpu.memref_slice %arg2[%mul3A_219] : memref<640000xi32, #tpu.memory_space<hbm>> -> memref<64xi32, #tpu.memory_space<hbm>>
    tpu.wait_dma2 semaphore(%arg13 : memref<!tpu.dma_semaphore, #tpu.memory_space<semaphore_mem>>) src(%dma_wait3A_228 : memref<64xi32, #tpu.memory_space<hbm>>) dst(%dma_wait3A_227 : memref<64xi32, #tpu.memory_space<vmem>>)
    %add3A_229 = arith.constant 320000 : i32
    %add3A_230 = arith.addi %add3A_229, %mul3A_219 : i32
    %dma_wait3A_231 = arith.constant 0 : i32
    %dma_wait3A_232 = arith.constant 1 : i32
    %dma_wait3A_233 = arith.constant 0 : i32
    %dma_wait3A_234 = tpu.memref_slice %arg6[%dma_wait3A_231, %dma_wait3A_232, %dma_wait3A_233] : memref<8x2x64xi32, #tpu.memory_space<vmem>> -> memref<1x1x64xi32, #tpu.memory_space<vmem>>
    %dma_wait3A_235 = tpu.memref_squeeze %dma_wait3A_234 : memref<1x1x64xi32, #tpu.memory_space<vmem>> -> memref<64xi32, #tpu.memory_space<vmem>>
    %dma_wait3A_236 = tpu.memref_slice %arg2[%add3A_230] : memref<640000xi32, #tpu.memory_space<hbm>> -> memref<64xi32, #tpu.memory_space<hbm>>
    %dma_wait3A_237 = arith.constant 0 : i32
    %dma_wait3A_238 = tpu.memref_slice %arg6[%dma_wait3A_231, %dma_wait3A_232, %dma_wait3A_237] : memref<8x2x64xi32, #tpu.memory_space<vmem>> -> memref<1x1x64xi32, #tpu.memory_space<vmem>>
    %dma_wait3A_239 = tpu.memref_squeeze %dma_wait3A_238 : memref<1x1x64xi32, #tpu.memory_space<vmem>> -> memref<64xi32, #tpu.memory_space<vmem>>
    %dma_wait3A_240 = tpu.memref_slice %arg2[%add3A_230] : memref<640000xi32, #tpu.memory_space<hbm>> -> memref<64xi32, #tpu.memory_space<hbm>>
    tpu.wait_dma2 semaphore(%arg13 : memref<!tpu.dma_semaphore, #tpu.memory_space<semaphore_mem>>) src(%dma_wait3A_240 : memref<64xi32, #tpu.memory_space<hbm>>) dst(%dma_wait3A_239 : memref<64xi32, #tpu.memory_space<vmem>>)
    %dma_start3A_241 = arith.constant 0 : i32
    %dma_start3A_242 = arith.constant 0 : i32
    %dma_start3A_243 = arith.constant 0 : i32
    %dma_start3A_244 = arith.constant 0 : i32
    %dma_start3A_245 = arith.constant 0 : i32
    %dma_start3A_246 = tpu.memref_slice %arg7[%dma_start3A_243, %dma_start3A_244, %dma_start3A_245] : memref<4x64x128xf32, #tpu.memory_space<vmem>> -> memref<1x64x128xf32, #tpu.memory_space<vmem>>
    %dma_start3A_247 = tpu.memref_squeeze %dma_start3A_246 : memref<1x64x128xf32, #tpu.memory_space<vmem>> -> memref<64x128xf32, #tpu.memory_space<vmem>>
    %dma_start3A_248 = arith.constant 0 : i32
    %dma_start3A_249 = tpu.memref_slice %arg6[%dma_start3A_241, %dma_start3A_242, %dma_start3A_248] : memref<8x2x64xi32, #tpu.memory_space<vmem>> -> memref<1x1x64xi32, #tpu.memory_space<vmem>>
    %dma_start3A_250 = tpu.memref_squeeze %dma_start3A_249 : memref<1x1x64xi32, #tpu.memory_space<vmem>> -> memref<64xi32, #tpu.memory_space<vmem>>
    %dma_start3A_251 = arith.constant 0 : i32
    %dma_start3A_252 = arith.constant 0 : i32
    %dma_start3A_253 = tpu.memref_slice %arg3[%dma_start3A_251, %dma_start3A_252] : memref<10240x128xf32, #tpu.memory_space<hbm>> -> memref<10240x128xf32, #tpu.memory_space<hbm>>
    tpu.enqueue_indirect_dma source(%dma_start3A_253 : memref<10240x128xf32, #tpu.memory_space<hbm>>) target(%dma_start3A_247 : memref<64x128xf32, #tpu.memory_space<vmem>>) offsets(%dma_start3A_250 : memref<64xi32, #tpu.memory_space<vmem>>) semaphore(%arg9 : memref<!tpu.dma_semaphore, #tpu.memory_space<semaphore_mem>>)
    %add3A_254 = arith.constant 1 : i32
    %add3A_255 = arith.addi %add3A_4, %add3A_254 : i32
    %mul3A_256 = arith.constant 64 : i32
    %mul3A_257 = arith.muli %add3A_255, %mul3A_256 : i32
    %dma_wait3A_258 = arith.constant 1 : i32
    %dma_wait3A_259 = arith.constant 0 : i32
    %dma_wait3A_260 = arith.constant 0 : i32
    %dma_wait3A_261 = tpu.memref_slice %arg6[%dma_wait3A_258, %dma_wait3A_259, %dma_wait3A_260] : memref<8x2x64xi32, #tpu.memory_space<vmem>> -> memref<1x1x64xi32, #tpu.memory_space<vmem>>
    %dma_wait3A_262 = tpu.memref_squeeze %dma_wait3A_261 : memref<1x1x64xi32, #tpu.memory_space<vmem>> -> memref<64xi32, #tpu.memory_space<vmem>>
    %dma_wait3A_263 = tpu.memref_slice %arg2[%mul3A_257] : memref<640000xi32, #tpu.memory_space<hbm>> -> memref<64xi32, #tpu.memory_space<hbm>>
    %dma_wait3A_264 = arith.constant 0 : i32
    %dma_wait3A_265 = tpu.memref_slice %arg6[%dma_wait3A_258, %dma_wait3A_259, %dma_wait3A_264] : memref<8x2x64xi32, #tpu.memory_space<vmem>> -> memref<1x1x64xi32, #tpu.memory_space<vmem>>
    %dma_wait3A_266 = tpu.memref_squeeze %dma_wait3A_265 : memref<1x1x64xi32, #tpu.memory_space<vmem>> -> memref<64xi32, #tpu.memory_space<vmem>>
    %dma_wait3A_267 = tpu.memref_slice %arg2[%mul3A_257] : memref<640000xi32, #tpu.memory_space<hbm>> -> memref<64xi32, #tpu.memory_space<hbm>>
    tpu.wait_dma2 semaphore(%arg14 : memref<!tpu.dma_semaphore, #tpu.memory_space<semaphore_mem>>) src(%dma_wait3A_267 : memref<64xi32, #tpu.memory_space<hbm>>) dst(%dma_wait3A_266 : memref<64xi32, #tpu.memory_space<vmem>>)
    %add3A_268 = arith.constant 320000 : i32
    %add3A_269 = arith.addi %add3A_268, %mul3A_257 : i32
    %dma_wait3A_270 = arith.constant 1 : i32
    %dma_wait3A_271 = arith.constant 1 : i32
    %dma_wait3A_272 = arith.constant 0 : i32
    %dma_wait3A_273 = tpu.memref_slice %arg6[%dma_wait3A_270, %dma_wait3A_271, %dma_wait3A_272] : memref<8x2x64xi32, #tpu.memory_space<vmem>> -> memref<1x1x64xi32, #tpu.memory_space<vmem>>
    %dma_wait3A_274 = tpu.memref_squeeze %dma_wait3A_273 : memref<1x1x64xi32, #tpu.memory_space<vmem>> -> memref<64xi32, #tpu.memory_space<vmem>>
    %dma_wait3A_275 = tpu.memref_slice %arg2[%add3A_269] : memref<640000xi32, #tpu.memory_space<hbm>> -> memref<64xi32, #tpu.memory_space<hbm>>
    %dma_wait3A_276 = arith.constant 0 : i32
    %dma_wait3A_277 = tpu.memref_slice %arg6[%dma_wait3A_270, %dma_wait3A_271, %dma_wait3A_276] : memref<8x2x64xi32, #tpu.memory_space<vmem>> -> memref<1x1x64xi32, #tpu.memory_space<vmem>>
    %dma_wait3A_278 = tpu.memref_squeeze %dma_wait3A_277 : memref<1x1x64xi32, #tpu.memory_space<vmem>> -> memref<64xi32, #tpu.memory_space<vmem>>
    %dma_wait3A_279 = tpu.memref_slice %arg2[%add3A_269] : memref<640000xi32, #tpu.memory_space<hbm>> -> memref<64xi32, #tpu.memory_space<hbm>>
    tpu.wait_dma2 semaphore(%arg14 : memref<!tpu.dma_semaphore, #tpu.memory_space<semaphore_mem>>) src(%dma_wait3A_279 : memref<64xi32, #tpu.memory_space<hbm>>) dst(%dma_wait3A_278 : memref<64xi32, #tpu.memory_space<vmem>>)
    %dma_start3A_280 = arith.constant 1 : i32
    %dma_start3A_281 = arith.constant 0 : i32
    %dma_start3A_282 = arith.constant 1 : i32
    %dma_start3A_283 = arith.constant 0 : i32
    %dma_start3A_284 = arith.constant 0 : i32
    %dma_start3A_285 = tpu.memref_slice %arg7[%dma_start3A_282, %dma_start3A_283, %dma_start3A_284] : memref<4x64x128xf32, #tpu.memory_space<vmem>> -> memref<1x64x128xf32, #tpu.memory_space<vmem>>
    %dma_start3A_286 = tpu.memref_squeeze %dma_start3A_285 : memref<1x64x128xf32, #tpu.memory_space<vmem>> -> memref<64x128xf32, #tpu.memory_space<vmem>>
    %dma_start3A_287 = arith.constant 0 : i32
    %dma_start3A_288 = tpu.memref_slice %arg6[%dma_start3A_280, %dma_start3A_281, %dma_start3A_287] : memref<8x2x64xi32, #tpu.memory_space<vmem>> -> memref<1x1x64xi32, #tpu.memory_space<vmem>>
    %dma_start3A_289 = tpu.memref_squeeze %dma_start3A_288 : memref<1x1x64xi32, #tpu.memory_space<vmem>> -> memref<64xi32, #tpu.memory_space<vmem>>
    %dma_start3A_290 = arith.constant 0 : i32
    %dma_start3A_291 = arith.constant 0 : i32
    %dma_start3A_292 = tpu.memref_slice %arg3[%dma_start3A_290, %dma_start3A_291] : memref<10240x128xf32, #tpu.memory_space<hbm>> -> memref<10240x128xf32, #tpu.memory_space<hbm>>
    tpu.enqueue_indirect_dma source(%dma_start3A_292 : memref<10240x128xf32, #tpu.memory_space<hbm>>) target(%dma_start3A_286 : memref<64x128xf32, #tpu.memory_space<vmem>>) offsets(%dma_start3A_289 : memref<64xi32, #tpu.memory_space<vmem>>) semaphore(%arg10 : memref<!tpu.dma_semaphore, #tpu.memory_space<semaphore_mem>>)
    %add3A_293 = arith.constant 2 : i32
    %add3A_294 = arith.addi %add3A_4, %add3A_293 : i32
    %mul3A_295 = arith.constant 64 : i32
    %mul3A_296 = arith.muli %add3A_294, %mul3A_295 : i32
    %dma_wait3A_297 = arith.constant 2 : i32
    %dma_wait3A_298 = arith.constant 0 : i32
    %dma_wait3A_299 = arith.constant 0 : i32
    %dma_wait3A_300 = tpu.memref_slice %arg6[%dma_wait3A_297, %dma_wait3A_298, %dma_wait3A_299] : memref<8x2x64xi32, #tpu.memory_space<vmem>> -> memref<1x1x64xi32, #tpu.memory_space<vmem>>
    %dma_wait3A_301 = tpu.memref_squeeze %dma_wait3A_300 : memref<1x1x64xi32, #tpu.memory_space<vmem>> -> memref<64xi32, #tpu.memory_space<vmem>>
    %dma_wait3A_302 = tpu.memref_slice %arg2[%mul3A_296] : memref<640000xi32, #tpu.memory_space<hbm>> -> memref<64xi32, #tpu.memory_space<hbm>>
    %dma_wait3A_303 = arith.constant 0 : i32
    %dma_wait3A_304 = tpu.memref_slice %arg6[%dma_wait3A_297, %dma_wait3A_298, %dma_wait3A_303] : memref<8x2x64xi32, #tpu.memory_space<vmem>> -> memref<1x1x64xi32, #tpu.memory_space<vmem>>
    %dma_wait3A_305 = tpu.memref_squeeze %dma_wait3A_304 : memref<1x1x64xi32, #tpu.memory_space<vmem>> -> memref<64xi32, #tpu.memory_space<vmem>>
    %dma_wait3A_306 = tpu.memref_slice %arg2[%mul3A_296] : memref<640000xi32, #tpu.memory_space<hbm>> -> memref<64xi32, #tpu.memory_space<hbm>>
    tpu.wait_dma2 semaphore(%arg15 : memref<!tpu.dma_semaphore, #tpu.memory_space<semaphore_mem>>) src(%dma_wait3A_306 : memref<64xi32, #tpu.memory_space<hbm>>) dst(%dma_wait3A_305 : memref<64xi32, #tpu.memory_space<vmem>>)
    %add3A_307 = arith.constant 320000 : i32
    %add3A_308 = arith.addi %add3A_307, %mul3A_296 : i32
    %dma_wait3A_309 = arith.constant 2 : i32
    %dma_wait3A_310 = arith.constant 1 : i32
    %dma_wait3A_311 = arith.constant 0 : i32
    %dma_wait3A_312 = tpu.memref_slice %arg6[%dma_wait3A_309, %dma_wait3A_310, %dma_wait3A_311] : memref<8x2x64xi32, #tpu.memory_space<vmem>> -> memref<1x1x64xi32, #tpu.memory_space<vmem>>
    %dma_wait3A_313 = tpu.memref_squeeze %dma_wait3A_312 : memref<1x1x64xi32, #tpu.memory_space<vmem>> -> memref<64xi32, #tpu.memory_space<vmem>>
    %dma_wait3A_314 = tpu.memref_slice %arg2[%add3A_308] : memref<640000xi32, #tpu.memory_space<hbm>> -> memref<64xi32, #tpu.memory_space<hbm>>
    %dma_wait3A_315 = arith.constant 0 : i32
    %dma_wait3A_316 = tpu.memref_slice %arg6[%dma_wait3A_309, %dma_wait3A_310, %dma_wait3A_315] : memref<8x2x64xi32, #tpu.memory_space<vmem>> -> memref<1x1x64xi32, #tpu.memory_space<vmem>>
    %dma_wait3A_317 = tpu.memref_squeeze %dma_wait3A_316 : memref<1x1x64xi32, #tpu.memory_space<vmem>> -> memref<64xi32, #tpu.memory_space<vmem>>
    %dma_wait3A_318 = tpu.memref_slice %arg2[%add3A_308] : memref<640000xi32, #tpu.memory_space<hbm>> -> memref<64xi32, #tpu.memory_space<hbm>>
    tpu.wait_dma2 semaphore(%arg15 : memref<!tpu.dma_semaphore, #tpu.memory_space<semaphore_mem>>) src(%dma_wait3A_318 : memref<64xi32, #tpu.memory_space<hbm>>) dst(%dma_wait3A_317 : memref<64xi32, #tpu.memory_space<vmem>>)
    %dma_start3A_319 = arith.constant 2 : i32
    %dma_start3A_320 = arith.constant 0 : i32
    %dma_start3A_321 = arith.constant 2 : i32
    %dma_start3A_322 = arith.constant 0 : i32
    %dma_start3A_323 = arith.constant 0 : i32
    %dma_start3A_324 = tpu.memref_slice %arg7[%dma_start3A_321, %dma_start3A_322, %dma_start3A_323] : memref<4x64x128xf32, #tpu.memory_space<vmem>> -> memref<1x64x128xf32, #tpu.memory_space<vmem>>
    %dma_start3A_325 = tpu.memref_squeeze %dma_start3A_324 : memref<1x64x128xf32, #tpu.memory_space<vmem>> -> memref<64x128xf32, #tpu.memory_space<vmem>>
    %dma_start3A_326 = arith.constant 0 : i32
    %dma_start3A_327 = tpu.memref_slice %arg6[%dma_start3A_319, %dma_start3A_320, %dma_start3A_326] : memref<8x2x64xi32, #tpu.memory_space<vmem>> -> memref<1x1x64xi32, #tpu.memory_space<vmem>>
    %dma_start3A_328 = tpu.memref_squeeze %dma_start3A_327 : memref<1x1x64xi32, #tpu.memory_space<vmem>> -> memref<64xi32, #tpu.memory_space<vmem>>
    %dma_start3A_329 = arith.constant 0 : i32
    %dma_start3A_330 = arith.constant 0 : i32
    %dma_start3A_331 = tpu.memref_slice %arg3[%dma_start3A_329, %dma_start3A_330] : memref<10240x128xf32, #tpu.memory_space<hbm>> -> memref<10240x128xf32, #tpu.memory_space<hbm>>
    tpu.enqueue_indirect_dma source(%dma_start3A_331 : memref<10240x128xf32, #tpu.memory_space<hbm>>) target(%dma_start3A_325 : memref<64x128xf32, #tpu.memory_space<vmem>>) offsets(%dma_start3A_328 : memref<64xi32, #tpu.memory_space<vmem>>) semaphore(%arg11 : memref<!tpu.dma_semaphore, #tpu.memory_space<semaphore_mem>>)
    %add3A_332 = arith.constant 3 : i32
    %add3A_333 = arith.addi %add3A_4, %add3A_332 : i32
    %mul3A_334 = arith.constant 64 : i32
    %mul3A_335 = arith.muli %add3A_333, %mul3A_334 : i32
    %dma_wait3A_336 = arith.constant 3 : i32
    %dma_wait3A_337 = arith.constant 0 : i32
    %dma_wait3A_338 = arith.constant 0 : i32
    %dma_wait3A_339 = tpu.memref_slice %arg6[%dma_wait3A_336, %dma_wait3A_337, %dma_wait3A_338] : memref<8x2x64xi32, #tpu.memory_space<vmem>> -> memref<1x1x64xi32, #tpu.memory_space<vmem>>
    %dma_wait3A_340 = tpu.memref_squeeze %dma_wait3A_339 : memref<1x1x64xi32, #tpu.memory_space<vmem>> -> memref<64xi32, #tpu.memory_space<vmem>>
    %dma_wait3A_341 = tpu.memref_slice %arg2[%mul3A_335] : memref<640000xi32, #tpu.memory_space<hbm>> -> memref<64xi32, #tpu.memory_space<hbm>>
    %dma_wait3A_342 = arith.constant 0 : i32
    %dma_wait3A_343 = tpu.memref_slice %arg6[%dma_wait3A_336, %dma_wait3A_337, %dma_wait3A_342] : memref<8x2x64xi32, #tpu.memory_space<vmem>> -> memref<1x1x64xi32, #tpu.memory_space<vmem>>
    %dma_wait3A_344 = tpu.memref_squeeze %dma_wait3A_343 : memref<1x1x64xi32, #tpu.memory_space<vmem>> -> memref<64xi32, #tpu.memory_space<vmem>>
    %dma_wait3A_345 = tpu.memref_slice %arg2[%mul3A_335] : memref<640000xi32, #tpu.memory_space<hbm>> -> memref<64xi32, #tpu.memory_space<hbm>>
    tpu.wait_dma2 semaphore(%arg16 : memref<!tpu.dma_semaphore, #tpu.memory_space<semaphore_mem>>) src(%dma_wait3A_345 : memref<64xi32, #tpu.memory_space<hbm>>) dst(%dma_wait3A_344 : memref<64xi32, #tpu.memory_space<vmem>>)
    %add3A_346 = arith.constant 320000 : i32
    %add3A_347 = arith.addi %add3A_346, %mul3A_335 : i32
    %dma_wait3A_348 = arith.constant 3 : i32
    %dma_wait3A_349 = arith.constant 1 : i32
    %dma_wait3A_350 = arith.constant 0 : i32
    %dma_wait3A_351 = tpu.memref_slice %arg6[%dma_wait3A_348, %dma_wait3A_349, %dma_wait3A_350] : memref<8x2x64xi32, #tpu.memory_space<vmem>> -> memref<1x1x64xi32, #tpu.memory_space<vmem>>
    %dma_wait3A_352 = tpu.memref_squeeze %dma_wait3A_351 : memref<1x1x64xi32, #tpu.memory_space<vmem>> -> memref<64xi32, #tpu.memory_space<vmem>>
    %dma_wait3A_353 = tpu.memref_slice %arg2[%add3A_347] : memref<640000xi32, #tpu.memory_space<hbm>> -> memref<64xi32, #tpu.memory_space<hbm>>
    %dma_wait3A_354 = arith.constant 0 : i32
    %dma_wait3A_355 = tpu.memref_slice %arg6[%dma_wait3A_348, %dma_wait3A_349, %dma_wait3A_354] : memref<8x2x64xi32, #tpu.memory_space<vmem>> -> memref<1x1x64xi32, #tpu.memory_space<vmem>>
    %dma_wait3A_356 = tpu.memref_squeeze %dma_wait3A_355 : memref<1x1x64xi32, #tpu.memory_space<vmem>> -> memref<64xi32, #tpu.memory_space<vmem>>
    %dma_wait3A_357 = tpu.memref_slice %arg2[%add3A_347] : memref<640000xi32, #tpu.memory_space<hbm>> -> memref<64xi32, #tpu.memory_space<hbm>>
    tpu.wait_dma2 semaphore(%arg16 : memref<!tpu.dma_semaphore, #tpu.memory_space<semaphore_mem>>) src(%dma_wait3A_357 : memref<64xi32, #tpu.memory_space<hbm>>) dst(%dma_wait3A_356 : memref<64xi32, #tpu.memory_space<vmem>>)
    %dma_start3A_358 = arith.constant 3 : i32
    %dma_start3A_359 = arith.constant 0 : i32
    %dma_start3A_360 = arith.constant 3 : i32
    %dma_start3A_361 = arith.constant 0 : i32
    %dma_start3A_362 = arith.constant 0 : i32
    %dma_start3A_363 = tpu.memref_slice %arg7[%dma_start3A_360, %dma_start3A_361, %dma_start3A_362] : memref<4x64x128xf32, #tpu.memory_space<vmem>> -> memref<1x64x128xf32, #tpu.memory_space<vmem>>
    %dma_start3A_364 = tpu.memref_squeeze %dma_start3A_363 : memref<1x64x128xf32, #tpu.memory_space<vmem>> -> memref<64x128xf32, #tpu.memory_space<vmem>>
    %dma_start3A_365 = arith.constant 0 : i32
    %dma_start3A_366 = tpu.memref_slice %arg6[%dma_start3A_358, %dma_start3A_359, %dma_start3A_365] : memref<8x2x64xi32, #tpu.memory_space<vmem>> -> memref<1x1x64xi32, #tpu.memory_space<vmem>>
    %dma_start3A_367 = tpu.memref_squeeze %dma_start3A_366 : memref<1x1x64xi32, #tpu.memory_space<vmem>> -> memref<64xi32, #tpu.memory_space<vmem>>
    %dma_start3A_368 = arith.constant 0 : i32
    %dma_start3A_369 = arith.constant 0 : i32
    %dma_start3A_370 = tpu.memref_slice %arg3[%dma_start3A_368, %dma_start3A_369] : memref<10240x128xf32, #tpu.memory_space<hbm>> -> memref<10240x128xf32, #tpu.memory_space<hbm>>
    tpu.enqueue_indirect_dma source(%dma_start3A_370 : memref<10240x128xf32, #tpu.memory_space<hbm>>) target(%dma_start3A_364 : memref<64x128xf32, #tpu.memory_space<vmem>>) offsets(%dma_start3A_367 : memref<64xi32, #tpu.memory_space<vmem>>) semaphore(%arg12 : memref<!tpu.dma_semaphore, #tpu.memory_space<semaphore_mem>>)
    %mul3A_371 = arith.constant 640 : i32
    %mul3A_372 = arith.muli %arg1, %mul3A_371 : i32
    "tpu.region"() ({
      %run_scoped3A = tpu.sem_alloc : memref<!tpu.dma_semaphore, #tpu.memory_space<semaphore_mem>>
      %dma_start3A_383 = arith.constant 0 : i32
      %dma_start3A_384 = tpu.memref_slice %arg8[%mul3A_372, %dma_start3A_383] : memref<10240x128xf32, #tpu.memory_space<vmem_shared>> -> memref<640x128xf32, #tpu.memory_space<vmem_shared>>
      tpu.enqueue_dma source(%arg4 : memref<640x128xf32, #tpu.memory_space<hbm>>) target(%dma_start3A_384 : memref<640x128xf32, #tpu.memory_space<vmem_shared>>) target_semaphore(%run_scoped3A : memref<!tpu.dma_semaphore, #tpu.memory_space<semaphore_mem>>)
      %dma_wait3A_385 = arith.constant 0 : i32
      %dma_wait3A_386 = tpu.memref_slice %arg8[%mul3A_372, %dma_wait3A_385] : memref<10240x128xf32, #tpu.memory_space<vmem_shared>> -> memref<640x128xf32, #tpu.memory_space<vmem_shared>>
      tpu.wait_dma2 semaphore(%run_scoped3A : memref<!tpu.dma_semaphore, #tpu.memory_space<semaphore_mem>>) src(%arg4 : memref<640x128xf32, #tpu.memory_space<hbm>>) dst(%dma_wait3A_386 : memref<640x128xf32, #tpu.memory_space<vmem_shared>>)
      tpu.yield
    }) : () -> ()
    %barrier3A = arith.constant 0 : index
    tpu.barrier barrier_id(%barrier3A)
    %scan3A = arith.constant 0 : i32
    %scan3A_373 = arith.constant 0 : i32
    %scan3A_374 = arith.constant 20 : i32
    %scan3A_375 = arith.addi %scan3A_373, %scan3A_374 : i32
    %scan3A_376 = arith.constant 1 : i32
    scf.for %scan3A_383 = %scan3A_373 to %scan3A_375 step %scan3A_376  : i32 {
      %mul3A_384 = arith.constant 8 : i32
      %mul3A_385 = arith.muli %mul3A_384, %scan3A_383 : i32
      %add3A_386 = arith.constant 0 : i32
      %add3A_387 = arith.addi %mul3A_385, %add3A_386 : i32
      %lt3A_388 = arith.cmpi slt, %add3A_387, %add3A_8 : i32
      %convert_element_type3A = arith.extui %lt3A_388 : i1 to i32
      %cond3A = arith.constant 0 : i32
      %cond3A_389 = arith.cmpi ne, %convert_element_type3A, %cond3A : i32
      scf.if %cond3A_389 {
        %dma_wait3A_542 = arith.constant 0 : i32
        %dma_wait3A_543 = arith.constant 0 : i32
        %dma_wait3A_544 = arith.constant 0 : i32
        %dma_wait3A_545 = arith.constant 0 : i32
        %dma_wait3A_546 = arith.constant 0 : i32
        %dma_wait3A_547 = tpu.memref_slice %arg7[%dma_wait3A_544, %dma_wait3A_545, %dma_wait3A_546] : memref<4x64x128xf32, #tpu.memory_space<vmem>> -> memref<1x64x128xf32, #tpu.memory_space<vmem>>
        %dma_wait3A_548 = tpu.memref_squeeze %dma_wait3A_547 : memref<1x64x128xf32, #tpu.memory_space<vmem>> -> memref<64x128xf32, #tpu.memory_space<vmem>>
        %dma_wait3A_549 = arith.constant 0 : i32
        %dma_wait3A_550 = tpu.memref_slice %arg6[%dma_wait3A_542, %dma_wait3A_543, %dma_wait3A_549] : memref<8x2x64xi32, #tpu.memory_space<vmem>> -> memref<1x1x64xi32, #tpu.memory_space<vmem>>
        %dma_wait3A_551 = tpu.memref_squeeze %dma_wait3A_550 : memref<1x1x64xi32, #tpu.memory_space<vmem>> -> memref<64xi32, #tpu.memory_space<vmem>>
        %dma_wait3A_552 = arith.constant 0 : i32
        %dma_wait3A_553 = arith.constant 0 : i32
        %dma_wait3A_554 = tpu.memref_slice %arg3[%dma_wait3A_552, %dma_wait3A_553] : memref<10240x128xf32, #tpu.memory_space<hbm>> -> memref<10240x128xf32, #tpu.memory_space<hbm>>
        tpu.wait_indirect_dma semaphore(%arg9 : memref<!tpu.dma_semaphore, #tpu.memory_space<semaphore_mem>>) src(%dma_wait3A_554 : memref<10240x128xf32, #tpu.memory_space<hbm>>) dst(%dma_wait3A_548 : memref<64x128xf32, #tpu.memory_space<vmem>>)
        %run_scoped3A = arith.constant 0 : i32
        %run_scoped3A_555 = arith.constant 0 : i32
        %run_scoped3A_556 = arith.constant 1 : i32
        "tpu.region"() ({
          %run_scoped3A_557 = tpu.sem_alloc : memref<!tpu.dma_semaphore, #tpu.memory_space<semaphore_mem>>
          %dma_start3A_558 = arith.constant 0 : i32
          %dma_start3A_559 = arith.constant 0 : i32
          %dma_start3A_560 = tpu.memref_slice %arg7[%run_scoped3A, %dma_start3A_558, %dma_start3A_559] : memref<4x64x128xf32, #tpu.memory_space<vmem>> -> memref<1x64x128xf32, #tpu.memory_space<vmem>>
          %dma_start3A_561 = tpu.memref_squeeze %dma_start3A_560 : memref<1x64x128xf32, #tpu.memory_space<vmem>> -> memref<64x128xf32, #tpu.memory_space<vmem>>
          %dma_start3A_562 = arith.constant 0 : i32
          %dma_start3A_563 = tpu.memref_slice %arg6[%run_scoped3A_555, %run_scoped3A_556, %dma_start3A_562] : memref<8x2x64xi32, #tpu.memory_space<vmem>> -> memref<1x1x64xi32, #tpu.memory_space<vmem>>
          %dma_start3A_564 = tpu.memref_squeeze %dma_start3A_563 : memref<1x1x64xi32, #tpu.memory_space<vmem>> -> memref<64xi32, #tpu.memory_space<vmem>>
          %dma_start3A_565 = arith.constant 0 : i32
          %dma_start3A_566 = arith.constant 0 : i32
          %dma_start3A_567 = tpu.memref_slice %arg8[%dma_start3A_565, %dma_start3A_566] : memref<10240x128xf32, #tpu.memory_space<vmem_shared>> -> memref<10240x128xf32, #tpu.memory_space<vmem_shared>>
          tpu.enqueue_indirect_dma source(%dma_start3A_561 : memref<64x128xf32, #tpu.memory_space<vmem>>) target(%dma_start3A_567 : memref<10240x128xf32, #tpu.memory_space<vmem_shared>>) offsets(%dma_start3A_564 : memref<64xi32, #tpu.memory_space<vmem>>) semaphore(%run_scoped3A_557 : memref<!tpu.dma_semaphore, #tpu.memory_space<semaphore_mem>>) {add = true}
          %dma_wait3A_568 = arith.constant 0 : i32
          %dma_wait3A_569 = arith.constant 0 : i32
          %dma_wait3A_570 = tpu.memref_slice %arg7[%run_scoped3A, %dma_wait3A_568, %dma_wait3A_569] : memref<4x64x128xf32, #tpu.memory_space<vmem>> -> memref<1x64x128xf32, #tpu.memory_space<vmem>>
          %dma_wait3A_571 = tpu.memref_squeeze %dma_wait3A_570 : memref<1x64x128xf32, #tpu.memory_space<vmem>> -> memref<64x128xf32, #tpu.memory_space<vmem>>
          %dma_wait3A_572 = arith.constant 0 : i32
          %dma_wait3A_573 = tpu.memref_slice %arg6[%run_scoped3A_555, %run_scoped3A_556, %dma_wait3A_572] : memref<8x2x64xi32, #tpu.memory_space<vmem>> -> memref<1x1x64xi32, #tpu.memory_space<vmem>>
          %dma_wait3A_574 = tpu.memref_squeeze %dma_wait3A_573 : memref<1x1x64xi32, #tpu.memory_space<vmem>> -> memref<64xi32, #tpu.memory_space<vmem>>
          %dma_wait3A_575 = arith.constant 0 : i32
          %dma_wait3A_576 = arith.constant 0 : i32
          %dma_wait3A_577 = tpu.memref_slice %arg8[%dma_wait3A_575, %dma_wait3A_576] : memref<10240x128xf32, #tpu.memory_space<vmem_shared>> -> memref<10240x128xf32, #tpu.memory_space<vmem_shared>>
          tpu.wait_indirect_dma semaphore(%run_scoped3A_557 : memref<!tpu.dma_semaphore, #tpu.memory_space<semaphore_mem>>) src(%dma_wait3A_571 : memref<64x128xf32, #tpu.memory_space<vmem>>) dst(%dma_wait3A_577 : memref<10240x128xf32, #tpu.memory_space<vmem_shared>>)
          tpu.yield
        }) : () -> ()
      } else {
      }
      %add3A_390 = arith.constant 8 : i32
      %add3A_391 = arith.addi %add3A_387, %add3A_390 : i32
      %lt3A_392 = arith.cmpi slt, %add3A_391, %add3A_8 : i32
      %convert_element_type3A_393 = arith.extui %lt3A_392 : i1 to i32
      %cond3A_394 = arith.constant 0 : i32
      %cond3A_395 = arith.cmpi ne, %convert_element_type3A_393, %cond3A_394 : i32
      scf.if %cond3A_395 {
        %add3A_542 = arith.constant 8 : i32
        %add3A_543 = arith.addi %add3A_387, %add3A_542 : i32
        %add3A_544 = arith.addi %add3A_4, %add3A_543 : i32
        %mul3A_545 = arith.constant 64 : i32
        %mul3A_546 = arith.muli %add3A_544, %mul3A_545 : i32
        %dma_start3A_547 = arith.constant 0 : i32
        %dma_start3A_548 = arith.constant 0 : i32
        %dma_start3A_549 = arith.constant 0 : i32
        %dma_start3A_550 = tpu.memref_slice %arg6[%dma_start3A_547, %dma_start3A_548, %dma_start3A_549] : memref<8x2x64xi32, #tpu.memory_space<vmem>> -> memref<1x1x64xi32, #tpu.memory_space<vmem>>
        %dma_start3A_551 = tpu.memref_squeeze %dma_start3A_550 : memref<1x1x64xi32, #tpu.memory_space<vmem>> -> memref<64xi32, #tpu.memory_space<vmem>>
        %dma_start3A_552 = tpu.memref_slice %arg2[%mul3A_546] : memref<640000xi32, #tpu.memory_space<hbm>> -> memref<64xi32, #tpu.memory_space<hbm>>
        %dma_start3A_553 = arith.constant 0 : i32
        %dma_start3A_554 = tpu.memref_slice %arg6[%dma_start3A_547, %dma_start3A_548, %dma_start3A_553] : memref<8x2x64xi32, #tpu.memory_space<vmem>> -> memref<1x1x64xi32, #tpu.memory_space<vmem>>
        %dma_start3A_555 = tpu.memref_squeeze %dma_start3A_554 : memref<1x1x64xi32, #tpu.memory_space<vmem>> -> memref<64xi32, #tpu.memory_space<vmem>>
        %dma_start3A_556 = tpu.memref_slice %arg2[%mul3A_546] : memref<640000xi32, #tpu.memory_space<hbm>> -> memref<64xi32, #tpu.memory_space<hbm>>
        tpu.enqueue_dma source(%dma_start3A_556 : memref<64xi32, #tpu.memory_space<hbm>>) target(%dma_start3A_555 : memref<64xi32, #tpu.memory_space<vmem>>) target_semaphore(%arg13 : memref<!tpu.dma_semaphore, #tpu.memory_space<semaphore_mem>>)
        %add3A_557 = arith.constant 320000 : i32
        %add3A_558 = arith.addi %add3A_557, %mul3A_546 : i32
        %dma_start3A_559 = arith.constant 0 : i32
        %dma_start3A_560 = arith.constant 1 : i32
        %dma_start3A_561 = arith.constant 0 : i32
        %dma_start3A_562 = tpu.memref_slice %arg6[%dma_start3A_559, %dma_start3A_560, %dma_start3A_561] : memref<8x2x64xi32, #tpu.memory_space<vmem>> -> memref<1x1x64xi32, #tpu.memory_space<vmem>>
        %dma_start3A_563 = tpu.memref_squeeze %dma_start3A_562 : memref<1x1x64xi32, #tpu.memory_space<vmem>> -> memref<64xi32, #tpu.memory_space<vmem>>
        %dma_start3A_564 = tpu.memref_slice %arg2[%add3A_558] : memref<640000xi32, #tpu.memory_space<hbm>> -> memref<64xi32, #tpu.memory_space<hbm>>
        %dma_start3A_565 = arith.constant 0 : i32
        %dma_start3A_566 = tpu.memref_slice %arg6[%dma_start3A_559, %dma_start3A_560, %dma_start3A_565] : memref<8x2x64xi32, #tpu.memory_space<vmem>> -> memref<1x1x64xi32, #tpu.memory_space<vmem>>
        %dma_start3A_567 = tpu.memref_squeeze %dma_start3A_566 : memref<1x1x64xi32, #tpu.memory_space<vmem>> -> memref<64xi32, #tpu.memory_space<vmem>>
        %dma_start3A_568 = tpu.memref_slice %arg2[%add3A_558] : memref<640000xi32, #tpu.memory_space<hbm>> -> memref<64xi32, #tpu.memory_space<hbm>>
        tpu.enqueue_dma source(%dma_start3A_568 : memref<64xi32, #tpu.memory_space<hbm>>) target(%dma_start3A_567 : memref<64xi32, #tpu.memory_space<vmem>>) target_semaphore(%arg13 : memref<!tpu.dma_semaphore, #tpu.memory_space<semaphore_mem>>)
      } else {
      }
      %add3A_396 = arith.constant 4 : i32
      %add3A_397 = arith.addi %add3A_387, %add3A_396 : i32
      %lt3A_398 = arith.cmpi slt, %add3A_397, %add3A_8 : i32
      %convert_element_type3A_399 = arith.extui %lt3A_398 : i1 to i32
      %cond3A_400 = arith.constant 0 : i32
      %cond3A_401 = arith.cmpi ne, %convert_element_type3A_399, %cond3A_400 : i32
      scf.if %cond3A_401 {
        %add3A_542 = arith.constant 4 : i32
        %add3A_543 = arith.addi %add3A_387, %add3A_542 : i32
        %add3A_544 = arith.addi %add3A_4, %add3A_543 : i32
        %mul3A_545 = arith.constant 64 : i32
        %mul3A_546 = arith.muli %add3A_544, %mul3A_545 : i32
        %dma_wait3A_547 = arith.constant 4 : i32
        %dma_wait3A_548 = arith.constant 0 : i32
        %dma_wait3A_549 = arith.constant 0 : i32
        %dma_wait3A_550 = tpu.memref_slice %arg6[%dma_wait3A_547, %dma_wait3A_548, %dma_wait3A_549] : memref<8x2x64xi32, #tpu.memory_space<vmem>> -> memref<1x1x64xi32, #tpu.memory_space<vmem>>
        %dma_wait3A_551 = tpu.memref_squeeze %dma_wait3A_550 : memref<1x1x64xi32, #tpu.memory_space<vmem>> -> memref<64xi32, #tpu.memory_space<vmem>>
        %dma_wait3A_552 = tpu.memref_slice %arg2[%mul3A_546] : memref<640000xi32, #tpu.memory_space<hbm>> -> memref<64xi32, #tpu.memory_space<hbm>>
        %dma_wait3A_553 = arith.constant 0 : i32
        %dma_wait3A_554 = tpu.memref_slice %arg6[%dma_wait3A_547, %dma_wait3A_548, %dma_wait3A_553] : memref<8x2x64xi32, #tpu.memory_space<vmem>> -> memref<1x1x64xi32, #tpu.memory_space<vmem>>
        %dma_wait3A_555 = tpu.memref_squeeze %dma_wait3A_554 : memref<1x1x64xi32, #tpu.memory_space<vmem>> -> memref<64xi32, #tpu.memory_space<vmem>>
        %dma_wait3A_556 = tpu.memref_slice %arg2[%mul3A_546] : memref<640000xi32, #tpu.memory_space<hbm>> -> memref<64xi32, #tpu.memory_space<hbm>>
        tpu.wait_dma2 semaphore(%arg17 : memref<!tpu.dma_semaphore, #tpu.memory_space<semaphore_mem>>) src(%dma_wait3A_556 : memref<64xi32, #tpu.memory_space<hbm>>) dst(%dma_wait3A_555 : memref<64xi32, #tpu.memory_space<vmem>>)
        %add3A_557 = arith.constant 320000 : i32
        %add3A_558 = arith.addi %add3A_557, %mul3A_546 : i32
        %dma_wait3A_559 = arith.constant 4 : i32
        %dma_wait3A_560 = arith.constant 1 : i32
        %dma_wait3A_561 = arith.constant 0 : i32
        %dma_wait3A_562 = tpu.memref_slice %arg6[%dma_wait3A_559, %dma_wait3A_560, %dma_wait3A_561] : memref<8x2x64xi32, #tpu.memory_space<vmem>> -> memref<1x1x64xi32, #tpu.memory_space<vmem>>
        %dma_wait3A_563 = tpu.memref_squeeze %dma_wait3A_562 : memref<1x1x64xi32, #tpu.memory_space<vmem>> -> memref<64xi32, #tpu.memory_space<vmem>>
        %dma_wait3A_564 = tpu.memref_slice %arg2[%add3A_558] : memref<640000xi32, #tpu.memory_space<hbm>> -> memref<64xi32, #tpu.memory_space<hbm>>
        %dma_wait3A_565 = arith.constant 0 : i32
        %dma_wait3A_566 = tpu.memref_slice %arg6[%dma_wait3A_559, %dma_wait3A_560, %dma_wait3A_565] : memref<8x2x64xi32, #tpu.memory_space<vmem>> -> memref<1x1x64xi32, #tpu.memory_space<vmem>>
        %dma_wait3A_567 = tpu.memref_squeeze %dma_wait3A_566 : memref<1x1x64xi32, #tpu.memory_space<vmem>> -> memref<64xi32, #tpu.memory_space<vmem>>
        %dma_wait3A_568 = tpu.memref_slice %arg2[%add3A_558] : memref<640000xi32, #tpu.memory_space<hbm>> -> memref<64xi32, #tpu.memory_space<hbm>>
        tpu.wait_dma2 semaphore(%arg17 : memref<!tpu.dma_semaphore, #tpu.memory_space<semaphore_mem>>) src(%dma_wait3A_568 : memref<64xi32, #tpu.memory_space<hbm>>) dst(%dma_wait3A_567 : memref<64xi32, #tpu.memory_space<vmem>>)
        %dma_start3A_569 = arith.constant 4 : i32
        %dma_start3A_570 = arith.constant 0 : i32
        %dma_start3A_571 = arith.constant 0 : i32
        %dma_start3A_572 = arith.constant 0 : i32
        %dma_start3A_573 = arith.constant 0 : i32
        %dma_start3A_574 = tpu.memref_slice %arg7[%dma_start3A_571, %dma_start3A_572, %dma_start3A_573] : memref<4x64x128xf32, #tpu.memory_space<vmem>> -> memref<1x64x128xf32, #tpu.memory_space<vmem>>
        %dma_start3A_575 = tpu.memref_squeeze %dma_start3A_574 : memref<1x64x128xf32, #tpu.memory_space<vmem>> -> memref<64x128xf32, #tpu.memory_space<vmem>>
        %dma_start3A_576 = arith.constant 0 : i32
        %dma_start3A_577 = tpu.memref_slice %arg6[%dma_start3A_569, %dma_start3A_570, %dma_start3A_576] : memref<8x2x64xi32, #tpu.memory_space<vmem>> -> memref<1x1x64xi32, #tpu.memory_space<vmem>>
        %dma_start3A_578 = tpu.memref_squeeze %dma_start3A_577 : memref<1x1x64xi32, #tpu.memory_space<vmem>> -> memref<64xi32, #tpu.memory_space<vmem>>
        %dma_start3A_579 = arith.constant 0 : i32
        %dma_start3A_580 = arith.constant 0 : i32
        %dma_start3A_581 = tpu.memref_slice %arg3[%dma_start3A_579, %dma_start3A_580] : memref<10240x128xf32, #tpu.memory_space<hbm>> -> memref<10240x128xf32, #tpu.memory_space<hbm>>
        tpu.enqueue_indirect_dma source(%dma_start3A_581 : memref<10240x128xf32, #tpu.memory_space<hbm>>) target(%dma_start3A_575 : memref<64x128xf32, #tpu.memory_space<vmem>>) offsets(%dma_start3A_578 : memref<64xi32, #tpu.memory_space<vmem>>) semaphore(%arg9 : memref<!tpu.dma_semaphore, #tpu.memory_space<semaphore_mem>>)
      } else {
      }
      %mul3A_402 = arith.constant 8 : i32
      %mul3A_403 = arith.muli %mul3A_402, %scan3A_383 : i32
      %add3A_404 = arith.constant 1 : i32
      %add3A_405 = arith.addi %mul3A_403, %add3A_404 : i32
      %lt3A_406 = arith.cmpi slt, %add3A_405, %add3A_8 : i32
      %convert_element_type3A_407 = arith.extui %lt3A_406 : i1 to i32
      %cond3A_408 = arith.constant 0 : i32
      %cond3A_409 = arith.cmpi ne, %convert_element_type3A_407, %cond3A_408 : i32
      scf.if %cond3A_409 {
        %dma_wait3A_542 = arith.constant 1 : i32
        %dma_wait3A_543 = arith.constant 0 : i32
        %dma_wait3A_544 = arith.constant 1 : i32
        %dma_wait3A_545 = arith.constant 0 : i32
        %dma_wait3A_546 = arith.constant 0 : i32
        %dma_wait3A_547 = tpu.memref_slice %arg7[%dma_wait3A_544, %dma_wait3A_545, %dma_wait3A_546] : memref<4x64x128xf32, #tpu.memory_space<vmem>> -> memref<1x64x128xf32, #tpu.memory_space<vmem>>
        %dma_wait3A_548 = tpu.memref_squeeze %dma_wait3A_547 : memref<1x64x128xf32, #tpu.memory_space<vmem>> -> memref<64x128xf32, #tpu.memory_space<vmem>>
        %dma_wait3A_549 = arith.constant 0 : i32
        %dma_wait3A_550 = tpu.memref_slice %arg6[%dma_wait3A_542, %dma_wait3A_543, %dma_wait3A_549] : memref<8x2x64xi32, #tpu.memory_space<vmem>> -> memref<1x1x64xi32, #tpu.memory_space<vmem>>
        %dma_wait3A_551 = tpu.memref_squeeze %dma_wait3A_550 : memref<1x1x64xi32, #tpu.memory_space<vmem>> -> memref<64xi32, #tpu.memory_space<vmem>>
        %dma_wait3A_552 = arith.constant 0 : i32
        %dma_wait3A_553 = arith.constant 0 : i32
        %dma_wait3A_554 = tpu.memref_slice %arg3[%dma_wait3A_552, %dma_wait3A_553] : memref<10240x128xf32, #tpu.memory_space<hbm>> -> memref<10240x128xf32, #tpu.memory_space<hbm>>
        tpu.wait_indirect_dma semaphore(%arg10 : memref<!tpu.dma_semaphore, #tpu.memory_space<semaphore_mem>>) src(%dma_wait3A_554 : memref<10240x128xf32, #tpu.memory_space<hbm>>) dst(%dma_wait3A_548 : memref<64x128xf32, #tpu.memory_space<vmem>>)
        %run_scoped3A = arith.constant 1 : i32
        %run_scoped3A_555 = arith.constant 1 : i32
        %run_scoped3A_556 = arith.constant 1 : i32
        "tpu.region"() ({
          %run_scoped3A_557 = tpu.sem_alloc : memref<!tpu.dma_semaphore, #tpu.memory_space<semaphore_mem>>
          %dma_start3A_558 = arith.constant 0 : i32
          %dma_start3A_559 = arith.constant 0 : i32
          %dma_start3A_560 = tpu.memref_slice %arg7[%run_scoped3A, %dma_start3A_558, %dma_start3A_559] : memref<4x64x128xf32, #tpu.memory_space<vmem>> -> memref<1x64x128xf32, #tpu.memory_space<vmem>>
          %dma_start3A_561 = tpu.memref_squeeze %dma_start3A_560 : memref<1x64x128xf32, #tpu.memory_space<vmem>> -> memref<64x128xf32, #tpu.memory_space<vmem>>
          %dma_start3A_562 = arith.constant 0 : i32
          %dma_start3A_563 = tpu.memref_slice %arg6[%run_scoped3A_555, %run_scoped3A_556, %dma_start3A_562] : memref<8x2x64xi32, #tpu.memory_space<vmem>> -> memref<1x1x64xi32, #tpu.memory_space<vmem>>
          %dma_start3A_564 = tpu.memref_squeeze %dma_start3A_563 : memref<1x1x64xi32, #tpu.memory_space<vmem>> -> memref<64xi32, #tpu.memory_space<vmem>>
          %dma_start3A_565 = arith.constant 0 : i32
          %dma_start3A_566 = arith.constant 0 : i32
          %dma_start3A_567 = tpu.memref_slice %arg8[%dma_start3A_565, %dma_start3A_566] : memref<10240x128xf32, #tpu.memory_space<vmem_shared>> -> memref<10240x128xf32, #tpu.memory_space<vmem_shared>>
          tpu.enqueue_indirect_dma source(%dma_start3A_561 : memref<64x128xf32, #tpu.memory_space<vmem>>) target(%dma_start3A_567 : memref<10240x128xf32, #tpu.memory_space<vmem_shared>>) offsets(%dma_start3A_564 : memref<64xi32, #tpu.memory_space<vmem>>) semaphore(%run_scoped3A_557 : memref<!tpu.dma_semaphore, #tpu.memory_space<semaphore_mem>>) {add = true}
          %dma_wait3A_568 = arith.constant 0 : i32
          %dma_wait3A_569 = arith.constant 0 : i32
          %dma_wait3A_570 = tpu.memref_slice %arg7[%run_scoped3A, %dma_wait3A_568, %dma_wait3A_569] : memref<4x64x128xf32, #tpu.memory_space<vmem>> -> memref<1x64x128xf32, #tpu.memory_space<vmem>>
          %dma_wait3A_571 = tpu.memref_squeeze %dma_wait3A_570 : memref<1x64x128xf32, #tpu.memory_space<vmem>> -> memref<64x128xf32, #tpu.memory_space<vmem>>
          %dma_wait3A_572 = arith.constant 0 : i32
          %dma_wait3A_573 = tpu.memref_slice %arg6[%run_scoped3A_555, %run_scoped3A_556, %dma_wait3A_572] : memref<8x2x64xi32, #tpu.memory_space<vmem>> -> memref<1x1x64xi32, #tpu.memory_space<vmem>>
          %dma_wait3A_574 = tpu.memref_squeeze %dma_wait3A_573 : memref<1x1x64xi32, #tpu.memory_space<vmem>> -> memref<64xi32, #tpu.memory_space<vmem>>
          %dma_wait3A_575 = arith.constant 0 : i32
          %dma_wait3A_576 = arith.constant 0 : i32
          %dma_wait3A_577 = tpu.memref_slice %arg8[%dma_wait3A_575, %dma_wait3A_576] : memref<10240x128xf32, #tpu.memory_space<vmem_shared>> -> memref<10240x128xf32, #tpu.memory_space<vmem_shared>>
          tpu.wait_indirect_dma semaphore(%run_scoped3A_557 : memref<!tpu.dma_semaphore, #tpu.memory_space<semaphore_mem>>) src(%dma_wait3A_571 : memref<64x128xf32, #tpu.memory_space<vmem>>) dst(%dma_wait3A_577 : memref<10240x128xf32, #tpu.memory_space<vmem_shared>>)
          tpu.yield
        }) : () -> ()
      } else {
      }
      %add3A_410 = arith.constant 8 : i32
      %add3A_411 = arith.addi %add3A_405, %add3A_410 : i32
      %lt3A_412 = arith.cmpi slt, %add3A_411, %add3A_8 : i32
      %convert_element_type3A_413 = arith.extui %lt3A_412 : i1 to i32
      %cond3A_414 = arith.constant 0 : i32
      %cond3A_415 = arith.cmpi ne, %convert_element_type3A_413, %cond3A_414 : i32
      scf.if %cond3A_415 {
        %add3A_542 = arith.constant 8 : i32
        %add3A_543 = arith.addi %add3A_405, %add3A_542 : i32
        %add3A_544 = arith.addi %add3A_4, %add3A_543 : i32
        %mul3A_545 = arith.constant 64 : i32
        %mul3A_546 = arith.muli %add3A_544, %mul3A_545 : i32
        %dma_start3A_547 = arith.constant 1 : i32
        %dma_start3A_548 = arith.constant 0 : i32
        %dma_start3A_549 = arith.constant 0 : i32
        %dma_start3A_550 = tpu.memref_slice %arg6[%dma_start3A_547, %dma_start3A_548, %dma_start3A_549] : memref<8x2x64xi32, #tpu.memory_space<vmem>> -> memref<1x1x64xi32, #tpu.memory_space<vmem>>
        %dma_start3A_551 = tpu.memref_squeeze %dma_start3A_550 : memref<1x1x64xi32, #tpu.memory_space<vmem>> -> memref<64xi32, #tpu.memory_space<vmem>>
        %dma_start3A_552 = tpu.memref_slice %arg2[%mul3A_546] : memref<640000xi32, #tpu.memory_space<hbm>> -> memref<64xi32, #tpu.memory_space<hbm>>
        %dma_start3A_553 = arith.constant 0 : i32
        %dma_start3A_554 = tpu.memref_slice %arg6[%dma_start3A_547, %dma_start3A_548, %dma_start3A_553] : memref<8x2x64xi32, #tpu.memory_space<vmem>> -> memref<1x1x64xi32, #tpu.memory_space<vmem>>
        %dma_start3A_555 = tpu.memref_squeeze %dma_start3A_554 : memref<1x1x64xi32, #tpu.memory_space<vmem>> -> memref<64xi32, #tpu.memory_space<vmem>>
        %dma_start3A_556 = tpu.memref_slice %arg2[%mul3A_546] : memref<640000xi32, #tpu.memory_space<hbm>> -> memref<64xi32, #tpu.memory_space<hbm>>
        tpu.enqueue_dma source(%dma_start3A_556 : memref<64xi32, #tpu.memory_space<hbm>>) target(%dma_start3A_555 : memref<64xi32, #tpu.memory_space<vmem>>) target_semaphore(%arg14 : memref<!tpu.dma_semaphore, #tpu.memory_space<semaphore_mem>>)
        %add3A_557 = arith.constant 320000 : i32
        %add3A_558 = arith.addi %add3A_557, %mul3A_546 : i32
        %dma_start3A_559 = arith.constant 1 : i32
        %dma_start3A_560 = arith.constant 1 : i32
        %dma_start3A_561 = arith.constant 0 : i32
        %dma_start3A_562 = tpu.memref_slice %arg6[%dma_start3A_559, %dma_start3A_560, %dma_start3A_561] : memref<8x2x64xi32, #tpu.memory_space<vmem>> -> memref<1x1x64xi32, #tpu.memory_space<vmem>>
        %dma_start3A_563 = tpu.memref_squeeze %dma_start3A_562 : memref<1x1x64xi32, #tpu.memory_space<vmem>> -> memref<64xi32, #tpu.memory_space<vmem>>
        %dma_start3A_564 = tpu.memref_slice %arg2[%add3A_558] : memref<640000xi32, #tpu.memory_space<hbm>> -> memref<64xi32, #tpu.memory_space<hbm>>
        %dma_start3A_565 = arith.constant 0 : i32
        %dma_start3A_566 = tpu.memref_slice %arg6[%dma_start3A_559, %dma_start3A_560, %dma_start3A_565] : memref<8x2x64xi32, #tpu.memory_space<vmem>> -> memref<1x1x64xi32, #tpu.memory_space<vmem>>
        %dma_start3A_567 = tpu.memref_squeeze %dma_start3A_566 : memref<1x1x64xi32, #tpu.memory_space<vmem>> -> memref<64xi32, #tpu.memory_space<vmem>>
        %dma_start3A_568 = tpu.memref_slice %arg2[%add3A_558] : memref<640000xi32, #tpu.memory_space<hbm>> -> memref<64xi32, #tpu.memory_space<hbm>>
        tpu.enqueue_dma source(%dma_start3A_568 : memref<64xi32, #tpu.memory_space<hbm>>) target(%dma_start3A_567 : memref<64xi32, #tpu.memory_space<vmem>>) target_semaphore(%arg14 : memref<!tpu.dma_semaphore, #tpu.memory_space<semaphore_mem>>)
      } else {
      }
      %add3A_416 = arith.constant 4 : i32
      %add3A_417 = arith.addi %add3A_405, %add3A_416 : i32
      %lt3A_418 = arith.cmpi slt, %add3A_417, %add3A_8 : i32
      %convert_element_type3A_419 = arith.extui %lt3A_418 : i1 to i32
      %cond3A_420 = arith.constant 0 : i32
      %cond3A_421 = arith.cmpi ne, %convert_element_type3A_419, %cond3A_420 : i32
      scf.if %cond3A_421 {
        %add3A_542 = arith.constant 4 : i32
        %add3A_543 = arith.addi %add3A_405, %add3A_542 : i32
        %add3A_544 = arith.addi %add3A_4, %add3A_543 : i32
        %mul3A_545 = arith.constant 64 : i32
        %mul3A_546 = arith.muli %add3A_544, %mul3A_545 : i32
        %dma_wait3A_547 = arith.constant 5 : i32
        %dma_wait3A_548 = arith.constant 0 : i32
        %dma_wait3A_549 = arith.constant 0 : i32
        %dma_wait3A_550 = tpu.memref_slice %arg6[%dma_wait3A_547, %dma_wait3A_548, %dma_wait3A_549] : memref<8x2x64xi32, #tpu.memory_space<vmem>> -> memref<1x1x64xi32, #tpu.memory_space<vmem>>
        %dma_wait3A_551 = tpu.memref_squeeze %dma_wait3A_550 : memref<1x1x64xi32, #tpu.memory_space<vmem>> -> memref<64xi32, #tpu.memory_space<vmem>>
        %dma_wait3A_552 = tpu.memref_slice %arg2[%mul3A_546] : memref<640000xi32, #tpu.memory_space<hbm>> -> memref<64xi32, #tpu.memory_space<hbm>>
        %dma_wait3A_553 = arith.constant 0 : i32
        %dma_wait3A_554 = tpu.memref_slice %arg6[%dma_wait3A_547, %dma_wait3A_548, %dma_wait3A_553] : memref<8x2x64xi32, #tpu.memory_space<vmem>> -> memref<1x1x64xi32, #tpu.memory_space<vmem>>
        %dma_wait3A_555 = tpu.memref_squeeze %dma_wait3A_554 : memref<1x1x64xi32, #tpu.memory_space<vmem>> -> memref<64xi32, #tpu.memory_space<vmem>>
        %dma_wait3A_556 = tpu.memref_slice %arg2[%mul3A_546] : memref<640000xi32, #tpu.memory_space<hbm>> -> memref<64xi32, #tpu.memory_space<hbm>>
        tpu.wait_dma2 semaphore(%arg18 : memref<!tpu.dma_semaphore, #tpu.memory_space<semaphore_mem>>) src(%dma_wait3A_556 : memref<64xi32, #tpu.memory_space<hbm>>) dst(%dma_wait3A_555 : memref<64xi32, #tpu.memory_space<vmem>>)
        %add3A_557 = arith.constant 320000 : i32
        %add3A_558 = arith.addi %add3A_557, %mul3A_546 : i32
        %dma_wait3A_559 = arith.constant 5 : i32
        %dma_wait3A_560 = arith.constant 1 : i32
        %dma_wait3A_561 = arith.constant 0 : i32
        %dma_wait3A_562 = tpu.memref_slice %arg6[%dma_wait3A_559, %dma_wait3A_560, %dma_wait3A_561] : memref<8x2x64xi32, #tpu.memory_space<vmem>> -> memref<1x1x64xi32, #tpu.memory_space<vmem>>
        %dma_wait3A_563 = tpu.memref_squeeze %dma_wait3A_562 : memref<1x1x64xi32, #tpu.memory_space<vmem>> -> memref<64xi32, #tpu.memory_space<vmem>>
        %dma_wait3A_564 = tpu.memref_slice %arg2[%add3A_558] : memref<640000xi32, #tpu.memory_space<hbm>> -> memref<64xi32, #tpu.memory_space<hbm>>
        %dma_wait3A_565 = arith.constant 0 : i32
        %dma_wait3A_566 = tpu.memref_slice %arg6[%dma_wait3A_559, %dma_wait3A_560, %dma_wait3A_565] : memref<8x2x64xi32, #tpu.memory_space<vmem>> -> memref<1x1x64xi32, #tpu.memory_space<vmem>>
        %dma_wait3A_567 = tpu.memref_squeeze %dma_wait3A_566 : memref<1x1x64xi32, #tpu.memory_space<vmem>> -> memref<64xi32, #tpu.memory_space<vmem>>
        %dma_wait3A_568 = tpu.memref_slice %arg2[%add3A_558] : memref<640000xi32, #tpu.memory_space<hbm>> -> memref<64xi32, #tpu.memory_space<hbm>>
        tpu.wait_dma2 semaphore(%arg18 : memref<!tpu.dma_semaphore, #tpu.memory_space<semaphore_mem>>) src(%dma_wait3A_568 : memref<64xi32, #tpu.memory_space<hbm>>) dst(%dma_wait3A_567 : memref<64xi32, #tpu.memory_space<vmem>>)
        %dma_start3A_569 = arith.constant 5 : i32
        %dma_start3A_570 = arith.constant 0 : i32
        %dma_start3A_571 = arith.constant 1 : i32
        %dma_start3A_572 = arith.constant 0 : i32
        %dma_start3A_573 = arith.constant 0 : i32
        %dma_start3A_574 = tpu.memref_slice %arg7[%dma_start3A_571, %dma_start3A_572, %dma_start3A_573] : memref<4x64x128xf32, #tpu.memory_space<vmem>> -> memref<1x64x128xf32, #tpu.memory_space<vmem>>
        %dma_start3A_575 = tpu.memref_squeeze %dma_start3A_574 : memref<1x64x128xf32, #tpu.memory_space<vmem>> -> memref<64x128xf32, #tpu.memory_space<vmem>>
        %dma_start3A_576 = arith.constant 0 : i32
        %dma_start3A_577 = tpu.memref_slice %arg6[%dma_start3A_569, %dma_start3A_570, %dma_start3A_576] : memref<8x2x64xi32, #tpu.memory_space<vmem>> -> memref<1x1x64xi32, #tpu.memory_space<vmem>>
        %dma_start3A_578 = tpu.memref_squeeze %dma_start3A_577 : memref<1x1x64xi32, #tpu.memory_space<vmem>> -> memref<64xi32, #tpu.memory_space<vmem>>
        %dma_start3A_579 = arith.constant 0 : i32
        %dma_start3A_580 = arith.constant 0 : i32
        %dma_start3A_581 = tpu.memref_slice %arg3[%dma_start3A_579, %dma_start3A_580] : memref<10240x128xf32, #tpu.memory_space<hbm>> -> memref<10240x128xf32, #tpu.memory_space<hbm>>
        tpu.enqueue_indirect_dma source(%dma_start3A_581 : memref<10240x128xf32, #tpu.memory_space<hbm>>) target(%dma_start3A_575 : memref<64x128xf32, #tpu.memory_space<vmem>>) offsets(%dma_start3A_578 : memref<64xi32, #tpu.memory_space<vmem>>) semaphore(%arg10 : memref<!tpu.dma_semaphore, #tpu.memory_space<semaphore_mem>>)
      } else {
      }
      %mul3A_422 = arith.constant 8 : i32
      %mul3A_423 = arith.muli %mul3A_422, %scan3A_383 : i32
      %add3A_424 = arith.constant 2 : i32
      %add3A_425 = arith.addi %mul3A_423, %add3A_424 : i32
      %lt3A_426 = arith.cmpi slt, %add3A_425, %add3A_8 : i32
      %convert_element_type3A_427 = arith.extui %lt3A_426 : i1 to i32
      %cond3A_428 = arith.constant 0 : i32
      %cond3A_429 = arith.cmpi ne, %convert_element_type3A_427, %cond3A_428 : i32
      scf.if %cond3A_429 {
        %dma_wait3A_542 = arith.constant 2 : i32
        %dma_wait3A_543 = arith.constant 0 : i32
        %dma_wait3A_544 = arith.constant 2 : i32
        %dma_wait3A_545 = arith.constant 0 : i32
        %dma_wait3A_546 = arith.constant 0 : i32
        %dma_wait3A_547 = tpu.memref_slice %arg7[%dma_wait3A_544, %dma_wait3A_545, %dma_wait3A_546] : memref<4x64x128xf32, #tpu.memory_space<vmem>> -> memref<1x64x128xf32, #tpu.memory_space<vmem>>
        %dma_wait3A_548 = tpu.memref_squeeze %dma_wait3A_547 : memref<1x64x128xf32, #tpu.memory_space<vmem>> -> memref<64x128xf32, #tpu.memory_space<vmem>>
        %dma_wait3A_549 = arith.constant 0 : i32
        %dma_wait3A_550 = tpu.memref_slice %arg6[%dma_wait3A_542, %dma_wait3A_543, %dma_wait3A_549] : memref<8x2x64xi32, #tpu.memory_space<vmem>> -> memref<1x1x64xi32, #tpu.memory_space<vmem>>
        %dma_wait3A_551 = tpu.memref_squeeze %dma_wait3A_550 : memref<1x1x64xi32, #tpu.memory_space<vmem>> -> memref<64xi32, #tpu.memory_space<vmem>>
        %dma_wait3A_552 = arith.constant 0 : i32
        %dma_wait3A_553 = arith.constant 0 : i32
        %dma_wait3A_554 = tpu.memref_slice %arg3[%dma_wait3A_552, %dma_wait3A_553] : memref<10240x128xf32, #tpu.memory_space<hbm>> -> memref<10240x128xf32, #tpu.memory_space<hbm>>
        tpu.wait_indirect_dma semaphore(%arg11 : memref<!tpu.dma_semaphore, #tpu.memory_space<semaphore_mem>>) src(%dma_wait3A_554 : memref<10240x128xf32, #tpu.memory_space<hbm>>) dst(%dma_wait3A_548 : memref<64x128xf32, #tpu.memory_space<vmem>>)
        %run_scoped3A = arith.constant 2 : i32
        %run_scoped3A_555 = arith.constant 2 : i32
        %run_scoped3A_556 = arith.constant 1 : i32
        "tpu.region"() ({
          %run_scoped3A_557 = tpu.sem_alloc : memref<!tpu.dma_semaphore, #tpu.memory_space<semaphore_mem>>
          %dma_start3A_558 = arith.constant 0 : i32
          %dma_start3A_559 = arith.constant 0 : i32
          %dma_start3A_560 = tpu.memref_slice %arg7[%run_scoped3A, %dma_start3A_558, %dma_start3A_559] : memref<4x64x128xf32, #tpu.memory_space<vmem>> -> memref<1x64x128xf32, #tpu.memory_space<vmem>>
          %dma_start3A_561 = tpu.memref_squeeze %dma_start3A_560 : memref<1x64x128xf32, #tpu.memory_space<vmem>> -> memref<64x128xf32, #tpu.memory_space<vmem>>
          %dma_start3A_562 = arith.constant 0 : i32
          %dma_start3A_563 = tpu.memref_slice %arg6[%run_scoped3A_555, %run_scoped3A_556, %dma_start3A_562] : memref<8x2x64xi32, #tpu.memory_space<vmem>> -> memref<1x1x64xi32, #tpu.memory_space<vmem>>
          %dma_start3A_564 = tpu.memref_squeeze %dma_start3A_563 : memref<1x1x64xi32, #tpu.memory_space<vmem>> -> memref<64xi32, #tpu.memory_space<vmem>>
          %dma_start3A_565 = arith.constant 0 : i32
          %dma_start3A_566 = arith.constant 0 : i32
          %dma_start3A_567 = tpu.memref_slice %arg8[%dma_start3A_565, %dma_start3A_566] : memref<10240x128xf32, #tpu.memory_space<vmem_shared>> -> memref<10240x128xf32, #tpu.memory_space<vmem_shared>>
          tpu.enqueue_indirect_dma source(%dma_start3A_561 : memref<64x128xf32, #tpu.memory_space<vmem>>) target(%dma_start3A_567 : memref<10240x128xf32, #tpu.memory_space<vmem_shared>>) offsets(%dma_start3A_564 : memref<64xi32, #tpu.memory_space<vmem>>) semaphore(%run_scoped3A_557 : memref<!tpu.dma_semaphore, #tpu.memory_space<semaphore_mem>>) {add = true}
          %dma_wait3A_568 = arith.constant 0 : i32
          %dma_wait3A_569 = arith.constant 0 : i32
          %dma_wait3A_570 = tpu.memref_slice %arg7[%run_scoped3A, %dma_wait3A_568, %dma_wait3A_569] : memref<4x64x128xf32, #tpu.memory_space<vmem>> -> memref<1x64x128xf32, #tpu.memory_space<vmem>>
          %dma_wait3A_571 = tpu.memref_squeeze %dma_wait3A_570 : memref<1x64x128xf32, #tpu.memory_space<vmem>> -> memref<64x128xf32, #tpu.memory_space<vmem>>
          %dma_wait3A_572 = arith.constant 0 : i32
          %dma_wait3A_573 = tpu.memref_slice %arg6[%run_scoped3A_555, %run_scoped3A_556, %dma_wait3A_572] : memref<8x2x64xi32, #tpu.memory_space<vmem>> -> memref<1x1x64xi32, #tpu.memory_space<vmem>>
          %dma_wait3A_574 = tpu.memref_squeeze %dma_wait3A_573 : memref<1x1x64xi32, #tpu.memory_space<vmem>> -> memref<64xi32, #tpu.memory_space<vmem>>
          %dma_wait3A_575 = arith.constant 0 : i32
          %dma_wait3A_576 = arith.constant 0 : i32
          %dma_wait3A_577 = tpu.memref_slice %arg8[%dma_wait3A_575, %dma_wait3A_576] : memref<10240x128xf32, #tpu.memory_space<vmem_shared>> -> memref<10240x128xf32, #tpu.memory_space<vmem_shared>>
          tpu.wait_indirect_dma semaphore(%run_scoped3A_557 : memref<!tpu.dma_semaphore, #tpu.memory_space<semaphore_mem>>) src(%dma_wait3A_571 : memref<64x128xf32, #tpu.memory_space<vmem>>) dst(%dma_wait3A_577 : memref<10240x128xf32, #tpu.memory_space<vmem_shared>>)
          tpu.yield
        }) : () -> ()
      } else {
      }
      %add3A_430 = arith.constant 8 : i32
      %add3A_431 = arith.addi %add3A_425, %add3A_430 : i32
      %lt3A_432 = arith.cmpi slt, %add3A_431, %add3A_8 : i32
      %convert_element_type3A_433 = arith.extui %lt3A_432 : i1 to i32
      %cond3A_434 = arith.constant 0 : i32
      %cond3A_435 = arith.cmpi ne, %convert_element_type3A_433, %cond3A_434 : i32
      scf.if %cond3A_435 {
        %add3A_542 = arith.constant 8 : i32
        %add3A_543 = arith.addi %add3A_425, %add3A_542 : i32
        %add3A_544 = arith.addi %add3A_4, %add3A_543 : i32
        %mul3A_545 = arith.constant 64 : i32
        %mul3A_546 = arith.muli %add3A_544, %mul3A_545 : i32
        %dma_start3A_547 = arith.constant 2 : i32
        %dma_start3A_548 = arith.constant 0 : i32
        %dma_start3A_549 = arith.constant 0 : i32
        %dma_start3A_550 = tpu.memref_slice %arg6[%dma_start3A_547, %dma_start3A_548, %dma_start3A_549] : memref<8x2x64xi32, #tpu.memory_space<vmem>> -> memref<1x1x64xi32, #tpu.memory_space<vmem>>
        %dma_start3A_551 = tpu.memref_squeeze %dma_start3A_550 : memref<1x1x64xi32, #tpu.memory_space<vmem>> -> memref<64xi32, #tpu.memory_space<vmem>>
        %dma_start3A_552 = tpu.memref_slice %arg2[%mul3A_546] : memref<640000xi32, #tpu.memory_space<hbm>> -> memref<64xi32, #tpu.memory_space<hbm>>
        %dma_start3A_553 = arith.constant 0 : i32
        %dma_start3A_554 = tpu.memref_slice %arg6[%dma_start3A_547, %dma_start3A_548, %dma_start3A_553] : memref<8x2x64xi32, #tpu.memory_space<vmem>> -> memref<1x1x64xi32, #tpu.memory_space<vmem>>
        %dma_start3A_555 = tpu.memref_squeeze %dma_start3A_554 : memref<1x1x64xi32, #tpu.memory_space<vmem>> -> memref<64xi32, #tpu.memory_space<vmem>>
        %dma_start3A_556 = tpu.memref_slice %arg2[%mul3A_546] : memref<640000xi32, #tpu.memory_space<hbm>> -> memref<64xi32, #tpu.memory_space<hbm>>
        tpu.enqueue_dma source(%dma_start3A_556 : memref<64xi32, #tpu.memory_space<hbm>>) target(%dma_start3A_555 : memref<64xi32, #tpu.memory_space<vmem>>) target_semaphore(%arg15 : memref<!tpu.dma_semaphore, #tpu.memory_space<semaphore_mem>>)
        %add3A_557 = arith.constant 320000 : i32
        %add3A_558 = arith.addi %add3A_557, %mul3A_546 : i32
        %dma_start3A_559 = arith.constant 2 : i32
        %dma_start3A_560 = arith.constant 1 : i32
        %dma_start3A_561 = arith.constant 0 : i32
        %dma_start3A_562 = tpu.memref_slice %arg6[%dma_start3A_559, %dma_start3A_560, %dma_start3A_561] : memref<8x2x64xi32, #tpu.memory_space<vmem>> -> memref<1x1x64xi32, #tpu.memory_space<vmem>>
        %dma_start3A_563 = tpu.memref_squeeze %dma_start3A_562 : memref<1x1x64xi32, #tpu.memory_space<vmem>> -> memref<64xi32, #tpu.memory_space<vmem>>
        %dma_start3A_564 = tpu.memref_slice %arg2[%add3A_558] : memref<640000xi32, #tpu.memory_space<hbm>> -> memref<64xi32, #tpu.memory_space<hbm>>
        %dma_start3A_565 = arith.constant 0 : i32
        %dma_start3A_566 = tpu.memref_slice %arg6[%dma_start3A_559, %dma_start3A_560, %dma_start3A_565] : memref<8x2x64xi32, #tpu.memory_space<vmem>> -> memref<1x1x64xi32, #tpu.memory_space<vmem>>
        %dma_start3A_567 = tpu.memref_squeeze %dma_start3A_566 : memref<1x1x64xi32, #tpu.memory_space<vmem>> -> memref<64xi32, #tpu.memory_space<vmem>>
        %dma_start3A_568 = tpu.memref_slice %arg2[%add3A_558] : memref<640000xi32, #tpu.memory_space<hbm>> -> memref<64xi32, #tpu.memory_space<hbm>>
        tpu.enqueue_dma source(%dma_start3A_568 : memref<64xi32, #tpu.memory_space<hbm>>) target(%dma_start3A_567 : memref<64xi32, #tpu.memory_space<vmem>>) target_semaphore(%arg15 : memref<!tpu.dma_semaphore, #tpu.memory_space<semaphore_mem>>)
      } else {
      }
      %add3A_436 = arith.constant 4 : i32
      %add3A_437 = arith.addi %add3A_425, %add3A_436 : i32
      %lt3A_438 = arith.cmpi slt, %add3A_437, %add3A_8 : i32
      %convert_element_type3A_439 = arith.extui %lt3A_438 : i1 to i32
      %cond3A_440 = arith.constant 0 : i32
      %cond3A_441 = arith.cmpi ne, %convert_element_type3A_439, %cond3A_440 : i32
      scf.if %cond3A_441 {
        %add3A_542 = arith.constant 4 : i32
        %add3A_543 = arith.addi %add3A_425, %add3A_542 : i32
        %add3A_544 = arith.addi %add3A_4, %add3A_543 : i32
        %mul3A_545 = arith.constant 64 : i32
        %mul3A_546 = arith.muli %add3A_544, %mul3A_545 : i32
        %dma_wait3A_547 = arith.constant 6 : i32
        %dma_wait3A_548 = arith.constant 0 : i32
        %dma_wait3A_549 = arith.constant 0 : i32
        %dma_wait3A_550 = tpu.memref_slice %arg6[%dma_wait3A_547, %dma_wait3A_548, %dma_wait3A_549] : memref<8x2x64xi32, #tpu.memory_space<vmem>> -> memref<1x1x64xi32, #tpu.memory_space<vmem>>
        %dma_wait3A_551 = tpu.memref_squeeze %dma_wait3A_550 : memref<1x1x64xi32, #tpu.memory_space<vmem>> -> memref<64xi32, #tpu.memory_space<vmem>>
        %dma_wait3A_552 = tpu.memref_slice %arg2[%mul3A_546] : memref<640000xi32, #tpu.memory_space<hbm>> -> memref<64xi32, #tpu.memory_space<hbm>>
        %dma_wait3A_553 = arith.constant 0 : i32
        %dma_wait3A_554 = tpu.memref_slice %arg6[%dma_wait3A_547, %dma_wait3A_548, %dma_wait3A_553] : memref<8x2x64xi32, #tpu.memory_space<vmem>> -> memref<1x1x64xi32, #tpu.memory_space<vmem>>
        %dma_wait3A_555 = tpu.memref_squeeze %dma_wait3A_554 : memref<1x1x64xi32, #tpu.memory_space<vmem>> -> memref<64xi32, #tpu.memory_space<vmem>>
        %dma_wait3A_556 = tpu.memref_slice %arg2[%mul3A_546] : memref<640000xi32, #tpu.memory_space<hbm>> -> memref<64xi32, #tpu.memory_space<hbm>>
        tpu.wait_dma2 semaphore(%arg19 : memref<!tpu.dma_semaphore, #tpu.memory_space<semaphore_mem>>) src(%dma_wait3A_556 : memref<64xi32, #tpu.memory_space<hbm>>) dst(%dma_wait3A_555 : memref<64xi32, #tpu.memory_space<vmem>>)
        %add3A_557 = arith.constant 320000 : i32
        %add3A_558 = arith.addi %add3A_557, %mul3A_546 : i32
        %dma_wait3A_559 = arith.constant 6 : i32
        %dma_wait3A_560 = arith.constant 1 : i32
        %dma_wait3A_561 = arith.constant 0 : i32
        %dma_wait3A_562 = tpu.memref_slice %arg6[%dma_wait3A_559, %dma_wait3A_560, %dma_wait3A_561] : memref<8x2x64xi32, #tpu.memory_space<vmem>> -> memref<1x1x64xi32, #tpu.memory_space<vmem>>
        %dma_wait3A_563 = tpu.memref_squeeze %dma_wait3A_562 : memref<1x1x64xi32, #tpu.memory_space<vmem>> -> memref<64xi32, #tpu.memory_space<vmem>>
        %dma_wait3A_564 = tpu.memref_slice %arg2[%add3A_558] : memref<640000xi32, #tpu.memory_space<hbm>> -> memref<64xi32, #tpu.memory_space<hbm>>
        %dma_wait3A_565 = arith.constant 0 : i32
        %dma_wait3A_566 = tpu.memref_slice %arg6[%dma_wait3A_559, %dma_wait3A_560, %dma_wait3A_565] : memref<8x2x64xi32, #tpu.memory_space<vmem>> -> memref<1x1x64xi32, #tpu.memory_space<vmem>>
        %dma_wait3A_567 = tpu.memref_squeeze %dma_wait3A_566 : memref<1x1x64xi32, #tpu.memory_space<vmem>> -> memref<64xi32, #tpu.memory_space<vmem>>
        %dma_wait3A_568 = tpu.memref_slice %arg2[%add3A_558] : memref<640000xi32, #tpu.memory_space<hbm>> -> memref<64xi32, #tpu.memory_space<hbm>>
        tpu.wait_dma2 semaphore(%arg19 : memref<!tpu.dma_semaphore, #tpu.memory_space<semaphore_mem>>) src(%dma_wait3A_568 : memref<64xi32, #tpu.memory_space<hbm>>) dst(%dma_wait3A_567 : memref<64xi32, #tpu.memory_space<vmem>>)
        %dma_start3A_569 = arith.constant 6 : i32
        %dma_start3A_570 = arith.constant 0 : i32
        %dma_start3A_571 = arith.constant 2 : i32
        %dma_start3A_572 = arith.constant 0 : i32
        %dma_start3A_573 = arith.constant 0 : i32
        %dma_start3A_574 = tpu.memref_slice %arg7[%dma_start3A_571, %dma_start3A_572, %dma_start3A_573] : memref<4x64x128xf32, #tpu.memory_space<vmem>> -> memref<1x64x128xf32, #tpu.memory_space<vmem>>
        %dma_start3A_575 = tpu.memref_squeeze %dma_start3A_574 : memref<1x64x128xf32, #tpu.memory_space<vmem>> -> memref<64x128xf32, #tpu.memory_space<vmem>>
        %dma_start3A_576 = arith.constant 0 : i32
        %dma_start3A_577 = tpu.memref_slice %arg6[%dma_start3A_569, %dma_start3A_570, %dma_start3A_576] : memref<8x2x64xi32, #tpu.memory_space<vmem>> -> memref<1x1x64xi32, #tpu.memory_space<vmem>>
        %dma_start3A_578 = tpu.memref_squeeze %dma_start3A_577 : memref<1x1x64xi32, #tpu.memory_space<vmem>> -> memref<64xi32, #tpu.memory_space<vmem>>
        %dma_start3A_579 = arith.constant 0 : i32
        %dma_start3A_580 = arith.constant 0 : i32
        %dma_start3A_581 = tpu.memref_slice %arg3[%dma_start3A_579, %dma_start3A_580] : memref<10240x128xf32, #tpu.memory_space<hbm>> -> memref<10240x128xf32, #tpu.memory_space<hbm>>
        tpu.enqueue_indirect_dma source(%dma_start3A_581 : memref<10240x128xf32, #tpu.memory_space<hbm>>) target(%dma_start3A_575 : memref<64x128xf32, #tpu.memory_space<vmem>>) offsets(%dma_start3A_578 : memref<64xi32, #tpu.memory_space<vmem>>) semaphore(%arg11 : memref<!tpu.dma_semaphore, #tpu.memory_space<semaphore_mem>>)
      } else {
      }
      %mul3A_442 = arith.constant 8 : i32
      %mul3A_443 = arith.muli %mul3A_442, %scan3A_383 : i32
      %add3A_444 = arith.constant 3 : i32
      %add3A_445 = arith.addi %mul3A_443, %add3A_444 : i32
      %lt3A_446 = arith.cmpi slt, %add3A_445, %add3A_8 : i32
      %convert_element_type3A_447 = arith.extui %lt3A_446 : i1 to i32
      %cond3A_448 = arith.constant 0 : i32
      %cond3A_449 = arith.cmpi ne, %convert_element_type3A_447, %cond3A_448 : i32
      scf.if %cond3A_449 {
        %dma_wait3A_542 = arith.constant 3 : i32
        %dma_wait3A_543 = arith.constant 0 : i32
        %dma_wait3A_544 = arith.constant 3 : i32
        %dma_wait3A_545 = arith.constant 0 : i32
        %dma_wait3A_546 = arith.constant 0 : i32
        %dma_wait3A_547 = tpu.memref_slice %arg7[%dma_wait3A_544, %dma_wait3A_545, %dma_wait3A_546] : memref<4x64x128xf32, #tpu.memory_space<vmem>> -> memref<1x64x128xf32, #tpu.memory_space<vmem>>
        %dma_wait3A_548 = tpu.memref_squeeze %dma_wait3A_547 : memref<1x64x128xf32, #tpu.memory_space<vmem>> -> memref<64x128xf32, #tpu.memory_space<vmem>>
        %dma_wait3A_549 = arith.constant 0 : i32
        %dma_wait3A_550 = tpu.memref_slice %arg6[%dma_wait3A_542, %dma_wait3A_543, %dma_wait3A_549] : memref<8x2x64xi32, #tpu.memory_space<vmem>> -> memref<1x1x64xi32, #tpu.memory_space<vmem>>
        %dma_wait3A_551 = tpu.memref_squeeze %dma_wait3A_550 : memref<1x1x64xi32, #tpu.memory_space<vmem>> -> memref<64xi32, #tpu.memory_space<vmem>>
        %dma_wait3A_552 = arith.constant 0 : i32
        %dma_wait3A_553 = arith.constant 0 : i32
        %dma_wait3A_554 = tpu.memref_slice %arg3[%dma_wait3A_552, %dma_wait3A_553] : memref<10240x128xf32, #tpu.memory_space<hbm>> -> memref<10240x128xf32, #tpu.memory_space<hbm>>
        tpu.wait_indirect_dma semaphore(%arg12 : memref<!tpu.dma_semaphore, #tpu.memory_space<semaphore_mem>>) src(%dma_wait3A_554 : memref<10240x128xf32, #tpu.memory_space<hbm>>) dst(%dma_wait3A_548 : memref<64x128xf32, #tpu.memory_space<vmem>>)
        %run_scoped3A = arith.constant 3 : i32
        %run_scoped3A_555 = arith.constant 3 : i32
        %run_scoped3A_556 = arith.constant 1 : i32
        "tpu.region"() ({
          %run_scoped3A_557 = tpu.sem_alloc : memref<!tpu.dma_semaphore, #tpu.memory_space<semaphore_mem>>
          %dma_start3A_558 = arith.constant 0 : i32
          %dma_start3A_559 = arith.constant 0 : i32
          %dma_start3A_560 = tpu.memref_slice %arg7[%run_scoped3A, %dma_start3A_558, %dma_start3A_559] : memref<4x64x128xf32, #tpu.memory_space<vmem>> -> memref<1x64x128xf32, #tpu.memory_space<vmem>>
          %dma_start3A_561 = tpu.memref_squeeze %dma_start3A_560 : memref<1x64x128xf32, #tpu.memory_space<vmem>> -> memref<64x128xf32, #tpu.memory_space<vmem>>
          %dma_start3A_562 = arith.constant 0 : i32
          %dma_start3A_563 = tpu.memref_slice %arg6[%run_scoped3A_555, %run_scoped3A_556, %dma_start3A_562] : memref<8x2x64xi32, #tpu.memory_space<vmem>> -> memref<1x1x64xi32, #tpu.memory_space<vmem>>
          %dma_start3A_564 = tpu.memref_squeeze %dma_start3A_563 : memref<1x1x64xi32, #tpu.memory_space<vmem>> -> memref<64xi32, #tpu.memory_space<vmem>>
          %dma_start3A_565 = arith.constant 0 : i32
          %dma_start3A_566 = arith.constant 0 : i32
          %dma_start3A_567 = tpu.memref_slice %arg8[%dma_start3A_565, %dma_start3A_566] : memref<10240x128xf32, #tpu.memory_space<vmem_shared>> -> memref<10240x128xf32, #tpu.memory_space<vmem_shared>>
          tpu.enqueue_indirect_dma source(%dma_start3A_561 : memref<64x128xf32, #tpu.memory_space<vmem>>) target(%dma_start3A_567 : memref<10240x128xf32, #tpu.memory_space<vmem_shared>>) offsets(%dma_start3A_564 : memref<64xi32, #tpu.memory_space<vmem>>) semaphore(%run_scoped3A_557 : memref<!tpu.dma_semaphore, #tpu.memory_space<semaphore_mem>>) {add = true}
          %dma_wait3A_568 = arith.constant 0 : i32
          %dma_wait3A_569 = arith.constant 0 : i32
          %dma_wait3A_570 = tpu.memref_slice %arg7[%run_scoped3A, %dma_wait3A_568, %dma_wait3A_569] : memref<4x64x128xf32, #tpu.memory_space<vmem>> -> memref<1x64x128xf32, #tpu.memory_space<vmem>>
          %dma_wait3A_571 = tpu.memref_squeeze %dma_wait3A_570 : memref<1x64x128xf32, #tpu.memory_space<vmem>> -> memref<64x128xf32, #tpu.memory_space<vmem>>
          %dma_wait3A_572 = arith.constant 0 : i32
          %dma_wait3A_573 = tpu.memref_slice %arg6[%run_scoped3A_555, %run_scoped3A_556, %dma_wait3A_572] : memref<8x2x64xi32, #tpu.memory_space<vmem>> -> memref<1x1x64xi32, #tpu.memory_space<vmem>>
          %dma_wait3A_574 = tpu.memref_squeeze %dma_wait3A_573 : memref<1x1x64xi32, #tpu.memory_space<vmem>> -> memref<64xi32, #tpu.memory_space<vmem>>
          %dma_wait3A_575 = arith.constant 0 : i32
          %dma_wait3A_576 = arith.constant 0 : i32
          %dma_wait3A_577 = tpu.memref_slice %arg8[%dma_wait3A_575, %dma_wait3A_576] : memref<10240x128xf32, #tpu.memory_space<vmem_shared>> -> memref<10240x128xf32, #tpu.memory_space<vmem_shared>>
          tpu.wait_indirect_dma semaphore(%run_scoped3A_557 : memref<!tpu.dma_semaphore, #tpu.memory_space<semaphore_mem>>) src(%dma_wait3A_571 : memref<64x128xf32, #tpu.memory_space<vmem>>) dst(%dma_wait3A_577 : memref<10240x128xf32, #tpu.memory_space<vmem_shared>>)
          tpu.yield
        }) : () -> ()
      } else {
      }
      %add3A_450 = arith.constant 8 : i32
      %add3A_451 = arith.addi %add3A_445, %add3A_450 : i32
      %lt3A_452 = arith.cmpi slt, %add3A_451, %add3A_8 : i32
      %convert_element_type3A_453 = arith.extui %lt3A_452 : i1 to i32
      %cond3A_454 = arith.constant 0 : i32
      %cond3A_455 = arith.cmpi ne, %convert_element_type3A_453, %cond3A_454 : i32
      scf.if %cond3A_455 {
        %add3A_542 = arith.constant 8 : i32
        %add3A_543 = arith.addi %add3A_445, %add3A_542 : i32
        %add3A_544 = arith.addi %add3A_4, %add3A_543 : i32
        %mul3A_545 = arith.constant 64 : i32
        %mul3A_546 = arith.muli %add3A_544, %mul3A_545 : i32
        %dma_start3A_547 = arith.constant 3 : i32
        %dma_start3A_548 = arith.constant 0 : i32
        %dma_start3A_549 = arith.constant 0 : i32
        %dma_start3A_550 = tpu.memref_slice %arg6[%dma_start3A_547, %dma_start3A_548, %dma_start3A_549] : memref<8x2x64xi32, #tpu.memory_space<vmem>> -> memref<1x1x64xi32, #tpu.memory_space<vmem>>
        %dma_start3A_551 = tpu.memref_squeeze %dma_start3A_550 : memref<1x1x64xi32, #tpu.memory_space<vmem>> -> memref<64xi32, #tpu.memory_space<vmem>>
        %dma_start3A_552 = tpu.memref_slice %arg2[%mul3A_546] : memref<640000xi32, #tpu.memory_space<hbm>> -> memref<64xi32, #tpu.memory_space<hbm>>
        %dma_start3A_553 = arith.constant 0 : i32
        %dma_start3A_554 = tpu.memref_slice %arg6[%dma_start3A_547, %dma_start3A_548, %dma_start3A_553] : memref<8x2x64xi32, #tpu.memory_space<vmem>> -> memref<1x1x64xi32, #tpu.memory_space<vmem>>
        %dma_start3A_555 = tpu.memref_squeeze %dma_start3A_554 : memref<1x1x64xi32, #tpu.memory_space<vmem>> -> memref<64xi32, #tpu.memory_space<vmem>>
        %dma_start3A_556 = tpu.memref_slice %arg2[%mul3A_546] : memref<640000xi32, #tpu.memory_space<hbm>> -> memref<64xi32, #tpu.memory_space<hbm>>
        tpu.enqueue_dma source(%dma_start3A_556 : memref<64xi32, #tpu.memory_space<hbm>>) target(%dma_start3A_555 : memref<64xi32, #tpu.memory_space<vmem>>) target_semaphore(%arg16 : memref<!tpu.dma_semaphore, #tpu.memory_space<semaphore_mem>>)
        %add3A_557 = arith.constant 320000 : i32
        %add3A_558 = arith.addi %add3A_557, %mul3A_546 : i32
        %dma_start3A_559 = arith.constant 3 : i32
        %dma_start3A_560 = arith.constant 1 : i32
        %dma_start3A_561 = arith.constant 0 : i32
        %dma_start3A_562 = tpu.memref_slice %arg6[%dma_start3A_559, %dma_start3A_560, %dma_start3A_561] : memref<8x2x64xi32, #tpu.memory_space<vmem>> -> memref<1x1x64xi32, #tpu.memory_space<vmem>>
        %dma_start3A_563 = tpu.memref_squeeze %dma_start3A_562 : memref<1x1x64xi32, #tpu.memory_space<vmem>> -> memref<64xi32, #tpu.memory_space<vmem>>
        %dma_start3A_564 = tpu.memref_slice %arg2[%add3A_558] : memref<640000xi32, #tpu.memory_space<hbm>> -> memref<64xi32, #tpu.memory_space<hbm>>
        %dma_start3A_565 = arith.constant 0 : i32
        %dma_start3A_566 = tpu.memref_slice %arg6[%dma_start3A_559, %dma_start3A_560, %dma_start3A_565] : memref<8x2x64xi32, #tpu.memory_space<vmem>> -> memref<1x1x64xi32, #tpu.memory_space<vmem>>
        %dma_start3A_567 = tpu.memref_squeeze %dma_start3A_566 : memref<1x1x64xi32, #tpu.memory_space<vmem>> -> memref<64xi32, #tpu.memory_space<vmem>>
        %dma_start3A_568 = tpu.memref_slice %arg2[%add3A_558] : memref<640000xi32, #tpu.memory_space<hbm>> -> memref<64xi32, #tpu.memory_space<hbm>>
        tpu.enqueue_dma source(%dma_start3A_568 : memref<64xi32, #tpu.memory_space<hbm>>) target(%dma_start3A_567 : memref<64xi32, #tpu.memory_space<vmem>>) target_semaphore(%arg16 : memref<!tpu.dma_semaphore, #tpu.memory_space<semaphore_mem>>)
      } else {
      }
      %add3A_456 = arith.constant 4 : i32
      %add3A_457 = arith.addi %add3A_445, %add3A_456 : i32
      %lt3A_458 = arith.cmpi slt, %add3A_457, %add3A_8 : i32
      %convert_element_type3A_459 = arith.extui %lt3A_458 : i1 to i32
      %cond3A_460 = arith.constant 0 : i32
      %cond3A_461 = arith.cmpi ne, %convert_element_type3A_459, %cond3A_460 : i32
      scf.if %cond3A_461 {
        %add3A_542 = arith.constant 4 : i32
        %add3A_543 = arith.addi %add3A_445, %add3A_542 : i32
        %add3A_544 = arith.addi %add3A_4, %add3A_543 : i32
        %mul3A_545 = arith.constant 64 : i32
        %mul3A_546 = arith.muli %add3A_544, %mul3A_545 : i32
        %dma_wait3A_547 = arith.constant 7 : i32
        %dma_wait3A_548 = arith.constant 0 : i32
        %dma_wait3A_549 = arith.constant 0 : i32
        %dma_wait3A_550 = tpu.memref_slice %arg6[%dma_wait3A_547, %dma_wait3A_548, %dma_wait3A_549] : memref<8x2x64xi32, #tpu.memory_space<vmem>> -> memref<1x1x64xi32, #tpu.memory_space<vmem>>
        %dma_wait3A_551 = tpu.memref_squeeze %dma_wait3A_550 : memref<1x1x64xi32, #tpu.memory_space<vmem>> -> memref<64xi32, #tpu.memory_space<vmem>>
        %dma_wait3A_552 = tpu.memref_slice %arg2[%mul3A_546] : memref<640000xi32, #tpu.memory_space<hbm>> -> memref<64xi32, #tpu.memory_space<hbm>>
        %dma_wait3A_553 = arith.constant 0 : i32
        %dma_wait3A_554 = tpu.memref_slice %arg6[%dma_wait3A_547, %dma_wait3A_548, %dma_wait3A_553] : memref<8x2x64xi32, #tpu.memory_space<vmem>> -> memref<1x1x64xi32, #tpu.memory_space<vmem>>
        %dma_wait3A_555 = tpu.memref_squeeze %dma_wait3A_554 : memref<1x1x64xi32, #tpu.memory_space<vmem>> -> memref<64xi32, #tpu.memory_space<vmem>>
        %dma_wait3A_556 = tpu.memref_slice %arg2[%mul3A_546] : memref<640000xi32, #tpu.memory_space<hbm>> -> memref<64xi32, #tpu.memory_space<hbm>>
        tpu.wait_dma2 semaphore(%arg20 : memref<!tpu.dma_semaphore, #tpu.memory_space<semaphore_mem>>) src(%dma_wait3A_556 : memref<64xi32, #tpu.memory_space<hbm>>) dst(%dma_wait3A_555 : memref<64xi32, #tpu.memory_space<vmem>>)
        %add3A_557 = arith.constant 320000 : i32
        %add3A_558 = arith.addi %add3A_557, %mul3A_546 : i32
        %dma_wait3A_559 = arith.constant 7 : i32
        %dma_wait3A_560 = arith.constant 1 : i32
        %dma_wait3A_561 = arith.constant 0 : i32
        %dma_wait3A_562 = tpu.memref_slice %arg6[%dma_wait3A_559, %dma_wait3A_560, %dma_wait3A_561] : memref<8x2x64xi32, #tpu.memory_space<vmem>> -> memref<1x1x64xi32, #tpu.memory_space<vmem>>
        %dma_wait3A_563 = tpu.memref_squeeze %dma_wait3A_562 : memref<1x1x64xi32, #tpu.memory_space<vmem>> -> memref<64xi32, #tpu.memory_space<vmem>>
        %dma_wait3A_564 = tpu.memref_slice %arg2[%add3A_558] : memref<640000xi32, #tpu.memory_space<hbm>> -> memref<64xi32, #tpu.memory_space<hbm>>
        %dma_wait3A_565 = arith.constant 0 : i32
        %dma_wait3A_566 = tpu.memref_slice %arg6[%dma_wait3A_559, %dma_wait3A_560, %dma_wait3A_565] : memref<8x2x64xi32, #tpu.memory_space<vmem>> -> memref<1x1x64xi32, #tpu.memory_space<vmem>>
        %dma_wait3A_567 = tpu.memref_squeeze %dma_wait3A_566 : memref<1x1x64xi32, #tpu.memory_space<vmem>> -> memref<64xi32, #tpu.memory_space<vmem>>
        %dma_wait3A_568 = tpu.memref_slice %arg2[%add3A_558] : memref<640000xi32, #tpu.memory_space<hbm>> -> memref<64xi32, #tpu.memory_space<hbm>>
        tpu.wait_dma2 semaphore(%arg20 : memref<!tpu.dma_semaphore, #tpu.memory_space<semaphore_mem>>) src(%dma_wait3A_568 : memref<64xi32, #tpu.memory_space<hbm>>) dst(%dma_wait3A_567 : memref<64xi32, #tpu.memory_space<vmem>>)
        %dma_start3A_569 = arith.constant 7 : i32
        %dma_start3A_570 = arith.constant 0 : i32
        %dma_start3A_571 = arith.constant 3 : i32
        %dma_start3A_572 = arith.constant 0 : i32
        %dma_start3A_573 = arith.constant 0 : i32
        %dma_start3A_574 = tpu.memref_slice %arg7[%dma_start3A_571, %dma_start3A_572, %dma_start3A_573] : memref<4x64x128xf32, #tpu.memory_space<vmem>> -> memref<1x64x128xf32, #tpu.memory_space<vmem>>
        %dma_start3A_575 = tpu.memref_squeeze %dma_start3A_574 : memref<1x64x128xf32, #tpu.memory_space<vmem>> -> memref<64x128xf32, #tpu.memory_space<vmem>>
        %dma_start3A_576 = arith.constant 0 : i32
        %dma_start3A_577 = tpu.memref_slice %arg6[%dma_start3A_569, %dma_start3A_570, %dma_start3A_576] : memref<8x2x64xi32, #tpu.memory_space<vmem>> -> memref<1x1x64xi32, #tpu.memory_space<vmem>>
        %dma_start3A_578 = tpu.memref_squeeze %dma_start3A_577 : memref<1x1x64xi32, #tpu.memory_space<vmem>> -> memref<64xi32, #tpu.memory_space<vmem>>
        %dma_start3A_579 = arith.constant 0 : i32
        %dma_start3A_580 = arith.constant 0 : i32
        %dma_start3A_581 = tpu.memref_slice %arg3[%dma_start3A_579, %dma_start3A_580] : memref<10240x128xf32, #tpu.memory_space<hbm>> -> memref<10240x128xf32, #tpu.memory_space<hbm>>
        tpu.enqueue_indirect_dma source(%dma_start3A_581 : memref<10240x128xf32, #tpu.memory_space<hbm>>) target(%dma_start3A_575 : memref<64x128xf32, #tpu.memory_space<vmem>>) offsets(%dma_start3A_578 : memref<64xi32, #tpu.memory_space<vmem>>) semaphore(%arg12 : memref<!tpu.dma_semaphore, #tpu.memory_space<semaphore_mem>>)
      } else {
      }
      %mul3A_462 = arith.constant 8 : i32
      %mul3A_463 = arith.muli %mul3A_462, %scan3A_383 : i32
      %add3A_464 = arith.constant 4 : i32
      %add3A_465 = arith.addi %mul3A_463, %add3A_464 : i32
      %lt3A_466 = arith.cmpi slt, %add3A_465, %add3A_8 : i32
      %convert_element_type3A_467 = arith.extui %lt3A_466 : i1 to i32
      %cond3A_468 = arith.constant 0 : i32
      %cond3A_469 = arith.cmpi ne, %convert_element_type3A_467, %cond3A_468 : i32
      scf.if %cond3A_469 {
        %dma_wait3A_542 = arith.constant 4 : i32
        %dma_wait3A_543 = arith.constant 0 : i32
        %dma_wait3A_544 = arith.constant 0 : i32
        %dma_wait3A_545 = arith.constant 0 : i32
        %dma_wait3A_546 = arith.constant 0 : i32
        %dma_wait3A_547 = tpu.memref_slice %arg7[%dma_wait3A_544, %dma_wait3A_545, %dma_wait3A_546] : memref<4x64x128xf32, #tpu.memory_space<vmem>> -> memref<1x64x128xf32, #tpu.memory_space<vmem>>
        %dma_wait3A_548 = tpu.memref_squeeze %dma_wait3A_547 : memref<1x64x128xf32, #tpu.memory_space<vmem>> -> memref<64x128xf32, #tpu.memory_space<vmem>>
        %dma_wait3A_549 = arith.constant 0 : i32
        %dma_wait3A_550 = tpu.memref_slice %arg6[%dma_wait3A_542, %dma_wait3A_543, %dma_wait3A_549] : memref<8x2x64xi32, #tpu.memory_space<vmem>> -> memref<1x1x64xi32, #tpu.memory_space<vmem>>
        %dma_wait3A_551 = tpu.memref_squeeze %dma_wait3A_550 : memref<1x1x64xi32, #tpu.memory_space<vmem>> -> memref<64xi32, #tpu.memory_space<vmem>>
        %dma_wait3A_552 = arith.constant 0 : i32
        %dma_wait3A_553 = arith.constant 0 : i32
        %dma_wait3A_554 = tpu.memref_slice %arg3[%dma_wait3A_552, %dma_wait3A_553] : memref<10240x128xf32, #tpu.memory_space<hbm>> -> memref<10240x128xf32, #tpu.memory_space<hbm>>
        tpu.wait_indirect_dma semaphore(%arg9 : memref<!tpu.dma_semaphore, #tpu.memory_space<semaphore_mem>>) src(%dma_wait3A_554 : memref<10240x128xf32, #tpu.memory_space<hbm>>) dst(%dma_wait3A_548 : memref<64x128xf32, #tpu.memory_space<vmem>>)
        %run_scoped3A = arith.constant 0 : i32
        %run_scoped3A_555 = arith.constant 4 : i32
        %run_scoped3A_556 = arith.constant 1 : i32
        "tpu.region"() ({
          %run_scoped3A_557 = tpu.sem_alloc : memref<!tpu.dma_semaphore, #tpu.memory_space<semaphore_mem>>
          %dma_start3A_558 = arith.constant 0 : i32
          %dma_start3A_559 = arith.constant 0 : i32
          %dma_start3A_560 = tpu.memref_slice %arg7[%run_scoped3A, %dma_start3A_558, %dma_start3A_559] : memref<4x64x128xf32, #tpu.memory_space<vmem>> -> memref<1x64x128xf32, #tpu.memory_space<vmem>>
          %dma_start3A_561 = tpu.memref_squeeze %dma_start3A_560 : memref<1x64x128xf32, #tpu.memory_space<vmem>> -> memref<64x128xf32, #tpu.memory_space<vmem>>
          %dma_start3A_562 = arith.constant 0 : i32
          %dma_start3A_563 = tpu.memref_slice %arg6[%run_scoped3A_555, %run_scoped3A_556, %dma_start3A_562] : memref<8x2x64xi32, #tpu.memory_space<vmem>> -> memref<1x1x64xi32, #tpu.memory_space<vmem>>
          %dma_start3A_564 = tpu.memref_squeeze %dma_start3A_563 : memref<1x1x64xi32, #tpu.memory_space<vmem>> -> memref<64xi32, #tpu.memory_space<vmem>>
          %dma_start3A_565 = arith.constant 0 : i32
          %dma_start3A_566 = arith.constant 0 : i32
          %dma_start3A_567 = tpu.memref_slice %arg8[%dma_start3A_565, %dma_start3A_566] : memref<10240x128xf32, #tpu.memory_space<vmem_shared>> -> memref<10240x128xf32, #tpu.memory_space<vmem_shared>>
          tpu.enqueue_indirect_dma source(%dma_start3A_561 : memref<64x128xf32, #tpu.memory_space<vmem>>) target(%dma_start3A_567 : memref<10240x128xf32, #tpu.memory_space<vmem_shared>>) offsets(%dma_start3A_564 : memref<64xi32, #tpu.memory_space<vmem>>) semaphore(%run_scoped3A_557 : memref<!tpu.dma_semaphore, #tpu.memory_space<semaphore_mem>>) {add = true}
          %dma_wait3A_568 = arith.constant 0 : i32
          %dma_wait3A_569 = arith.constant 0 : i32
          %dma_wait3A_570 = tpu.memref_slice %arg7[%run_scoped3A, %dma_wait3A_568, %dma_wait3A_569] : memref<4x64x128xf32, #tpu.memory_space<vmem>> -> memref<1x64x128xf32, #tpu.memory_space<vmem>>
          %dma_wait3A_571 = tpu.memref_squeeze %dma_wait3A_570 : memref<1x64x128xf32, #tpu.memory_space<vmem>> -> memref<64x128xf32, #tpu.memory_space<vmem>>
          %dma_wait3A_572 = arith.constant 0 : i32
          %dma_wait3A_573 = tpu.memref_slice %arg6[%run_scoped3A_555, %run_scoped3A_556, %dma_wait3A_572] : memref<8x2x64xi32, #tpu.memory_space<vmem>> -> memref<1x1x64xi32, #tpu.memory_space<vmem>>
          %dma_wait3A_574 = tpu.memref_squeeze %dma_wait3A_573 : memref<1x1x64xi32, #tpu.memory_space<vmem>> -> memref<64xi32, #tpu.memory_space<vmem>>
          %dma_wait3A_575 = arith.constant 0 : i32
          %dma_wait3A_576 = arith.constant 0 : i32
          %dma_wait3A_577 = tpu.memref_slice %arg8[%dma_wait3A_575, %dma_wait3A_576] : memref<10240x128xf32, #tpu.memory_space<vmem_shared>> -> memref<10240x128xf32, #tpu.memory_space<vmem_shared>>
          tpu.wait_indirect_dma semaphore(%run_scoped3A_557 : memref<!tpu.dma_semaphore, #tpu.memory_space<semaphore_mem>>) src(%dma_wait3A_571 : memref<64x128xf32, #tpu.memory_space<vmem>>) dst(%dma_wait3A_577 : memref<10240x128xf32, #tpu.memory_space<vmem_shared>>)
          tpu.yield
        }) : () -> ()
      } else {
      }
      %add3A_470 = arith.constant 8 : i32
      %add3A_471 = arith.addi %add3A_465, %add3A_470 : i32
      %lt3A_472 = arith.cmpi slt, %add3A_471, %add3A_8 : i32
      %convert_element_type3A_473 = arith.extui %lt3A_472 : i1 to i32
      %cond3A_474 = arith.constant 0 : i32
      %cond3A_475 = arith.cmpi ne, %convert_element_type3A_473, %cond3A_474 : i32
      scf.if %cond3A_475 {
        %add3A_542 = arith.constant 8 : i32
        %add3A_543 = arith.addi %add3A_465, %add3A_542 : i32
        %add3A_544 = arith.addi %add3A_4, %add3A_543 : i32
        %mul3A_545 = arith.constant 64 : i32
        %mul3A_546 = arith.muli %add3A_544, %mul3A_545 : i32
        %dma_start3A_547 = arith.constant 4 : i32
        %dma_start3A_548 = arith.constant 0 : i32
        %dma_start3A_549 = arith.constant 0 : i32
        %dma_start3A_550 = tpu.memref_slice %arg6[%dma_start3A_547, %dma_start3A_548, %dma_start3A_549] : memref<8x2x64xi32, #tpu.memory_space<vmem>> -> memref<1x1x64xi32, #tpu.memory_space<vmem>>
        %dma_start3A_551 = tpu.memref_squeeze %dma_start3A_550 : memref<1x1x64xi32, #tpu.memory_space<vmem>> -> memref<64xi32, #tpu.memory_space<vmem>>
        %dma_start3A_552 = tpu.memref_slice %arg2[%mul3A_546] : memref<640000xi32, #tpu.memory_space<hbm>> -> memref<64xi32, #tpu.memory_space<hbm>>
        %dma_start3A_553 = arith.constant 0 : i32
        %dma_start3A_554 = tpu.memref_slice %arg6[%dma_start3A_547, %dma_start3A_548, %dma_start3A_553] : memref<8x2x64xi32, #tpu.memory_space<vmem>> -> memref<1x1x64xi32, #tpu.memory_space<vmem>>
        %dma_start3A_555 = tpu.memref_squeeze %dma_start3A_554 : memref<1x1x64xi32, #tpu.memory_space<vmem>> -> memref<64xi32, #tpu.memory_space<vmem>>
        %dma_start3A_556 = tpu.memref_slice %arg2[%mul3A_546] : memref<640000xi32, #tpu.memory_space<hbm>> -> memref<64xi32, #tpu.memory_space<hbm>>
        tpu.enqueue_dma source(%dma_start3A_556 : memref<64xi32, #tpu.memory_space<hbm>>) target(%dma_start3A_555 : memref<64xi32, #tpu.memory_space<vmem>>) target_semaphore(%arg17 : memref<!tpu.dma_semaphore, #tpu.memory_space<semaphore_mem>>)
        %add3A_557 = arith.constant 320000 : i32
        %add3A_558 = arith.addi %add3A_557, %mul3A_546 : i32
        %dma_start3A_559 = arith.constant 4 : i32
        %dma_start3A_560 = arith.constant 1 : i32
        %dma_start3A_561 = arith.constant 0 : i32
        %dma_start3A_562 = tpu.memref_slice %arg6[%dma_start3A_559, %dma_start3A_560, %dma_start3A_561] : memref<8x2x64xi32, #tpu.memory_space<vmem>> -> memref<1x1x64xi32, #tpu.memory_space<vmem>>
        %dma_start3A_563 = tpu.memref_squeeze %dma_start3A_562 : memref<1x1x64xi32, #tpu.memory_space<vmem>> -> memref<64xi32, #tpu.memory_space<vmem>>
        %dma_start3A_564 = tpu.memref_slice %arg2[%add3A_558] : memref<640000xi32, #tpu.memory_space<hbm>> -> memref<64xi32, #tpu.memory_space<hbm>>
        %dma_start3A_565 = arith.constant 0 : i32
        %dma_start3A_566 = tpu.memref_slice %arg6[%dma_start3A_559, %dma_start3A_560, %dma_start3A_565] : memref<8x2x64xi32, #tpu.memory_space<vmem>> -> memref<1x1x64xi32, #tpu.memory_space<vmem>>
        %dma_start3A_567 = tpu.memref_squeeze %dma_start3A_566 : memref<1x1x64xi32, #tpu.memory_space<vmem>> -> memref<64xi32, #tpu.memory_space<vmem>>
        %dma_start3A_568 = tpu.memref_slice %arg2[%add3A_558] : memref<640000xi32, #tpu.memory_space<hbm>> -> memref<64xi32, #tpu.memory_space<hbm>>
        tpu.enqueue_dma source(%dma_start3A_568 : memref<64xi32, #tpu.memory_space<hbm>>) target(%dma_start3A_567 : memref<64xi32, #tpu.memory_space<vmem>>) target_semaphore(%arg17 : memref<!tpu.dma_semaphore, #tpu.memory_space<semaphore_mem>>)
      } else {
      }
      %add3A_476 = arith.constant 4 : i32
      %add3A_477 = arith.addi %add3A_465, %add3A_476 : i32
      %lt3A_478 = arith.cmpi slt, %add3A_477, %add3A_8 : i32
      %convert_element_type3A_479 = arith.extui %lt3A_478 : i1 to i32
      %cond3A_480 = arith.constant 0 : i32
      %cond3A_481 = arith.cmpi ne, %convert_element_type3A_479, %cond3A_480 : i32
      scf.if %cond3A_481 {
        %add3A_542 = arith.constant 4 : i32
        %add3A_543 = arith.addi %add3A_465, %add3A_542 : i32
        %add3A_544 = arith.addi %add3A_4, %add3A_543 : i32
        %mul3A_545 = arith.constant 64 : i32
        %mul3A_546 = arith.muli %add3A_544, %mul3A_545 : i32
        %dma_wait3A_547 = arith.constant 0 : i32
        %dma_wait3A_548 = arith.constant 0 : i32
        %dma_wait3A_549 = arith.constant 0 : i32
        %dma_wait3A_550 = tpu.memref_slice %arg6[%dma_wait3A_547, %dma_wait3A_548, %dma_wait3A_549] : memref<8x2x64xi32, #tpu.memory_space<vmem>> -> memref<1x1x64xi32, #tpu.memory_space<vmem>>
        %dma_wait3A_551 = tpu.memref_squeeze %dma_wait3A_550 : memref<1x1x64xi32, #tpu.memory_space<vmem>> -> memref<64xi32, #tpu.memory_space<vmem>>
        %dma_wait3A_552 = tpu.memref_slice %arg2[%mul3A_546] : memref<640000xi32, #tpu.memory_space<hbm>> -> memref<64xi32, #tpu.memory_space<hbm>>
        %dma_wait3A_553 = arith.constant 0 : i32
        %dma_wait3A_554 = tpu.memref_slice %arg6[%dma_wait3A_547, %dma_wait3A_548, %dma_wait3A_553] : memref<8x2x64xi32, #tpu.memory_space<vmem>> -> memref<1x1x64xi32, #tpu.memory_space<vmem>>
        %dma_wait3A_555 = tpu.memref_squeeze %dma_wait3A_554 : memref<1x1x64xi32, #tpu.memory_space<vmem>> -> memref<64xi32, #tpu.memory_space<vmem>>
        %dma_wait3A_556 = tpu.memref_slice %arg2[%mul3A_546] : memref<640000xi32, #tpu.memory_space<hbm>> -> memref<64xi32, #tpu.memory_space<hbm>>
        tpu.wait_dma2 semaphore(%arg13 : memref<!tpu.dma_semaphore, #tpu.memory_space<semaphore_mem>>) src(%dma_wait3A_556 : memref<64xi32, #tpu.memory_space<hbm>>) dst(%dma_wait3A_555 : memref<64xi32, #tpu.memory_space<vmem>>)
        %add3A_557 = arith.constant 320000 : i32
        %add3A_558 = arith.addi %add3A_557, %mul3A_546 : i32
        %dma_wait3A_559 = arith.constant 0 : i32
        %dma_wait3A_560 = arith.constant 1 : i32
        %dma_wait3A_561 = arith.constant 0 : i32
        %dma_wait3A_562 = tpu.memref_slice %arg6[%dma_wait3A_559, %dma_wait3A_560, %dma_wait3A_561] : memref<8x2x64xi32, #tpu.memory_space<vmem>> -> memref<1x1x64xi32, #tpu.memory_space<vmem>>
        %dma_wait3A_563 = tpu.memref_squeeze %dma_wait3A_562 : memref<1x1x64xi32, #tpu.memory_space<vmem>> -> memref<64xi32, #tpu.memory_space<vmem>>
        %dma_wait3A_564 = tpu.memref_slice %arg2[%add3A_558] : memref<640000xi32, #tpu.memory_space<hbm>> -> memref<64xi32, #tpu.memory_space<hbm>>
        %dma_wait3A_565 = arith.constant 0 : i32
        %dma_wait3A_566 = tpu.memref_slice %arg6[%dma_wait3A_559, %dma_wait3A_560, %dma_wait3A_565] : memref<8x2x64xi32, #tpu.memory_space<vmem>> -> memref<1x1x64xi32, #tpu.memory_space<vmem>>
        %dma_wait3A_567 = tpu.memref_squeeze %dma_wait3A_566 : memref<1x1x64xi32, #tpu.memory_space<vmem>> -> memref<64xi32, #tpu.memory_space<vmem>>
        %dma_wait3A_568 = tpu.memref_slice %arg2[%add3A_558] : memref<640000xi32, #tpu.memory_space<hbm>> -> memref<64xi32, #tpu.memory_space<hbm>>
        tpu.wait_dma2 semaphore(%arg13 : memref<!tpu.dma_semaphore, #tpu.memory_space<semaphore_mem>>) src(%dma_wait3A_568 : memref<64xi32, #tpu.memory_space<hbm>>) dst(%dma_wait3A_567 : memref<64xi32, #tpu.memory_space<vmem>>)
        %dma_start3A_569 = arith.constant 0 : i32
        %dma_start3A_570 = arith.constant 0 : i32
        %dma_start3A_571 = arith.constant 0 : i32
        %dma_start3A_572 = arith.constant 0 : i32
        %dma_start3A_573 = arith.constant 0 : i32
        %dma_start3A_574 = tpu.memref_slice %arg7[%dma_start3A_571, %dma_start3A_572, %dma_start3A_573] : memref<4x64x128xf32, #tpu.memory_space<vmem>> -> memref<1x64x128xf32, #tpu.memory_space<vmem>>
        %dma_start3A_575 = tpu.memref_squeeze %dma_start3A_574 : memref<1x64x128xf32, #tpu.memory_space<vmem>> -> memref<64x128xf32, #tpu.memory_space<vmem>>
        %dma_start3A_576 = arith.constant 0 : i32
        %dma_start3A_577 = tpu.memref_slice %arg6[%dma_start3A_569, %dma_start3A_570, %dma_start3A_576] : memref<8x2x64xi32, #tpu.memory_space<vmem>> -> memref<1x1x64xi32, #tpu.memory_space<vmem>>
        %dma_start3A_578 = tpu.memref_squeeze %dma_start3A_577 : memref<1x1x64xi32, #tpu.memory_space<vmem>> -> memref<64xi32, #tpu.memory_space<vmem>>
        %dma_start3A_579 = arith.constant 0 : i32
        %dma_start3A_580 = arith.constant 0 : i32
        %dma_start3A_581 = tpu.memref_slice %arg3[%dma_start3A_579, %dma_start3A_580] : memref<10240x128xf32, #tpu.memory_space<hbm>> -> memref<10240x128xf32, #tpu.memory_space<hbm>>
        tpu.enqueue_indirect_dma source(%dma_start3A_581 : memref<10240x128xf32, #tpu.memory_space<hbm>>) target(%dma_start3A_575 : memref<64x128xf32, #tpu.memory_space<vmem>>) offsets(%dma_start3A_578 : memref<64xi32, #tpu.memory_space<vmem>>) semaphore(%arg9 : memref<!tpu.dma_semaphore, #tpu.memory_space<semaphore_mem>>)
      } else {
      }
      %mul3A_482 = arith.constant 8 : i32
      %mul3A_483 = arith.muli %mul3A_482, %scan3A_383 : i32
      %add3A_484 = arith.constant 5 : i32
      %add3A_485 = arith.addi %mul3A_483, %add3A_484 : i32
      %lt3A_486 = arith.cmpi slt, %add3A_485, %add3A_8 : i32
      %convert_element_type3A_487 = arith.extui %lt3A_486 : i1 to i32
      %cond3A_488 = arith.constant 0 : i32
      %cond3A_489 = arith.cmpi ne, %convert_element_type3A_487, %cond3A_488 : i32
      scf.if %cond3A_489 {
        %dma_wait3A_542 = arith.constant 5 : i32
        %dma_wait3A_543 = arith.constant 0 : i32
        %dma_wait3A_544 = arith.constant 1 : i32
        %dma_wait3A_545 = arith.constant 0 : i32
        %dma_wait3A_546 = arith.constant 0 : i32
        %dma_wait3A_547 = tpu.memref_slice %arg7[%dma_wait3A_544, %dma_wait3A_545, %dma_wait3A_546] : memref<4x64x128xf32, #tpu.memory_space<vmem>> -> memref<1x64x128xf32, #tpu.memory_space<vmem>>
        %dma_wait3A_548 = tpu.memref_squeeze %dma_wait3A_547 : memref<1x64x128xf32, #tpu.memory_space<vmem>> -> memref<64x128xf32, #tpu.memory_space<vmem>>
        %dma_wait3A_549 = arith.constant 0 : i32
        %dma_wait3A_550 = tpu.memref_slice %arg6[%dma_wait3A_542, %dma_wait3A_543, %dma_wait3A_549] : memref<8x2x64xi32, #tpu.memory_space<vmem>> -> memref<1x1x64xi32, #tpu.memory_space<vmem>>
        %dma_wait3A_551 = tpu.memref_squeeze %dma_wait3A_550 : memref<1x1x64xi32, #tpu.memory_space<vmem>> -> memref<64xi32, #tpu.memory_space<vmem>>
        %dma_wait3A_552 = arith.constant 0 : i32
        %dma_wait3A_553 = arith.constant 0 : i32
        %dma_wait3A_554 = tpu.memref_slice %arg3[%dma_wait3A_552, %dma_wait3A_553] : memref<10240x128xf32, #tpu.memory_space<hbm>> -> memref<10240x128xf32, #tpu.memory_space<hbm>>
        tpu.wait_indirect_dma semaphore(%arg10 : memref<!tpu.dma_semaphore, #tpu.memory_space<semaphore_mem>>) src(%dma_wait3A_554 : memref<10240x128xf32, #tpu.memory_space<hbm>>) dst(%dma_wait3A_548 : memref<64x128xf32, #tpu.memory_space<vmem>>)
        %run_scoped3A = arith.constant 1 : i32
        %run_scoped3A_555 = arith.constant 5 : i32
        %run_scoped3A_556 = arith.constant 1 : i32
        "tpu.region"() ({
          %run_scoped3A_557 = tpu.sem_alloc : memref<!tpu.dma_semaphore, #tpu.memory_space<semaphore_mem>>
          %dma_start3A_558 = arith.constant 0 : i32
          %dma_start3A_559 = arith.constant 0 : i32
          %dma_start3A_560 = tpu.memref_slice %arg7[%run_scoped3A, %dma_start3A_558, %dma_start3A_559] : memref<4x64x128xf32, #tpu.memory_space<vmem>> -> memref<1x64x128xf32, #tpu.memory_space<vmem>>
          %dma_start3A_561 = tpu.memref_squeeze %dma_start3A_560 : memref<1x64x128xf32, #tpu.memory_space<vmem>> -> memref<64x128xf32, #tpu.memory_space<vmem>>
          %dma_start3A_562 = arith.constant 0 : i32
          %dma_start3A_563 = tpu.memref_slice %arg6[%run_scoped3A_555, %run_scoped3A_556, %dma_start3A_562] : memref<8x2x64xi32, #tpu.memory_space<vmem>> -> memref<1x1x64xi32, #tpu.memory_space<vmem>>
          %dma_start3A_564 = tpu.memref_squeeze %dma_start3A_563 : memref<1x1x64xi32, #tpu.memory_space<vmem>> -> memref<64xi32, #tpu.memory_space<vmem>>
          %dma_start3A_565 = arith.constant 0 : i32
          %dma_start3A_566 = arith.constant 0 : i32
          %dma_start3A_567 = tpu.memref_slice %arg8[%dma_start3A_565, %dma_start3A_566] : memref<10240x128xf32, #tpu.memory_space<vmem_shared>> -> memref<10240x128xf32, #tpu.memory_space<vmem_shared>>
          tpu.enqueue_indirect_dma source(%dma_start3A_561 : memref<64x128xf32, #tpu.memory_space<vmem>>) target(%dma_start3A_567 : memref<10240x128xf32, #tpu.memory_space<vmem_shared>>) offsets(%dma_start3A_564 : memref<64xi32, #tpu.memory_space<vmem>>) semaphore(%run_scoped3A_557 : memref<!tpu.dma_semaphore, #tpu.memory_space<semaphore_mem>>) {add = true}
          %dma_wait3A_568 = arith.constant 0 : i32
          %dma_wait3A_569 = arith.constant 0 : i32
          %dma_wait3A_570 = tpu.memref_slice %arg7[%run_scoped3A, %dma_wait3A_568, %dma_wait3A_569] : memref<4x64x128xf32, #tpu.memory_space<vmem>> -> memref<1x64x128xf32, #tpu.memory_space<vmem>>
          %dma_wait3A_571 = tpu.memref_squeeze %dma_wait3A_570 : memref<1x64x128xf32, #tpu.memory_space<vmem>> -> memref<64x128xf32, #tpu.memory_space<vmem>>
          %dma_wait3A_572 = arith.constant 0 : i32
          %dma_wait3A_573 = tpu.memref_slice %arg6[%run_scoped3A_555, %run_scoped3A_556, %dma_wait3A_572] : memref<8x2x64xi32, #tpu.memory_space<vmem>> -> memref<1x1x64xi32, #tpu.memory_space<vmem>>
          %dma_wait3A_574 = tpu.memref_squeeze %dma_wait3A_573 : memref<1x1x64xi32, #tpu.memory_space<vmem>> -> memref<64xi32, #tpu.memory_space<vmem>>
          %dma_wait3A_575 = arith.constant 0 : i32
          %dma_wait3A_576 = arith.constant 0 : i32
          %dma_wait3A_577 = tpu.memref_slice %arg8[%dma_wait3A_575, %dma_wait3A_576] : memref<10240x128xf32, #tpu.memory_space<vmem_shared>> -> memref<10240x128xf32, #tpu.memory_space<vmem_shared>>
          tpu.wait_indirect_dma semaphore(%run_scoped3A_557 : memref<!tpu.dma_semaphore, #tpu.memory_space<semaphore_mem>>) src(%dma_wait3A_571 : memref<64x128xf32, #tpu.memory_space<vmem>>) dst(%dma_wait3A_577 : memref<10240x128xf32, #tpu.memory_space<vmem_shared>>)
          tpu.yield
        }) : () -> ()
      } else {
      }
      %add3A_490 = arith.constant 8 : i32
      %add3A_491 = arith.addi %add3A_485, %add3A_490 : i32
      %lt3A_492 = arith.cmpi slt, %add3A_491, %add3A_8 : i32
      %convert_element_type3A_493 = arith.extui %lt3A_492 : i1 to i32
      %cond3A_494 = arith.constant 0 : i32
      %cond3A_495 = arith.cmpi ne, %convert_element_type3A_493, %cond3A_494 : i32
      scf.if %cond3A_495 {
        %add3A_542 = arith.constant 8 : i32
        %add3A_543 = arith.addi %add3A_485, %add3A_542 : i32
        %add3A_544 = arith.addi %add3A_4, %add3A_543 : i32
        %mul3A_545 = arith.constant 64 : i32
        %mul3A_546 = arith.muli %add3A_544, %mul3A_545 : i32
        %dma_start3A_547 = arith.constant 5 : i32
        %dma_start3A_548 = arith.constant 0 : i32
        %dma_start3A_549 = arith.constant 0 : i32
        %dma_start3A_550 = tpu.memref_slice %arg6[%dma_start3A_547, %dma_start3A_548, %dma_start3A_549] : memref<8x2x64xi32, #tpu.memory_space<vmem>> -> memref<1x1x64xi32, #tpu.memory_space<vmem>>
        %dma_start3A_551 = tpu.memref_squeeze %dma_start3A_550 : memref<1x1x64xi32, #tpu.memory_space<vmem>> -> memref<64xi32, #tpu.memory_space<vmem>>
        %dma_start3A_552 = tpu.memref_slice %arg2[%mul3A_546] : memref<640000xi32, #tpu.memory_space<hbm>> -> memref<64xi32, #tpu.memory_space<hbm>>
        %dma_start3A_553 = arith.constant 0 : i32
        %dma_start3A_554 = tpu.memref_slice %arg6[%dma_start3A_547, %dma_start3A_548, %dma_start3A_553] : memref<8x2x64xi32, #tpu.memory_space<vmem>> -> memref<1x1x64xi32, #tpu.memory_space<vmem>>
        %dma_start3A_555 = tpu.memref_squeeze %dma_start3A_554 : memref<1x1x64xi32, #tpu.memory_space<vmem>> -> memref<64xi32, #tpu.memory_space<vmem>>
        %dma_start3A_556 = tpu.memref_slice %arg2[%mul3A_546] : memref<640000xi32, #tpu.memory_space<hbm>> -> memref<64xi32, #tpu.memory_space<hbm>>
        tpu.enqueue_dma source(%dma_start3A_556 : memref<64xi32, #tpu.memory_space<hbm>>) target(%dma_start3A_555 : memref<64xi32, #tpu.memory_space<vmem>>) target_semaphore(%arg18 : memref<!tpu.dma_semaphore, #tpu.memory_space<semaphore_mem>>)
        %add3A_557 = arith.constant 320000 : i32
        %add3A_558 = arith.addi %add3A_557, %mul3A_546 : i32
        %dma_start3A_559 = arith.constant 5 : i32
        %dma_start3A_560 = arith.constant 1 : i32
        %dma_start3A_561 = arith.constant 0 : i32
        %dma_start3A_562 = tpu.memref_slice %arg6[%dma_start3A_559, %dma_start3A_560, %dma_start3A_561] : memref<8x2x64xi32, #tpu.memory_space<vmem>> -> memref<1x1x64xi32, #tpu.memory_space<vmem>>
        %dma_start3A_563 = tpu.memref_squeeze %dma_start3A_562 : memref<1x1x64xi32, #tpu.memory_space<vmem>> -> memref<64xi32, #tpu.memory_space<vmem>>
        %dma_start3A_564 = tpu.memref_slice %arg2[%add3A_558] : memref<640000xi32, #tpu.memory_space<hbm>> -> memref<64xi32, #tpu.memory_space<hbm>>
        %dma_start3A_565 = arith.constant 0 : i32
        %dma_start3A_566 = tpu.memref_slice %arg6[%dma_start3A_559, %dma_start3A_560, %dma_start3A_565] : memref<8x2x64xi32, #tpu.memory_space<vmem>> -> memref<1x1x64xi32, #tpu.memory_space<vmem>>
        %dma_start3A_567 = tpu.memref_squeeze %dma_start3A_566 : memref<1x1x64xi32, #tpu.memory_space<vmem>> -> memref<64xi32, #tpu.memory_space<vmem>>
        %dma_start3A_568 = tpu.memref_slice %arg2[%add3A_558] : memref<640000xi32, #tpu.memory_space<hbm>> -> memref<64xi32, #tpu.memory_space<hbm>>
        tpu.enqueue_dma source(%dma_start3A_568 : memref<64xi32, #tpu.memory_space<hbm>>) target(%dma_start3A_567 : memref<64xi32, #tpu.memory_space<vmem>>) target_semaphore(%arg18 : memref<!tpu.dma_semaphore, #tpu.memory_space<semaphore_mem>>)
      } else {
      }
      %add3A_496 = arith.constant 4 : i32
      %add3A_497 = arith.addi %add3A_485, %add3A_496 : i32
      %lt3A_498 = arith.cmpi slt, %add3A_497, %add3A_8 : i32
      %convert_element_type3A_499 = arith.extui %lt3A_498 : i1 to i32
      %cond3A_500 = arith.constant 0 : i32
      %cond3A_501 = arith.cmpi ne, %convert_element_type3A_499, %cond3A_500 : i32
      scf.if %cond3A_501 {
        %add3A_542 = arith.constant 4 : i32
        %add3A_543 = arith.addi %add3A_485, %add3A_542 : i32
        %add3A_544 = arith.addi %add3A_4, %add3A_543 : i32
        %mul3A_545 = arith.constant 64 : i32
        %mul3A_546 = arith.muli %add3A_544, %mul3A_545 : i32
        %dma_wait3A_547 = arith.constant 1 : i32
        %dma_wait3A_548 = arith.constant 0 : i32
        %dma_wait3A_549 = arith.constant 0 : i32
        %dma_wait3A_550 = tpu.memref_slice %arg6[%dma_wait3A_547, %dma_wait3A_548, %dma_wait3A_549] : memref<8x2x64xi32, #tpu.memory_space<vmem>> -> memref<1x1x64xi32, #tpu.memory_space<vmem>>
        %dma_wait3A_551 = tpu.memref_squeeze %dma_wait3A_550 : memref<1x1x64xi32, #tpu.memory_space<vmem>> -> memref<64xi32, #tpu.memory_space<vmem>>
        %dma_wait3A_552 = tpu.memref_slice %arg2[%mul3A_546] : memref<640000xi32, #tpu.memory_space<hbm>> -> memref<64xi32, #tpu.memory_space<hbm>>
        %dma_wait3A_553 = arith.constant 0 : i32
        %dma_wait3A_554 = tpu.memref_slice %arg6[%dma_wait3A_547, %dma_wait3A_548, %dma_wait3A_553] : memref<8x2x64xi32, #tpu.memory_space<vmem>> -> memref<1x1x64xi32, #tpu.memory_space<vmem>>
        %dma_wait3A_555 = tpu.memref_squeeze %dma_wait3A_554 : memref<1x1x64xi32, #tpu.memory_space<vmem>> -> memref<64xi32, #tpu.memory_space<vmem>>
        %dma_wait3A_556 = tpu.memref_slice %arg2[%mul3A_546] : memref<640000xi32, #tpu.memory_space<hbm>> -> memref<64xi32, #tpu.memory_space<hbm>>
        tpu.wait_dma2 semaphore(%arg14 : memref<!tpu.dma_semaphore, #tpu.memory_space<semaphore_mem>>) src(%dma_wait3A_556 : memref<64xi32, #tpu.memory_space<hbm>>) dst(%dma_wait3A_555 : memref<64xi32, #tpu.memory_space<vmem>>)
        %add3A_557 = arith.constant 320000 : i32
        %add3A_558 = arith.addi %add3A_557, %mul3A_546 : i32
        %dma_wait3A_559 = arith.constant 1 : i32
        %dma_wait3A_560 = arith.constant 1 : i32
        %dma_wait3A_561 = arith.constant 0 : i32
        %dma_wait3A_562 = tpu.memref_slice %arg6[%dma_wait3A_559, %dma_wait3A_560, %dma_wait3A_561] : memref<8x2x64xi32, #tpu.memory_space<vmem>> -> memref<1x1x64xi32, #tpu.memory_space<vmem>>
        %dma_wait3A_563 = tpu.memref_squeeze %dma_wait3A_562 : memref<1x1x64xi32, #tpu.memory_space<vmem>> -> memref<64xi32, #tpu.memory_space<vmem>>
        %dma_wait3A_564 = tpu.memref_slice %arg2[%add3A_558] : memref<640000xi32, #tpu.memory_space<hbm>> -> memref<64xi32, #tpu.memory_space<hbm>>
        %dma_wait3A_565 = arith.constant 0 : i32
        %dma_wait3A_566 = tpu.memref_slice %arg6[%dma_wait3A_559, %dma_wait3A_560, %dma_wait3A_565] : memref<8x2x64xi32, #tpu.memory_space<vmem>> -> memref<1x1x64xi32, #tpu.memory_space<vmem>>
        %dma_wait3A_567 = tpu.memref_squeeze %dma_wait3A_566 : memref<1x1x64xi32, #tpu.memory_space<vmem>> -> memref<64xi32, #tpu.memory_space<vmem>>
        %dma_wait3A_568 = tpu.memref_slice %arg2[%add3A_558] : memref<640000xi32, #tpu.memory_space<hbm>> -> memref<64xi32, #tpu.memory_space<hbm>>
        tpu.wait_dma2 semaphore(%arg14 : memref<!tpu.dma_semaphore, #tpu.memory_space<semaphore_mem>>) src(%dma_wait3A_568 : memref<64xi32, #tpu.memory_space<hbm>>) dst(%dma_wait3A_567 : memref<64xi32, #tpu.memory_space<vmem>>)
        %dma_start3A_569 = arith.constant 1 : i32
        %dma_start3A_570 = arith.constant 0 : i32
        %dma_start3A_571 = arith.constant 1 : i32
        %dma_start3A_572 = arith.constant 0 : i32
        %dma_start3A_573 = arith.constant 0 : i32
        %dma_start3A_574 = tpu.memref_slice %arg7[%dma_start3A_571, %dma_start3A_572, %dma_start3A_573] : memref<4x64x128xf32, #tpu.memory_space<vmem>> -> memref<1x64x128xf32, #tpu.memory_space<vmem>>
        %dma_start3A_575 = tpu.memref_squeeze %dma_start3A_574 : memref<1x64x128xf32, #tpu.memory_space<vmem>> -> memref<64x128xf32, #tpu.memory_space<vmem>>
        %dma_start3A_576 = arith.constant 0 : i32
        %dma_start3A_577 = tpu.memref_slice %arg6[%dma_start3A_569, %dma_start3A_570, %dma_start3A_576] : memref<8x2x64xi32, #tpu.memory_space<vmem>> -> memref<1x1x64xi32, #tpu.memory_space<vmem>>
        %dma_start3A_578 = tpu.memref_squeeze %dma_start3A_577 : memref<1x1x64xi32, #tpu.memory_space<vmem>> -> memref<64xi32, #tpu.memory_space<vmem>>
        %dma_start3A_579 = arith.constant 0 : i32
        %dma_start3A_580 = arith.constant 0 : i32
        %dma_start3A_581 = tpu.memref_slice %arg3[%dma_start3A_579, %dma_start3A_580] : memref<10240x128xf32, #tpu.memory_space<hbm>> -> memref<10240x128xf32, #tpu.memory_space<hbm>>
        tpu.enqueue_indirect_dma source(%dma_start3A_581 : memref<10240x128xf32, #tpu.memory_space<hbm>>) target(%dma_start3A_575 : memref<64x128xf32, #tpu.memory_space<vmem>>) offsets(%dma_start3A_578 : memref<64xi32, #tpu.memory_space<vmem>>) semaphore(%arg10 : memref<!tpu.dma_semaphore, #tpu.memory_space<semaphore_mem>>)
      } else {
      }
      %mul3A_502 = arith.constant 8 : i32
      %mul3A_503 = arith.muli %mul3A_502, %scan3A_383 : i32
      %add3A_504 = arith.constant 6 : i32
      %add3A_505 = arith.addi %mul3A_503, %add3A_504 : i32
      %lt3A_506 = arith.cmpi slt, %add3A_505, %add3A_8 : i32
      %convert_element_type3A_507 = arith.extui %lt3A_506 : i1 to i32
      %cond3A_508 = arith.constant 0 : i32
      %cond3A_509 = arith.cmpi ne, %convert_element_type3A_507, %cond3A_508 : i32
      scf.if %cond3A_509 {
        %dma_wait3A_542 = arith.constant 6 : i32
        %dma_wait3A_543 = arith.constant 0 : i32
        %dma_wait3A_544 = arith.constant 2 : i32
        %dma_wait3A_545 = arith.constant 0 : i32
        %dma_wait3A_546 = arith.constant 0 : i32
        %dma_wait3A_547 = tpu.memref_slice %arg7[%dma_wait3A_544, %dma_wait3A_545, %dma_wait3A_546] : memref<4x64x128xf32, #tpu.memory_space<vmem>> -> memref<1x64x128xf32, #tpu.memory_space<vmem>>
        %dma_wait3A_548 = tpu.memref_squeeze %dma_wait3A_547 : memref<1x64x128xf32, #tpu.memory_space<vmem>> -> memref<64x128xf32, #tpu.memory_space<vmem>>
        %dma_wait3A_549 = arith.constant 0 : i32
        %dma_wait3A_550 = tpu.memref_slice %arg6[%dma_wait3A_542, %dma_wait3A_543, %dma_wait3A_549] : memref<8x2x64xi32, #tpu.memory_space<vmem>> -> memref<1x1x64xi32, #tpu.memory_space<vmem>>
        %dma_wait3A_551 = tpu.memref_squeeze %dma_wait3A_550 : memref<1x1x64xi32, #tpu.memory_space<vmem>> -> memref<64xi32, #tpu.memory_space<vmem>>
        %dma_wait3A_552 = arith.constant 0 : i32
        %dma_wait3A_553 = arith.constant 0 : i32
        %dma_wait3A_554 = tpu.memref_slice %arg3[%dma_wait3A_552, %dma_wait3A_553] : memref<10240x128xf32, #tpu.memory_space<hbm>> -> memref<10240x128xf32, #tpu.memory_space<hbm>>
        tpu.wait_indirect_dma semaphore(%arg11 : memref<!tpu.dma_semaphore, #tpu.memory_space<semaphore_mem>>) src(%dma_wait3A_554 : memref<10240x128xf32, #tpu.memory_space<hbm>>) dst(%dma_wait3A_548 : memref<64x128xf32, #tpu.memory_space<vmem>>)
        %run_scoped3A = arith.constant 2 : i32
        %run_scoped3A_555 = arith.constant 6 : i32
        %run_scoped3A_556 = arith.constant 1 : i32
        "tpu.region"() ({
          %run_scoped3A_557 = tpu.sem_alloc : memref<!tpu.dma_semaphore, #tpu.memory_space<semaphore_mem>>
          %dma_start3A_558 = arith.constant 0 : i32
          %dma_start3A_559 = arith.constant 0 : i32
          %dma_start3A_560 = tpu.memref_slice %arg7[%run_scoped3A, %dma_start3A_558, %dma_start3A_559] : memref<4x64x128xf32, #tpu.memory_space<vmem>> -> memref<1x64x128xf32, #tpu.memory_space<vmem>>
          %dma_start3A_561 = tpu.memref_squeeze %dma_start3A_560 : memref<1x64x128xf32, #tpu.memory_space<vmem>> -> memref<64x128xf32, #tpu.memory_space<vmem>>
          %dma_start3A_562 = arith.constant 0 : i32
          %dma_start3A_563 = tpu.memref_slice %arg6[%run_scoped3A_555, %run_scoped3A_556, %dma_start3A_562] : memref<8x2x64xi32, #tpu.memory_space<vmem>> -> memref<1x1x64xi32, #tpu.memory_space<vmem>>
          %dma_start3A_564 = tpu.memref_squeeze %dma_start3A_563 : memref<1x1x64xi32, #tpu.memory_space<vmem>> -> memref<64xi32, #tpu.memory_space<vmem>>
          %dma_start3A_565 = arith.constant 0 : i32
          %dma_start3A_566 = arith.constant 0 : i32
          %dma_start3A_567 = tpu.memref_slice %arg8[%dma_start3A_565, %dma_start3A_566] : memref<10240x128xf32, #tpu.memory_space<vmem_shared>> -> memref<10240x128xf32, #tpu.memory_space<vmem_shared>>
          tpu.enqueue_indirect_dma source(%dma_start3A_561 : memref<64x128xf32, #tpu.memory_space<vmem>>) target(%dma_start3A_567 : memref<10240x128xf32, #tpu.memory_space<vmem_shared>>) offsets(%dma_start3A_564 : memref<64xi32, #tpu.memory_space<vmem>>) semaphore(%run_scoped3A_557 : memref<!tpu.dma_semaphore, #tpu.memory_space<semaphore_mem>>) {add = true}
          %dma_wait3A_568 = arith.constant 0 : i32
          %dma_wait3A_569 = arith.constant 0 : i32
          %dma_wait3A_570 = tpu.memref_slice %arg7[%run_scoped3A, %dma_wait3A_568, %dma_wait3A_569] : memref<4x64x128xf32, #tpu.memory_space<vmem>> -> memref<1x64x128xf32, #tpu.memory_space<vmem>>
          %dma_wait3A_571 = tpu.memref_squeeze %dma_wait3A_570 : memref<1x64x128xf32, #tpu.memory_space<vmem>> -> memref<64x128xf32, #tpu.memory_space<vmem>>
          %dma_wait3A_572 = arith.constant 0 : i32
          %dma_wait3A_573 = tpu.memref_slice %arg6[%run_scoped3A_555, %run_scoped3A_556, %dma_wait3A_572] : memref<8x2x64xi32, #tpu.memory_space<vmem>> -> memref<1x1x64xi32, #tpu.memory_space<vmem>>
          %dma_wait3A_574 = tpu.memref_squeeze %dma_wait3A_573 : memref<1x1x64xi32, #tpu.memory_space<vmem>> -> memref<64xi32, #tpu.memory_space<vmem>>
          %dma_wait3A_575 = arith.constant 0 : i32
          %dma_wait3A_576 = arith.constant 0 : i32
          %dma_wait3A_577 = tpu.memref_slice %arg8[%dma_wait3A_575, %dma_wait3A_576] : memref<10240x128xf32, #tpu.memory_space<vmem_shared>> -> memref<10240x128xf32, #tpu.memory_space<vmem_shared>>
          tpu.wait_indirect_dma semaphore(%run_scoped3A_557 : memref<!tpu.dma_semaphore, #tpu.memory_space<semaphore_mem>>) src(%dma_wait3A_571 : memref<64x128xf32, #tpu.memory_space<vmem>>) dst(%dma_wait3A_577 : memref<10240x128xf32, #tpu.memory_space<vmem_shared>>)
          tpu.yield
        }) : () -> ()
      } else {
      }
      %add3A_510 = arith.constant 8 : i32
      %add3A_511 = arith.addi %add3A_505, %add3A_510 : i32
      %lt3A_512 = arith.cmpi slt, %add3A_511, %add3A_8 : i32
      %convert_element_type3A_513 = arith.extui %lt3A_512 : i1 to i32
      %cond3A_514 = arith.constant 0 : i32
      %cond3A_515 = arith.cmpi ne, %convert_element_type3A_513, %cond3A_514 : i32
      scf.if %cond3A_515 {
        %add3A_542 = arith.constant 8 : i32
        %add3A_543 = arith.addi %add3A_505, %add3A_542 : i32
        %add3A_544 = arith.addi %add3A_4, %add3A_543 : i32
        %mul3A_545 = arith.constant 64 : i32
        %mul3A_546 = arith.muli %add3A_544, %mul3A_545 : i32
        %dma_start3A_547 = arith.constant 6 : i32
        %dma_start3A_548 = arith.constant 0 : i32
        %dma_start3A_549 = arith.constant 0 : i32
        %dma_start3A_550 = tpu.memref_slice %arg6[%dma_start3A_547, %dma_start3A_548, %dma_start3A_549] : memref<8x2x64xi32, #tpu.memory_space<vmem>> -> memref<1x1x64xi32, #tpu.memory_space<vmem>>
        %dma_start3A_551 = tpu.memref_squeeze %dma_start3A_550 : memref<1x1x64xi32, #tpu.memory_space<vmem>> -> memref<64xi32, #tpu.memory_space<vmem>>
        %dma_start3A_552 = tpu.memref_slice %arg2[%mul3A_546] : memref<640000xi32, #tpu.memory_space<hbm>> -> memref<64xi32, #tpu.memory_space<hbm>>
        %dma_start3A_553 = arith.constant 0 : i32
        %dma_start3A_554 = tpu.memref_slice %arg6[%dma_start3A_547, %dma_start3A_548, %dma_start3A_553] : memref<8x2x64xi32, #tpu.memory_space<vmem>> -> memref<1x1x64xi32, #tpu.memory_space<vmem>>
        %dma_start3A_555 = tpu.memref_squeeze %dma_start3A_554 : memref<1x1x64xi32, #tpu.memory_space<vmem>> -> memref<64xi32, #tpu.memory_space<vmem>>
        %dma_start3A_556 = tpu.memref_slice %arg2[%mul3A_546] : memref<640000xi32, #tpu.memory_space<hbm>> -> memref<64xi32, #tpu.memory_space<hbm>>
        tpu.enqueue_dma source(%dma_start3A_556 : memref<64xi32, #tpu.memory_space<hbm>>) target(%dma_start3A_555 : memref<64xi32, #tpu.memory_space<vmem>>) target_semaphore(%arg19 : memref<!tpu.dma_semaphore, #tpu.memory_space<semaphore_mem>>)
        %add3A_557 = arith.constant 320000 : i32
        %add3A_558 = arith.addi %add3A_557, %mul3A_546 : i32
        %dma_start3A_559 = arith.constant 6 : i32
        %dma_start3A_560 = arith.constant 1 : i32
        %dma_start3A_561 = arith.constant 0 : i32
        %dma_start3A_562 = tpu.memref_slice %arg6[%dma_start3A_559, %dma_start3A_560, %dma_start3A_561] : memref<8x2x64xi32, #tpu.memory_space<vmem>> -> memref<1x1x64xi32, #tpu.memory_space<vmem>>
        %dma_start3A_563 = tpu.memref_squeeze %dma_start3A_562 : memref<1x1x64xi32, #tpu.memory_space<vmem>> -> memref<64xi32, #tpu.memory_space<vmem>>
        %dma_start3A_564 = tpu.memref_slice %arg2[%add3A_558] : memref<640000xi32, #tpu.memory_space<hbm>> -> memref<64xi32, #tpu.memory_space<hbm>>
        %dma_start3A_565 = arith.constant 0 : i32
        %dma_start3A_566 = tpu.memref_slice %arg6[%dma_start3A_559, %dma_start3A_560, %dma_start3A_565] : memref<8x2x64xi32, #tpu.memory_space<vmem>> -> memref<1x1x64xi32, #tpu.memory_space<vmem>>
        %dma_start3A_567 = tpu.memref_squeeze %dma_start3A_566 : memref<1x1x64xi32, #tpu.memory_space<vmem>> -> memref<64xi32, #tpu.memory_space<vmem>>
        %dma_start3A_568 = tpu.memref_slice %arg2[%add3A_558] : memref<640000xi32, #tpu.memory_space<hbm>> -> memref<64xi32, #tpu.memory_space<hbm>>
        tpu.enqueue_dma source(%dma_start3A_568 : memref<64xi32, #tpu.memory_space<hbm>>) target(%dma_start3A_567 : memref<64xi32, #tpu.memory_space<vmem>>) target_semaphore(%arg19 : memref<!tpu.dma_semaphore, #tpu.memory_space<semaphore_mem>>)
      } else {
      }
      %add3A_516 = arith.constant 4 : i32
      %add3A_517 = arith.addi %add3A_505, %add3A_516 : i32
      %lt3A_518 = arith.cmpi slt, %add3A_517, %add3A_8 : i32
      %convert_element_type3A_519 = arith.extui %lt3A_518 : i1 to i32
      %cond3A_520 = arith.constant 0 : i32
      %cond3A_521 = arith.cmpi ne, %convert_element_type3A_519, %cond3A_520 : i32
      scf.if %cond3A_521 {
        %add3A_542 = arith.constant 4 : i32
        %add3A_543 = arith.addi %add3A_505, %add3A_542 : i32
        %add3A_544 = arith.addi %add3A_4, %add3A_543 : i32
        %mul3A_545 = arith.constant 64 : i32
        %mul3A_546 = arith.muli %add3A_544, %mul3A_545 : i32
        %dma_wait3A_547 = arith.constant 2 : i32
        %dma_wait3A_548 = arith.constant 0 : i32
        %dma_wait3A_549 = arith.constant 0 : i32
        %dma_wait3A_550 = tpu.memref_slice %arg6[%dma_wait3A_547, %dma_wait3A_548, %dma_wait3A_549] : memref<8x2x64xi32, #tpu.memory_space<vmem>> -> memref<1x1x64xi32, #tpu.memory_space<vmem>>
        %dma_wait3A_551 = tpu.memref_squeeze %dma_wait3A_550 : memref<1x1x64xi32, #tpu.memory_space<vmem>> -> memref<64xi32, #tpu.memory_space<vmem>>
        %dma_wait3A_552 = tpu.memref_slice %arg2[%mul3A_546] : memref<640000xi32, #tpu.memory_space<hbm>> -> memref<64xi32, #tpu.memory_space<hbm>>
        %dma_wait3A_553 = arith.constant 0 : i32
        %dma_wait3A_554 = tpu.memref_slice %arg6[%dma_wait3A_547, %dma_wait3A_548, %dma_wait3A_553] : memref<8x2x64xi32, #tpu.memory_space<vmem>> -> memref<1x1x64xi32, #tpu.memory_space<vmem>>
        %dma_wait3A_555 = tpu.memref_squeeze %dma_wait3A_554 : memref<1x1x64xi32, #tpu.memory_space<vmem>> -> memref<64xi32, #tpu.memory_space<vmem>>
        %dma_wait3A_556 = tpu.memref_slice %arg2[%mul3A_546] : memref<640000xi32, #tpu.memory_space<hbm>> -> memref<64xi32, #tpu.memory_space<hbm>>
        tpu.wait_dma2 semaphore(%arg15 : memref<!tpu.dma_semaphore, #tpu.memory_space<semaphore_mem>>) src(%dma_wait3A_556 : memref<64xi32, #tpu.memory_space<hbm>>) dst(%dma_wait3A_555 : memref<64xi32, #tpu.memory_space<vmem>>)
        %add3A_557 = arith.constant 320000 : i32
        %add3A_558 = arith.addi %add3A_557, %mul3A_546 : i32
        %dma_wait3A_559 = arith.constant 2 : i32
        %dma_wait3A_560 = arith.constant 1 : i32
        %dma_wait3A_561 = arith.constant 0 : i32
        %dma_wait3A_562 = tpu.memref_slice %arg6[%dma_wait3A_559, %dma_wait3A_560, %dma_wait3A_561] : memref<8x2x64xi32, #tpu.memory_space<vmem>> -> memref<1x1x64xi32, #tpu.memory_space<vmem>>
        %dma_wait3A_563 = tpu.memref_squeeze %dma_wait3A_562 : memref<1x1x64xi32, #tpu.memory_space<vmem>> -> memref<64xi32, #tpu.memory_space<vmem>>
        %dma_wait3A_564 = tpu.memref_slice %arg2[%add3A_558] : memref<640000xi32, #tpu.memory_space<hbm>> -> memref<64xi32, #tpu.memory_space<hbm>>
        %dma_wait3A_565 = arith.constant 0 : i32
        %dma_wait3A_566 = tpu.memref_slice %arg6[%dma_wait3A_559, %dma_wait3A_560, %dma_wait3A_565] : memref<8x2x64xi32, #tpu.memory_space<vmem>> -> memref<1x1x64xi32, #tpu.memory_space<vmem>>
        %dma_wait3A_567 = tpu.memref_squeeze %dma_wait3A_566 : memref<1x1x64xi32, #tpu.memory_space<vmem>> -> memref<64xi32, #tpu.memory_space<vmem>>
        %dma_wait3A_568 = tpu.memref_slice %arg2[%add3A_558] : memref<640000xi32, #tpu.memory_space<hbm>> -> memref<64xi32, #tpu.memory_space<hbm>>
        tpu.wait_dma2 semaphore(%arg15 : memref<!tpu.dma_semaphore, #tpu.memory_space<semaphore_mem>>) src(%dma_wait3A_568 : memref<64xi32, #tpu.memory_space<hbm>>) dst(%dma_wait3A_567 : memref<64xi32, #tpu.memory_space<vmem>>)
        %dma_start3A_569 = arith.constant 2 : i32
        %dma_start3A_570 = arith.constant 0 : i32
        %dma_start3A_571 = arith.constant 2 : i32
        %dma_start3A_572 = arith.constant 0 : i32
        %dma_start3A_573 = arith.constant 0 : i32
        %dma_start3A_574 = tpu.memref_slice %arg7[%dma_start3A_571, %dma_start3A_572, %dma_start3A_573] : memref<4x64x128xf32, #tpu.memory_space<vmem>> -> memref<1x64x128xf32, #tpu.memory_space<vmem>>
        %dma_start3A_575 = tpu.memref_squeeze %dma_start3A_574 : memref<1x64x128xf32, #tpu.memory_space<vmem>> -> memref<64x128xf32, #tpu.memory_space<vmem>>
        %dma_start3A_576 = arith.constant 0 : i32
        %dma_start3A_577 = tpu.memref_slice %arg6[%dma_start3A_569, %dma_start3A_570, %dma_start3A_576] : memref<8x2x64xi32, #tpu.memory_space<vmem>> -> memref<1x1x64xi32, #tpu.memory_space<vmem>>
        %dma_start3A_578 = tpu.memref_squeeze %dma_start3A_577 : memref<1x1x64xi32, #tpu.memory_space<vmem>> -> memref<64xi32, #tpu.memory_space<vmem>>
        %dma_start3A_579 = arith.constant 0 : i32
        %dma_start3A_580 = arith.constant 0 : i32
        %dma_start3A_581 = tpu.memref_slice %arg3[%dma_start3A_579, %dma_start3A_580] : memref<10240x128xf32, #tpu.memory_space<hbm>> -> memref<10240x128xf32, #tpu.memory_space<hbm>>
        tpu.enqueue_indirect_dma source(%dma_start3A_581 : memref<10240x128xf32, #tpu.memory_space<hbm>>) target(%dma_start3A_575 : memref<64x128xf32, #tpu.memory_space<vmem>>) offsets(%dma_start3A_578 : memref<64xi32, #tpu.memory_space<vmem>>) semaphore(%arg11 : memref<!tpu.dma_semaphore, #tpu.memory_space<semaphore_mem>>)
      } else {
      }
      %mul3A_522 = arith.constant 8 : i32
      %mul3A_523 = arith.muli %mul3A_522, %scan3A_383 : i32
      %add3A_524 = arith.constant 7 : i32
      %add3A_525 = arith.addi %mul3A_523, %add3A_524 : i32
      %lt3A_526 = arith.cmpi slt, %add3A_525, %add3A_8 : i32
      %convert_element_type3A_527 = arith.extui %lt3A_526 : i1 to i32
      %cond3A_528 = arith.constant 0 : i32
      %cond3A_529 = arith.cmpi ne, %convert_element_type3A_527, %cond3A_528 : i32
      scf.if %cond3A_529 {
        %dma_wait3A_542 = arith.constant 7 : i32
        %dma_wait3A_543 = arith.constant 0 : i32
        %dma_wait3A_544 = arith.constant 3 : i32
        %dma_wait3A_545 = arith.constant 0 : i32
        %dma_wait3A_546 = arith.constant 0 : i32
        %dma_wait3A_547 = tpu.memref_slice %arg7[%dma_wait3A_544, %dma_wait3A_545, %dma_wait3A_546] : memref<4x64x128xf32, #tpu.memory_space<vmem>> -> memref<1x64x128xf32, #tpu.memory_space<vmem>>
        %dma_wait3A_548 = tpu.memref_squeeze %dma_wait3A_547 : memref<1x64x128xf32, #tpu.memory_space<vmem>> -> memref<64x128xf32, #tpu.memory_space<vmem>>
        %dma_wait3A_549 = arith.constant 0 : i32
        %dma_wait3A_550 = tpu.memref_slice %arg6[%dma_wait3A_542, %dma_wait3A_543, %dma_wait3A_549] : memref<8x2x64xi32, #tpu.memory_space<vmem>> -> memref<1x1x64xi32, #tpu.memory_space<vmem>>
        %dma_wait3A_551 = tpu.memref_squeeze %dma_wait3A_550 : memref<1x1x64xi32, #tpu.memory_space<vmem>> -> memref<64xi32, #tpu.memory_space<vmem>>
        %dma_wait3A_552 = arith.constant 0 : i32
        %dma_wait3A_553 = arith.constant 0 : i32
        %dma_wait3A_554 = tpu.memref_slice %arg3[%dma_wait3A_552, %dma_wait3A_553] : memref<10240x128xf32, #tpu.memory_space<hbm>> -> memref<10240x128xf32, #tpu.memory_space<hbm>>
        tpu.wait_indirect_dma semaphore(%arg12 : memref<!tpu.dma_semaphore, #tpu.memory_space<semaphore_mem>>) src(%dma_wait3A_554 : memref<10240x128xf32, #tpu.memory_space<hbm>>) dst(%dma_wait3A_548 : memref<64x128xf32, #tpu.memory_space<vmem>>)
        %run_scoped3A = arith.constant 3 : i32
        %run_scoped3A_555 = arith.constant 7 : i32
        %run_scoped3A_556 = arith.constant 1 : i32
        "tpu.region"() ({
          %run_scoped3A_557 = tpu.sem_alloc : memref<!tpu.dma_semaphore, #tpu.memory_space<semaphore_mem>>
          %dma_start3A_558 = arith.constant 0 : i32
          %dma_start3A_559 = arith.constant 0 : i32
          %dma_start3A_560 = tpu.memref_slice %arg7[%run_scoped3A, %dma_start3A_558, %dma_start3A_559] : memref<4x64x128xf32, #tpu.memory_space<vmem>> -> memref<1x64x128xf32, #tpu.memory_space<vmem>>
          %dma_start3A_561 = tpu.memref_squeeze %dma_start3A_560 : memref<1x64x128xf32, #tpu.memory_space<vmem>> -> memref<64x128xf32, #tpu.memory_space<vmem>>
          %dma_start3A_562 = arith.constant 0 : i32
          %dma_start3A_563 = tpu.memref_slice %arg6[%run_scoped3A_555, %run_scoped3A_556, %dma_start3A_562] : memref<8x2x64xi32, #tpu.memory_space<vmem>> -> memref<1x1x64xi32, #tpu.memory_space<vmem>>
          %dma_start3A_564 = tpu.memref_squeeze %dma_start3A_563 : memref<1x1x64xi32, #tpu.memory_space<vmem>> -> memref<64xi32, #tpu.memory_space<vmem>>
          %dma_start3A_565 = arith.constant 0 : i32
          %dma_start3A_566 = arith.constant 0 : i32
          %dma_start3A_567 = tpu.memref_slice %arg8[%dma_start3A_565, %dma_start3A_566] : memref<10240x128xf32, #tpu.memory_space<vmem_shared>> -> memref<10240x128xf32, #tpu.memory_space<vmem_shared>>
          tpu.enqueue_indirect_dma source(%dma_start3A_561 : memref<64x128xf32, #tpu.memory_space<vmem>>) target(%dma_start3A_567 : memref<10240x128xf32, #tpu.memory_space<vmem_shared>>) offsets(%dma_start3A_564 : memref<64xi32, #tpu.memory_space<vmem>>) semaphore(%run_scoped3A_557 : memref<!tpu.dma_semaphore, #tpu.memory_space<semaphore_mem>>) {add = true}
          %dma_wait3A_568 = arith.constant 0 : i32
          %dma_wait3A_569 = arith.constant 0 : i32
          %dma_wait3A_570 = tpu.memref_slice %arg7[%run_scoped3A, %dma_wait3A_568, %dma_wait3A_569] : memref<4x64x128xf32, #tpu.memory_space<vmem>> -> memref<1x64x128xf32, #tpu.memory_space<vmem>>
          %dma_wait3A_571 = tpu.memref_squeeze %dma_wait3A_570 : memref<1x64x128xf32, #tpu.memory_space<vmem>> -> memref<64x128xf32, #tpu.memory_space<vmem>>
          %dma_wait3A_572 = arith.constant 0 : i32
          %dma_wait3A_573 = tpu.memref_slice %arg6[%run_scoped3A_555, %run_scoped3A_556, %dma_wait3A_572] : memref<8x2x64xi32, #tpu.memory_space<vmem>> -> memref<1x1x64xi32, #tpu.memory_space<vmem>>
          %dma_wait3A_574 = tpu.memref_squeeze %dma_wait3A_573 : memref<1x1x64xi32, #tpu.memory_space<vmem>> -> memref<64xi32, #tpu.memory_space<vmem>>
          %dma_wait3A_575 = arith.constant 0 : i32
          %dma_wait3A_576 = arith.constant 0 : i32
          %dma_wait3A_577 = tpu.memref_slice %arg8[%dma_wait3A_575, %dma_wait3A_576] : memref<10240x128xf32, #tpu.memory_space<vmem_shared>> -> memref<10240x128xf32, #tpu.memory_space<vmem_shared>>
          tpu.wait_indirect_dma semaphore(%run_scoped3A_557 : memref<!tpu.dma_semaphore, #tpu.memory_space<semaphore_mem>>) src(%dma_wait3A_571 : memref<64x128xf32, #tpu.memory_space<vmem>>) dst(%dma_wait3A_577 : memref<10240x128xf32, #tpu.memory_space<vmem_shared>>)
          tpu.yield
        }) : () -> ()
      } else {
      }
      %add3A_530 = arith.constant 8 : i32
      %add3A_531 = arith.addi %add3A_525, %add3A_530 : i32
      %lt3A_532 = arith.cmpi slt, %add3A_531, %add3A_8 : i32
      %convert_element_type3A_533 = arith.extui %lt3A_532 : i1 to i32
      %cond3A_534 = arith.constant 0 : i32
      %cond3A_535 = arith.cmpi ne, %convert_element_type3A_533, %cond3A_534 : i32
      scf.if %cond3A_535 {
        %add3A_542 = arith.constant 8 : i32
        %add3A_543 = arith.addi %add3A_525, %add3A_542 : i32
        %add3A_544 = arith.addi %add3A_4, %add3A_543 : i32
        %mul3A_545 = arith.constant 64 : i32
        %mul3A_546 = arith.muli %add3A_544, %mul3A_545 : i32
        %dma_start3A_547 = arith.constant 7 : i32
        %dma_start3A_548 = arith.constant 0 : i32
        %dma_start3A_549 = arith.constant 0 : i32
        %dma_start3A_550 = tpu.memref_slice %arg6[%dma_start3A_547, %dma_start3A_548, %dma_start3A_549] : memref<8x2x64xi32, #tpu.memory_space<vmem>> -> memref<1x1x64xi32, #tpu.memory_space<vmem>>
        %dma_start3A_551 = tpu.memref_squeeze %dma_start3A_550 : memref<1x1x64xi32, #tpu.memory_space<vmem>> -> memref<64xi32, #tpu.memory_space<vmem>>
        %dma_start3A_552 = tpu.memref_slice %arg2[%mul3A_546] : memref<640000xi32, #tpu.memory_space<hbm>> -> memref<64xi32, #tpu.memory_space<hbm>>
        %dma_start3A_553 = arith.constant 0 : i32
        %dma_start3A_554 = tpu.memref_slice %arg6[%dma_start3A_547, %dma_start3A_548, %dma_start3A_553] : memref<8x2x64xi32, #tpu.memory_space<vmem>> -> memref<1x1x64xi32, #tpu.memory_space<vmem>>
        %dma_start3A_555 = tpu.memref_squeeze %dma_start3A_554 : memref<1x1x64xi32, #tpu.memory_space<vmem>> -> memref<64xi32, #tpu.memory_space<vmem>>
        %dma_start3A_556 = tpu.memref_slice %arg2[%mul3A_546] : memref<640000xi32, #tpu.memory_space<hbm>> -> memref<64xi32, #tpu.memory_space<hbm>>
        tpu.enqueue_dma source(%dma_start3A_556 : memref<64xi32, #tpu.memory_space<hbm>>) target(%dma_start3A_555 : memref<64xi32, #tpu.memory_space<vmem>>) target_semaphore(%arg20 : memref<!tpu.dma_semaphore, #tpu.memory_space<semaphore_mem>>)
        %add3A_557 = arith.constant 320000 : i32
        %add3A_558 = arith.addi %add3A_557, %mul3A_546 : i32
        %dma_start3A_559 = arith.constant 7 : i32
        %dma_start3A_560 = arith.constant 1 : i32
        %dma_start3A_561 = arith.constant 0 : i32
        %dma_start3A_562 = tpu.memref_slice %arg6[%dma_start3A_559, %dma_start3A_560, %dma_start3A_561] : memref<8x2x64xi32, #tpu.memory_space<vmem>> -> memref<1x1x64xi32, #tpu.memory_space<vmem>>
        %dma_start3A_563 = tpu.memref_squeeze %dma_start3A_562 : memref<1x1x64xi32, #tpu.memory_space<vmem>> -> memref<64xi32, #tpu.memory_space<vmem>>
        %dma_start3A_564 = tpu.memref_slice %arg2[%add3A_558] : memref<640000xi32, #tpu.memory_space<hbm>> -> memref<64xi32, #tpu.memory_space<hbm>>
        %dma_start3A_565 = arith.constant 0 : i32
        %dma_start3A_566 = tpu.memref_slice %arg6[%dma_start3A_559, %dma_start3A_560, %dma_start3A_565] : memref<8x2x64xi32, #tpu.memory_space<vmem>> -> memref<1x1x64xi32, #tpu.memory_space<vmem>>
        %dma_start3A_567 = tpu.memref_squeeze %dma_start3A_566 : memref<1x1x64xi32, #tpu.memory_space<vmem>> -> memref<64xi32, #tpu.memory_space<vmem>>
        %dma_start3A_568 = tpu.memref_slice %arg2[%add3A_558] : memref<640000xi32, #tpu.memory_space<hbm>> -> memref<64xi32, #tpu.memory_space<hbm>>
        tpu.enqueue_dma source(%dma_start3A_568 : memref<64xi32, #tpu.memory_space<hbm>>) target(%dma_start3A_567 : memref<64xi32, #tpu.memory_space<vmem>>) target_semaphore(%arg20 : memref<!tpu.dma_semaphore, #tpu.memory_space<semaphore_mem>>)
      } else {
      }
      %add3A_536 = arith.constant 4 : i32
      %add3A_537 = arith.addi %add3A_525, %add3A_536 : i32
      %lt3A_538 = arith.cmpi slt, %add3A_537, %add3A_8 : i32
      %convert_element_type3A_539 = arith.extui %lt3A_538 : i1 to i32
      %cond3A_540 = arith.constant 0 : i32
      %cond3A_541 = arith.cmpi ne, %convert_element_type3A_539, %cond3A_540 : i32
      scf.if %cond3A_541 {
        %add3A_542 = arith.constant 4 : i32
        %add3A_543 = arith.addi %add3A_525, %add3A_542 : i32
        %add3A_544 = arith.addi %add3A_4, %add3A_543 : i32
        %mul3A_545 = arith.constant 64 : i32
        %mul3A_546 = arith.muli %add3A_544, %mul3A_545 : i32
        %dma_wait3A_547 = arith.constant 3 : i32
        %dma_wait3A_548 = arith.constant 0 : i32
        %dma_wait3A_549 = arith.constant 0 : i32
        %dma_wait3A_550 = tpu.memref_slice %arg6[%dma_wait3A_547, %dma_wait3A_548, %dma_wait3A_549] : memref<8x2x64xi32, #tpu.memory_space<vmem>> -> memref<1x1x64xi32, #tpu.memory_space<vmem>>
        %dma_wait3A_551 = tpu.memref_squeeze %dma_wait3A_550 : memref<1x1x64xi32, #tpu.memory_space<vmem>> -> memref<64xi32, #tpu.memory_space<vmem>>
        %dma_wait3A_552 = tpu.memref_slice %arg2[%mul3A_546] : memref<640000xi32, #tpu.memory_space<hbm>> -> memref<64xi32, #tpu.memory_space<hbm>>
        %dma_wait3A_553 = arith.constant 0 : i32
        %dma_wait3A_554 = tpu.memref_slice %arg6[%dma_wait3A_547, %dma_wait3A_548, %dma_wait3A_553] : memref<8x2x64xi32, #tpu.memory_space<vmem>> -> memref<1x1x64xi32, #tpu.memory_space<vmem>>
        %dma_wait3A_555 = tpu.memref_squeeze %dma_wait3A_554 : memref<1x1x64xi32, #tpu.memory_space<vmem>> -> memref<64xi32, #tpu.memory_space<vmem>>
        %dma_wait3A_556 = tpu.memref_slice %arg2[%mul3A_546] : memref<640000xi32, #tpu.memory_space<hbm>> -> memref<64xi32, #tpu.memory_space<hbm>>
        tpu.wait_dma2 semaphore(%arg16 : memref<!tpu.dma_semaphore, #tpu.memory_space<semaphore_mem>>) src(%dma_wait3A_556 : memref<64xi32, #tpu.memory_space<hbm>>) dst(%dma_wait3A_555 : memref<64xi32, #tpu.memory_space<vmem>>)
        %add3A_557 = arith.constant 320000 : i32
        %add3A_558 = arith.addi %add3A_557, %mul3A_546 : i32
        %dma_wait3A_559 = arith.constant 3 : i32
        %dma_wait3A_560 = arith.constant 1 : i32
        %dma_wait3A_561 = arith.constant 0 : i32
        %dma_wait3A_562 = tpu.memref_slice %arg6[%dma_wait3A_559, %dma_wait3A_560, %dma_wait3A_561] : memref<8x2x64xi32, #tpu.memory_space<vmem>> -> memref<1x1x64xi32, #tpu.memory_space<vmem>>
        %dma_wait3A_563 = tpu.memref_squeeze %dma_wait3A_562 : memref<1x1x64xi32, #tpu.memory_space<vmem>> -> memref<64xi32, #tpu.memory_space<vmem>>
        %dma_wait3A_564 = tpu.memref_slice %arg2[%add3A_558] : memref<640000xi32, #tpu.memory_space<hbm>> -> memref<64xi32, #tpu.memory_space<hbm>>
        %dma_wait3A_565 = arith.constant 0 : i32
        %dma_wait3A_566 = tpu.memref_slice %arg6[%dma_wait3A_559, %dma_wait3A_560, %dma_wait3A_565] : memref<8x2x64xi32, #tpu.memory_space<vmem>> -> memref<1x1x64xi32, #tpu.memory_space<vmem>>
        %dma_wait3A_567 = tpu.memref_squeeze %dma_wait3A_566 : memref<1x1x64xi32, #tpu.memory_space<vmem>> -> memref<64xi32, #tpu.memory_space<vmem>>
        %dma_wait3A_568 = tpu.memref_slice %arg2[%add3A_558] : memref<640000xi32, #tpu.memory_space<hbm>> -> memref<64xi32, #tpu.memory_space<hbm>>
        tpu.wait_dma2 semaphore(%arg16 : memref<!tpu.dma_semaphore, #tpu.memory_space<semaphore_mem>>) src(%dma_wait3A_568 : memref<64xi32, #tpu.memory_space<hbm>>) dst(%dma_wait3A_567 : memref<64xi32, #tpu.memory_space<vmem>>)
        %dma_start3A_569 = arith.constant 3 : i32
        %dma_start3A_570 = arith.constant 0 : i32
        %dma_start3A_571 = arith.constant 3 : i32
        %dma_start3A_572 = arith.constant 0 : i32
        %dma_start3A_573 = arith.constant 0 : i32
        %dma_start3A_574 = tpu.memref_slice %arg7[%dma_start3A_571, %dma_start3A_572, %dma_start3A_573] : memref<4x64x128xf32, #tpu.memory_space<vmem>> -> memref<1x64x128xf32, #tpu.memory_space<vmem>>
        %dma_start3A_575 = tpu.memref_squeeze %dma_start3A_574 : memref<1x64x128xf32, #tpu.memory_space<vmem>> -> memref<64x128xf32, #tpu.memory_space<vmem>>
        %dma_start3A_576 = arith.constant 0 : i32
        %dma_start3A_577 = tpu.memref_slice %arg6[%dma_start3A_569, %dma_start3A_570, %dma_start3A_576] : memref<8x2x64xi32, #tpu.memory_space<vmem>> -> memref<1x1x64xi32, #tpu.memory_space<vmem>>
        %dma_start3A_578 = tpu.memref_squeeze %dma_start3A_577 : memref<1x1x64xi32, #tpu.memory_space<vmem>> -> memref<64xi32, #tpu.memory_space<vmem>>
        %dma_start3A_579 = arith.constant 0 : i32
        %dma_start3A_580 = arith.constant 0 : i32
        %dma_start3A_581 = tpu.memref_slice %arg3[%dma_start3A_579, %dma_start3A_580] : memref<10240x128xf32, #tpu.memory_space<hbm>> -> memref<10240x128xf32, #tpu.memory_space<hbm>>
        tpu.enqueue_indirect_dma source(%dma_start3A_581 : memref<10240x128xf32, #tpu.memory_space<hbm>>) target(%dma_start3A_575 : memref<64x128xf32, #tpu.memory_space<vmem>>) offsets(%dma_start3A_578 : memref<64xi32, #tpu.memory_space<vmem>>) semaphore(%arg12 : memref<!tpu.dma_semaphore, #tpu.memory_space<semaphore_mem>>)
      } else {
      }
    }
    %scan3A_377 = arith.constant 20 : i32
    %barrier3A_378 = arith.constant 0 : index
    tpu.barrier barrier_id(%barrier3A_378)
    %mul3A_379 = arith.constant 640 : i32
    %mul3A_380 = arith.muli %arg1, %mul3A_379 : i32
    %mul3A_381 = arith.constant 640 : i32
    %mul3A_382 = arith.muli %arg1, %mul3A_381 : i32
    "tpu.region"() ({
      %run_scoped3A = tpu.sem_alloc : memref<!tpu.dma_semaphore, #tpu.memory_space<semaphore_mem>>
      %dma_start3A_383 = arith.constant 0 : i32
      %dma_start3A_384 = tpu.memref_slice %arg5[%arg0, %mul3A_382, %dma_start3A_383] : memref<2x10240x128xf32, #tpu.memory_space<hbm>> -> memref<1x640x128xf32, #tpu.memory_space<hbm>>
      %dma_start3A_385 = tpu.memref_squeeze %dma_start3A_384 : memref<1x640x128xf32, #tpu.memory_space<hbm>> -> memref<640x128xf32, #tpu.memory_space<hbm>>
      %dma_start3A_386 = arith.constant 0 : i32
      %dma_start3A_387 = tpu.memref_slice %arg8[%mul3A_380, %dma_start3A_386] : memref<10240x128xf32, #tpu.memory_space<vmem_shared>> -> memref<640x128xf32, #tpu.memory_space<vmem_shared>>
      tpu.enqueue_dma source(%dma_start3A_387 : memref<640x128xf32, #tpu.memory_space<vmem_shared>>) target(%dma_start3A_385 : memref<640x128xf32, #tpu.memory_space<hbm>>) target_semaphore(%run_scoped3A : memref<!tpu.dma_semaphore, #tpu.memory_space<semaphore_mem>>)
      %dma_wait3A_388 = arith.constant 0 : i32
      %dma_wait3A_389 = tpu.memref_slice %arg5[%arg0, %mul3A_382, %dma_wait3A_388] : memref<2x10240x128xf32, #tpu.memory_space<hbm>> -> memref<1x640x128xf32, #tpu.memory_space<hbm>>
      %dma_wait3A_390 = tpu.memref_squeeze %dma_wait3A_389 : memref<1x640x128xf32, #tpu.memory_space<hbm>> -> memref<640x128xf32, #tpu.memory_space<hbm>>
      %dma_wait3A_391 = arith.constant 0 : i32
      %dma_wait3A_392 = tpu.memref_slice %arg8[%mul3A_380, %dma_wait3A_391] : memref<10240x128xf32, #tpu.memory_space<vmem_shared>> -> memref<640x128xf32, #tpu.memory_space<vmem_shared>>
      tpu.wait_dma2 semaphore(%run_scoped3A : memref<!tpu.dma_semaphore, #tpu.memory_space<semaphore_mem>>) src(%dma_wait3A_392 : memref<640x128xf32, #tpu.memory_space<vmem_shared>>) dst(%dma_wait3A_390 : memref<640x128xf32, #tpu.memory_space<hbm>>)
      tpu.yield
    }) : () -> ()
    return
  }
}

module attributes {stable_mosaic.version = 14 : i64} {
  func.func @_tc_a_body(%arg0: i32, %arg1: memref<32x1024xf32, #tpu.memory_space<vmem>>, %arg2: memref<1024x128xf32, #tpu.memory_space<vmem>>, %arg3: memref<128x128xf32, #tpu.memory_space<vmem>>, %arg4: memref<1024x128xf32, #tpu.memory_space<vmem>>) attributes {dimension_semantics = [#tpu.dimension_semantics<arbitrary>], iteration_bounds = array<i64: 10>, scalar_prefetch = 0 : i64, scratch_operands = 0 : i64, tpu.core_type = #tpu.core_type<tc>, window_params = [{transform_indices = @transform_0, window_bounds = array<i64: 32, 1024>}, {transform_indices = @transform_1, window_bounds = array<i64: 1024, 128>}, {pipeline_mode = #tpu.pipeline_mode<synchronous>, transform_indices = @transform_2, window_bounds = array<i64: 128, 128>}, {transform_indices = @transform_3, window_bounds = array<i64: 1024, 128>}]} {
    %get3A = arith.constant 0 : index
    %get3A_0 = arith.constant 0 : index
    %get3A_1 = vector.load %arg1[%get3A, %get3A_0] : memref<32x1024xf32, #tpu.memory_space<vmem>>, vector<32x1024xf32>
    %reduce_sum3A = arith.constant dense<0.000000e+00> : vector<1024xf32>
    %reduce_sum3A_2 = vector.multi_reduction <add>, %get3A_1, %reduce_sum3A [0] : vector<32x1024xf32> to vector<1024xf32>
    %add3A = arith.constant 1.000000e+00 : f32
    %add3A_3 = vector.broadcast %add3A : f32 to vector<1024xf32>
    %add3A_4 = arith.addf %add3A_3, %reduce_sum3A_2 : vector<1024xf32>
    %rsqrt3A = math.rsqrt %add3A_4 : vector<1024xf32>
    %broadcast_in_dim3A = vector.shape_cast %rsqrt3A : vector<1024xf32> to vector<1024x1xf32>
    %get3A_5 = arith.constant 0 : index
    %get3A_6 = arith.constant 0 : index
    %get3A_7 = vector.load %arg2[%get3A_5, %get3A_6] : memref<1024x128xf32, #tpu.memory_space<vmem>>, vector<1024x128xf32>
    %get3A_8 = arith.constant 0 : index
    %get3A_9 = arith.constant 0 : index
    %get3A_10 = vector.load %arg3[%get3A_8, %get3A_9] : memref<128x128xf32, #tpu.memory_space<vmem>>, vector<128x128xf32>
    %dot_general3A = arith.constant dense<0.000000e+00> : vector<1024x128xf32>
    %dot_general3A_11 = tpu.matmul %get3A_7, %get3A_10, %dot_general3A {dimension_numbers = #tpu.dot_dimension_numbers<[1], [0], [0], [1], [0, 0, 1, 1], [], []>, transpose_lhs_hint = false} : vector<1024x128xf32>, vector<128x128xf32>, vector<1024x128xf32> -> vector<1024x128xf32>
    %mul3A = vector.broadcast %broadcast_in_dim3A : vector<1024x1xf32> to vector<1024x128xf32>
    %mul3A_12 = arith.mulf %mul3A, %dot_general3A_11 : vector<1024x128xf32>
    %swap3A = arith.constant 0 : index
    %swap3A_13 = arith.constant 0 : index
    %swap3A_14 = vector.load %arg4[%swap3A, %swap3A_13] : memref<1024x128xf32, #tpu.memory_space<vmem>>, vector<1024x128xf32>
    tpu.vector_store %arg4[%swap3A, %swap3A_13], %mul3A_12 {strides = array<i32>} : memref<1024x128xf32, #tpu.memory_space<vmem>>, vector<1024x128xf32>,
    return
  }
  func.func @transform_0(%arg0: i32) -> (i32, i32) {
    %c0_i32 = arith.constant 0 : i32
    %c0_i32_0 = arith.constant 0 : i32
    return %c0_i32, %arg0 : i32, i32
  }
  func.func @transform_1(%arg0: i32) -> (i32, i32) {
    %c0_i32 = arith.constant 0 : i32
    %c0_i32_0 = arith.constant 0 : i32
    return %arg0, %c0_i32 : i32, i32
  }
  func.func @transform_2(%arg0: i32) -> (i32, i32) {
    %c0_i32 = arith.constant 0 : i32
    %c0_i32_0 = arith.constant 0 : i32
    %c0_i32_1 = arith.constant 0 : i32
    return %c0_i32, %c0_i32_0 : i32, i32
  }
  func.func @transform_3(%arg0: i32) -> (i32, i32) {
    %c0_i32 = arith.constant 0 : i32
    %c0_i32_0 = arith.constant 0 : i32
    return %arg0, %c0_i32 : i32, i32
  }
}

module attributes {stable_mosaic.version = 14 : i64} {
  func.func @_tc_mid_body(%arg0: i32, %arg1: memref<2x1024x128xf32, #tpu.memory_space<vmem>>, %arg2: memref<1024x128xf32, #tpu.memory_space<vmem>>, %arg3: memref<32x1024xf32, #tpu.memory_space<vmem>>, %arg4: memref<1x128xf32, #tpu.memory_space<vmem>>, %arg5: memref<128x128xf32, #tpu.memory_space<vmem>>, %arg6: memref<1024x128xf32, #tpu.memory_space<vmem>>) attributes {dimension_semantics = [#tpu.dimension_semantics<arbitrary>], iteration_bounds = array<i64: 10>, scalar_prefetch = 0 : i64, scratch_operands = 0 : i64, tpu.core_type = #tpu.core_type<tc>, window_params = [{transform_indices = @transform_0, window_bounds = array<i64: 2, 1024, 128>}, {transform_indices = @transform_1, window_bounds = array<i64: 1024, 128>}, {transform_indices = @transform_2, window_bounds = array<i64: 32, 1024>}, {pipeline_mode = #tpu.pipeline_mode<synchronous>, transform_indices = @transform_3, window_bounds = array<i64: 1, 128>}, {pipeline_mode = #tpu.pipeline_mode<synchronous>, transform_indices = @transform_4, window_bounds = array<i64: 128, 128>}, {transform_indices = @transform_5, window_bounds = array<i64: 1024, 128>}]} {
    %get3A = arith.constant 0 : index
    %get3A_0 = arith.constant 0 : index
    %get3A_1 = vector.load %arg3[%get3A, %get3A_0] : memref<32x1024xf32, #tpu.memory_space<vmem>>, vector<32x1024xf32>
    %reduce_sum3A = arith.constant dense<0.000000e+00> : vector<1024xf32>
    %reduce_sum3A_2 = vector.multi_reduction <add>, %get3A_1, %reduce_sum3A [0] : vector<32x1024xf32> to vector<1024xf32>
    %add3A = arith.constant 1.000000e+00 : f32
    %add3A_3 = vector.broadcast %add3A : f32 to vector<1024xf32>
    %add3A_4 = arith.addf %add3A_3, %reduce_sum3A_2 : vector<1024xf32>
    %rsqrt3A = math.rsqrt %add3A_4 : vector<1024xf32>
    %broadcast_in_dim3A = vector.shape_cast %rsqrt3A : vector<1024xf32> to vector<1024x1xf32>
    %get3A_5 = arith.constant 0 : index
    %get3A_6 = arith.constant 0 : index
    %get3A_7 = arith.constant 0 : index
    %get3A_8 = vector.load %arg1[%get3A_5, %get3A_6, %get3A_7] : memref<2x1024x128xf32, #tpu.memory_space<vmem>>, vector<1x1024x128xf32>
    %get3A_9 = vector.shape_cast %get3A_8 : vector<1x1024x128xf32> to vector<1024x128xf32>
    %get3A_10 = arith.constant 1 : index
    %get3A_11 = arith.constant 0 : index
    %get3A_12 = arith.constant 0 : index
    %get3A_13 = vector.load %arg1[%get3A_10, %get3A_11, %get3A_12] : memref<2x1024x128xf32, #tpu.memory_space<vmem>>, vector<1x1024x128xf32>
    %get3A_14 = vector.shape_cast %get3A_13 : vector<1x1024x128xf32> to vector<1024x128xf32>
    %add3A_15 = arith.addf %get3A_9, %get3A_14 : vector<1024x128xf32>
    %get3A_16 = arith.constant 0 : index
    %get3A_17 = arith.constant 0 : index
    %get3A_18 = vector.load %arg2[%get3A_16, %get3A_17] : memref<1024x128xf32, #tpu.memory_space<vmem>>, vector<1024x128xf32>
    %add3A_19 = arith.addf %add3A_15, %get3A_18 : vector<1024x128xf32>
    %mul3A = vector.broadcast %broadcast_in_dim3A : vector<1024x1xf32> to vector<1024x128xf32>
    %mul3A_20 = arith.mulf %mul3A, %add3A_19 : vector<1024x128xf32>
    %get3A_21 = arith.constant 0 : index
    %get3A_22 = arith.constant 0 : index
    %get3A_23 = vector.load %arg4[%get3A_21, %get3A_22] : memref<1x128xf32, #tpu.memory_space<vmem>>, vector<1x128xf32>
    %add3A_24 = vector.broadcast %get3A_23 : vector<1x128xf32> to vector<1024x128xf32>
    %add3A_25 = arith.addf %mul3A_20, %add3A_24 : vector<1024x128xf32>
    %max3A = arith.constant 0.000000e+00 : f32
    %max3A_26 = vector.broadcast %max3A : f32 to vector<1024x128xf32>
    %max3A_27 = arith.maximumf %add3A_25, %max3A_26 : vector<1024x128xf32>
    %get3A_28 = arith.constant 0 : index
    %get3A_29 = arith.constant 0 : index
    %get3A_30 = vector.load %arg5[%get3A_28, %get3A_29] : memref<128x128xf32, #tpu.memory_space<vmem>>, vector<128x128xf32>
    %dot_general3A = arith.constant dense<0.000000e+00> : vector<1024x128xf32>
    %dot_general3A_31 = tpu.matmul %max3A_27, %get3A_30, %dot_general3A {dimension_numbers = #tpu.dot_dimension_numbers<[1], [0], [0], [1], [0, 0, 1, 1], [], []>, transpose_lhs_hint = false} : vector<1024x128xf32>, vector<128x128xf32>, vector<1024x128xf32> -> vector<1024x128xf32>
    %mul3A_32 = vector.broadcast %broadcast_in_dim3A : vector<1024x1xf32> to vector<1024x128xf32>
    %mul3A_33 = arith.mulf %mul3A_32, %dot_general3A_31 : vector<1024x128xf32>
    %swap3A = arith.constant 0 : index
    %swap3A_34 = arith.constant 0 : index
    %swap3A_35 = vector.load %arg6[%swap3A, %swap3A_34] : memref<1024x128xf32, #tpu.memory_space<vmem>>, vector<1024x128xf32>
    tpu.vector_store %arg6[%swap3A, %swap3A_34], %mul3A_33 {strides = array<i32>} : memref<1024x128xf32, #tpu.memory_space<vmem>>, vector<1024x128xf32>,
    return
  }
  func.func @transform_0(%arg0: i32) -> (i32, i32, i32) {
    %c0_i32 = arith.constant 0 : i32
    %c0_i32_0 = arith.constant 0 : i32
    %c0_i32_1 = arith.constant 0 : i32
    return %c0_i32, %arg0, %c0_i32_0 : i32, i32, i32
  }
  func.func @transform_1(%arg0: i32) -> (i32, i32) {
    %c0_i32 = arith.constant 0 : i32
    %c0_i32_0 = arith.constant 0 : i32
    return %arg0, %c0_i32 : i32, i32
  }
  func.func @transform_2(%arg0: i32) -> (i32, i32) {
    %c0_i32 = arith.constant 0 : i32
    %c0_i32_0 = arith.constant 0 : i32
    return %c0_i32, %arg0 : i32, i32
  }
  func.func @transform_3(%arg0: i32) -> (i32, i32) {
    %c0_i32 = arith.constant 0 : i32
    %c0_i32_0 = arith.constant 0 : i32
    %c0_i32_1 = arith.constant 0 : i32
    return %c0_i32, %c0_i32_0 : i32, i32
  }
  func.func @transform_4(%arg0: i32) -> (i32, i32) {
    %c0_i32 = arith.constant 0 : i32
    %c0_i32_0 = arith.constant 0 : i32
    %c0_i32_1 = arith.constant 0 : i32
    return %c0_i32, %c0_i32_0 : i32, i32
  }
  func.func @transform_5(%arg0: i32) -> (i32, i32) {
    %c0_i32 = arith.constant 0 : i32
    %c0_i32_0 = arith.constant 0 : i32
    return %arg0, %c0_i32 : i32, i32
  }
}

module attributes {stable_mosaic.version = 14 : i64} {
  func.func @_tc_final_body(%arg0: i32, %arg1: memref<2x1024x128xf32, #tpu.memory_space<vmem>>, %arg2: memref<1024x128xf32, #tpu.memory_space<vmem>>, %arg3: memref<32x1024xf32, #tpu.memory_space<vmem>>, %arg4: memref<1x128xf32, #tpu.memory_space<vmem>>, %arg5: memref<128x2xf32, #tpu.memory_space<vmem>>, %arg6: memref<1x2xf32, #tpu.memory_space<vmem>>, %arg7: memref<1024x2xf32, #tpu.memory_space<vmem>>) attributes {dimension_semantics = [#tpu.dimension_semantics<arbitrary>], iteration_bounds = array<i64: 10>, scalar_prefetch = 0 : i64, scratch_operands = 0 : i64, tpu.core_type = #tpu.core_type<tc>, window_params = [{transform_indices = @transform_0, window_bounds = array<i64: 2, 1024, 128>}, {transform_indices = @transform_1, window_bounds = array<i64: 1024, 128>}, {transform_indices = @transform_2, window_bounds = array<i64: 32, 1024>}, {pipeline_mode = #tpu.pipeline_mode<synchronous>, transform_indices = @transform_3, window_bounds = array<i64: 1, 128>}, {pipeline_mode = #tpu.pipeline_mode<synchronous>, transform_indices = @transform_4, window_bounds = array<i64: 128, 2>}, {pipeline_mode = #tpu.pipeline_mode<synchronous>, transform_indices = @transform_5, window_bounds = array<i64: 1, 2>}, {transform_indices = @transform_6, window_bounds = array<i64: 1024, 2>}]} {
    %get3A = arith.constant 0 : index
    %get3A_0 = arith.constant 0 : index
    %get3A_1 = vector.load %arg3[%get3A, %get3A_0] : memref<32x1024xf32, #tpu.memory_space<vmem>>, vector<32x1024xf32>
    %reduce_sum3A = arith.constant dense<0.000000e+00> : vector<1024xf32>
    %reduce_sum3A_2 = vector.multi_reduction <add>, %get3A_1, %reduce_sum3A [0] : vector<32x1024xf32> to vector<1024xf32>
    %add3A = arith.constant 1.000000e+00 : f32
    %add3A_3 = vector.broadcast %add3A : f32 to vector<1024xf32>
    %add3A_4 = arith.addf %add3A_3, %reduce_sum3A_2 : vector<1024xf32>
    %rsqrt3A = math.rsqrt %add3A_4 : vector<1024xf32>
    %broadcast_in_dim3A = vector.shape_cast %rsqrt3A : vector<1024xf32> to vector<1024x1xf32>
    %get3A_5 = arith.constant 0 : index
    %get3A_6 = arith.constant 0 : index
    %get3A_7 = arith.constant 0 : index
    %get3A_8 = vector.load %arg1[%get3A_5, %get3A_6, %get3A_7] : memref<2x1024x128xf32, #tpu.memory_space<vmem>>, vector<1x1024x128xf32>
    %get3A_9 = vector.shape_cast %get3A_8 : vector<1x1024x128xf32> to vector<1024x128xf32>
    %get3A_10 = arith.constant 1 : index
    %get3A_11 = arith.constant 0 : index
    %get3A_12 = arith.constant 0 : index
    %get3A_13 = vector.load %arg1[%get3A_10, %get3A_11, %get3A_12] : memref<2x1024x128xf32, #tpu.memory_space<vmem>>, vector<1x1024x128xf32>
    %get3A_14 = vector.shape_cast %get3A_13 : vector<1x1024x128xf32> to vector<1024x128xf32>
    %add3A_15 = arith.addf %get3A_9, %get3A_14 : vector<1024x128xf32>
    %get3A_16 = arith.constant 0 : index
    %get3A_17 = arith.constant 0 : index
    %get3A_18 = vector.load %arg2[%get3A_16, %get3A_17] : memref<1024x128xf32, #tpu.memory_space<vmem>>, vector<1024x128xf32>
    %add3A_19 = arith.addf %add3A_15, %get3A_18 : vector<1024x128xf32>
    %mul3A = vector.broadcast %broadcast_in_dim3A : vector<1024x1xf32> to vector<1024x128xf32>
    %mul3A_20 = arith.mulf %mul3A, %add3A_19 : vector<1024x128xf32>
    %get3A_21 = arith.constant 0 : index
    %get3A_22 = arith.constant 0 : index
    %get3A_23 = vector.load %arg4[%get3A_21, %get3A_22] : memref<1x128xf32, #tpu.memory_space<vmem>>, vector<1x128xf32>
    %add3A_24 = vector.broadcast %get3A_23 : vector<1x128xf32> to vector<1024x128xf32>
    %add3A_25 = arith.addf %mul3A_20, %add3A_24 : vector<1024x128xf32>
    %max3A = arith.constant 0.000000e+00 : f32
    %max3A_26 = vector.broadcast %max3A : f32 to vector<1024x128xf32>
    %max3A_27 = arith.maximumf %add3A_25, %max3A_26 : vector<1024x128xf32>
    %get3A_28 = arith.constant 0 : index
    %get3A_29 = arith.constant 0 : index
    %get3A_30 = vector.load %arg5[%get3A_28, %get3A_29] : memref<128x2xf32, #tpu.memory_space<vmem>>, vector<128x2xf32>
    %dot_general3A = arith.constant dense<0.000000e+00> : vector<1024x2xf32>
    %dot_general3A_31 = tpu.matmul %max3A_27, %get3A_30, %dot_general3A {dimension_numbers = #tpu.dot_dimension_numbers<[1], [0], [0], [1], [0, 0, 1, 1], [], []>, transpose_lhs_hint = false} : vector<1024x128xf32>, vector<128x2xf32>, vector<1024x2xf32> -> vector<1024x2xf32>
    %get3A_32 = arith.constant 0 : index
    %get3A_33 = arith.constant 0 : index
    %get3A_34 = vector.load %arg6[%get3A_32, %get3A_33] : memref<1x2xf32, #tpu.memory_space<vmem>>, vector<1x2xf32>
    %add3A_35 = vector.broadcast %get3A_34 : vector<1x2xf32> to vector<1024x2xf32>
    %add3A_36 = arith.addf %dot_general3A_31, %add3A_35 : vector<1024x2xf32>
    %swap3A = arith.constant 0 : index
    %swap3A_37 = arith.constant 0 : index
    %swap3A_38 = vector.load %arg7[%swap3A, %swap3A_37] : memref<1024x2xf32, #tpu.memory_space<vmem>>, vector<1024x2xf32>
    tpu.vector_store %arg7[%swap3A, %swap3A_37], %add3A_36 {strides = array<i32>} : memref<1024x2xf32, #tpu.memory_space<vmem>>, vector<1024x2xf32>,
    return
  }
  func.func @transform_0(%arg0: i32) -> (i32, i32, i32) {
    %c0_i32 = arith.constant 0 : i32
    %c0_i32_0 = arith.constant 0 : i32
    %c0_i32_1 = arith.constant 0 : i32
    return %c0_i32, %arg0, %c0_i32_0 : i32, i32, i32
  }
  func.func @transform_1(%arg0: i32) -> (i32, i32) {
    %c0_i32 = arith.constant 0 : i32
    %c0_i32_0 = arith.constant 0 : i32
    return %arg0, %c0_i32 : i32, i32
  }
  func.func @transform_2(%arg0: i32) -> (i32, i32) {
    %c0_i32 = arith.constant 0 : i32
    %c0_i32_0 = arith.constant 0 : i32
    return %c0_i32, %arg0 : i32, i32
  }
  func.func @transform_3(%arg0: i32) -> (i32, i32) {
    %c0_i32 = arith.constant 0 : i32
    %c0_i32_0 = arith.constant 0 : i32
    %c0_i32_1 = arith.constant 0 : i32
    return %c0_i32, %c0_i32_0 : i32, i32
  }
  func.func @transform_4(%arg0: i32) -> (i32, i32) {
    %c0_i32 = arith.constant 0 : i32
    %c0_i32_0 = arith.constant 0 : i32
    %c0_i32_1 = arith.constant 0 : i32
    return %c0_i32, %c0_i32_0 : i32, i32
  }
  func.func @transform_5(%arg0: i32) -> (i32, i32) {
    %c0_i32 = arith.constant 0 : i32
    %c0_i32_0 = arith.constant 0 : i32
    %c0_i32_1 = arith.constant 0 : i32
    return %c0_i32, %c0_i32_0 : i32, i32
  }
  func.func @transform_6(%arg0: i32) -> (i32, i32) {
    %c0_i32 = arith.constant 0 : i32
    %c0_i32_0 = arith.constant 0 : i32
    return %arg0, %c0_i32 : i32, i32
  }
}

</mosaic_0001>

<sc_bundles>
// kernel: kernel.11.cloned.1.call-start
scs
__scs_entry_jumppad:
0x0: {  	(pc) =	sbr.rel $0x88, $3  }
0x1: {  	(tag) =	ssettag $0x0;
	lr =	simm.s32 $0x1  }
0x2: {  	[smem:$0x3F99] =	sst lr;
	_ =	strace $0xD0000000  }
0x3: {  	_ = 	snop  }
0x4: {  	_ = 	snop  }
0x5: {  	_ = 	snop  }
0x6: {  	_ = 	snop  }
0x7: {  	_ = 	snop  }
__scs_overlays_trampoline_lowered:
0x8: {  	[smem:$0x3FA8] =	sst s0  }
0x9: {  	[smem:$0x3FA9] =	sst s1  }
0xa: {  	[smem:$0x3FAA] =	sst s2  }
0xb: {  	[smem:$0x3FAB] =	sst s3  }
0xc: {  	[smem:$0x3FAC] =	sst s4  }
0xd: {  	[smem:$0x3FAD] =	sst s5  }
0xe: {  	[smem:$0x3FAE] =	sst s6  }
0xf: {  	[smem:$0x3FAF] =	sst s7  }
0x10: {  	[smem:$0x3FB0] =	sst s8  }
0x11: {  	[smem:$0x3FB1] =	sst s9;
	s0 =	simm.s32 @!p0 $0x0  }
0x12: {  	s1 =	sld [smem:$0x3F97];
	s0 =	simm.s32 @p0 $0x1  }
0x13: {  	[smem:$0x3FB2] =	sst s0;
	s0 =	simm.s32 @!p1 $0x0  }
0x14: {  	s2 =	sld [smem:$0x3F96];
	s0 =	simm.s32 @p1 $0x1  }
0x15: {  	[smem:$0x3FB3] =	sst s0;
	s0 =	simm.s32 @!p2 $0x0  }
0x16: {  	s3 =	sld [smem:$0x3FDB];
	s0 =	simm.s32 @p2 $0x1  }
0x17: {  	s4 =	simm.s32 $0x1BF5;
	[smem:$0x3FB5] =	sst s0  }
0x18: {  	s0 =	sld [smem:$0x3F98];
	_ =	swait.ge [sflag:s4], $0x0  }
0x19: {  	s7 =	sld [smem:$0x3F99]  }
0x1a: {  	s8 =	sadd.s32 $0xFFFFE003, lr  }
0x1b: {  	s9 =	sadd.s32 $0xFFFFFEF7, lr;
	s5 =	simm.s32 $0xFFFFFFFF;
	p2 =	slt.u32 s8, $0xFFFFF086  }
0x1c: {  	p1 =	slt.u32 s9, $0xF7A;
	s5 =	simm.s32 @!p2 $0x0  }
0x1d: {  	s5 =	simm.s32 @p1 $0x1;
	p0 =	seq.s32 s7, s2  }
0x1e: {  	s7 =	smul.u32 @!p0 $0xF7A, s2;
	p2 =	seq.s32 @!p0 s5, $0x0  }
0x1f: {  	s9 =	smul.u32 $0xF7A, s1;
	s8 =	simm.s32 @!p0 $0x1BF5;
	p2 =	por !p2, p0  }
0x20: {  	[sflag:s8] =	ssyncset.s32 @!p0 $0xFFFFF086;
	s6 =	sadd.s32 @!p0 s3, s7;
	s7 =	simm.s32 @!p0 $0x108  }
0x21: {  	s3 =	sadd.s32 s3, s9;
	s6 =	sadd.s32 @!p0 $0x88, s6;
	s7 =	simm.s32 @p2 $0x1082  }
0x22: {  	[simem:s7], [sflag:s8] =	dma.local @!p0 [hbm:s6], $0xF7A  }
0x23: {  	s9 =	sor.u32 $0xD0000000, s2;
	s6 =	simm.s32 $0x108;
	_ =	swait.ge @!p0 [sflag:s8], $0x0  }
0x24: {  	s3 =	sadd.s32 $0x88, s3;
	s6 =	simm.s32 @!p1 $0x1082;
	[sflag:s4] =	ssyncset.s32 $0xFFFFF086  }
0x25: {  	[simem:s6], [sflag:s4] =	dma.local [hbm:s3], $0xF7A  }
0x26: {  	[smem:$0x3F99] =	sst s1;
	(tag) =	ssettag s2;
	_ =	strace s9  }
0x27: {  	s1 =	sld [smem:$0x3FA9]  }
0x28: {  	s2 =	sld [smem:$0x3FAA]  }
0x29: {  	s4 =	sld [smem:$0x3FAC]  }
0x2a: {  	p0 =	seq.s32 s5, $0x0;
	s5 =	sld [smem:$0x3FAD]  }
0x2b: {  	s6 =	sld [smem:$0x3FAE]  }
0x2c: {  	s7 =	sld [smem:$0x3FAF]  }
0x2d: {  	s3 =	simm.s32 $0x108;
	s8 =	sld [smem:$0x3FB0]  }
0x2e: {  	s3 =	simm.s32 @!p0 $0x1082;
	s9 =	sld [smem:$0x3FB1]  }
0x2f: {  	lr =	sadd.s32 s0, s3;
	s0 =	sld [smem:$0x3FA8]  }
0x30: {  	s3 =	sld [smem:$0x3FAB]  }
0x31: {  	[smem:$0x3FB4] =	sst s10  }
0x32: {  	s10 =	sld [smem:$0x3FB2];
	_ =	sdelay $0x3  }
0x33: {  	p0 =	seq.s32 s10, $0x1;
	s10 =	sld [smem:$0x3FB4];
	_ =	sdelay $0x3  }
0x34: {  	[smem:$0x3FB4] =	sst s10  }
0x35: {  	s10 =	sld [smem:$0x3FB3];
	_ =	sdelay $0x3  }
0x36: {  	p1 =	seq.s32 s10, $0x1;
	s10 =	sld [smem:$0x3FB4];
	_ =	sdelay $0x3  }
0x37: {  	[smem:$0x3FB4] =	sst s10  }
0x38: {  	s10 =	sld [smem:$0x3FB5]  }
0x39: {  	_ = 	snop;
	(pc) =	sbr.ind lr, $3  }
0x3a: {  	_ = 	snop  }
0x3b: {  	_ = 	snop  }
0x3c: {  	p2 =	seq.s32 s10, $0x1;
	s10 =	sld [smem:$0x3FB4]  }
0x3d: {  	_ =	shalt  }
0x3e: {  	_ =	shalt  }
0x3f: {  	_ =	shalt  }
0x40: {  	_ =	shalt  }
0x41: {  	_ =	shalt  }
0x42: {  	_ =	shalt  }
0x43: {  	_ =	shalt  }
0x44: {  	_ =	shalt  }
0x45: {  	_ =	shalt  }
0x46: {  	_ =	shalt  }
0x47: {  	_ =	shalt  }
0x48: {  	_ =	shalt  }
0x49: {  	_ =	shalt  }
0x4a: {  	_ =	shalt  }
0x4b: {  	_ =	shalt  }
0x4c: {  	_ =	shalt  }
0x4d: {  	_ =	shalt  }
0x4e: {  	_ =	shalt  }
0x4f: {  	_ =	shalt  }
0x50: {  	_ =	shalt  }
0x51: {  	_ =	shalt  }
0x52: {  	_ =	shalt  }
0x53: {  	_ =	shalt  }
0x54: {  	_ =	shalt  }
0x55: {  	_ =	shalt  }
0x56: {  	_ =	shalt  }
0x57: {  	_ =	shalt  }
0x58: {  	_ =	shalt  }
0x59: {  	_ =	shalt  }
0x5a: {  	_ =	shalt  }
0x5b: {  	_ =	shalt  }
0x5c: {  	_ =	shalt  }
0x5d: {  	_ =	shalt  }
0x5e: {  	_ =	shalt  }
0x5f: {  	_ =	shalt  }
0x60: {  	_ =	shalt  }
0x61: {  	_ =	shalt  }
0x62: {  	_ =	shalt  }
0x63: {  	_ =	shalt  }
0x64: {  	_ =	shalt  }
0x65: {  	_ =	shalt  }
0x66: {  	_ =	shalt  }
0x67: {  	_ =	shalt  }
0x68: {  	_ =	shalt  }
0x69: {  	_ =	shalt  }
0x6a: {  	_ =	shalt  }
0x6b: {  	_ =	shalt  }
0x6c: {  	_ =	shalt  }
0x6d: {  	_ =	shalt  }
0x6e: {  	_ =	shalt  }
0x6f: {  	_ =	shalt  }
0x70: {  	_ =	shalt  }
0x71: {  	_ =	shalt  }
0x72: {  	_ =	shalt  }
0x73: {  	_ =	shalt  }
0x74: {  	_ =	shalt  }
0x75: {  	_ =	shalt  }
0x76: {  	_ =	shalt  }
0x77: {  	_ =	shalt  }
0x78: {  	_ =	shalt  }
0x79: {  	_ =	shalt  }
0x7a: {  	_ =	shalt  }
0x7b: {  	_ =	shalt  }
0x7c: {  	_ =	shalt  }
0x7d: {  	_ =	shalt  }
0x7e: {  	_ =	shalt  }
0x7f: {  	_ =	shalt  }
0x80: {  	_ =	shalt  }
0x81: {  	_ =	shalt  }
0x82: {  	_ =	shalt  }
0x83: {  	_ =	shalt  }
0x84: {  	_ =	shalt  }
0x85: {  	_ =	shalt  }
0x86: {  	_ =	shalt  }
0x87: {  	_ =	shalt  }
.Lfunc_end0:
.L_simem_size_0:
called_computation.1_lowered:
.L_overlay_start_0:
0x88: {  	s2 =	sld [smem:$0x3FD9]  }
0x89: {  	s3 =	sld [smem:$0x3FFE];
	_ =	sdelay $0x1  }
0x8a: {  	s1 =	srdreg.scid  }
0x8b: {  	s0 =	sand.u32 $0x1, s1  }
0x8c: {  	s16 =	sshll.u32 s0, $0xA;
	s2 =	sadd.s32 s3, s2  }
0x8d: {  	s2 =	sadd.s32 s2, s16  }
0x8e: {  	[smem:$0x3FC0] =	sst s2  }
0x8f: {  	_ = 	snop  }
0x90: {  	(tm) =	ssettm $0x1  }
0x91: {  	s17 =	sld [smem:$0x3FFB];
	_ =	sdelay $0x3  }
0x92: {  	_ =	strace s17  }
0x93: {  	s2 =	sld [smem:$0x3FFC];
	_ =	sdelay $0x3  }
0x94: {  	_ =	strace s2  }
0x95: {  	s2 =	sld [smem:$0x3FFD];
	_ =	sdelay $0x3  }
0x96: {  	_ =	strace s2  }
0x97: {  	_ =	strace $0x8FFFFFFF  }
0x98: {  	s18 =	sld [smem:$0x3FDB];
	_ =	sdelay $0x1  }
0x99: {  	s19 =	simm.s32 $_scs_section_size  }
0x9a: {  	s4 =	simm.s32 $_size__tile_overlayer_lowered;
	s5 =	simm.s32 $_tile_overlayer_lowered  }
0x9b: {  	s22 =	simm.s32 $0x1BFF;
	s21 =	sshll.u32 s5, $0x1;
	s2 =	sadd.s32 s19, s18  }
0x9c: {  	s6 =	simm.s32 $0x0;
	s20 =	sshll.u32 s4, $0x1;
	s4 =	sadd.s32 s21, s2  }
0x9d: {  	[timem:s6], [sflag:s22] =	dma.local [hbm:s4], s20  }
0x9e: {  	_ =	swait.ge [sflag:s22], s20  }
0x9f: {  	s3 =	ssub.s32 $0x0, s20;
	[sflag:s22] =	ssyncset.done $0x0  }
0xa0: {  	[sflag:s22] =	ssyncadd.s32 s3;
	_ =	sdelay $0x1  }
0xa1: {  	s23 =	simm.s32 $0x1B8B  }
0xa2: {  	_ =	swait.ge [sflag:s23], $0x1  }
0xa3: {  	[sflag:s23] =	ssyncset.done $0x0  }
0xa4: {  	s25 =	simm.s32 $0x1B8E;
	s24 =	sld [smem:$0x3FFE];
	[sflag:s23] =	ssyncadd.s32 $0xFFFFFFFF  }
0xa5: {  	s26 =	simm.s32 $execute0_lowered;
	[smem:$0x3FD2] =	sst s25  }
0xa6: {  	s4 =	sshll.u32 s26, $0x1;
	_ =	strace $0x80000049;
	[dreg:$0x1] =	wrdreg $0xFFFFFFFF  }
0xa7: {  	s28 =	simm.s32 $_size_execute0_lowered;
	s2 =	sadd.s32 s2, s4;
	[dreg:$0x0] =	wrdreg $0x0  }
0xa8: {  	s4 =	sshll.u32 s28, $0x1;
	[dreg:$0x2] =	wrdreg s2  }
0xa9: {  	[dreg:$0x3] =	wrdreg s4  }
0xaa: {  	[dreg:$0x4] =	wrdreg $0xC0  }
0xab: {  	_ =	task [dreg:s6], $0x5FFFF  }
0xac: {  	[dreg:$0x1] =	wrdreg $0xFFFFFFFF  }
0xad: {  	[dreg:$0x0] =	wrdreg $0x60  }
0xae: {  	[dreg:$0x2] =	wrdreg s24  }
0xaf: {  	[dreg:$0x3] =	wrdreg $0x88000  }
0xb0: {  	[dreg:$0x4] =	wrdreg $0x9  }
0xb1: {  	_ =	task.clear_ibuf [dreg:s6], $0x5FFFF;
	_ =	strace $0x90000049  }
0xb2: {  	s29 =	simm.s32 $0x9;
	_ =	strace $0x8000004B  }
0xb3: {  	_ =	swait.ge [sflag:s29], $0x1  }
0xb4: {  	[sflag:s29] =	ssyncadd.s32 $0xFFFFFFFF  }
0xb5: {  	_ =	strace $0x9000004B  }
0xb6: {  	_ =	sfence  }
0xb7: {  	s30 =	sld [smem:$0x0];
	_ =	sdelay $0x2  }
0xb8: {  	s31 =	sshll.u32 s1, $0xD;
	s1 =	sshrl.u32 s1, $0x2  }
0xb9: {  	s3 =	sand.u32 $0x4000, s31;
	s1 =	sadd.s32 s1, s30  }
0xba: {  	s0 =	sor.u32 s3, s0;
	s1 =	sshll.u32 s1, $0x11  }
0xbb: {  	s0 =	sor.u32 s1, s0  }
0xbc: {  	s0 =	sadd.s32 $0x8F2B, s0  }
0xbd: {  	[sflag:s0] =	ssyncadd.remote.s32 $0x1  }
0xbe: {  	_ =	sfence.sel $0xFFFF  }
0xbf: {  	[dreg:$0x0] =	wrdreg $0xFFFFFFFF;
	(pc) =	sbr.abs _section_cstart, $3  }
0xc0: {  	[dreg:$0x1] =	wrdreg $0xFFFFFFFF  }
0xc1: {  	_ =	task.clear_ibuf [dreg:s6], $0x2FFFF;
	_ =	strace $0x9FFFFFFF  }
0xc2: {  	(tm) =	ssettm $0x7FFFFFFF  }
0xc3: {  	_ =	shalt  }
tec
execute0_lowered:
.L_overlay_start_1:
0x0: {  	(tag) =	ssettag $0x1  }
0x1: {  	s0 =	rddreg [dreg:$0x0]  }
0x2: {  	s1 =	rddreg [dreg:$0x1]  }
0x3: {  	s3 =	simm.s32 $0x0;
	s2 =	srdreg.scid;
	s10 =	stileid.u32  }
0x4: {  	[smem:$0x7FF] =	sst s3;
	s2 =	sand.u32 $0x1, s2;
	s5 =	smul.u32 $0x14000, s10  }
0x5: {  	s7 =	sadd.s32 $0x2E00, s0;
	s19 =	smul.u32 $0x140000, s2;
	s4 =	sshll.u32 s2, $0x4  }
0x6: {  	s9 =	sadd.s32 $0x3E800, s0;
	_ =	strace $0x8000004A;
	s6 =	sor.u32 s10, s4  }
0x7: {  	[dreg:$0x7] =	wrdreg s9;
	s8 =	smul.u32 $0x9C, s6;
	s3 =	sadd.s32 s5, s19  }
0x8: {  	s5 =	smin.u32 s6, $0x8;
	p0 =	slt.u32 s6, $0x8;
	s6 =	simm.s32 $0x9D  }
0x9: {  	s20 =	ssub.s32 $0x2, s2;
	s4 =	sadd.s32 $0x16800, s0;
	s6 =	simm.s32 @!p0 $0x9C  }
0xa: {  	s21 =	sshrl.u32 s20, $0x1;
	s3 =	sshrl.u32 s3, $0x3;
	s13 =	sadd.s32 $0xFFFFFFFC, s6  }
0xb: {  	s8 =	sadd.s32 s5, s8;
	s15 =	sadd.s32 $0xFFFFFFFB, s6;
	[dreg:$0x3] =	wrdreg s13  }
0xc: {  	s0 =	sadd.s32 s3, s0;
	s16 =	sadd.s32 $0xFFFFFFFA, s6;
	[dreg:$0x4] =	wrdreg s15  }
0xd: {  	s3 =	ssub.s32 s20, s21;
	s20 =	sadd.s32 $0xFFFFFFF9, s6;
	[dreg:$0x5] =	wrdreg s16  }
0xe: {  	s8 =	sshll.u32 s8, $0x3;
	[dreg:$0x6] =	wrdreg s20;
	s0 =	sadd.s32 $0x41000, s0  }
0xf: {  	s30 =	simm.s32 $0x800;
	s11 =	sadd.s32 s7, s8;
	[dreg:$0x18] =	wrdreg s0  }
0x10: {  	s31 =	simm.s32 $0x2800;
	s8 =	sadd.s32 $0x9C40, s11;
	[dreg:$0x8] =	wrdreg s11  }
0x11: {  	s29 =	simm.s32 $0x3;
	s22 =	sadd.s32 $0x8, s11;
	[dreg:$0x9] =	wrdreg s8  }
0x12: {  	s18 =	smul.u32 $0x4E0, s10;
	s23 =	sadd.s32 $0x9C48, s11;
	[dreg:$0xa] =	wrdreg s22  }
0x13: {  	s2 =	smul.u32 $0x4E00, s2;
	s24 =	sadd.s32 $0x10, s11;
	[dreg:$0xb] =	wrdreg s23  }
0x14: {  	s19 =	smul.u32 $0x50000, s10;
	s25 =	sadd.s32 $0x9C50, s11;
	[dreg:$0xc] =	wrdreg s24  }
0x15: {  	s2 =	sadd.s32 s2, s7;
	s26 =	sadd.s32 $0x18, s11;
	[dreg:$0xd] =	wrdreg s25  }
0x16: {  	s10 =	simm.s32 $0x80;
	s28 =	sadd.s32 $0x9C58, s11;
	[dreg:$0xe] =	wrdreg s26  }
0x17: {  	s2 =	sadd.s32 s18, s2;
	s9 =	sadd.s32 $0x20, s11;
	[dreg:$0xf] =	wrdreg s28  }
0x18: {  	s18 =	simm.s32 $0x1;
	s12 =	sadd.s32 $0x9C60, s11;
	[dreg:$0x10] =	wrdreg s9  }
0x19: {  	s5 =	sshll.u32 s5, $0x3;
	s14 =	sadd.s32 $0x28, s11;
	[dreg:$0x11] =	wrdreg s12  }
0x1a: {  	s16 =	simm.s32 $0x380;
	s17 =	sadd.s32 $0x9C68, s11;
	[dreg:$0x12] =	wrdreg s14  }
0x1b: {  	s15 =	simm.s32 $0x4800;
	s21 =	sadd.s32 $0x30, s11;
	[dreg:$0x13] =	wrdreg s17  }
0x1c: {  	s20 =	simm.s32 $0x4;
	[dreg:$0x14] =	wrdreg s21;
	s22 =	sadd.s32 $0x9C70, s11  }
0x1d: {  	s23 =	sshrl.u32 s19, $0x2;
	s21 =	sadd.s32 s5, s2;
	s24 =	sadd.s32 $0x38, s11  }
0x1e: {  	s26 =	smax.u32 s3, $0x1;
	s28 =	sadd.s32 $0x9C78, s11;
	[dreg:$0x15] =	wrdreg s22  }
0x1f: {  	s12 =	simm.s32 $0x180;
	s14 =	simm.s32 $0x280;
	[dreg:$0x16] =	wrdreg s24  }
0x20: {  	s9 =	simm.s32 $0x40;
	s17 =	simm.s32 $0xD;
	[dreg:$0x19] =	wrdreg s26  }
0x21: {  	s19 =	simm.s32 $0x2;
	s25 =	sadd.s32 s23, s1;
	[dreg:$0x1a] =	wrdreg s28  }
0x22: {  	s2 =	simm.s32 $0x0;
	[dreg:$0x17] =	wrdreg s25;
	s25 =	simm.s32 $0x6800  }
.LBB2_1:
0x23: {  	[dreg:$0x1b] =	wrdreg s2  }
0x24: {  	s0 =	simm.s32 $0x0;
	s7 =	rddreg [dreg:$0x8]  }
0x25: {  	[tilespmem:s0], [sflag:$0x5] =	stream.linear.gather [hbm4b:s7+s0], $0x40, $0x38;
	[tilespmem:$0x1C800] =	vst v63  }
0x26: {  	s8 =	rddreg [dreg:$0x9]  }
0x27: {  	[tilespmem:s10], [sflag:$0x5] =	stream.linear.gather [hbm4b:s8+s0], $0x40, $0x38;
	[tilespmem:$0x1C800] =	vst v63  }
0x28: {  	s11 =	rddreg [dreg:$0xa];
	s3 =	simm.s32 $0x100  }
0x29: {  	[tilespmem:s3], [sflag:$0x6] =	stream.linear.gather [hbm4b:s11+s0], $0x40, $0x38;
	[tilespmem:$0x1C800] =	vst v63  }
0x2a: {  	s13 =	rddreg [dreg:$0xb]  }
0x2b: {  	[tilespmem:s12], [sflag:$0x6] =	stream.linear.gather [hbm4b:s13+s0], $0x40, $0x38;
	[tilespmem:$0x1C800] =	vst v63  }
0x2c: {  	s22 =	rddreg [dreg:$0xc];
	s5 =	simm.s32 $0x200  }
0x2d: {  	[tilespmem:s5], [sflag:$0x7] =	stream.linear.gather [hbm4b:s22+s0], $0x40, $0x38;
	[tilespmem:$0x1C800] =	vst v63  }
0x2e: {  	s23 =	rddreg [dreg:$0xd]  }
0x2f: {  	[tilespmem:s14], [sflag:$0x7] =	stream.linear.gather [hbm4b:s23+s0], $0x40, $0x38;
	[tilespmem:$0x1C800] =	vst v63  }
0x30: {  	s24 =	rddreg [dreg:$0xe];
	s7 =	simm.s32 $0x300  }
0x31: {  	[tilespmem:s7], [sflag:$0x8] =	stream.linear.gather [hbm4b:s24+s0], $0x40, $0x38;
	[tilespmem:$0x1C800] =	vst v63  }
0x32: {  	s26 =	rddreg [dreg:$0xf]  }
0x33: {  	[tilespmem:s16], [sflag:$0x8] =	stream.linear.gather [hbm4b:s26+s0], $0x40, $0x38;
	[tilespmem:$0x1C800] =	vst v63  }
0x34: {  	s28 =	rddreg [dreg:$0x10];
	s8 =	simm.s32 $0x400  }
0x35: {  	[tilespmem:s8], [sflag:$0x9] =	stream.linear.gather [hbm4b:s28+s0], $0x40, $0x38;
	[tilespmem:$0x1C800] =	vst v63  }
0x36: {  	s11 =	simm.s32 $0x480;
	s8 =	rddreg [dreg:$0x11]  }
0x37: {  	[tilespmem:s11], [sflag:$0x9] =	stream.linear.gather [hbm4b:s8+s0], $0x40, $0x38;
	[tilespmem:$0x1C800] =	vst v63  }
0x38: {  	s13 =	rddreg [dreg:$0x12];
	s22 =	simm.s32 $0x500  }
0x39: {  	[tilespmem:s22], [sflag:$0xA] =	stream.linear.gather [hbm4b:s13+s0], $0x40, $0x38;
	[tilespmem:$0x1C800] =	vst v63  }
0x3a: {  	s23 =	rddreg [dreg:$0x13];
	s24 =	simm.s32 $0x580  }
0x3b: {  	[tilespmem:s24], [sflag:$0xA] =	stream.linear.gather [hbm4b:s23+s0], $0x40, $0x38;
	[tilespmem:$0x1C800] =	vst v63  }
0x3c: {  	s26 =	rddreg [dreg:$0x14];
	s28 =	simm.s32 $0x600  }
0x3d: {  	[tilespmem:s28], [sflag:$0xB] =	stream.linear.gather [hbm4b:s26+s0], $0x40, $0x38;
	[tilespmem:$0x1C800] =	vst v63  }
0x3e: {  	s11 =	rddreg [dreg:$0x15];
	s13 =	simm.s32 $0x680  }
0x3f: {  	[tilespmem:s13], [sflag:$0xB] =	stream.linear.gather [hbm4b:s11+s0], $0x40, $0x38;
	[tilespmem:$0x1C800] =	vst v63  }
0x40: {  	s22 =	rddreg [dreg:$0x16];
	s23 =	simm.s32 $0x700  }
0x41: {  	[tilespmem:s23], [sflag:$0xC] =	stream.linear.gather [hbm4b:s22+s0], $0x40, $0x38;
	[tilespmem:$0x1C800] =	vst v63  }
0x42: {  	s24 =	rddreg [dreg:$0x1a];
	s26 =	simm.s32 $0x780;
	s28 =	simm.s32 $0x5  }
0x43: {  	[tilespmem:s26], [sflag:$0xC] =	stream.linear.gather [hbm4b:s24+s0], $0x40, $0x38;
	[tilespmem:$0x1C800] =	vst v63  }
0x44: {  	_ =	swait.ge [sflag:s28], $0x40  }
0x45: {  	[sflag:s28] =	ssyncset.done $0x0  }
0x46: {  	[sflag:s28] =	ssyncadd.s32 $0xFFFFFFC0  }
0x47: {  	_ =	swait.ge [sflag:s28], $0x40  }
0x48: {  	[sflag:s28] =	ssyncset.done $0x0  }
0x49: {  	s2 =	simm.s32 $0x6;
	[sflag:s28] =	ssyncadd.s32 $0xFFFFFFC0  }
0x4a: {  	[tilespmem:s30], [sflag:$0x1] =	stream.indirect.gather [hbm4b:s4+s9], $0x80, s0, s9, $0xb8;
	[tilespmem:$0x1C800] =	vst v63  }
0x4b: {  	_ =	swait.ge [sflag:s2], $0x40  }
0x4c: {  	[sflag:s2] =	ssyncset.done $0x0  }
0x4d: {  	[sflag:s2] =	ssyncadd.s32 $0xFFFFFFC0  }
0x4e: {  	_ =	swait.ge [sflag:s2], $0x40  }
0x4f: {  	[sflag:s2] =	ssyncset.done $0x0  }
0x50: {  	[sflag:s2] =	ssyncadd.s32 $0xFFFFFFC0  }
0x51: {  	[tilespmem:s31], [sflag:$0x2] =	stream.indirect.gather [hbm4b:s4+s9], $0x80, s3, s9, $0xb8;
	[tilespmem:$0x1C800] =	vst v63  }
0x52: {  	s3 =	simm.s32 $0x7  }
0x53: {  	_ =	swait.ge [sflag:s3], $0x40  }
0x54: {  	[sflag:s3] =	ssyncset.done $0x0  }
0x55: {  	[sflag:s3] =	ssyncadd.s32 $0xFFFFFFC0  }
0x56: {  	_ =	swait.ge [sflag:s3], $0x40  }
0x57: {  	[sflag:s3] =	ssyncset.done $0x0  }
0x58: {  	[sflag:s3] =	ssyncadd.s32 $0xFFFFFFC0  }
0x59: {  	[tilespmem:s15], [sflag:$0x3] =	stream.indirect.gather [hbm4b:s4+s9], $0x80, s5, s9, $0xb8;
	[tilespmem:$0x1C800] =	vst v63  }
0x5a: {  	s5 =	simm.s32 $0x8  }
0x5b: {  	_ =	swait.ge [sflag:s5], $0x40  }
0x5c: {  	[sflag:s5] =	ssyncset.done $0x0  }
0x5d: {  	[sflag:s5] =	ssyncadd.s32 $0xFFFFFFC0  }
0x5e: {  	_ =	swait.ge [sflag:s5], $0x40  }
0x5f: {  	[sflag:s5] =	ssyncset.done $0x0  }
0x60: {  	[sflag:s5] =	ssyncadd.s32 $0xFFFFFFC0  }
0x61: {  	[tilespmem:s25], [sflag:$0x4] =	stream.indirect.gather [hbm4b:s4+s9], $0x80, s7, s9, $0xb8;
	[tilespmem:$0x1C800] =	vst v63  }
0x62: {  	s11 =	rddreg [dreg:$0x17];
	s7 =	stileid.u32  }
0x63: {  	s22 =	rddreg [dreg:$0x7];
	s13 =	sshrl.u32 s11, $0x3;
	s0 =	sshll.u32 s7, $0x6  }
0x64: {  	[dreg:$0x1d] =	wrdreg s13;
	s8 =	sor.u32 $0x1C0D, s0  }
0x65: {  	[dreg:$0x1c] =	wrdreg s8  }
0x66: {  	[spmem:s13], [sflag:s8] =	dma.local [hbm:s22], $0x2800  }
0x67: {  	_ =	swait.ge [sflag:s17], $0x2800  }
0x68: {  	[sflag:s17] =	ssyncset.done $0x0  }
0x69: {  	[sflag:s17] =	ssyncadd.s32 $0xFFFFD800  }
0x6a: {  	p0 =	sle.u32 s6, $0x8;
	[bflag:$0x0] =	sbarrier.arrive $0xFFFF  }
0x6b: {  	s0 =	simm.s32 @!p0 $0x0;
	_ =	swait.ge [sflag:s18], $0x2000  }
0x6c: {  	s0 =	simm.s32 @p0 $0x1;
	[sflag:s18] =	ssyncset.done $0x0  }
0x6d: {  	[smem:$0x7FD] =	sst s0;
	[sflag:s18] =	ssyncadd.s32 $0xFFFFE000  }
0x6e: {  	[spmem:s1] =	stream.indirect.scatter.add.f32 [tilespmem:s30], [sflag:$0xD], $0x80, s10, s9, $0xb8;
	[tilespmem:$0x1C800] =	vst v63  }
0x6f: {  	_ =	swait.ge [sflag:s17], $0x2000  }
0x70: {  	s2 =	simm.s32 @!p0 $0x0;
	s0 =	sadd.s32 @!p0 $0x0, s21;
	[sflag:s17] =	ssyncset.done $0x0  }
0x71: {  	s7 =	sadd.s32 @!p0 $0x40, s0;
	s23 =	rddreg [dreg:$0x3];
	[sflag:s17] =	ssyncadd.s32 $0xFFFFE000  }
0x72: {  	[tilespmem:s2], [sflag:$0x5] =	stream.linear.gather @!p0 [hbm4b:s7+s2], $0x40, $0x38;
	[tilespmem:$0x1C800] =	vst v63  }
0x73: {  	s0 =	sadd.s32 @!p0 $0x9C80, s0;
	p4 =	sle.u32 s23, $0x0;
	s7 =	simm.s32 @!p0 $0x80  }
0x74: {  	[tilespmem:s7], [sflag:$0x5] =	stream.linear.gather @!p0 [hbm4b:s0+s2], $0x40, $0x38;
	[tilespmem:$0x1C800] =	vst v63  }
0x75: {  	s0 =	simm.s32 @!p4 $0x9  }
0x76: {  	_ =	swait.ge @!p4 [sflag:s0], $0x40  }
0x77: {  	[sflag:s0] =	ssyncset.done @!p4 $0x0  }
0x78: {  	[sflag:s0] =	ssyncadd.s32 @!p4 $0xFFFFFFC0  }
0x79: {  	_ =	swait.ge @!p4 [sflag:s0], $0x40  }
0x7a: {  	s3 =	simm.s32 @!p4 $0x400;
	[sflag:s0] =	ssyncset.done @!p4 $0x0  }
0x7b: {  	s11 =	simm.s32 @!p4 $0x800;
	s23 =	simm.s32 @!p4 $0x40;
	[sflag:s0] =	ssyncadd.s32 @!p4 $0xFFFFFFC0  }
0x7c: {  	[tilespmem:s11], [sflag:$0x1] =	stream.indirect.gather @!p4 [hbm4b:s4+s23], $0x80, s3, s23, $0xb8;
	[tilespmem:$0x1C800] =	vst v63  }
0x7d: {  	_ =	swait.ge [sflag:s19], $0x2000  }
0x7e: {  	[sflag:s19] =	ssyncset.done $0x0  }
0x7f: {  	p2 =	sle.u32 s6, $0x9;
	[sflag:s19] =	ssyncadd.s32 $0xFFFFE000  }
0x80: {  	[spmem:s1] =	stream.indirect.scatter.add.f32 [tilespmem:s31], [sflag:$0xD], $0x80, s12, s9, $0xb8;
	[tilespmem:$0x1C800] =	vst v63  }
0x81: {  	s13 =	simm.s32 @!p2 $0x0;
	_ =	swait.ge [sflag:s17], $0x2000  }
0x82: {  	s0 =	simm.s32 @!p2 $0x100;
	s3 =	sadd.s32 @!p2 $0x0, s21;
	[sflag:s17] =	ssyncset.done $0x0  }
0x83: {  	s7 =	sadd.s32 @!p2 $0x48, s3;
	s24 =	rddreg [dreg:$0x4];
	[sflag:s17] =	ssyncadd.s32 $0xFFFFE000  }
0x84: {  	[tilespmem:s0], [sflag:$0x6] =	stream.linear.gather @!p2 [hbm4b:s7+s13], $0x40, $0x38;
	[tilespmem:$0x1C800] =	vst v63  }
0x85: {  	s3 =	sadd.s32 @!p2 $0x9C88, s3;
	p5 =	sle.u32 s24, $0x0;
	s7 =	simm.s32 @!p2 $0x180  }
0x86: {  	[tilespmem:s7], [sflag:$0x6] =	stream.linear.gather @!p2 [hbm4b:s3+s13], $0x40, $0x38;
	[tilespmem:$0x1C800] =	vst v63  }
0x87: {  	s3 =	simm.s32 @!p5 $0xA  }
0x88: {  	_ =	swait.ge @!p5 [sflag:s3], $0x40  }
0x89: {  	[sflag:s3] =	ssyncset.done @!p5 $0x0  }
0x8a: {  	[sflag:s3] =	ssyncadd.s32 @!p5 $0xFFFFFFC0  }
0x8b: {  	_ =	swait.ge @!p5 [sflag:s3], $0x40  }
0x8c: {  	s24 =	simm.s32 @!p5 $0x40;
	[sflag:s3] =	ssyncset.done @!p5 $0x0  }
0x8d: {  	s7 =	simm.s32 @!p5 $0x500;
	s13 =	simm.s32 @!p5 $0x2800;
	[sflag:s3] =	ssyncadd.s32 @!p5 $0xFFFFFFC0  }
0x8e: {  	[tilespmem:s13], [sflag:$0x2] =	stream.indirect.gather @!p5 [hbm4b:s4+s24], $0x80, s7, s24, $0xb8;
	[tilespmem:$0x1C800] =	vst v63  }
0x8f: {  	_ =	swait.ge [sflag:s29], $0x2000  }
0x90: {  	[sflag:s29] =	ssyncset.done $0x0  }
0x91: {  	p1 =	sle.u32 s6, $0xA;
	[sflag:s29] =	ssyncadd.s32 $0xFFFFE000  }
0x92: {  	[spmem:s1] =	stream.indirect.scatter.add.f32 [tilespmem:s15], [sflag:$0xD], $0x80, s14, s9, $0xb8;
	[tilespmem:$0x1C800] =	vst v63  }
0x93: {  	s8 =	sadd.s32 @!p1 $0x0, s21;
	_ =	swait.ge [sflag:s17], $0x2000  }
0x94: {  	s22 =	sadd.s32 @!p1 $0x50, s8;
	s3 =	simm.s32 @!p1 $0x200;
	[sflag:s17] =	ssyncset.done $0x0  }
0x95: {  	s7 =	simm.s32 @!p1 $0x0;
	s26 =	rddreg [dreg:$0x5];
	[sflag:s17] =	ssyncadd.s32 $0xFFFFE000  }
0x96: {  	[tilespmem:s3], [sflag:$0x7] =	stream.linear.gather @!p1 [hbm4b:s22+s7], $0x40, $0x38;
	[tilespmem:$0x1C800] =	vst v63  }
0x97: {  	s8 =	sadd.s32 @!p1 $0x9C90, s8;
	p6 =	sle.u32 s26, $0x0;
	s22 =	simm.s32 @!p1 $0x280  }
0x98: {  	[tilespmem:s22], [sflag:$0x7] =	stream.linear.gather @!p1 [hbm4b:s8+s7], $0x40, $0x38;
	[tilespmem:$0x1C800] =	vst v63  }
0x99: {  	s8 =	simm.s32 @!p6 $0xB  }
0x9a: {  	_ =	swait.ge @!p6 [sflag:s8], $0x40  }
0x9b: {  	[sflag:s8] =	ssyncset.done @!p6 $0x0  }
0x9c: {  	[sflag:s8] =	ssyncadd.s32 @!p6 $0xFFFFFFC0  }
0x9d: {  	_ =	swait.ge @!p6 [sflag:s8], $0x40  }
0x9e: {  	s15 =	simm.s32 @!p6 $0x40;
	[sflag:s8] =	ssyncset.done @!p6 $0x0  }
0x9f: {  	s7 =	simm.s32 @!p6 $0x4800;
	s22 =	simm.s32 @!p6 $0x600;
	[sflag:s8] =	ssyncadd.s32 @!p6 $0xFFFFFFC0  }
0xa0: {  	[tilespmem:s7], [sflag:$0x3] =	stream.indirect.gather @!p6 [hbm4b:s4+s15], $0x80, s22, s15, $0xb8;
	[tilespmem:$0x1C800] =	vst v63  }
0xa1: {  	p0 =	sle.u32 s6, $0xB;
	_ =	swait.ge [sflag:s20], $0x2000  }
0xa2: {  	s5 =	simm.s32 @!p0 $0x0;
	[sflag:s20] =	ssyncset.done $0x0  }
0xa3: {  	s28 =	simm.s32 @!p0 $0x0;
	s5 =	simm.s32 @p0 $0x1;
	[sflag:s20] =	ssyncadd.s32 $0xFFFFE000  }
0xa4: {  	[spmem:s1] =	stream.indirect.scatter.add.f32 [tilespmem:s25], [sflag:$0xD], $0x80, s16, s9, $0xb8;
	[tilespmem:$0x1C800] =	vst v63  }
0xa5: {  	s26 =	simm.s32 @!p0 $0x300;
	s8 =	sadd.s32 @!p0 $0x0, s21;
	_ =	swait.ge [sflag:s17], $0x2000  }
0xa6: {  	s22 =	sadd.s32 @!p0 $0x58, s8;
	[sflag:s17] =	ssyncset.done $0x0;
	s25 =	rddreg [dreg:$0x6]  }
0xa7: {  	s8 =	sadd.s32 @!p0 $0x9C98, s8;
	[sflag:s17] =	ssyncadd.s32 $0xFFFFE000;
	p3 =	sle.u32 s25, $0x0  }
0xa8: {  	[tilespmem:s26], [sflag:$0x8] =	stream.linear.gather @!p0 [hbm4b:s22+s28], $0x40, $0x38;
	[tilespmem:$0x1C800] =	vst v63  }
0xa9: {  	[smem:$0x7FC] =	sst s5;
	s22 =	simm.s32 @!p0 $0x380;
	s25 =	simm.s32 @!p3 $0xC  }
0xaa: {  	[tilespmem:s22], [sflag:$0x8] =	stream.linear.gather @!p0 [hbm4b:s8+s28], $0x40, $0x38;
	[tilespmem:$0x1C800] =	vst v63  }
0xab: {  	_ =	swait.ge @!p3 [sflag:s25], $0x40  }
0xac: {  	[sflag:s25] =	ssyncset.done @!p3 $0x0  }
0xad: {  	[sflag:s25] =	ssyncadd.s32 @!p3 $0xFFFFFFC0  }
0xae: {  	_ =	swait.ge @!p3 [sflag:s25], $0x40  }
0xaf: {  	s28 =	simm.s32 @!p4 $0x1;
	s8 =	simm.s32 @!p3 $0x6800;
	[sflag:s25] =	ssyncset.done @!p3 $0x0  }
0xb0: {  	s22 =	simm.s32 @!p3 $0x40;
	[sflag:s25] =	ssyncadd.s32 @!p3 $0xFFFFFFC0;
	s25 =	simm.s32 @!p3 $0x700  }
0xb1: {  	[tilespmem:s8], [sflag:$0x4] =	stream.indirect.gather @!p3 [hbm4b:s4+s22], $0x80, s25, s22, $0xb8;
	[tilespmem:$0x1C800] =	vst v63  }
0xb2: {  	_ =	swait.ge @!p4 [sflag:s28], $0x2000  }
0xb3: {  	[sflag:s28] =	ssyncset.done @!p4 $0x0  }
0xb4: {  	s25 =	simm.s32 @!p4 $0x480;
	[sflag:s28] =	ssyncadd.s32 @!p4 $0xFFFFE000;
	s28 =	simm.s32 @!p4 $0xD  }
0xb5: {  	[spmem:s1] =	stream.indirect.scatter.add.f32 @!p4 [tilespmem:s11], [sflag:$0xD], $0x80, s25, s23, $0xb8;
	[tilespmem:$0x1C800] =	vst v63  }
0xb6: {  	p0 =	sle.u32 s6, $0xC;
	_ =	swait.ge @!p4 [sflag:s28], $0x2000  }
0xb7: {  	s11 =	sadd.s32 @!p0 $0x0, s21;
	s23 =	simm.s32 @!p0 $0x400;
	[sflag:s28] =	ssyncset.done @!p4 $0x0  }
0xb8: {  	s25 =	sadd.s32 @!p0 $0x60, s11;
	[sflag:s28] =	ssyncadd.s32 @!p4 $0xFFFFE000;
	s28 =	simm.s32 @!p0 $0x0  }
0xb9: {  	[tilespmem:s23], [sflag:$0x9] =	stream.linear.gather @!p0 [hbm4b:s25+s28], $0x40, $0x38;
	[tilespmem:$0x1C800] =	vst v63  }
0xba: {  	s11 =	sadd.s32 @!p0 $0x9CA0, s11;
	s23 =	simm.s32 @!p0 $0x480  }
0xbb: {  	[tilespmem:s23], [sflag:$0x9] =	stream.linear.gather @!p0 [hbm4b:s11+s28], $0x40, $0x38;
	[tilespmem:$0x1C800] =	vst v63  }
0xbc: {  	s28 =	sld [smem:$0x7FD];
	_ =	sdelay $0x2  }
0xbd: {  	p0 =	seq.s32 s28, $0x1  }
0xbe: {  	s11 =	simm.s32 @!p0 $0x5  }
0xbf: {  	_ =	swait.ge @!p0 [sflag:s11], $0x40  }
0xc0: {  	[sflag:s11] =	ssyncset.done @!p0 $0x0  }
0xc1: {  	[sflag:s11] =	ssyncadd.s32 @!p0 $0xFFFFFFC0  }
0xc2: {  	_ =	swait.ge @!p0 [sflag:s11], $0x40  }
0xc3: {  	[sflag:s11] =	ssyncset.done @!p0 $0x0  }
0xc4: {  	s23 =	simm.s32 @!p0 $0x40;
	[sflag:s11] =	ssyncadd.s32 @!p0 $0xFFFFFFC0;
	s11 =	simm.s32 @!p0 $0x800  }
0xc5: {  	[tilespmem:s11], [sflag:$0x1] =	stream.indirect.gather @!p0 [hbm4b:s4+s23], $0x80, s2, s23, $0xb8;
	[tilespmem:$0x1C800] =	vst v63  }
0xc6: {  	s2 =	simm.s32 @!p5 $0x2  }
0xc7: {  	_ =	swait.ge @!p5 [sflag:s2], $0x2000  }
0xc8: {  	[sflag:s2] =	ssyncset.done @!p5 $0x0  }
0xc9: {  	s11 =	simm.s32 @!p5 $0x580;
	[sflag:s2] =	ssyncadd.s32 @!p5 $0xFFFFE000;
	s2 =	simm.s32 @!p5 $0xD  }
0xca: {  	[spmem:s1] =	stream.indirect.scatter.add.f32 @!p5 [tilespmem:s13], [sflag:$0xD], $0x80, s11, s24, $0xb8;
	[tilespmem:$0x1C800] =	vst v63  }
0xcb: {  	_ =	swait.ge @!p5 [sflag:s2], $0x2000  }
0xcc: {  	p0 =	sle.u32 s6, $0xD;
	[sflag:s2] =	ssyncset.done @!p5 $0x0  }
0xcd: {  	[sflag:s2] =	ssyncadd.s32 @!p5 $0xFFFFE000;
	s2 =	sadd.s32 @!p0 $0x0, s21  }
0xce: {  	s23 =	simm.s32 @!p0 $0x0;
	s11 =	simm.s32 @!p0 $0x500;
	s13 =	sadd.s32 @!p0 $0x68, s2  }
0xcf: {  	[tilespmem:s11], [sflag:$0xA] =	stream.linear.gather @!p0 [hbm4b:s13+s23], $0x40, $0x38;
	[tilespmem:$0x1C800] =	vst v63  }
0xd0: {  	s2 =	sadd.s32 @!p0 $0x9CA8, s2;
	s11 =	simm.s32 @!p0 $0x580  }
0xd1: {  	[tilespmem:s11], [sflag:$0xA] =	stream.linear.gather @!p0 [hbm4b:s2+s23], $0x40, $0x38;
	[tilespmem:$0x1C800] =	vst v63  }
0xd2: {  	s2 =	simm.s32 @!p2 $0x6  }
0xd3: {  	_ =	swait.ge @!p2 [sflag:s2], $0x40  }
0xd4: {  	[sflag:s2] =	ssyncset.done @!p2 $0x0  }
0xd5: {  	[sflag:s2] =	ssyncadd.s32 @!p2 $0xFFFFFFC0  }
0xd6: {  	_ =	swait.ge @!p2 [sflag:s2], $0x40  }
0xd7: {  	[sflag:s2] =	ssyncset.done @!p2 $0x0  }
0xd8: {  	s11 =	simm.s32 @!p2 $0x40;
	[sflag:s2] =	ssyncadd.s32 @!p2 $0xFFFFFFC0;
	s2 =	simm.s32 @!p2 $0x2800  }
0xd9: {  	[tilespmem:s2], [sflag:$0x2] =	stream.indirect.gather @!p2 [hbm4b:s4+s11], $0x80, s0, s11, $0xb8;
	[tilespmem:$0x1C800] =	vst v63  }
0xda: {  	s0 =	simm.s32 @!p6 $0x3  }
0xdb: {  	_ =	swait.ge @!p6 [sflag:s0], $0x2000  }
0xdc: {  	[sflag:s0] =	ssyncset.done @!p6 $0x0  }
0xdd: {  	s2 =	simm.s32 @!p6 $0x680;
	[sflag:s0] =	ssyncadd.s32 @!p6 $0xFFFFE000;
	s0 =	simm.s32 @!p6 $0xD  }
0xde: {  	[spmem:s1] =	stream.indirect.scatter.add.f32 @!p6 [tilespmem:s7], [sflag:$0xD], $0x80, s2, s15, $0xb8;
	[tilespmem:$0x1C800] =	vst v63  }
0xdf: {  	_ =	swait.ge @!p6 [sflag:s0], $0x2000  }
0xe0: {  	p0 =	sle.u32 s6, $0xE;
	[sflag:s0] =	ssyncset.done @!p6 $0x0  }
0xe1: {  	[sflag:s0] =	ssyncadd.s32 @!p6 $0xFFFFE000;
	s0 =	sadd.s32 @!p0 $0x0, s21  }
0xe2: {  	s11 =	simm.s32 @!p0 $0x0;
	s2 =	simm.s32 @!p0 $0x600;
	s7 =	sadd.s32 @!p0 $0x70, s0  }
0xe3: {  	[tilespmem:s2], [sflag:$0xB] =	stream.linear.gather @!p0 [hbm4b:s7+s11], $0x40, $0x38;
	[tilespmem:$0x1C800] =	vst v63  }
0xe4: {  	s0 =	sadd.s32 @!p0 $0x9CB0, s0;
	s2 =	simm.s32 @!p0 $0x680  }
0xe5: {  	[tilespmem:s2], [sflag:$0xB] =	stream.linear.gather @!p0 [hbm4b:s0+s11], $0x40, $0x38;
	[tilespmem:$0x1C800] =	vst v63  }
0xe6: {  	s0 =	simm.s32 @!p1 $0x7  }
0xe7: {  	_ =	swait.ge @!p1 [sflag:s0], $0x40  }
0xe8: {  	[sflag:s0] =	ssyncset.done @!p1 $0x0  }
0xe9: {  	[sflag:s0] =	ssyncadd.s32 @!p1 $0xFFFFFFC0  }
0xea: {  	_ =	swait.ge @!p1 [sflag:s0], $0x40  }
0xeb: {  	[sflag:s0] =	ssyncset.done @!p1 $0x0  }
0xec: {  	s2 =	simm.s32 @!p1 $0x4800;
	[sflag:s0] =	ssyncadd.s32 @!p1 $0xFFFFFFC0;
	s0 =	simm.s32 @!p1 $0x40  }
0xed: {  	[tilespmem:s2], [sflag:$0x3] =	stream.indirect.gather @!p1 [hbm4b:s4+s0], $0x80, s3, s0, $0xb8;
	[tilespmem:$0x1C800] =	vst v63  }
0xee: {  	s0 =	simm.s32 @!p3 $0x4  }
0xef: {  	_ =	swait.ge @!p3 [sflag:s0], $0x2000  }
0xf0: {  	s16 =	simm.s32 $0x6800;
	s24 =	simm.s32 $0x8;
	[sflag:s0] =	ssyncset.done @!p3 $0x0  }
0xf1: {  	s2 =	simm.s32 @!p3 $0xD;
	[sflag:s0] =	ssyncadd.s32 @!p3 $0xFFFFE000;
	s0 =	simm.s32 @!p3 $0x780  }
0xf2: {  	[spmem:s1] =	stream.indirect.scatter.add.f32 @!p3 [tilespmem:s8], [sflag:$0xD], $0x80, s0, s22, $0xb8;
	[tilespmem:$0x1C800] =	vst v63  }
0xf3: {  	s23 =	simm.s32 $0x40;
	p0 =	sle.u32 s6, $0xF;
	_ =	swait.ge @!p3 [sflag:s2], $0x2000  }
0xf4: {  	s3 =	sadd.s32 @!p0 $0x0, s21;
	s0 =	simm.s32 @!p0 $0x0;
	[sflag:s2] =	ssyncset.done @!p3 $0x0  }
.LBB2_2:
0xf5: {  	[sflag:s2] =	ssyncadd.s32 @!p3 $0xFFFFE000;
	s2 =	sadd.s32 @!p0 $0x78, s3;
	s5 =	sld [smem:$0x7FC]  }
0xf6: {  	s7 =	simm.s32 @!p0 $0x700;
	s25 =	smov.u32 s23;
	s23 =	sadd.s32 $0x40, s23  }
0xf7: {  	[tilespmem:s7], [sflag:$0xC] =	stream.linear.gather @!p0 [hbm4b:s2+s0], $0x40, $0x38;
	[tilespmem:$0x1C800] =	vst v63  }
0xf8: {  	s2 =	sadd.s32 @!p0 $0x9CB8, s3;
	s3 =	simm.s32 @!p0 $0x780;
	p1 =	seq.s32 s5, $0x1  }
0xf9: {  	[tilespmem:s3], [sflag:$0xC] =	stream.linear.gather @!p0 [hbm4b:s2+s0], $0x40, $0x38;
	[tilespmem:$0x1C800] =	vst v63  }
0xfa: {  	p0 =	sne.s32 s23, $0x500;
	s8 =	simm.s32 @!p1 $0x8  }
0xfb: {  	s0 =	simm.s32 @!p0 $0x0;
	_ =	swait.ge @!p1 [sflag:s8], $0x40  }
0xfc: {  	s0 =	simm.s32 @p0 $0x1;
	[sflag:s8] =	ssyncset.done @!p1 $0x0  }
0xfd: {  	[smem:$0x7FB] =	sst s0;
	[sflag:s8] =	ssyncadd.s32 @!p1 $0xFFFFFFC0  }
0xfe: {  	s7 =	smov.u32 s24;
	_ =	swait.ge @!p1 [sflag:s8], $0x40  }
0xff: {  	s24 =	sadd.s32 $0x8, s24;
	s3 =	simm.s32 @!p1 $0x40;
	[sflag:s8] =	ssyncset.done @!p1 $0x0  }
0x100: {  	p0 =	sge.u32 s24, s6;
	s0 =	simm.s32 @!p1 $0x6800;
	[sflag:s8] =	ssyncadd.s32 @!p1 $0xFFFFFFC0  }
0x101: {  	[tilespmem:s0], [sflag:$0x4] =	stream.indirect.gather @!p1 [hbm4b:s4+s3], $0x80, s26, s3, $0xb8;
	[tilespmem:$0x1C800] =	vst v63  }
0x102: {  	s0 =	simm.s32 @!p0 $0x0;
	_ =	swait.ge [sflag:s18], $0x2000  }
0x103: {  	s0 =	simm.s32 @p0 $0x1;
	[sflag:s18] =	ssyncset.done $0x0  }
0x104: {  	[smem:$0x7FA] =	sst s0;
	[sflag:s18] =	ssyncadd.s32 $0xFFFFE000  }
0x105: {  	[spmem:s1] =	stream.indirect.scatter.add.f32 [tilespmem:s30], [sflag:$0xD], $0x80, s10, s9, $0xb8;
	[tilespmem:$0x1C800] =	vst v63  }
0x106: {  	_ =	swait.ge [sflag:s17], $0x2000  }
0x107: {  	s2 =	sadd.s32 @!p0 s25, s21;
	s11 =	simm.s32 @!p0 $0x0;
	[sflag:s17] =	ssyncset.done $0x0  }
0x108: {  	s0 =	sadd.s32 @!p0 $0x40, s2;
	s10 =	rddreg [dreg:$0x3];
	[sflag:s17] =	ssyncadd.s32 $0xFFFFE000  }
0x109: {  	[tilespmem:s11], [sflag:$0x5] =	stream.linear.gather @!p0 [hbm4b:s0+s11], $0x40, $0x38;
	[tilespmem:$0x1C800] =	vst v63  }
0x10a: {  	s2 =	sadd.s32 @!p0 $0x9C80, s2;
	p6 =	sge.u32 s7, s10;
	s0 =	simm.s32 @!p0 $0x80  }
0x10b: {  	[tilespmem:s0], [sflag:$0x5] =	stream.linear.gather @!p0 [hbm4b:s2+s11], $0x40, $0x38;
	[tilespmem:$0x1C800] =	vst v63  }
0x10c: {  	s0 =	simm.s32 @!p6 $0x9  }
0x10d: {  	_ =	swait.ge @!p6 [sflag:s0], $0x40  }
0x10e: {  	[sflag:s0] =	ssyncset.done @!p6 $0x0  }
0x10f: {  	[sflag:s0] =	ssyncadd.s32 @!p6 $0xFFFFFFC0  }
0x110: {  	_ =	swait.ge @!p6 [sflag:s0], $0x40  }
0x111: {  	s3 =	simm.s32 @!p6 $0x400;
	[sflag:s0] =	ssyncset.done @!p6 $0x0  }
0x112: {  	s22 =	simm.s32 @!p6 $0x800;
	s28 =	simm.s32 @!p6 $0x40;
	[sflag:s0] =	ssyncadd.s32 @!p6 $0xFFFFFFC0  }
0x113: {  	[tilespmem:s22], [sflag:$0x1] =	stream.indirect.gather @!p6 [hbm4b:s4+s28], $0x80, s3, s28, $0xb8;
	[tilespmem:$0x1C800] =	vst v63  }
0x114: {  	_ =	swait.ge [sflag:s19], $0x2000  }
0x115: {  	s13 =	sadd.s32 $0x9, s7;
	[sflag:s19] =	ssyncset.done $0x0  }
0x116: {  	p4 =	sge.u32 s13, s6;
	[sflag:s19] =	ssyncadd.s32 $0xFFFFE000  }
0x117: {  	[spmem:s1] =	stream.indirect.scatter.add.f32 [tilespmem:s31], [sflag:$0xD], $0x80, s12, s9, $0xb8;
	[tilespmem:$0x1C800] =	vst v63  }
0x118: {  	s0 =	sadd.s32 @!p4 s25, s21;
	_ =	swait.ge [sflag:s17], $0x2000  }
0x119: {  	s8 =	simm.s32 @!p4 $0x100;
	s2 =	sadd.s32 @!p4 $0x48, s0;
	[sflag:s17] =	ssyncset.done $0x0  }
0x11a: {  	s3 =	simm.s32 @!p4 $0x0;
	s15 =	rddreg [dreg:$0x4];
	[sflag:s17] =	ssyncadd.s32 $0xFFFFE000  }
0x11b: {  	[tilespmem:s8], [sflag:$0x6] =	stream.linear.gather @!p4 [hbm4b:s2+s3], $0x40, $0x38;
	[tilespmem:$0x1C800] =	vst v63  }
0x11c: {  	s13 =	simm.s32 @!p4 $0x180;
	s0 =	sadd.s32 @!p4 $0x9C88, s0;
	p0 =	sge.u32 s7, s15  }
0x11d: {  	[tilespmem:s13], [sflag:$0x6] =	stream.linear.gather @!p4 [hbm4b:s0+s3], $0x40, $0x38;
	[tilespmem:$0x1C800] =	vst v63  }
0x11e: {  	s0 =	simm.s32 @!p0 $0xA  }
0x11f: {  	_ =	swait.ge @!p0 [sflag:s0], $0x40  }
0x120: {  	[sflag:s0] =	ssyncset.done @!p0 $0x0  }
0x121: {  	[sflag:s0] =	ssyncadd.s32 @!p0 $0xFFFFFFC0  }
0x122: {  	_ =	swait.ge @!p0 [sflag:s0], $0x40  }
0x123: {  	s2 =	simm.s32 @!p0 $0x500;
	[sflag:s0] =	ssyncset.done @!p0 $0x0  }
0x124: {  	s31 =	simm.s32 @!p0 $0x2800;
	s30 =	simm.s32 @!p0 $0x40;
	[sflag:s0] =	ssyncadd.s32 @!p0 $0xFFFFFFC0  }
0x125: {  	[tilespmem:s31], [sflag:$0x2] =	stream.indirect.gather @!p0 [hbm4b:s4+s30], $0x80, s2, s30, $0xb8;
	[tilespmem:$0x1C800] =	vst v63  }
0x126: {  	_ =	swait.ge [sflag:s29], $0x2000  }
0x127: {  	s15 =	sadd.s32 $0xA, s7;
	[sflag:s29] =	ssyncset.done $0x0  }
0x128: {  	s26 =	simm.s32 $0x4800;
	p5 =	sge.u32 s15, s6;
	[sflag:s29] =	ssyncadd.s32 $0xFFFFE000  }
0x129: {  	[spmem:s1] =	stream.indirect.scatter.add.f32 [tilespmem:s26], [sflag:$0xD], $0x80, s14, s9, $0xb8;
	[tilespmem:$0x1C800] =	vst v63  }
0x12a: {  	s13 =	simm.s32 @!p5 $0x200;
	_ =	swait.ge [sflag:s17], $0x2000  }
0x12b: {  	s0 =	simm.s32 @!p5 $0x0;
	s2 =	sadd.s32 @!p5 s25, s21;
	[sflag:s17] =	ssyncset.done $0x0  }
0x12c: {  	s3 =	sadd.s32 @!p5 $0x50, s2;
	s5 =	rddreg [dreg:$0x5];
	[sflag:s17] =	ssyncadd.s32 $0xFFFFE000  }
0x12d: {  	[tilespmem:s13], [sflag:$0x7] =	stream.linear.gather @!p5 [hbm4b:s3+s0], $0x40, $0x38;
	[tilespmem:$0x1C800] =	vst v63  }
0x12e: {  	s2 =	sadd.s32 @!p5 $0x9C90, s2;
	p1 =	sge.u32 s7, s5;
	s3 =	simm.s32 @!p5 $0x280  }
0x12f: {  	[tilespmem:s3], [sflag:$0x7] =	stream.linear.gather @!p5 [hbm4b:s2+s0], $0x40, $0x38;
	[tilespmem:$0x1C800] =	vst v63  }
0x130: {  	s0 =	simm.s32 @!p1 $0xB  }
0x131: {  	_ =	swait.ge @!p1 [sflag:s0], $0x40  }
0x132: {  	[sflag:s0] =	ssyncset.done @!p1 $0x0  }
0x133: {  	[sflag:s0] =	ssyncadd.s32 @!p1 $0xFFFFFFC0  }
0x134: {  	_ =	swait.ge @!p1 [sflag:s0], $0x40  }
0x135: {  	s10 =	sadd.s32 $0xB, s7;
	s15 =	simm.s32 @!p1 $0x4800;
	[sflag:s0] =	ssyncset.done @!p1 $0x0  }
0x136: {  	s2 =	simm.s32 @!p1 $0x40;
	s3 =	simm.s32 @!p1 $0x600;
	[sflag:s0] =	ssyncadd.s32 @!p1 $0xFFFFFFC0  }
0x137: {  	[tilespmem:s15], [sflag:$0x3] =	stream.indirect.gather @!p1 [hbm4b:s4+s2], $0x80, s3, s2, $0xb8;
	[tilespmem:$0x1C800] =	vst v63  }
0x138: {  	p2 =	sge.u32 s10, s6;
	_ =	swait.ge [sflag:s20], $0x2000  }
0x139: {  	s10 =	simm.s32 @!p2 $0x0;
	s12 =	simm.s32 $0x380;
	[sflag:s20] =	ssyncset.done $0x0  }
0x13a: {  	s26 =	simm.s32 @!p2 $0x300;
	s5 =	simm.s32 @!p2 $0x0;
	[sflag:s20] =	ssyncadd.s32 $0xFFFFE000  }
0x13b: {  	[spmem:s1] =	stream.indirect.scatter.add.f32 [tilespmem:s16], [sflag:$0xD], $0x80, s12, s9, $0xb8;
	[tilespmem:$0x1C800] =	vst v63  }
0x13c: {  	s5 =	simm.s32 @p2 $0x1;
	s0 =	sadd.s32 @!p2 s25, s21;
	_ =	swait.ge [sflag:s17], $0x2000  }
0x13d: {  	s3 =	sadd.s32 @!p2 $0x58, s0;
	[sflag:s17] =	ssyncset.done $0x0;
	s14 =	rddreg [dreg:$0x6]  }
0x13e: {  	s0 =	sadd.s32 @!p2 $0x9C98, s0;
	[sflag:s17] =	ssyncadd.s32 $0xFFFFE000;
	p3 =	sge.u32 s7, s14  }
0x13f: {  	[tilespmem:s26], [sflag:$0x8] =	stream.linear.gather @!p2 [hbm4b:s3+s10], $0x40, $0x38;
	[tilespmem:$0x1C800] =	vst v63  }
0x140: {  	[smem:$0x7FC] =	sst s5;
	s3 =	simm.s32 @!p2 $0x380;
	s5 =	simm.s32 @!p3 $0xC  }
0x141: {  	[tilespmem:s3], [sflag:$0x8] =	stream.linear.gather @!p2 [hbm4b:s0+s10], $0x40, $0x38;
	[tilespmem:$0x1C800] =	vst v63  }
0x142: {  	_ =	swait.ge @!p3 [sflag:s5], $0x40  }
0x143: {  	[sflag:s5] =	ssyncset.done @!p3 $0x0  }
0x144: {  	[sflag:s5] =	ssyncadd.s32 @!p3 $0xFFFFFFC0  }
0x145: {  	_ =	swait.ge @!p3 [sflag:s5], $0x40  }
0x146: {  	s12 =	simm.s32 @!p3 $0x700;
	s10 =	simm.s32 @!p6 $0x1;
	[sflag:s5] =	ssyncset.done @!p3 $0x0  }
0x147: {  	s3 =	simm.s32 @!p3 $0x6800;
	s0 =	simm.s32 @!p3 $0x40;
	[sflag:s5] =	ssyncadd.s32 @!p3 $0xFFFFFFC0  }
0x148: {  	[tilespmem:s3], [sflag:$0x4] =	stream.indirect.gather @!p3 [hbm4b:s4+s0], $0x80, s12, s0, $0xb8;
	[tilespmem:$0x1C800] =	vst v63  }
0x149: {  	_ =	swait.ge @!p6 [sflag:s10], $0x2000  }
0x14a: {  	s14 =	simm.s32 @!p6 $0xD;
	s12 =	sadd.s32 $0xC, s7;
	[sflag:s10] =	ssyncset.done @!p6 $0x0  }
0x14b: {  	s5 =	simm.s32 @!p6 $0x480;
	p2 =	sge.u32 s12, s6;
	[sflag:s10] =	ssyncadd.s32 @!p6 $0xFFFFE000  }
0x14c: {  	[spmem:s1] =	stream.indirect.scatter.add.f32 @!p6 [tilespmem:s22], [sflag:$0xD], $0x80, s5, s28, $0xb8;
	[tilespmem:$0x1C800] =	vst v63  }
0x14d: {  	s10 =	simm.s32 @!p2 $0x400;
	_ =	swait.ge @!p6 [sflag:s14], $0x2000  }
0x14e: {  	s5 =	sadd.s32 @!p2 s25, s21;
	[sflag:s14] =	ssyncset.done @!p6 $0x0;
	s22 =	sld [smem:$0x7FA]  }
0x14f: {  	s12 =	sadd.s32 @!p2 $0x60, s5;
	[sflag:s14] =	ssyncadd.s32 @!p6 $0xFFFFE000;
	s14 =	simm.s32 @!p2 $0x0  }
0x150: {  	[tilespmem:s10], [sflag:$0x9] =	stream.linear.gather @!p2 [hbm4b:s12+s14], $0x40, $0x38;
	[tilespmem:$0x1C800] =	vst v63  }
0x151: {  	p6 =	seq.s32 s22, $0x1  }
0x152: {  	s5 =	sadd.s32 @!p2 $0x9CA0, s5;
	s10 =	simm.s32 @!p2 $0x480;
	s12 =	simm.s32 @!p6 $0x5  }
0x153: {  	[tilespmem:s10], [sflag:$0x9] =	stream.linear.gather @!p2 [hbm4b:s5+s14], $0x40, $0x38;
	[tilespmem:$0x1C800] =	vst v63  }
0x154: {  	_ =	swait.ge @!p6 [sflag:s12], $0x40  }
0x155: {  	[sflag:s12] =	ssyncset.done @!p6 $0x0  }
0x156: {  	[sflag:s12] =	ssyncadd.s32 @!p6 $0xFFFFFFC0  }
0x157: {  	_ =	swait.ge @!p6 [sflag:s12], $0x40  }
0x158: {  	s5 =	simm.s32 @!p0 $0x2;
	[sflag:s12] =	ssyncset.done @!p6 $0x0  }
0x159: {  	s10 =	simm.s32 @!p6 $0x40;
	s14 =	simm.s32 @!p6 $0x800;
	[sflag:s12] =	ssyncadd.s32 @!p6 $0xFFFFFFC0  }
0x15a: {  	[tilespmem:s14], [sflag:$0x1] =	stream.indirect.gather @!p6 [hbm4b:s4+s10], $0x80, s11, s10, $0xb8;
	[tilespmem:$0x1C800] =	vst v63  }
0x15b: {  	_ =	swait.ge @!p0 [sflag:s5], $0x2000  }
0x15c: {  	s28 =	sadd.s32 $0xD, s7;
	[sflag:s5] =	ssyncset.done @!p0 $0x0  }
0x15d: {  	s22 =	simm.s32 @!p0 $0xD;
	s12 =	simm.s32 @!p0 $0x580;
	[sflag:s5] =	ssyncadd.s32 @!p0 $0xFFFFE000  }
0x15e: {  	[spmem:s1] =	stream.indirect.scatter.add.f32 @!p0 [tilespmem:s31], [sflag:$0xD], $0x80, s12, s30, $0xb8;
	[tilespmem:$0x1C800] =	vst v63  }
0x15f: {  	p2 =	sge.u32 s28, s6;
	_ =	swait.ge @!p0 [sflag:s22], $0x2000  }
0x160: {  	s10 =	simm.s32 @!p2 $0x500;
	s5 =	sadd.s32 @!p2 s25, s21;
	[sflag:s22] =	ssyncset.done @!p0 $0x0  }
0x161: {  	s11 =	sadd.s32 @!p2 $0x68, s5;
	s12 =	simm.s32 @!p2 $0x0;
	[sflag:s22] =	ssyncadd.s32 @!p0 $0xFFFFE000  }
0x162: {  	[tilespmem:s10], [sflag:$0xA] =	stream.linear.gather @!p2 [hbm4b:s11+s12], $0x40, $0x38;
	[tilespmem:$0x1C800] =	vst v63  }
0x163: {  	s5 =	sadd.s32 @!p2 $0x9CA8, s5;
	s10 =	simm.s32 @!p2 $0x580;
	s11 =	simm.s32 @!p4 $0x6  }
0x164: {  	[tilespmem:s10], [sflag:$0xA] =	stream.linear.gather @!p2 [hbm4b:s5+s12], $0x40, $0x38;
	[tilespmem:$0x1C800] =	vst v63  }
0x165: {  	_ =	swait.ge @!p4 [sflag:s11], $0x40  }
0x166: {  	[sflag:s11] =	ssyncset.done @!p4 $0x0  }
0x167: {  	[sflag:s11] =	ssyncadd.s32 @!p4 $0xFFFFFFC0  }
0x168: {  	_ =	swait.ge @!p4 [sflag:s11], $0x40  }
0x169: {  	s5 =	simm.s32 @!p1 $0x3;
	[sflag:s11] =	ssyncset.done @!p4 $0x0  }
0x16a: {  	s10 =	simm.s32 @!p4 $0x40;
	s12 =	simm.s32 @!p4 $0x2800;
	[sflag:s11] =	ssyncadd.s32 @!p4 $0xFFFFFFC0  }
0x16b: {  	[tilespmem:s12], [sflag:$0x2] =	stream.indirect.gather @!p4 [hbm4b:s4+s10], $0x80, s8, s10, $0xb8;
	[tilespmem:$0x1C800] =	vst v63  }
0x16c: {  	_ =	swait.ge @!p1 [sflag:s5], $0x2000  }
0x16d: {  	s14 =	simm.s32 @!p1 $0xD;
	[sflag:s5] =	ssyncset.done @!p1 $0x0  }
0x16e: {  	s11 =	simm.s32 @!p1 $0x680;
	s10 =	sadd.s32 $0xE, s7;
	[sflag:s5] =	ssyncadd.s32 @!p1 $0xFFFFE000  }
0x16f: {  	[spmem:s1] =	stream.indirect.scatter.add.f32 @!p1 [tilespmem:s15], [sflag:$0xD], $0x80, s11, s2, $0xb8;
	[tilespmem:$0x1C800] =	vst v63  }
0x170: {  	p0 =	sge.u32 s10, s6;
	_ =	swait.ge @!p1 [sflag:s14], $0x2000  }
0x171: {  	s10 =	simm.s32 @!p0 $0x0;
	s2 =	sadd.s32 @!p0 s25, s21;
	[sflag:s14] =	ssyncset.done @!p1 $0x0  }
0x172: {  	s5 =	simm.s32 @!p0 $0x600;
	s8 =	sadd.s32 @!p0 $0x70, s2;
	[sflag:s14] =	ssyncadd.s32 @!p1 $0xFFFFE000  }
0x173: {  	[tilespmem:s5], [sflag:$0xB] =	stream.linear.gather @!p0 [hbm4b:s8+s10], $0x40, $0x38;
	[tilespmem:$0x1C800] =	vst v63  }
0x174: {  	s2 =	sadd.s32 @!p0 $0x9CB0, s2;
	s5 =	simm.s32 @!p0 $0x680;
	s8 =	simm.s32 @!p5 $0x7  }
0x175: {  	[tilespmem:s5], [sflag:$0xB] =	stream.linear.gather @!p0 [hbm4b:s2+s10], $0x40, $0x38;
	[tilespmem:$0x1C800] =	vst v63  }
0x176: {  	_ =	swait.ge @!p5 [sflag:s8], $0x40  }
0x177: {  	[sflag:s8] =	ssyncset.done @!p5 $0x0  }
0x178: {  	[sflag:s8] =	ssyncadd.s32 @!p5 $0xFFFFFFC0  }
0x179: {  	_ =	swait.ge @!p5 [sflag:s8], $0x40  }
0x17a: {  	s2 =	simm.s32 @!p5 $0x4800;
	[sflag:s8] =	ssyncset.done @!p5 $0x0  }
0x17b: {  	s5 =	simm.s32 @!p5 $0x40;
	[sflag:s8] =	ssyncadd.s32 @!p5 $0xFFFFFFC0;
	s8 =	simm.s32 @!p3 $0x4  }
0x17c: {  	[tilespmem:s2], [sflag:$0x3] =	stream.indirect.gather @!p5 [hbm4b:s4+s5], $0x80, s13, s5, $0xb8;
	[tilespmem:$0x1C800] =	vst v63  }
0x17d: {  	_ =	swait.ge @!p3 [sflag:s8], $0x2000  }
0x17e: {  	s22 =	sadd.s32 $0xF, s7;
	[sflag:s8] =	ssyncset.done @!p3 $0x0  }
0x17f: {  	s7 =	simm.s32 @!p3 $0x780;
	s2 =	simm.s32 @!p3 $0xD;
	[sflag:s8] =	ssyncadd.s32 @!p3 $0xFFFFE000  }
0x180: {  	[spmem:s1] =	stream.indirect.scatter.add.f32 @!p3 [tilespmem:s3], [sflag:$0xD], $0x80, s7, s0, $0xb8;
	[tilespmem:$0x1C800] =	vst v63  }
0x181: {  	_ =	swait.ge @!p3 [sflag:s2], $0x2000  }
0x182: {  	s28 =	sld [smem:$0x7FB];
	_ =	sdelay $0x2  }
0x183: {  	p1 =	seq.s32 s28, $0x1  }
.Ltmp0:
0x184: {  	_ = 	snop;
	(pc) =	sbr.rel @p1 .LBB2_2-.Ltmp0, $4  }
0x185: {  	_ = 	snop  }
0x186: {  	s31 =	simm.s32 $0x2800;
	s30 =	simm.s32 $0x800;
	s12 =	simm.s32 $0x180  }
0x187: {  	s14 =	simm.s32 $0x280;
	s10 =	simm.s32 $0x80;
	p0 =	sge.u32 s22, s6  }
0x188: {  	s3 =	sadd.s32 @!p0 s25, s21;
	s0 =	simm.s32 @!p0 $0x0;
	[sflag:s2] =	ssyncset.done @!p3 $0x0  }
0x189: {  	s22 =	sld [smem:$0x7FC]  }
0x18a: {  	[sflag:s2] =	ssyncadd.s32 @!p3 $0xFFFFE000;
	s2 =	sadd.s32 @!p0 $0x78, s3;
	s5 =	simm.s32 @!p0 $0x700  }
0x18b: {  	[tilespmem:s5], [sflag:$0xC] =	stream.linear.gather @!p0 [hbm4b:s2+s0], $0x40, $0x38;
	[tilespmem:$0x1C800] =	vst v63  }
0x18c: {  	s2 =	sadd.s32 @!p0 $0x9CB8, s3;
	s3 =	simm.s32 @!p0 $0x780;
	p1 =	seq.s32 s22, $0x1  }
0x18d: {  	[tilespmem:s3], [sflag:$0xC] =	stream.linear.gather @!p0 [hbm4b:s2+s0], $0x40, $0x38;
	[tilespmem:$0x1C800] =	vst v63  }
0x18e: {  	s5 =	simm.s32 @!p1 $0x8  }
0x18f: {  	_ =	swait.ge @!p1 [sflag:s5], $0x40  }
0x190: {  	[sflag:s5] =	ssyncset.done @!p1 $0x0  }
0x191: {  	[sflag:s5] =	ssyncadd.s32 @!p1 $0xFFFFFFC0  }
0x192: {  	_ =	swait.ge @!p1 [sflag:s5], $0x40  }
0x193: {  	[sflag:s5] =	ssyncset.done @!p1 $0x0  }
0x194: {  	s0 =	simm.s32 @!p1 $0x6800;
	s2 =	simm.s32 @!p1 $0x40;
	[sflag:s5] =	ssyncadd.s32 @!p1 $0xFFFFFFC0  }
0x195: {  	[tilespmem:s0], [sflag:$0x4] =	stream.indirect.gather @!p1 [hbm4b:s4+s2], $0x80, s26, s2, $0xb8;
	[tilespmem:$0x1C800] =	vst v63  }
0x196: {  	[bflag:$0x0] =	sbarrier.arrive $0xFFFF  }
0x197: {  	s23 =	rddreg [dreg:$0x18]  }
0x198: {  	s24 =	rddreg [dreg:$0x1c]  }
0x199: {  	s25 =	rddreg [dreg:$0x1d]  }
0x19a: {  	[hbm:s23], [sflag:s24] =	dma.local [spmem:s25], $0x2800  }
0x19b: {  	_ =	swait.ge [sflag:s17], $0x2800  }
0x19c: {  	s26 =	rddreg [dreg:$0x1b]  }
0x19d: {  	s28 =	rddreg [dreg:$0x19];
	s2 =	sadd.s32 $0x1, s26  }
0x19e: {  	p0 =	sne.s32 s2, s28  }
.Ltmp1:
0x19f: {  	_ = 	snop;
	(pc) =	sbr.rel @p0 .LBB2_1-.Ltmp1, $3  }
0x1a0: {  	_ =	sdelay $0x1  }
0x1a1: {  	s16 =	simm.s32 $0x380;
	[sflag:s17] =	ssyncset.done $0x0  }
0x1a2: {  	s15 =	simm.s32 $0x4800;
	s25 =	simm.s32 $0x6800;
	[sflag:s17] =	ssyncadd.s32 $0xFFFFD800  }
0x1a3: {  	_ =	sfence.sel $0x180000  }
0x1a4: {  	[bflag:$0x0] =	sbarrier.arrive $0xFFFF  }
0x1a5: {  	_ =	strace $0x9000004A  }
0x1a6: {  	s0 =	stileid.u32;
	[bflag:$0x2] =	sbarrier.arrive $0xFFFF  }
0x1a7: {  	p0 =	sne.s32 s0, $0x0;
	s0 =	rddreg [dreg:$0x2]  }
0x1a8: {  	s0 =	sadd.s32 @!p0 $0x100000, s0  }
0x1a9: {  	[sflag:s0] =	ssyncadd.tile.s32 @!p0 $0x1;
	_ =	shalt  }
.Lfunc_end2:
_tile_overlayer_lowered:
.L_overlay_start_2:
0x1aa: {  	(tag) =	ssettag $0x2  }
0x1ab: {  	s0 =	rddreg [dreg:$0x0];
	s2 =	stileid.u32  }
0x1ac: {  	s1 =	rddreg [dreg:$0x1];
	p0 =	sne.s32 s2, $0x0  }
0x1ad: {  	s3 =	rddreg [dreg:$0x2];
	[bflag:$0x3] =	sbarrier.arrive $0xFFFF;
	s2 =	simm.s32 @!p0 $0x1C0D  }
0x1ae: {  	[timem:s3], [sflag:s2] =	dma.local @!p0 [hbm:s0], s1  }
0x1af: {  	s0 =	simm.s32 @!p0 $0xD  }
0x1b0: {  	_ =	swait.ge @!p0 [sflag:s0], s1  }
0x1b1: {  	s1 =	ssub.s32 @!p0 $0x0, s1;
	[sflag:s0] =	ssyncset.done @!p0 $0x0  }
0x1b2: {  	[sflag:s0] =	ssyncadd.s32 @!p0 s1  }
0x1b3: {  	[bflag:$0x3] =	sbarrier.arrive $0xFFFF  }
0x1b4: {  	_ =	shalt  }

// kernel: kernel.14.cloned.1.call-start
scs
__scs_entry_jumppad:
0x0: {  	(pc) =	sbr.rel $0x88, $3  }
0x1: {  	(tag) =	ssettag $0x0;
	lr =	simm.s32 $0x1  }
0x2: {  	[smem:$0x3F99] =	sst lr;
	_ =	strace $0xD0000000  }
0x3: {  	_ = 	snop  }
0x4: {  	_ = 	snop  }
0x5: {  	_ = 	snop  }
0x6: {  	_ = 	snop  }
0x7: {  	_ = 	snop  }
__scs_overlays_trampoline_lowered:
0x8: {  	[smem:$0x3FA8] =	sst s0  }
0x9: {  	[smem:$0x3FA9] =	sst s1  }
0xa: {  	[smem:$0x3FAA] =	sst s2  }
0xb: {  	[smem:$0x3FAB] =	sst s3  }
0xc: {  	[smem:$0x3FAC] =	sst s4  }
0xd: {  	[smem:$0x3FAD] =	sst s5  }
0xe: {  	[smem:$0x3FAE] =	sst s6  }
0xf: {  	[smem:$0x3FAF] =	sst s7  }
0x10: {  	[smem:$0x3FB0] =	sst s8  }
0x11: {  	[smem:$0x3FB1] =	sst s9;
	s0 =	simm.s32 @!p0 $0x0  }
0x12: {  	s1 =	sld [smem:$0x3F97];
	s0 =	simm.s32 @p0 $0x1  }
0x13: {  	[smem:$0x3FB2] =	sst s0;
	s0 =	simm.s32 @!p1 $0x0  }
0x14: {  	s2 =	sld [smem:$0x3F96];
	s0 =	simm.s32 @p1 $0x1  }
0x15: {  	[smem:$0x3FB3] =	sst s0;
	s0 =	simm.s32 @!p2 $0x0  }
0x16: {  	s3 =	sld [smem:$0x3FDB];
	s0 =	simm.s32 @p2 $0x1  }
0x17: {  	s4 =	simm.s32 $0x1BF5;
	[smem:$0x3FB5] =	sst s0  }
0x18: {  	s0 =	sld [smem:$0x3F98];
	_ =	swait.ge [sflag:s4], $0x0  }
0x19: {  	s7 =	sld [smem:$0x3F99]  }
0x1a: {  	s8 =	sadd.s32 $0xFFFFE003, lr  }
0x1b: {  	s9 =	sadd.s32 $0xFFFFFEF7, lr;
	s5 =	simm.s32 $0xFFFFFFFF;
	p2 =	slt.u32 s8, $0xFFFFF086  }
0x1c: {  	p1 =	slt.u32 s9, $0xF7A;
	s5 =	simm.s32 @!p2 $0x0  }
0x1d: {  	s5 =	simm.s32 @p1 $0x1;
	p0 =	seq.s32 s7, s2  }
0x1e: {  	s7 =	smul.u32 @!p0 $0xF7A, s2;
	p2 =	seq.s32 @!p0 s5, $0x0  }
0x1f: {  	s9 =	smul.u32 $0xF7A, s1;
	s8 =	simm.s32 @!p0 $0x1BF5;
	p2 =	por !p2, p0  }
0x20: {  	[sflag:s8] =	ssyncset.s32 @!p0 $0xFFFFF086;
	s6 =	sadd.s32 @!p0 s3, s7;
	s7 =	simm.s32 @!p0 $0x108  }
0x21: {  	s3 =	sadd.s32 s3, s9;
	s6 =	sadd.s32 @!p0 $0x88, s6;
	s7 =	simm.s32 @p2 $0x1082  }
0x22: {  	[simem:s7], [sflag:s8] =	dma.local @!p0 [hbm:s6], $0xF7A  }
0x23: {  	s9 =	sor.u32 $0xD0000000, s2;
	s6 =	simm.s32 $0x108;
	_ =	swait.ge @!p0 [sflag:s8], $0x0  }
0x24: {  	s3 =	sadd.s32 $0x88, s3;
	s6 =	simm.s32 @!p1 $0x1082;
	[sflag:s4] =	ssyncset.s32 $0xFFFFF086  }
0x25: {  	[simem:s6], [sflag:s4] =	dma.local [hbm:s3], $0xF7A  }
0x26: {  	[smem:$0x3F99] =	sst s1;
	(tag) =	ssettag s2;
	_ =	strace s9  }
0x27: {  	s1 =	sld [smem:$0x3FA9]  }
0x28: {  	s2 =	sld [smem:$0x3FAA]  }
0x29: {  	s4 =	sld [smem:$0x3FAC]  }
0x2a: {  	p0 =	seq.s32 s5, $0x0;
	s5 =	sld [smem:$0x3FAD]  }
0x2b: {  	s6 =	sld [smem:$0x3FAE]  }
0x2c: {  	s7 =	sld [smem:$0x3FAF]  }
0x2d: {  	s3 =	simm.s32 $0x108;
	s8 =	sld [smem:$0x3FB0]  }
0x2e: {  	s3 =	simm.s32 @!p0 $0x1082;
	s9 =	sld [smem:$0x3FB1]  }
0x2f: {  	lr =	sadd.s32 s0, s3;
	s0 =	sld [smem:$0x3FA8]  }
0x30: {  	s3 =	sld [smem:$0x3FAB]  }
0x31: {  	[smem:$0x3FB4] =	sst s10  }
0x32: {  	s10 =	sld [smem:$0x3FB2];
	_ =	sdelay $0x3  }
0x33: {  	p0 =	seq.s32 s10, $0x1;
	s10 =	sld [smem:$0x3FB4];
	_ =	sdelay $0x3  }
0x34: {  	[smem:$0x3FB4] =	sst s10  }
0x35: {  	s10 =	sld [smem:$0x3FB3];
	_ =	sdelay $0x3  }
0x36: {  	p1 =	seq.s32 s10, $0x1;
	s10 =	sld [smem:$0x3FB4];
	_ =	sdelay $0x3  }
0x37: {  	[smem:$0x3FB4] =	sst s10  }
0x38: {  	s10 =	sld [smem:$0x3FB5]  }
0x39: {  	_ = 	snop;
	(pc) =	sbr.ind lr, $3  }
0x3a: {  	_ = 	snop  }
0x3b: {  	_ = 	snop  }
0x3c: {  	p2 =	seq.s32 s10, $0x1;
	s10 =	sld [smem:$0x3FB4]  }
0x3d: {  	_ =	shalt  }
0x3e: {  	_ =	shalt  }
0x3f: {  	_ =	shalt  }
0x40: {  	_ =	shalt  }
0x41: {  	_ =	shalt  }
0x42: {  	_ =	shalt  }
0x43: {  	_ =	shalt  }
0x44: {  	_ =	shalt  }
0x45: {  	_ =	shalt  }
0x46: {  	_ =	shalt  }
0x47: {  	_ =	shalt  }
0x48: {  	_ =	shalt  }
0x49: {  	_ =	shalt  }
0x4a: {  	_ =	shalt  }
0x4b: {  	_ =	shalt  }
0x4c: {  	_ =	shalt  }
0x4d: {  	_ =	shalt  }
0x4e: {  	_ =	shalt  }
0x4f: {  	_ =	shalt  }
0x50: {  	_ =	shalt  }
0x51: {  	_ =	shalt  }
0x52: {  	_ =	shalt  }
0x53: {  	_ =	shalt  }
0x54: {  	_ =	shalt  }
0x55: {  	_ =	shalt  }
0x56: {  	_ =	shalt  }
0x57: {  	_ =	shalt  }
0x58: {  	_ =	shalt  }
0x59: {  	_ =	shalt  }
0x5a: {  	_ =	shalt  }
0x5b: {  	_ =	shalt  }
0x5c: {  	_ =	shalt  }
0x5d: {  	_ =	shalt  }
0x5e: {  	_ =	shalt  }
0x5f: {  	_ =	shalt  }
0x60: {  	_ =	shalt  }
0x61: {  	_ =	shalt  }
0x62: {  	_ =	shalt  }
0x63: {  	_ =	shalt  }
0x64: {  	_ =	shalt  }
0x65: {  	_ =	shalt  }
0x66: {  	_ =	shalt  }
0x67: {  	_ =	shalt  }
0x68: {  	_ =	shalt  }
0x69: {  	_ =	shalt  }
0x6a: {  	_ =	shalt  }
0x6b: {  	_ =	shalt  }
0x6c: {  	_ =	shalt  }
0x6d: {  	_ =	shalt  }
0x6e: {  	_ =	shalt  }
0x6f: {  	_ =	shalt  }
0x70: {  	_ =	shalt  }
0x71: {  	_ =	shalt  }
0x72: {  	_ =	shalt  }
0x73: {  	_ =	shalt  }
0x74: {  	_ =	shalt  }
0x75: {  	_ =	shalt  }
0x76: {  	_ =	shalt  }
0x77: {  	_ =	shalt  }
0x78: {  	_ =	shalt  }
0x79: {  	_ =	shalt  }
0x7a: {  	_ =	shalt  }
0x7b: {  	_ =	shalt  }
0x7c: {  	_ =	shalt  }
0x7d: {  	_ =	shalt  }
0x7e: {  	_ =	shalt  }
0x7f: {  	_ =	shalt  }
0x80: {  	_ =	shalt  }
0x81: {  	_ =	shalt  }
0x82: {  	_ =	shalt  }
0x83: {  	_ =	shalt  }
0x84: {  	_ =	shalt  }
0x85: {  	_ =	shalt  }
0x86: {  	_ =	shalt  }
0x87: {  	_ =	shalt  }
.Lfunc_end0:
.L_simem_size_0:
called_computation.2_lowered:
.L_overlay_start_0:
0x88: {  	s2 =	sld [smem:$0x3FD9]  }
0x89: {  	s3 =	sld [smem:$0x3FFE];
	_ =	sdelay $0x1  }
0x8a: {  	s1 =	srdreg.scid  }
0x8b: {  	s0 =	sand.u32 $0x1, s1  }
0x8c: {  	s16 =	sshll.u32 s0, $0xA;
	s2 =	sadd.s32 s3, s2  }
0x8d: {  	s2 =	sadd.s32 s2, s16  }
0x8e: {  	[smem:$0x3FC0] =	sst s2  }
0x8f: {  	_ = 	snop  }
0x90: {  	(tm) =	ssettm $0x1  }
0x91: {  	s17 =	sld [smem:$0x3FFB];
	_ =	sdelay $0x3  }
0x92: {  	_ =	strace s17  }
0x93: {  	s2 =	sld [smem:$0x3FFC];
	_ =	sdelay $0x3  }
0x94: {  	_ =	strace s2  }
0x95: {  	s2 =	sld [smem:$0x3FFD];
	_ =	sdelay $0x3  }
0x96: {  	_ =	strace s2  }
0x97: {  	_ =	strace $0x8FFFFFFF  }
0x98: {  	s18 =	sld [smem:$0x3FDB];
	_ =	sdelay $0x1  }
0x99: {  	s19 =	simm.s32 $_scs_section_size  }
0x9a: {  	s4 =	simm.s32 $_size__tile_overlayer_lowered;
	s5 =	simm.s32 $_tile_overlayer_lowered  }
0x9b: {  	s22 =	simm.s32 $0x1BFF;
	s21 =	sshll.u32 s5, $0x1;
	s2 =	sadd.s32 s19, s18  }
0x9c: {  	s6 =	simm.s32 $0x0;
	s20 =	sshll.u32 s4, $0x1;
	s4 =	sadd.s32 s21, s2  }
0x9d: {  	[timem:s6], [sflag:s22] =	dma.local [hbm:s4], s20  }
0x9e: {  	_ =	swait.ge [sflag:s22], s20  }
0x9f: {  	s3 =	ssub.s32 $0x0, s20;
	[sflag:s22] =	ssyncset.done $0x0  }
0xa0: {  	[sflag:s22] =	ssyncadd.s32 s3;
	_ =	sdelay $0x1  }
0xa1: {  	s23 =	simm.s32 $0x1B8B  }
0xa2: {  	_ =	swait.ge [sflag:s23], $0x1  }
0xa3: {  	[sflag:s23] =	ssyncset.done $0x0  }
0xa4: {  	s25 =	simm.s32 $0x1B8E;
	s24 =	sld [smem:$0x3FFE];
	[sflag:s23] =	ssyncadd.s32 $0xFFFFFFFF  }
0xa5: {  	s26 =	simm.s32 $execute0_lowered;
	[smem:$0x3FD2] =	sst s25  }
0xa6: {  	s4 =	sshll.u32 s26, $0x1;
	_ =	strace $0x8000004C;
	[dreg:$0x1] =	wrdreg $0xFFFFFFFF  }
0xa7: {  	s28 =	simm.s32 $_size_execute0_lowered;
	s2 =	sadd.s32 s2, s4;
	[dreg:$0x0] =	wrdreg $0x0  }
0xa8: {  	s4 =	sshll.u32 s28, $0x1;
	[dreg:$0x2] =	wrdreg s2  }
0xa9: {  	[dreg:$0x3] =	wrdreg s4  }
0xaa: {  	[dreg:$0x4] =	wrdreg $0xC0  }
0xab: {  	_ =	task [dreg:s6], $0x5FFFF  }
0xac: {  	[dreg:$0x1] =	wrdreg $0xFFFFFFFF  }
0xad: {  	[dreg:$0x0] =	wrdreg $0x60  }
0xae: {  	[dreg:$0x2] =	wrdreg s24  }
0xaf: {  	[dreg:$0x3] =	wrdreg $0x88000  }
0xb0: {  	[dreg:$0x4] =	wrdreg $0x9  }
0xb1: {  	_ =	task.clear_ibuf [dreg:s6], $0x5FFFF;
	_ =	strace $0x9000004C  }
0xb2: {  	s29 =	simm.s32 $0x9;
	_ =	strace $0x8000004E  }
0xb3: {  	_ =	swait.ge [sflag:s29], $0x1  }
0xb4: {  	[sflag:s29] =	ssyncadd.s32 $0xFFFFFFFF  }
0xb5: {  	_ =	strace $0x9000004E  }
0xb6: {  	_ =	sfence  }
0xb7: {  	s30 =	sld [smem:$0x0];
	_ =	sdelay $0x2  }
0xb8: {  	s31 =	sshll.u32 s1, $0xD;
	s1 =	sshrl.u32 s1, $0x2  }
0xb9: {  	s3 =	sand.u32 $0x4000, s31;
	s1 =	sadd.s32 s1, s30  }
0xba: {  	s0 =	sor.u32 s3, s0;
	s1 =	sshll.u32 s1, $0x11  }
0xbb: {  	s0 =	sor.u32 s1, s0  }
0xbc: {  	s0 =	sadd.s32 $0x8F2B, s0  }
0xbd: {  	[sflag:s0] =	ssyncadd.remote.s32 $0x1  }
0xbe: {  	_ =	sfence.sel $0xFFFF  }
0xbf: {  	[dreg:$0x0] =	wrdreg $0xFFFFFFFF;
	(pc) =	sbr.abs _section_cstart, $3  }
0xc0: {  	[dreg:$0x1] =	wrdreg $0xFFFFFFFF  }
0xc1: {  	_ =	task.clear_ibuf [dreg:s6], $0x2FFFF;
	_ =	strace $0x9FFFFFFF  }
0xc2: {  	(tm) =	ssettm $0x7FFFFFFF  }
0xc3: {  	_ =	shalt  }
tec
execute0_lowered:
.L_overlay_start_1:
0x0: {  	(tag) =	ssettag $0x1  }
0x1: {  	s0 =	rddreg [dreg:$0x0]  }
0x2: {  	s1 =	rddreg [dreg:$0x1]  }
0x3: {  	s3 =	simm.s32 $0x0;
	s2 =	srdreg.scid;
	s10 =	stileid.u32  }
0x4: {  	[smem:$0x7FF] =	sst s3;
	s2 =	sand.u32 $0x1, s2;
	s5 =	smul.u32 $0x14000, s10  }
0x5: {  	s7 =	sadd.s32 $0x2E00, s0;
	s19 =	smul.u32 $0x140000, s2;
	s4 =	sshll.u32 s2, $0x4  }
0x6: {  	s9 =	sadd.s32 $0x3E800, s0;
	_ =	strace $0x8000004D;
	s6 =	sor.u32 s10, s4  }
0x7: {  	[dreg:$0x7] =	wrdreg s9;
	s8 =	smul.u32 $0x9C, s6;
	s3 =	sadd.s32 s5, s19  }
0x8: {  	s5 =	smin.u32 s6, $0x8;
	p0 =	slt.u32 s6, $0x8;
	s6 =	simm.s32 $0x9D  }
0x9: {  	s20 =	ssub.s32 $0x2, s2;
	s4 =	sadd.s32 $0x16800, s0;
	s6 =	simm.s32 @!p0 $0x9C  }
0xa: {  	s21 =	sshrl.u32 s20, $0x1;
	s3 =	sshrl.u32 s3, $0x3;
	s13 =	sadd.s32 $0xFFFFFFFC, s6  }
0xb: {  	s8 =	sadd.s32 s5, s8;
	s15 =	sadd.s32 $0xFFFFFFFB, s6;
	[dreg:$0x3] =	wrdreg s13  }
0xc: {  	s0 =	sadd.s32 s3, s0;
	s16 =	sadd.s32 $0xFFFFFFFA, s6;
	[dreg:$0x4] =	wrdreg s15  }
0xd: {  	s3 =	ssub.s32 s20, s21;
	s20 =	sadd.s32 $0xFFFFFFF9, s6;
	[dreg:$0x5] =	wrdreg s16  }
0xe: {  	s8 =	sshll.u32 s8, $0x3;
	[dreg:$0x6] =	wrdreg s20;
	s0 =	sadd.s32 $0x41000, s0  }
0xf: {  	s30 =	simm.s32 $0x800;
	s11 =	sadd.s32 s7, s8;
	[dreg:$0x18] =	wrdreg s0  }
0x10: {  	s31 =	simm.s32 $0x2800;
	s8 =	sadd.s32 $0x9C40, s11;
	[dreg:$0x8] =	wrdreg s11  }
0x11: {  	s29 =	simm.s32 $0x3;
	s22 =	sadd.s32 $0x8, s11;
	[dreg:$0x9] =	wrdreg s8  }
0x12: {  	s18 =	smul.u32 $0x4E0, s10;
	s23 =	sadd.s32 $0x9C48, s11;
	[dreg:$0xa] =	wrdreg s22  }
0x13: {  	s2 =	smul.u32 $0x4E00, s2;
	s24 =	sadd.s32 $0x10, s11;
	[dreg:$0xb] =	wrdreg s23  }
0x14: {  	s19 =	smul.u32 $0x50000, s10;
	s25 =	sadd.s32 $0x9C50, s11;
	[dreg:$0xc] =	wrdreg s24  }
0x15: {  	s2 =	sadd.s32 s2, s7;
	s26 =	sadd.s32 $0x18, s11;
	[dreg:$0xd] =	wrdreg s25  }
0x16: {  	s10 =	simm.s32 $0x80;
	s28 =	sadd.s32 $0x9C58, s11;
	[dreg:$0xe] =	wrdreg s26  }
0x17: {  	s2 =	sadd.s32 s18, s2;
	s9 =	sadd.s32 $0x20, s11;
	[dreg:$0xf] =	wrdreg s28  }
0x18: {  	s18 =	simm.s32 $0x1;
	s12 =	sadd.s32 $0x9C60, s11;
	[dreg:$0x10] =	wrdreg s9  }
0x19: {  	s5 =	sshll.u32 s5, $0x3;
	s14 =	sadd.s32 $0x28, s11;
	[dreg:$0x11] =	wrdreg s12  }
0x1a: {  	s16 =	simm.s32 $0x380;
	s17 =	sadd.s32 $0x9C68, s11;
	[dreg:$0x12] =	wrdreg s14  }
0x1b: {  	s15 =	simm.s32 $0x4800;
	s21 =	sadd.s32 $0x30, s11;
	[dreg:$0x13] =	wrdreg s17  }
0x1c: {  	s20 =	simm.s32 $0x4;
	[dreg:$0x14] =	wrdreg s21;
	s22 =	sadd.s32 $0x9C70, s11  }
0x1d: {  	s23 =	sshrl.u32 s19, $0x2;
	s21 =	sadd.s32 s5, s2;
	s24 =	sadd.s32 $0x38, s11  }
0x1e: {  	s26 =	smax.u32 s3, $0x1;
	s28 =	sadd.s32 $0x9C78, s11;
	[dreg:$0x15] =	wrdreg s22  }
0x1f: {  	s12 =	simm.s32 $0x180;
	s14 =	simm.s32 $0x280;
	[dreg:$0x16] =	wrdreg s24  }
0x20: {  	s9 =	simm.s32 $0x40;
	s17 =	simm.s32 $0xD;
	[dreg:$0x19] =	wrdreg s26  }
0x21: {  	s19 =	simm.s32 $0x2;
	s25 =	sadd.s32 s23, s1;
	[dreg:$0x1a] =	wrdreg s28  }
0x22: {  	s2 =	simm.s32 $0x0;
	[dreg:$0x17] =	wrdreg s25;
	s25 =	simm.s32 $0x6800  }
.LBB2_1:
0x23: {  	[dreg:$0x1b] =	wrdreg s2  }
0x24: {  	s0 =	simm.s32 $0x0;
	s7 =	rddreg [dreg:$0x8]  }
0x25: {  	[tilespmem:s0], [sflag:$0x5] =	stream.linear.gather [hbm4b:s7+s0], $0x40, $0x38;
	[tilespmem:$0x1C800] =	vst v63  }
0x26: {  	s8 =	rddreg [dreg:$0x9]  }
0x27: {  	[tilespmem:s10], [sflag:$0x5] =	stream.linear.gather [hbm4b:s8+s0], $0x40, $0x38;
	[tilespmem:$0x1C800] =	vst v63  }
0x28: {  	s11 =	rddreg [dreg:$0xa];
	s3 =	simm.s32 $0x100  }
0x29: {  	[tilespmem:s3], [sflag:$0x6] =	stream.linear.gather [hbm4b:s11+s0], $0x40, $0x38;
	[tilespmem:$0x1C800] =	vst v63  }
0x2a: {  	s13 =	rddreg [dreg:$0xb]  }
0x2b: {  	[tilespmem:s12], [sflag:$0x6] =	stream.linear.gather [hbm4b:s13+s0], $0x40, $0x38;
	[tilespmem:$0x1C800] =	vst v63  }
0x2c: {  	s22 =	rddreg [dreg:$0xc];
	s5 =	simm.s32 $0x200  }
0x2d: {  	[tilespmem:s5], [sflag:$0x7] =	stream.linear.gather [hbm4b:s22+s0], $0x40, $0x38;
	[tilespmem:$0x1C800] =	vst v63  }
0x2e: {  	s23 =	rddreg [dreg:$0xd]  }
0x2f: {  	[tilespmem:s14], [sflag:$0x7] =	stream.linear.gather [hbm4b:s23+s0], $0x40, $0x38;
	[tilespmem:$0x1C800] =	vst v63  }
0x30: {  	s24 =	rddreg [dreg:$0xe];
	s7 =	simm.s32 $0x300  }
0x31: {  	[tilespmem:s7], [sflag:$0x8] =	stream.linear.gather [hbm4b:s24+s0], $0x40, $0x38;
	[tilespmem:$0x1C800] =	vst v63  }
0x32: {  	s26 =	rddreg [dreg:$0xf]  }
0x33: {  	[tilespmem:s16], [sflag:$0x8] =	stream.linear.gather [hbm4b:s26+s0], $0x40, $0x38;
	[tilespmem:$0x1C800] =	vst v63  }
0x34: {  	s28 =	rddreg [dreg:$0x10];
	s8 =	simm.s32 $0x400  }
0x35: {  	[tilespmem:s8], [sflag:$0x9] =	stream.linear.gather [hbm4b:s28+s0], $0x40, $0x38;
	[tilespmem:$0x1C800] =	vst v63  }
0x36: {  	s11 =	simm.s32 $0x480;
	s8 =	rddreg [dreg:$0x11]  }
0x37: {  	[tilespmem:s11], [sflag:$0x9] =	stream.linear.gather [hbm4b:s8+s0], $0x40, $0x38;
	[tilespmem:$0x1C800] =	vst v63  }
0x38: {  	s13 =	rddreg [dreg:$0x12];
	s22 =	simm.s32 $0x500  }
0x39: {  	[tilespmem:s22], [sflag:$0xA] =	stream.linear.gather [hbm4b:s13+s0], $0x40, $0x38;
	[tilespmem:$0x1C800] =	vst v63  }
0x3a: {  	s23 =	rddreg [dreg:$0x13];
	s24 =	simm.s32 $0x580  }
0x3b: {  	[tilespmem:s24], [sflag:$0xA] =	stream.linear.gather [hbm4b:s23+s0], $0x40, $0x38;
	[tilespmem:$0x1C800] =	vst v63  }
0x3c: {  	s26 =	rddreg [dreg:$0x14];
	s28 =	simm.s32 $0x600  }
0x3d: {  	[tilespmem:s28], [sflag:$0xB] =	stream.linear.gather [hbm4b:s26+s0], $0x40, $0x38;
	[tilespmem:$0x1C800] =	vst v63  }
0x3e: {  	s11 =	rddreg [dreg:$0x15];
	s13 =	simm.s32 $0x680  }
0x3f: {  	[tilespmem:s13], [sflag:$0xB] =	stream.linear.gather [hbm4b:s11+s0], $0x40, $0x38;
	[tilespmem:$0x1C800] =	vst v63  }
0x40: {  	s22 =	rddreg [dreg:$0x16];
	s23 =	simm.s32 $0x700  }
0x41: {  	[tilespmem:s23], [sflag:$0xC] =	stream.linear.gather [hbm4b:s22+s0], $0x40, $0x38;
	[tilespmem:$0x1C800] =	vst v63  }
0x42: {  	s24 =	rddreg [dreg:$0x1a];
	s26 =	simm.s32 $0x780;
	s28 =	simm.s32 $0x5  }
0x43: {  	[tilespmem:s26], [sflag:$0xC] =	stream.linear.gather [hbm4b:s24+s0], $0x40, $0x38;
	[tilespmem:$0x1C800] =	vst v63  }
0x44: {  	_ =	swait.ge [sflag:s28], $0x40  }
0x45: {  	[sflag:s28] =	ssyncset.done $0x0  }
0x46: {  	[sflag:s28] =	ssyncadd.s32 $0xFFFFFFC0  }
0x47: {  	_ =	swait.ge [sflag:s28], $0x40  }
0x48: {  	[sflag:s28] =	ssyncset.done $0x0  }
0x49: {  	s2 =	simm.s32 $0x6;
	[sflag:s28] =	ssyncadd.s32 $0xFFFFFFC0  }
0x4a: {  	[tilespmem:s30], [sflag:$0x1] =	stream.indirect.gather [hbm4b:s4+s9], $0x80, s0, s9, $0xb8;
	[tilespmem:$0x1C800] =	vst v63  }
0x4b: {  	_ =	swait.ge [sflag:s2], $0x40  }
0x4c: {  	[sflag:s2] =	ssyncset.done $0x0  }
0x4d: {  	[sflag:s2] =	ssyncadd.s32 $0xFFFFFFC0  }
0x4e: {  	_ =	swait.ge [sflag:s2], $0x40  }
0x4f: {  	[sflag:s2] =	ssyncset.done $0x0  }
0x50: {  	[sflag:s2] =	ssyncadd.s32 $0xFFFFFFC0  }
0x51: {  	[tilespmem:s31], [sflag:$0x2] =	stream.indirect.gather [hbm4b:s4+s9], $0x80, s3, s9, $0xb8;
	[tilespmem:$0x1C800] =	vst v63  }
0x52: {  	s3 =	simm.s32 $0x7  }
0x53: {  	_ =	swait.ge [sflag:s3], $0x40  }
0x54: {  	[sflag:s3] =	ssyncset.done $0x0  }
0x55: {  	[sflag:s3] =	ssyncadd.s32 $0xFFFFFFC0  }
0x56: {  	_ =	swait.ge [sflag:s3], $0x40  }
0x57: {  	[sflag:s3] =	ssyncset.done $0x0  }
0x58: {  	[sflag:s3] =	ssyncadd.s32 $0xFFFFFFC0  }
0x59: {  	[tilespmem:s15], [sflag:$0x3] =	stream.indirect.gather [hbm4b:s4+s9], $0x80, s5, s9, $0xb8;
	[tilespmem:$0x1C800] =	vst v63  }
0x5a: {  	s5 =	simm.s32 $0x8  }
0x5b: {  	_ =	swait.ge [sflag:s5], $0x40  }
0x5c: {  	[sflag:s5] =	ssyncset.done $0x0  }
0x5d: {  	[sflag:s5] =	ssyncadd.s32 $0xFFFFFFC0  }
0x5e: {  	_ =	swait.ge [sflag:s5], $0x40  }
0x5f: {  	[sflag:s5] =	ssyncset.done $0x0  }
0x60: {  	[sflag:s5] =	ssyncadd.s32 $0xFFFFFFC0  }
0x61: {  	[tilespmem:s25], [sflag:$0x4] =	stream.indirect.gather [hbm4b:s4+s9], $0x80, s7, s9, $0xb8;
	[tilespmem:$0x1C800] =	vst v63  }
0x62: {  	s11 =	rddreg [dreg:$0x17];
	s7 =	stileid.u32  }
0x63: {  	s22 =	rddreg [dreg:$0x7];
	s13 =	sshrl.u32 s11, $0x3;
	s0 =	sshll.u32 s7, $0x6  }
0x64: {  	[dreg:$0x1d] =	wrdreg s13;
	s8 =	sor.u32 $0x1C0D, s0  }
0x65: {  	[dreg:$0x1c] =	wrdreg s8  }
0x66: {  	[spmem:s13], [sflag:s8] =	dma.local [hbm:s22], $0x2800  }
0x67: {  	_ =	swait.ge [sflag:s17], $0x2800  }
0x68: {  	[sflag:s17] =	ssyncset.done $0x0  }
0x69: {  	[sflag:s17] =	ssyncadd.s32 $0xFFFFD800  }
0x6a: {  	p0 =	sle.u32 s6, $0x8;
	[bflag:$0x0] =	sbarrier.arrive $0xFFFF  }
0x6b: {  	s0 =	simm.s32 @!p0 $0x0;
	_ =	swait.ge [sflag:s18], $0x2000  }
0x6c: {  	s0 =	simm.s32 @p0 $0x1;
	[sflag:s18] =	ssyncset.done $0x0  }
0x6d: {  	[smem:$0x7FD] =	sst s0;
	[sflag:s18] =	ssyncadd.s32 $0xFFFFE000  }
0x6e: {  	[spmem:s1] =	stream.indirect.scatter.add.f32 [tilespmem:s30], [sflag:$0xD], $0x80, s10, s9, $0xb8;
	[tilespmem:$0x1C800] =	vst v63  }
0x6f: {  	_ =	swait.ge [sflag:s17], $0x2000  }
0x70: {  	s2 =	simm.s32 @!p0 $0x0;
	s0 =	sadd.s32 @!p0 $0x0, s21;
	[sflag:s17] =	ssyncset.done $0x0  }
0x71: {  	s7 =	sadd.s32 @!p0 $0x40, s0;
	s23 =	rddreg [dreg:$0x3];
	[sflag:s17] =	ssyncadd.s32 $0xFFFFE000  }
0x72: {  	[tilespmem:s2], [sflag:$0x5] =	stream.linear.gather @!p0 [hbm4b:s7+s2], $0x40, $0x38;
	[tilespmem:$0x1C800] =	vst v63  }
0x73: {  	s0 =	sadd.s32 @!p0 $0x9C80, s0;
	p4 =	sle.u32 s23, $0x0;
	s7 =	simm.s32 @!p0 $0x80  }
0x74: {  	[tilespmem:s7], [sflag:$0x5] =	stream.linear.gather @!p0 [hbm4b:s0+s2], $0x40, $0x38;
	[tilespmem:$0x1C800] =	vst v63  }
0x75: {  	s0 =	simm.s32 @!p4 $0x9  }
0x76: {  	_ =	swait.ge @!p4 [sflag:s0], $0x40  }
0x77: {  	[sflag:s0] =	ssyncset.done @!p4 $0x0  }
0x78: {  	[sflag:s0] =	ssyncadd.s32 @!p4 $0xFFFFFFC0  }
0x79: {  	_ =	swait.ge @!p4 [sflag:s0], $0x40  }
0x7a: {  	s3 =	simm.s32 @!p4 $0x400;
	[sflag:s0] =	ssyncset.done @!p4 $0x0  }
0x7b: {  	s11 =	simm.s32 @!p4 $0x800;
	s23 =	simm.s32 @!p4 $0x40;
	[sflag:s0] =	ssyncadd.s32 @!p4 $0xFFFFFFC0  }
0x7c: {  	[tilespmem:s11], [sflag:$0x1] =	stream.indirect.gather @!p4 [hbm4b:s4+s23], $0x80, s3, s23, $0xb8;
	[tilespmem:$0x1C800] =	vst v63  }
0x7d: {  	_ =	swait.ge [sflag:s19], $0x2000  }
0x7e: {  	[sflag:s19] =	ssyncset.done $0x0  }
0x7f: {  	p2 =	sle.u32 s6, $0x9;
	[sflag:s19] =	ssyncadd.s32 $0xFFFFE000  }
0x80: {  	[spmem:s1] =	stream.indirect.scatter.add.f32 [tilespmem:s31], [sflag:$0xD], $0x80, s12, s9, $0xb8;
	[tilespmem:$0x1C800] =	vst v63  }
0x81: {  	s13 =	simm.s32 @!p2 $0x0;
	_ =	swait.ge [sflag:s17], $0x2000  }
0x82: {  	s0 =	simm.s32 @!p2 $0x100;
	s3 =	sadd.s32 @!p2 $0x0, s21;
	[sflag:s17] =	ssyncset.done $0x0  }
0x83: {  	s7 =	sadd.s32 @!p2 $0x48, s3;
	s24 =	rddreg [dreg:$0x4];
	[sflag:s17] =	ssyncadd.s32 $0xFFFFE000  }
0x84: {  	[tilespmem:s0], [sflag:$0x6] =	stream.linear.gather @!p2 [hbm4b:s7+s13], $0x40, $0x38;
	[tilespmem:$0x1C800] =	vst v63  }
0x85: {  	s3 =	sadd.s32 @!p2 $0x9C88, s3;
	p5 =	sle.u32 s24, $0x0;
	s7 =	simm.s32 @!p2 $0x180  }
0x86: {  	[tilespmem:s7], [sflag:$0x6] =	stream.linear.gather @!p2 [hbm4b:s3+s13], $0x40, $0x38;
	[tilespmem:$0x1C800] =	vst v63  }
0x87: {  	s3 =	simm.s32 @!p5 $0xA  }
0x88: {  	_ =	swait.ge @!p5 [sflag:s3], $0x40  }
0x89: {  	[sflag:s3] =	ssyncset.done @!p5 $0x0  }
0x8a: {  	[sflag:s3] =	ssyncadd.s32 @!p5 $0xFFFFFFC0  }
0x8b: {  	_ =	swait.ge @!p5 [sflag:s3], $0x40  }
0x8c: {  	s24 =	simm.s32 @!p5 $0x40;
	[sflag:s3] =	ssyncset.done @!p5 $0x0  }
0x8d: {  	s7 =	simm.s32 @!p5 $0x500;
	s13 =	simm.s32 @!p5 $0x2800;
	[sflag:s3] =	ssyncadd.s32 @!p5 $0xFFFFFFC0  }
0x8e: {  	[tilespmem:s13], [sflag:$0x2] =	stream.indirect.gather @!p5 [hbm4b:s4+s24], $0x80, s7, s24, $0xb8;
	[tilespmem:$0x1C800] =	vst v63  }
0x8f: {  	_ =	swait.ge [sflag:s29], $0x2000  }
0x90: {  	[sflag:s29] =	ssyncset.done $0x0  }
0x91: {  	p1 =	sle.u32 s6, $0xA;
	[sflag:s29] =	ssyncadd.s32 $0xFFFFE000  }
0x92: {  	[spmem:s1] =	stream.indirect.scatter.add.f32 [tilespmem:s15], [sflag:$0xD], $0x80, s14, s9, $0xb8;
	[tilespmem:$0x1C800] =	vst v63  }
0x93: {  	s8 =	sadd.s32 @!p1 $0x0, s21;
	_ =	swait.ge [sflag:s17], $0x2000  }
0x94: {  	s22 =	sadd.s32 @!p1 $0x50, s8;
	s3 =	simm.s32 @!p1 $0x200;
	[sflag:s17] =	ssyncset.done $0x0  }
0x95: {  	s7 =	simm.s32 @!p1 $0x0;
	s26 =	rddreg [dreg:$0x5];
	[sflag:s17] =	ssyncadd.s32 $0xFFFFE000  }
0x96: {  	[tilespmem:s3], [sflag:$0x7] =	stream.linear.gather @!p1 [hbm4b:s22+s7], $0x40, $0x38;
	[tilespmem:$0x1C800] =	vst v63  }
0x97: {  	s8 =	sadd.s32 @!p1 $0x9C90, s8;
	p6 =	sle.u32 s26, $0x0;
	s22 =	simm.s32 @!p1 $0x280  }
0x98: {  	[tilespmem:s22], [sflag:$0x7] =	stream.linear.gather @!p1 [hbm4b:s8+s7], $0x40, $0x38;
	[tilespmem:$0x1C800] =	vst v63  }
0x99: {  	s8 =	simm.s32 @!p6 $0xB  }
0x9a: {  	_ =	swait.ge @!p6 [sflag:s8], $0x40  }
0x9b: {  	[sflag:s8] =	ssyncset.done @!p6 $0x0  }
0x9c: {  	[sflag:s8] =	ssyncadd.s32 @!p6 $0xFFFFFFC0  }
0x9d: {  	_ =	swait.ge @!p6 [sflag:s8], $0x40  }
0x9e: {  	s15 =	simm.s32 @!p6 $0x40;
	[sflag:s8] =	ssyncset.done @!p6 $0x0  }
0x9f: {  	s7 =	simm.s32 @!p6 $0x4800;
	s22 =	simm.s32 @!p6 $0x600;
	[sflag:s8] =	ssyncadd.s32 @!p6 $0xFFFFFFC0  }
0xa0: {  	[tilespmem:s7], [sflag:$0x3] =	stream.indirect.gather @!p6 [hbm4b:s4+s15], $0x80, s22, s15, $0xb8;
	[tilespmem:$0x1C800] =	vst v63  }
0xa1: {  	p0 =	sle.u32 s6, $0xB;
	_ =	swait.ge [sflag:s20], $0x2000  }
0xa2: {  	s5 =	simm.s32 @!p0 $0x0;
	[sflag:s20] =	ssyncset.done $0x0  }
0xa3: {  	s28 =	simm.s32 @!p0 $0x0;
	s5 =	simm.s32 @p0 $0x1;
	[sflag:s20] =	ssyncadd.s32 $0xFFFFE000  }
0xa4: {  	[spmem:s1] =	stream.indirect.scatter.add.f32 [tilespmem:s25], [sflag:$0xD], $0x80, s16, s9, $0xb8;
	[tilespmem:$0x1C800] =	vst v63  }
0xa5: {  	s26 =	simm.s32 @!p0 $0x300;
	s8 =	sadd.s32 @!p0 $0x0, s21;
	_ =	swait.ge [sflag:s17], $0x2000  }
0xa6: {  	s22 =	sadd.s32 @!p0 $0x58, s8;
	[sflag:s17] =	ssyncset.done $0x0;
	s25 =	rddreg [dreg:$0x6]  }
0xa7: {  	s8 =	sadd.s32 @!p0 $0x9C98, s8;
	[sflag:s17] =	ssyncadd.s32 $0xFFFFE000;
	p3 =	sle.u32 s25, $0x0  }
0xa8: {  	[tilespmem:s26], [sflag:$0x8] =	stream.linear.gather @!p0 [hbm4b:s22+s28], $0x40, $0x38;
	[tilespmem:$0x1C800] =	vst v63  }
0xa9: {  	[smem:$0x7FC] =	sst s5;
	s22 =	simm.s32 @!p0 $0x380;
	s25 =	simm.s32 @!p3 $0xC  }
0xaa: {  	[tilespmem:s22], [sflag:$0x8] =	stream.linear.gather @!p0 [hbm4b:s8+s28], $0x40, $0x38;
	[tilespmem:$0x1C800] =	vst v63  }
0xab: {  	_ =	swait.ge @!p3 [sflag:s25], $0x40  }
0xac: {  	[sflag:s25] =	ssyncset.done @!p3 $0x0  }
0xad: {  	[sflag:s25] =	ssyncadd.s32 @!p3 $0xFFFFFFC0  }
0xae: {  	_ =	swait.ge @!p3 [sflag:s25], $0x40  }
0xaf: {  	s28 =	simm.s32 @!p4 $0x1;
	s8 =	simm.s32 @!p3 $0x6800;
	[sflag:s25] =	ssyncset.done @!p3 $0x0  }
0xb0: {  	s22 =	simm.s32 @!p3 $0x40;
	[sflag:s25] =	ssyncadd.s32 @!p3 $0xFFFFFFC0;
	s25 =	simm.s32 @!p3 $0x700  }
0xb1: {  	[tilespmem:s8], [sflag:$0x4] =	stream.indirect.gather @!p3 [hbm4b:s4+s22], $0x80, s25, s22, $0xb8;
	[tilespmem:$0x1C800] =	vst v63  }
0xb2: {  	_ =	swait.ge @!p4 [sflag:s28], $0x2000  }
0xb3: {  	[sflag:s28] =	ssyncset.done @!p4 $0x0  }
0xb4: {  	s25 =	simm.s32 @!p4 $0x480;
	[sflag:s28] =	ssyncadd.s32 @!p4 $0xFFFFE000;
	s28 =	simm.s32 @!p4 $0xD  }
0xb5: {  	[spmem:s1] =	stream.indirect.scatter.add.f32 @!p4 [tilespmem:s11], [sflag:$0xD], $0x80, s25, s23, $0xb8;
	[tilespmem:$0x1C800] =	vst v63  }
0xb6: {  	p0 =	sle.u32 s6, $0xC;
	_ =	swait.ge @!p4 [sflag:s28], $0x2000  }
0xb7: {  	s11 =	sadd.s32 @!p0 $0x0, s21;
	s23 =	simm.s32 @!p0 $0x400;
	[sflag:s28] =	ssyncset.done @!p4 $0x0  }
0xb8: {  	s25 =	sadd.s32 @!p0 $0x60, s11;
	[sflag:s28] =	ssyncadd.s32 @!p4 $0xFFFFE000;
	s28 =	simm.s32 @!p0 $0x0  }
0xb9: {  	[tilespmem:s23], [sflag:$0x9] =	stream.linear.gather @!p0 [hbm4b:s25+s28], $0x40, $0x38;
	[tilespmem:$0x1C800] =	vst v63  }
0xba: {  	s11 =	sadd.s32 @!p0 $0x9CA0, s11;
	s23 =	simm.s32 @!p0 $0x480  }
0xbb: {  	[tilespmem:s23], [sflag:$0x9] =	stream.linear.gather @!p0 [hbm4b:s11+s28], $0x40, $0x38;
	[tilespmem:$0x1C800] =	vst v63  }
0xbc: {  	s28 =	sld [smem:$0x7FD];
	_ =	sdelay $0x2  }
0xbd: {  	p0 =	seq.s32 s28, $0x1  }
0xbe: {  	s11 =	simm.s32 @!p0 $0x5  }
0xbf: {  	_ =	swait.ge @!p0 [sflag:s11], $0x40  }
0xc0: {  	[sflag:s11] =	ssyncset.done @!p0 $0x0  }
0xc1: {  	[sflag:s11] =	ssyncadd.s32 @!p0 $0xFFFFFFC0  }
0xc2: {  	_ =	swait.ge @!p0 [sflag:s11], $0x40  }
0xc3: {  	[sflag:s11] =	ssyncset.done @!p0 $0x0  }
0xc4: {  	s23 =	simm.s32 @!p0 $0x40;
	[sflag:s11] =	ssyncadd.s32 @!p0 $0xFFFFFFC0;
	s11 =	simm.s32 @!p0 $0x800  }
0xc5: {  	[tilespmem:s11], [sflag:$0x1] =	stream.indirect.gather @!p0 [hbm4b:s4+s23], $0x80, s2, s23, $0xb8;
	[tilespmem:$0x1C800] =	vst v63  }
0xc6: {  	s2 =	simm.s32 @!p5 $0x2  }
0xc7: {  	_ =	swait.ge @!p5 [sflag:s2], $0x2000  }
0xc8: {  	[sflag:s2] =	ssyncset.done @!p5 $0x0  }
0xc9: {  	s11 =	simm.s32 @!p5 $0x580;
	[sflag:s2] =	ssyncadd.s32 @!p5 $0xFFFFE000;
	s2 =	simm.s32 @!p5 $0xD  }
0xca: {  	[spmem:s1] =	stream.indirect.scatter.add.f32 @!p5 [tilespmem:s13], [sflag:$0xD], $0x80, s11, s24, $0xb8;
	[tilespmem:$0x1C800] =	vst v63  }
0xcb: {  	_ =	swait.ge @!p5 [sflag:s2], $0x2000  }
0xcc: {  	p0 =	sle.u32 s6, $0xD;
	[sflag:s2] =	ssyncset.done @!p5 $0x0  }
0xcd: {  	[sflag:s2] =	ssyncadd.s32 @!p5 $0xFFFFE000;
	s2 =	sadd.s32 @!p0 $0x0, s21  }
0xce: {  	s23 =	simm.s32 @!p0 $0x0;
	s11 =	simm.s32 @!p0 $0x500;
	s13 =	sadd.s32 @!p0 $0x68, s2  }
0xcf: {  	[tilespmem:s11], [sflag:$0xA] =	stream.linear.gather @!p0 [hbm4b:s13+s23], $0x40, $0x38;
	[tilespmem:$0x1C800] =	vst v63  }
0xd0: {  	s2 =	sadd.s32 @!p0 $0x9CA8, s2;
	s11 =	simm.s32 @!p0 $0x580  }
0xd1: {  	[tilespmem:s11], [sflag:$0xA] =	stream.linear.gather @!p0 [hbm4b:s2+s23], $0x40, $0x38;
	[tilespmem:$0x1C800] =	vst v63  }
0xd2: {  	s2 =	simm.s32 @!p2 $0x6  }
0xd3: {  	_ =	swait.ge @!p2 [sflag:s2], $0x40  }
0xd4: {  	[sflag:s2] =	ssyncset.done @!p2 $0x0  }
0xd5: {  	[sflag:s2] =	ssyncadd.s32 @!p2 $0xFFFFFFC0  }
0xd6: {  	_ =	swait.ge @!p2 [sflag:s2], $0x40  }
0xd7: {  	[sflag:s2] =	ssyncset.done @!p2 $0x0  }
0xd8: {  	s11 =	simm.s32 @!p2 $0x40;
	[sflag:s2] =	ssyncadd.s32 @!p2 $0xFFFFFFC0;
	s2 =	simm.s32 @!p2 $0x2800  }
0xd9: {  	[tilespmem:s2], [sflag:$0x2] =	stream.indirect.gather @!p2 [hbm4b:s4+s11], $0x80, s0, s11, $0xb8;
	[tilespmem:$0x1C800] =	vst v63  }
0xda: {  	s0 =	simm.s32 @!p6 $0x3  }
0xdb: {  	_ =	swait.ge @!p6 [sflag:s0], $0x2000  }
0xdc: {  	[sflag:s0] =	ssyncset.done @!p6 $0x0  }
0xdd: {  	s2 =	simm.s32 @!p6 $0x680;
	[sflag:s0] =	ssyncadd.s32 @!p6 $0xFFFFE000;
	s0 =	simm.s32 @!p6 $0xD  }
0xde: {  	[spmem:s1] =	stream.indirect.scatter.add.f32 @!p6 [tilespmem:s7], [sflag:$0xD], $0x80, s2, s15, $0xb8;
	[tilespmem:$0x1C800] =	vst v63  }
0xdf: {  	_ =	swait.ge @!p6 [sflag:s0], $0x2000  }
0xe0: {  	p0 =	sle.u32 s6, $0xE;
	[sflag:s0] =	ssyncset.done @!p6 $0x0  }
0xe1: {  	[sflag:s0] =	ssyncadd.s32 @!p6 $0xFFFFE000;
	s0 =	sadd.s32 @!p0 $0x0, s21  }
0xe2: {  	s11 =	simm.s32 @!p0 $0x0;
	s2 =	simm.s32 @!p0 $0x600;
	s7 =	sadd.s32 @!p0 $0x70, s0  }
0xe3: {  	[tilespmem:s2], [sflag:$0xB] =	stream.linear.gather @!p0 [hbm4b:s7+s11], $0x40, $0x38;
	[tilespmem:$0x1C800] =	vst v63  }
0xe4: {  	s0 =	sadd.s32 @!p0 $0x9CB0, s0;
	s2 =	simm.s32 @!p0 $0x680  }
0xe5: {  	[tilespmem:s2], [sflag:$0xB] =	stream.linear.gather @!p0 [hbm4b:s0+s11], $0x40, $0x38;
	[tilespmem:$0x1C800] =	vst v63  }
0xe6: {  	s0 =	simm.s32 @!p1 $0x7  }
0xe7: {  	_ =	swait.ge @!p1 [sflag:s0], $0x40  }
0xe8: {  	[sflag:s0] =	ssyncset.done @!p1 $0x0  }
0xe9: {  	[sflag:s0] =	ssyncadd.s32 @!p1 $0xFFFFFFC0  }
0xea: {  	_ =	swait.ge @!p1 [sflag:s0], $0x40  }
0xeb: {  	[sflag:s0] =	ssyncset.done @!p1 $0x0  }
0xec: {  	s2 =	simm.s32 @!p1 $0x4800;
	[sflag:s0] =	ssyncadd.s32 @!p1 $0xFFFFFFC0;
	s0 =	simm.s32 @!p1 $0x40  }
0xed: {  	[tilespmem:s2], [sflag:$0x3] =	stream.indirect.gather @!p1 [hbm4b:s4+s0], $0x80, s3, s0, $0xb8;
	[tilespmem:$0x1C800] =	vst v63  }
0xee: {  	s0 =	simm.s32 @!p3 $0x4  }
0xef: {  	_ =	swait.ge @!p3 [sflag:s0], $0x2000  }
0xf0: {  	s16 =	simm.s32 $0x6800;
	s24 =	simm.s32 $0x8;
	[sflag:s0] =	ssyncset.done @!p3 $0x0  }
0xf1: {  	s2 =	simm.s32 @!p3 $0xD;
	[sflag:s0] =	ssyncadd.s32 @!p3 $0xFFFFE000;
	s0 =	simm.s32 @!p3 $0x780  }
0xf2: {  	[spmem:s1] =	stream.indirect.scatter.add.f32 @!p3 [tilespmem:s8], [sflag:$0xD], $0x80, s0, s22, $0xb8;
	[tilespmem:$0x1C800] =	vst v63  }
0xf3: {  	s23 =	simm.s32 $0x40;
	p0 =	sle.u32 s6, $0xF;
	_ =	swait.ge @!p3 [sflag:s2], $0x2000  }
0xf4: {  	s3 =	sadd.s32 @!p0 $0x0, s21;
	s0 =	simm.s32 @!p0 $0x0;
	[sflag:s2] =	ssyncset.done @!p3 $0x0  }
.LBB2_2:
0xf5: {  	[sflag:s2] =	ssyncadd.s32 @!p3 $0xFFFFE000;
	s2 =	sadd.s32 @!p0 $0x78, s3;
	s5 =	sld [smem:$0x7FC]  }
0xf6: {  	s7 =	simm.s32 @!p0 $0x700;
	s25 =	smov.u32 s23;
	s23 =	sadd.s32 $0x40, s23  }
0xf7: {  	[tilespmem:s7], [sflag:$0xC] =	stream.linear.gather @!p0 [hbm4b:s2+s0], $0x40, $0x38;
	[tilespmem:$0x1C800] =	vst v63  }
0xf8: {  	s2 =	sadd.s32 @!p0 $0x9CB8, s3;
	s3 =	simm.s32 @!p0 $0x780;
	p1 =	seq.s32 s5, $0x1  }
0xf9: {  	[tilespmem:s3], [sflag:$0xC] =	stream.linear.gather @!p0 [hbm4b:s2+s0], $0x40, $0x38;
	[tilespmem:$0x1C800] =	vst v63  }
0xfa: {  	p0 =	sne.s32 s23, $0x500;
	s8 =	simm.s32 @!p1 $0x8  }
0xfb: {  	s0 =	simm.s32 @!p0 $0x0;
	_ =	swait.ge @!p1 [sflag:s8], $0x40  }
0xfc: {  	s0 =	simm.s32 @p0 $0x1;
	[sflag:s8] =	ssyncset.done @!p1 $0x0  }
0xfd: {  	[smem:$0x7FB] =	sst s0;
	[sflag:s8] =	ssyncadd.s32 @!p1 $0xFFFFFFC0  }
0xfe: {  	s7 =	smov.u32 s24;
	_ =	swait.ge @!p1 [sflag:s8], $0x40  }
0xff: {  	s24 =	sadd.s32 $0x8, s24;
	s3 =	simm.s32 @!p1 $0x40;
	[sflag:s8] =	ssyncset.done @!p1 $0x0  }
0x100: {  	p0 =	sge.u32 s24, s6;
	s0 =	simm.s32 @!p1 $0x6800;
	[sflag:s8] =	ssyncadd.s32 @!p1 $0xFFFFFFC0  }
0x101: {  	[tilespmem:s0], [sflag:$0x4] =	stream.indirect.gather @!p1 [hbm4b:s4+s3], $0x80, s26, s3, $0xb8;
	[tilespmem:$0x1C800] =	vst v63  }
0x102: {  	s0 =	simm.s32 @!p0 $0x0;
	_ =	swait.ge [sflag:s18], $0x2000  }
0x103: {  	s0 =	simm.s32 @p0 $0x1;
	[sflag:s18] =	ssyncset.done $0x0  }
0x104: {  	[smem:$0x7FA] =	sst s0;
	[sflag:s18] =	ssyncadd.s32 $0xFFFFE000  }
0x105: {  	[spmem:s1] =	stream.indirect.scatter.add.f32 [tilespmem:s30], [sflag:$0xD], $0x80, s10, s9, $0xb8;
	[tilespmem:$0x1C800] =	vst v63  }
0x106: {  	_ =	swait.ge [sflag:s17], $0x2000  }
0x107: {  	s2 =	sadd.s32 @!p0 s25, s21;
	s11 =	simm.s32 @!p0 $0x0;
	[sflag:s17] =	ssyncset.done $0x0  }
0x108: {  	s0 =	sadd.s32 @!p0 $0x40, s2;
	s10 =	rddreg [dreg:$0x3];
	[sflag:s17] =	ssyncadd.s32 $0xFFFFE000  }
0x109: {  	[tilespmem:s11], [sflag:$0x5] =	stream.linear.gather @!p0 [hbm4b:s0+s11], $0x40, $0x38;
	[tilespmem:$0x1C800] =	vst v63  }
0x10a: {  	s2 =	sadd.s32 @!p0 $0x9C80, s2;
	p6 =	sge.u32 s7, s10;
	s0 =	simm.s32 @!p0 $0x80  }
0x10b: {  	[tilespmem:s0], [sflag:$0x5] =	stream.linear.gather @!p0 [hbm4b:s2+s11], $0x40, $0x38;
	[tilespmem:$0x1C800] =	vst v63  }
0x10c: {  	s0 =	simm.s32 @!p6 $0x9  }
0x10d: {  	_ =	swait.ge @!p6 [sflag:s0], $0x40  }
0x10e: {  	[sflag:s0] =	ssyncset.done @!p6 $0x0  }
0x10f: {  	[sflag:s0] =	ssyncadd.s32 @!p6 $0xFFFFFFC0  }
0x110: {  	_ =	swait.ge @!p6 [sflag:s0], $0x40  }
0x111: {  	s3 =	simm.s32 @!p6 $0x400;
	[sflag:s0] =	ssyncset.done @!p6 $0x0  }
0x112: {  	s22 =	simm.s32 @!p6 $0x800;
	s28 =	simm.s32 @!p6 $0x40;
	[sflag:s0] =	ssyncadd.s32 @!p6 $0xFFFFFFC0  }
0x113: {  	[tilespmem:s22], [sflag:$0x1] =	stream.indirect.gather @!p6 [hbm4b:s4+s28], $0x80, s3, s28, $0xb8;
	[tilespmem:$0x1C800] =	vst v63  }
0x114: {  	_ =	swait.ge [sflag:s19], $0x2000  }
0x115: {  	s13 =	sadd.s32 $0x9, s7;
	[sflag:s19] =	ssyncset.done $0x0  }
0x116: {  	p4 =	sge.u32 s13, s6;
	[sflag:s19] =	ssyncadd.s32 $0xFFFFE000  }
0x117: {  	[spmem:s1] =	stream.indirect.scatter.add.f32 [tilespmem:s31], [sflag:$0xD], $0x80, s12, s9, $0xb8;
	[tilespmem:$0x1C800] =	vst v63  }
0x118: {  	s0 =	sadd.s32 @!p4 s25, s21;
	_ =	swait.ge [sflag:s17], $0x2000  }
0x119: {  	s8 =	simm.s32 @!p4 $0x100;
	s2 =	sadd.s32 @!p4 $0x48, s0;
	[sflag:s17] =	ssyncset.done $0x0  }
0x11a: {  	s3 =	simm.s32 @!p4 $0x0;
	s15 =	rddreg [dreg:$0x4];
	[sflag:s17] =	ssyncadd.s32 $0xFFFFE000  }
0x11b: {  	[tilespmem:s8], [sflag:$0x6] =	stream.linear.gather @!p4 [hbm4b:s2+s3], $0x40, $0x38;
	[tilespmem:$0x1C800] =	vst v63  }
0x11c: {  	s13 =	simm.s32 @!p4 $0x180;
	s0 =	sadd.s32 @!p4 $0x9C88, s0;
	p0 =	sge.u32 s7, s15  }
0x11d: {  	[tilespmem:s13], [sflag:$0x6] =	stream.linear.gather @!p4 [hbm4b:s0+s3], $0x40, $0x38;
	[tilespmem:$0x1C800] =	vst v63  }
0x11e: {  	s0 =	simm.s32 @!p0 $0xA  }
0x11f: {  	_ =	swait.ge @!p0 [sflag:s0], $0x40  }
0x120: {  	[sflag:s0] =	ssyncset.done @!p0 $0x0  }
0x121: {  	[sflag:s0] =	ssyncadd.s32 @!p0 $0xFFFFFFC0  }
0x122: {  	_ =	swait.ge @!p0 [sflag:s0], $0x40  }
0x123: {  	s2 =	simm.s32 @!p0 $0x500;
	[sflag:s0] =	ssyncset.done @!p0 $0x0  }
0x124: {  	s31 =	simm.s32 @!p0 $0x2800;
	s30 =	simm.s32 @!p0 $0x40;
	[sflag:s0] =	ssyncadd.s32 @!p0 $0xFFFFFFC0  }
0x125: {  	[tilespmem:s31], [sflag:$0x2] =	stream.indirect.gather @!p0 [hbm4b:s4+s30], $0x80, s2, s30, $0xb8;
	[tilespmem:$0x1C800] =	vst v63  }
0x126: {  	_ =	swait.ge [sflag:s29], $0x2000  }
0x127: {  	s15 =	sadd.s32 $0xA, s7;
	[sflag:s29] =	ssyncset.done $0x0  }
0x128: {  	s26 =	simm.s32 $0x4800;
	p5 =	sge.u32 s15, s6;
	[sflag:s29] =	ssyncadd.s32 $0xFFFFE000  }
0x129: {  	[spmem:s1] =	stream.indirect.scatter.add.f32 [tilespmem:s26], [sflag:$0xD], $0x80, s14, s9, $0xb8;
	[tilespmem:$0x1C800] =	vst v63  }
0x12a: {  	s13 =	simm.s32 @!p5 $0x200;
	_ =	swait.ge [sflag:s17], $0x2000  }
0x12b: {  	s0 =	simm.s32 @!p5 $0x0;
	s2 =	sadd.s32 @!p5 s25, s21;
	[sflag:s17] =	ssyncset.done $0x0  }
0x12c: {  	s3 =	sadd.s32 @!p5 $0x50, s2;
	s5 =	rddreg [dreg:$0x5];
	[sflag:s17] =	ssyncadd.s32 $0xFFFFE000  }
0x12d: {  	[tilespmem:s13], [sflag:$0x7] =	stream.linear.gather @!p5 [hbm4b:s3+s0], $0x40, $0x38;
	[tilespmem:$0x1C800] =	vst v63  }
0x12e: {  	s2 =	sadd.s32 @!p5 $0x9C90, s2;
	p1 =	sge.u32 s7, s5;
	s3 =	simm.s32 @!p5 $0x280  }
0x12f: {  	[tilespmem:s3], [sflag:$0x7] =	stream.linear.gather @!p5 [hbm4b:s2+s0], $0x40, $0x38;
	[tilespmem:$0x1C800] =	vst v63  }
0x130: {  	s0 =	simm.s32 @!p1 $0xB  }
0x131: {  	_ =	swait.ge @!p1 [sflag:s0], $0x40  }
0x132: {  	[sflag:s0] =	ssyncset.done @!p1 $0x0  }
0x133: {  	[sflag:s0] =	ssyncadd.s32 @!p1 $0xFFFFFFC0  }
0x134: {  	_ =	swait.ge @!p1 [sflag:s0], $0x40  }
0x135: {  	s10 =	sadd.s32 $0xB, s7;
	s15 =	simm.s32 @!p1 $0x4800;
	[sflag:s0] =	ssyncset.done @!p1 $0x0  }
0x136: {  	s2 =	simm.s32 @!p1 $0x40;
	s3 =	simm.s32 @!p1 $0x600;
	[sflag:s0] =	ssyncadd.s32 @!p1 $0xFFFFFFC0  }
0x137: {  	[tilespmem:s15], [sflag:$0x3] =	stream.indirect.gather @!p1 [hbm4b:s4+s2], $0x80, s3, s2, $0xb8;
	[tilespmem:$0x1C800] =	vst v63  }
0x138: {  	p2 =	sge.u32 s10, s6;
	_ =	swait.ge [sflag:s20], $0x2000  }
0x139: {  	s10 =	simm.s32 @!p2 $0x0;
	s12 =	simm.s32 $0x380;
	[sflag:s20] =	ssyncset.done $0x0  }
0x13a: {  	s26 =	simm.s32 @!p2 $0x300;
	s5 =	simm.s32 @!p2 $0x0;
	[sflag:s20] =	ssyncadd.s32 $0xFFFFE000  }
0x13b: {  	[spmem:s1] =	stream.indirect.scatter.add.f32 [tilespmem:s16], [sflag:$0xD], $0x80, s12, s9, $0xb8;
	[tilespmem:$0x1C800] =	vst v63  }
0x13c: {  	s5 =	simm.s32 @p2 $0x1;
	s0 =	sadd.s32 @!p2 s25, s21;
	_ =	swait.ge [sflag:s17], $0x2000  }
0x13d: {  	s3 =	sadd.s32 @!p2 $0x58, s0;
	[sflag:s17] =	ssyncset.done $0x0;
	s14 =	rddreg [dreg:$0x6]  }
0x13e: {  	s0 =	sadd.s32 @!p2 $0x9C98, s0;
	[sflag:s17] =	ssyncadd.s32 $0xFFFFE000;
	p3 =	sge.u32 s7, s14  }
0x13f: {  	[tilespmem:s26], [sflag:$0x8] =	stream.linear.gather @!p2 [hbm4b:s3+s10], $0x40, $0x38;
	[tilespmem:$0x1C800] =	vst v63  }
0x140: {  	[smem:$0x7FC] =	sst s5;
	s3 =	simm.s32 @!p2 $0x380;
	s5 =	simm.s32 @!p3 $0xC  }
0x141: {  	[tilespmem:s3], [sflag:$0x8] =	stream.linear.gather @!p2 [hbm4b:s0+s10], $0x40, $0x38;
	[tilespmem:$0x1C800] =	vst v63  }
0x142: {  	_ =	swait.ge @!p3 [sflag:s5], $0x40  }
0x143: {  	[sflag:s5] =	ssyncset.done @!p3 $0x0  }
0x144: {  	[sflag:s5] =	ssyncadd.s32 @!p3 $0xFFFFFFC0  }
0x145: {  	_ =	swait.ge @!p3 [sflag:s5], $0x40  }
0x146: {  	s12 =	simm.s32 @!p3 $0x700;
	s10 =	simm.s32 @!p6 $0x1;
	[sflag:s5] =	ssyncset.done @!p3 $0x0  }
0x147: {  	s3 =	simm.s32 @!p3 $0x6800;
	s0 =	simm.s32 @!p3 $0x40;
	[sflag:s5] =	ssyncadd.s32 @!p3 $0xFFFFFFC0  }
0x148: {  	[tilespmem:s3], [sflag:$0x4] =	stream.indirect.gather @!p3 [hbm4b:s4+s0], $0x80, s12, s0, $0xb8;
	[tilespmem:$0x1C800] =	vst v63  }
0x149: {  	_ =	swait.ge @!p6 [sflag:s10], $0x2000  }
0x14a: {  	s14 =	simm.s32 @!p6 $0xD;
	s12 =	sadd.s32 $0xC, s7;
	[sflag:s10] =	ssyncset.done @!p6 $0x0  }
0x14b: {  	s5 =	simm.s32 @!p6 $0x480;
	p2 =	sge.u32 s12, s6;
	[sflag:s10] =	ssyncadd.s32 @!p6 $0xFFFFE000  }
0x14c: {  	[spmem:s1] =	stream.indirect.scatter.add.f32 @!p6 [tilespmem:s22], [sflag:$0xD], $0x80, s5, s28, $0xb8;
	[tilespmem:$0x1C800] =	vst v63  }
0x14d: {  	s10 =	simm.s32 @!p2 $0x400;
	_ =	swait.ge @!p6 [sflag:s14], $0x2000  }
0x14e: {  	s5 =	sadd.s32 @!p2 s25, s21;
	[sflag:s14] =	ssyncset.done @!p6 $0x0;
	s22 =	sld [smem:$0x7FA]  }
0x14f: {  	s12 =	sadd.s32 @!p2 $0x60, s5;
	[sflag:s14] =	ssyncadd.s32 @!p6 $0xFFFFE000;
	s14 =	simm.s32 @!p2 $0x0  }
0x150: {  	[tilespmem:s10], [sflag:$0x9] =	stream.linear.gather @!p2 [hbm4b:s12+s14], $0x40, $0x38;
	[tilespmem:$0x1C800] =	vst v63  }
0x151: {  	p6 =	seq.s32 s22, $0x1  }
0x152: {  	s5 =	sadd.s32 @!p2 $0x9CA0, s5;
	s10 =	simm.s32 @!p2 $0x480;
	s12 =	simm.s32 @!p6 $0x5  }
0x153: {  	[tilespmem:s10], [sflag:$0x9] =	stream.linear.gather @!p2 [hbm4b:s5+s14], $0x40, $0x38;
	[tilespmem:$0x1C800] =	vst v63  }
0x154: {  	_ =	swait.ge @!p6 [sflag:s12], $0x40  }
0x155: {  	[sflag:s12] =	ssyncset.done @!p6 $0x0  }
0x156: {  	[sflag:s12] =	ssyncadd.s32 @!p6 $0xFFFFFFC0  }
0x157: {  	_ =	swait.ge @!p6 [sflag:s12], $0x40  }
0x158: {  	s5 =	simm.s32 @!p0 $0x2;
	[sflag:s12] =	ssyncset.done @!p6 $0x0  }
0x159: {  	s10 =	simm.s32 @!p6 $0x40;
	s14 =	simm.s32 @!p6 $0x800;
	[sflag:s12] =	ssyncadd.s32 @!p6 $0xFFFFFFC0  }
0x15a: {  	[tilespmem:s14], [sflag:$0x1] =	stream.indirect.gather @!p6 [hbm4b:s4+s10], $0x80, s11, s10, $0xb8;
	[tilespmem:$0x1C800] =	vst v63  }
0x15b: {  	_ =	swait.ge @!p0 [sflag:s5], $0x2000  }
0x15c: {  	s28 =	sadd.s32 $0xD, s7;
	[sflag:s5] =	ssyncset.done @!p0 $0x0  }
0x15d: {  	s22 =	simm.s32 @!p0 $0xD;
	s12 =	simm.s32 @!p0 $0x580;
	[sflag:s5] =	ssyncadd.s32 @!p0 $0xFFFFE000  }
0x15e: {  	[spmem:s1] =	stream.indirect.scatter.add.f32 @!p0 [tilespmem:s31], [sflag:$0xD], $0x80, s12, s30, $0xb8;
	[tilespmem:$0x1C800] =	vst v63  }
0x15f: {  	p2 =	sge.u32 s28, s6;
	_ =	swait.ge @!p0 [sflag:s22], $0x2000  }
0x160: {  	s10 =	simm.s32 @!p2 $0x500;
	s5 =	sadd.s32 @!p2 s25, s21;
	[sflag:s22] =	ssyncset.done @!p0 $0x0  }
0x161: {  	s11 =	sadd.s32 @!p2 $0x68, s5;
	s12 =	simm.s32 @!p2 $0x0;
	[sflag:s22] =	ssyncadd.s32 @!p0 $0xFFFFE000  }
0x162: {  	[tilespmem:s10], [sflag:$0xA] =	stream.linear.gather @!p2 [hbm4b:s11+s12], $0x40, $0x38;
	[tilespmem:$0x1C800] =	vst v63  }
0x163: {  	s5 =	sadd.s32 @!p2 $0x9CA8, s5;
	s10 =	simm.s32 @!p2 $0x580;
	s11 =	simm.s32 @!p4 $0x6  }
0x164: {  	[tilespmem:s10], [sflag:$0xA] =	stream.linear.gather @!p2 [hbm4b:s5+s12], $0x40, $0x38;
	[tilespmem:$0x1C800] =	vst v63  }
0x165: {  	_ =	swait.ge @!p4 [sflag:s11], $0x40  }
0x166: {  	[sflag:s11] =	ssyncset.done @!p4 $0x0  }
0x167: {  	[sflag:s11] =	ssyncadd.s32 @!p4 $0xFFFFFFC0  }
0x168: {  	_ =	swait.ge @!p4 [sflag:s11], $0x40  }
0x169: {  	s5 =	simm.s32 @!p1 $0x3;
	[sflag:s11] =	ssyncset.done @!p4 $0x0  }
0x16a: {  	s10 =	simm.s32 @!p4 $0x40;
	s12 =	simm.s32 @!p4 $0x2800;
	[sflag:s11] =	ssyncadd.s32 @!p4 $0xFFFFFFC0  }
0x16b: {  	[tilespmem:s12], [sflag:$0x2] =	stream.indirect.gather @!p4 [hbm4b:s4+s10], $0x80, s8, s10, $0xb8;
	[tilespmem:$0x1C800] =	vst v63  }
0x16c: {  	_ =	swait.ge @!p1 [sflag:s5], $0x2000  }
0x16d: {  	s14 =	simm.s32 @!p1 $0xD;
	[sflag:s5] =	ssyncset.done @!p1 $0x0  }
0x16e: {  	s11 =	simm.s32 @!p1 $0x680;
	s10 =	sadd.s32 $0xE, s7;
	[sflag:s5] =	ssyncadd.s32 @!p1 $0xFFFFE000  }
0x16f: {  	[spmem:s1] =	stream.indirect.scatter.add.f32 @!p1 [tilespmem:s15], [sflag:$0xD], $0x80, s11, s2, $0xb8;
	[tilespmem:$0x1C800] =	vst v63  }
0x170: {  	p0 =	sge.u32 s10, s6;
	_ =	swait.ge @!p1 [sflag:s14], $0x2000  }
0x171: {  	s10 =	simm.s32 @!p0 $0x0;
	s2 =	sadd.s32 @!p0 s25, s21;
	[sflag:s14] =	ssyncset.done @!p1 $0x0  }
0x172: {  	s5 =	simm.s32 @!p0 $0x600;
	s8 =	sadd.s32 @!p0 $0x70, s2;
	[sflag:s14] =	ssyncadd.s32 @!p1 $0xFFFFE000  }
0x173: {  	[tilespmem:s5], [sflag:$0xB] =	stream.linear.gather @!p0 [hbm4b:s8+s10], $0x40, $0x38;
	[tilespmem:$0x1C800] =	vst v63  }
0x174: {  	s2 =	sadd.s32 @!p0 $0x9CB0, s2;
	s5 =	simm.s32 @!p0 $0x680;
	s8 =	simm.s32 @!p5 $0x7  }
0x175: {  	[tilespmem:s5], [sflag:$0xB] =	stream.linear.gather @!p0 [hbm4b:s2+s10], $0x40, $0x38;
	[tilespmem:$0x1C800] =	vst v63  }
0x176: {  	_ =	swait.ge @!p5 [sflag:s8], $0x40  }
0x177: {  	[sflag:s8] =	ssyncset.done @!p5 $0x0  }
0x178: {  	[sflag:s8] =	ssyncadd.s32 @!p5 $0xFFFFFFC0  }
0x179: {  	_ =	swait.ge @!p5 [sflag:s8], $0x40  }
0x17a: {  	s2 =	simm.s32 @!p5 $0x4800;
	[sflag:s8] =	ssyncset.done @!p5 $0x0  }
0x17b: {  	s5 =	simm.s32 @!p5 $0x40;
	[sflag:s8] =	ssyncadd.s32 @!p5 $0xFFFFFFC0;
	s8 =	simm.s32 @!p3 $0x4  }
0x17c: {  	[tilespmem:s2], [sflag:$0x3] =	stream.indirect.gather @!p5 [hbm4b:s4+s5], $0x80, s13, s5, $0xb8;
	[tilespmem:$0x1C800] =	vst v63  }
0x17d: {  	_ =	swait.ge @!p3 [sflag:s8], $0x2000  }
0x17e: {  	s22 =	sadd.s32 $0xF, s7;
	[sflag:s8] =	ssyncset.done @!p3 $0x0  }
0x17f: {  	s7 =	simm.s32 @!p3 $0x780;
	s2 =	simm.s32 @!p3 $0xD;
	[sflag:s8] =	ssyncadd.s32 @!p3 $0xFFFFE000  }
0x180: {  	[spmem:s1] =	stream.indirect.scatter.add.f32 @!p3 [tilespmem:s3], [sflag:$0xD], $0x80, s7, s0, $0xb8;
	[tilespmem:$0x1C800] =	vst v63  }
0x181: {  	_ =	swait.ge @!p3 [sflag:s2], $0x2000  }
0x182: {  	s28 =	sld [smem:$0x7FB];
	_ =	sdelay $0x2  }
0x183: {  	p1 =	seq.s32 s28, $0x1  }
.Ltmp0:
0x184: {  	_ = 	snop;
	(pc) =	sbr.rel @p1 .LBB2_2-.Ltmp0, $4  }
0x185: {  	_ = 	snop  }
0x186: {  	s31 =	simm.s32 $0x2800;
	s30 =	simm.s32 $0x800;
	s12 =	simm.s32 $0x180  }
0x187: {  	s14 =	simm.s32 $0x280;
	s10 =	simm.s32 $0x80;
	p0 =	sge.u32 s22, s6  }
0x188: {  	s3 =	sadd.s32 @!p0 s25, s21;
	s0 =	simm.s32 @!p0 $0x0;
	[sflag:s2] =	ssyncset.done @!p3 $0x0  }
0x189: {  	s22 =	sld [smem:$0x7FC]  }
0x18a: {  	[sflag:s2] =	ssyncadd.s32 @!p3 $0xFFFFE000;
	s2 =	sadd.s32 @!p0 $0x78, s3;
	s5 =	simm.s32 @!p0 $0x700  }
0x18b: {  	[tilespmem:s5], [sflag:$0xC] =	stream.linear.gather @!p0 [hbm4b:s2+s0], $0x40, $0x38;
	[tilespmem:$0x1C800] =	vst v63  }
0x18c: {  	s2 =	sadd.s32 @!p0 $0x9CB8, s3;
	s3 =	simm.s32 @!p0 $0x780;
	p1 =	seq.s32 s22, $0x1  }
0x18d: {  	[tilespmem:s3], [sflag:$0xC] =	stream.linear.gather @!p0 [hbm4b:s2+s0], $0x40, $0x38;
	[tilespmem:$0x1C800] =	vst v63  }
0x18e: {  	s5 =	simm.s32 @!p1 $0x8  }
0x18f: {  	_ =	swait.ge @!p1 [sflag:s5], $0x40  }
0x190: {  	[sflag:s5] =	ssyncset.done @!p1 $0x0  }
0x191: {  	[sflag:s5] =	ssyncadd.s32 @!p1 $0xFFFFFFC0  }
0x192: {  	_ =	swait.ge @!p1 [sflag:s5], $0x40  }
0x193: {  	[sflag:s5] =	ssyncset.done @!p1 $0x0  }
0x194: {  	s0 =	simm.s32 @!p1 $0x6800;
	s2 =	simm.s32 @!p1 $0x40;
	[sflag:s5] =	ssyncadd.s32 @!p1 $0xFFFFFFC0  }
0x195: {  	[tilespmem:s0], [sflag:$0x4] =	stream.indirect.gather @!p1 [hbm4b:s4+s2], $0x80, s26, s2, $0xb8;
	[tilespmem:$0x1C800] =	vst v63  }
0x196: {  	[bflag:$0x0] =	sbarrier.arrive $0xFFFF  }
0x197: {  	s23 =	rddreg [dreg:$0x18]  }
0x198: {  	s24 =	rddreg [dreg:$0x1c]  }
0x199: {  	s25 =	rddreg [dreg:$0x1d]  }
0x19a: {  	[hbm:s23], [sflag:s24] =	dma.local [spmem:s25], $0x2800  }
0x19b: {  	_ =	swait.ge [sflag:s17], $0x2800  }
0x19c: {  	s26 =	rddreg [dreg:$0x1b]  }
0x19d: {  	s28 =	rddreg [dreg:$0x19];
	s2 =	sadd.s32 $0x1, s26  }
0x19e: {  	p0 =	sne.s32 s2, s28  }
.Ltmp1:
0x19f: {  	_ = 	snop;
	(pc) =	sbr.rel @p0 .LBB2_1-.Ltmp1, $3  }
0x1a0: {  	_ =	sdelay $0x1  }
0x1a1: {  	s16 =	simm.s32 $0x380;
	[sflag:s17] =	ssyncset.done $0x0  }
0x1a2: {  	s15 =	simm.s32 $0x4800;
	s25 =	simm.s32 $0x6800;
	[sflag:s17] =	ssyncadd.s32 $0xFFFFD800  }
0x1a3: {  	_ =	sfence.sel $0x180000  }
0x1a4: {  	[bflag:$0x0] =	sbarrier.arrive $0xFFFF  }
0x1a5: {  	_ =	strace $0x9000004D  }
0x1a6: {  	s0 =	stileid.u32;
	[bflag:$0x2] =	sbarrier.arrive $0xFFFF  }
0x1a7: {  	p0 =	sne.s32 s0, $0x0;
	s0 =	rddreg [dreg:$0x2]  }
0x1a8: {  	s0 =	sadd.s32 @!p0 $0x100000, s0  }
0x1a9: {  	[sflag:s0] =	ssyncadd.tile.s32 @!p0 $0x1;
	_ =	shalt  }
.Lfunc_end2:
_tile_overlayer_lowered:
.L_overlay_start_2:
0x1aa: {  	(tag) =	ssettag $0x2  }
0x1ab: {  	s0 =	rddreg [dreg:$0x0];
	s2 =	stileid.u32  }
0x1ac: {  	s1 =	rddreg [dreg:$0x1];
	p0 =	sne.s32 s2, $0x0  }
0x1ad: {  	s3 =	rddreg [dreg:$0x2];
	[bflag:$0x3] =	sbarrier.arrive $0xFFFF;
	s2 =	simm.s32 @!p0 $0x1C0D  }
0x1ae: {  	[timem:s3], [sflag:s2] =	dma.local @!p0 [hbm:s0], s1  }
0x1af: {  	s0 =	simm.s32 @!p0 $0xD  }
0x1b0: {  	_ =	swait.ge @!p0 [sflag:s0], s1  }
0x1b1: {  	s1 =	ssub.s32 @!p0 $0x0, s1;
	[sflag:s0] =	ssyncset.done @!p0 $0x0  }
0x1b2: {  	[sflag:s0] =	ssyncadd.s32 @!p0 s1  }
0x1b3: {  	[bflag:$0x3] =	sbarrier.arrive $0xFFFF  }
0x1b4: {  	_ =	shalt  }

// kernel: kernel.8.cloned.1.call-start
scs
__scs_entry_jumppad:
0x0: {  	(pc) =	sbr.rel $0x88, $3  }
0x1: {  	(tag) =	ssettag $0x0;
	lr =	simm.s32 $0x1  }
0x2: {  	[smem:$0x3F99] =	sst lr;
	_ =	strace $0xD0000000  }
0x3: {  	_ = 	snop  }
0x4: {  	_ = 	snop  }
0x5: {  	_ = 	snop  }
0x6: {  	_ = 	snop  }
0x7: {  	_ = 	snop  }
__scs_overlays_trampoline_lowered:
0x8: {  	[smem:$0x3FA8] =	sst s0  }
0x9: {  	[smem:$0x3FA9] =	sst s1  }
0xa: {  	[smem:$0x3FAA] =	sst s2  }
0xb: {  	[smem:$0x3FAB] =	sst s3  }
0xc: {  	[smem:$0x3FAC] =	sst s4  }
0xd: {  	[smem:$0x3FAD] =	sst s5  }
0xe: {  	[smem:$0x3FAE] =	sst s6  }
0xf: {  	[smem:$0x3FAF] =	sst s7  }
0x10: {  	[smem:$0x3FB0] =	sst s8  }
0x11: {  	[smem:$0x3FB1] =	sst s9;
	s0 =	simm.s32 @!p0 $0x0  }
0x12: {  	s1 =	sld [smem:$0x3F97];
	s0 =	simm.s32 @p0 $0x1  }
0x13: {  	[smem:$0x3FB2] =	sst s0;
	s0 =	simm.s32 @!p1 $0x0  }
0x14: {  	s2 =	sld [smem:$0x3F96];
	s0 =	simm.s32 @p1 $0x1  }
0x15: {  	[smem:$0x3FB3] =	sst s0;
	s0 =	simm.s32 @!p2 $0x0  }
0x16: {  	s3 =	sld [smem:$0x3FDB];
	s0 =	simm.s32 @p2 $0x1  }
0x17: {  	s4 =	simm.s32 $0x1BF5;
	[smem:$0x3FB5] =	sst s0  }
0x18: {  	s0 =	sld [smem:$0x3F98];
	_ =	swait.ge [sflag:s4], $0x0  }
0x19: {  	s7 =	sld [smem:$0x3F99]  }
0x1a: {  	s8 =	sadd.s32 $0xFFFFE003, lr  }
0x1b: {  	s9 =	sadd.s32 $0xFFFFFEF7, lr;
	s5 =	simm.s32 $0xFFFFFFFF;
	p2 =	slt.u32 s8, $0xFFFFF086  }
0x1c: {  	p1 =	slt.u32 s9, $0xF7A;
	s5 =	simm.s32 @!p2 $0x0  }
0x1d: {  	s5 =	simm.s32 @p1 $0x1;
	p0 =	seq.s32 s7, s2  }
0x1e: {  	s7 =	smul.u32 @!p0 $0xF7A, s2;
	p2 =	seq.s32 @!p0 s5, $0x0  }
0x1f: {  	s9 =	smul.u32 $0xF7A, s1;
	s8 =	simm.s32 @!p0 $0x1BF5;
	p2 =	por !p2, p0  }
0x20: {  	[sflag:s8] =	ssyncset.s32 @!p0 $0xFFFFF086;
	s6 =	sadd.s32 @!p0 s3, s7;
	s7 =	simm.s32 @!p0 $0x108  }
0x21: {  	s3 =	sadd.s32 s3, s9;
	s6 =	sadd.s32 @!p0 $0x88, s6;
	s7 =	simm.s32 @p2 $0x1082  }
0x22: {  	[simem:s7], [sflag:s8] =	dma.local @!p0 [hbm:s6], $0xF7A  }
0x23: {  	s9 =	sor.u32 $0xD0000000, s2;
	s6 =	simm.s32 $0x108;
	_ =	swait.ge @!p0 [sflag:s8], $0x0  }
0x24: {  	s3 =	sadd.s32 $0x88, s3;
	s6 =	simm.s32 @!p1 $0x1082;
	[sflag:s4] =	ssyncset.s32 $0xFFFFF086  }
0x25: {  	[simem:s6], [sflag:s4] =	dma.local [hbm:s3], $0xF7A  }
0x26: {  	[smem:$0x3F99] =	sst s1;
	(tag) =	ssettag s2;
	_ =	strace s9  }
0x27: {  	s1 =	sld [smem:$0x3FA9]  }
0x28: {  	s2 =	sld [smem:$0x3FAA]  }
0x29: {  	s4 =	sld [smem:$0x3FAC]  }
0x2a: {  	p0 =	seq.s32 s5, $0x0;
	s5 =	sld [smem:$0x3FAD]  }
0x2b: {  	s6 =	sld [smem:$0x3FAE]  }
0x2c: {  	s7 =	sld [smem:$0x3FAF]  }
0x2d: {  	s3 =	simm.s32 $0x108;
	s8 =	sld [smem:$0x3FB0]  }
0x2e: {  	s3 =	simm.s32 @!p0 $0x1082;
	s9 =	sld [smem:$0x3FB1]  }
0x2f: {  	lr =	sadd.s32 s0, s3;
	s0 =	sld [smem:$0x3FA8]  }
0x30: {  	s3 =	sld [smem:$0x3FAB]  }
0x31: {  	[smem:$0x3FB4] =	sst s10  }
0x32: {  	s10 =	sld [smem:$0x3FB2];
	_ =	sdelay $0x3  }
0x33: {  	p0 =	seq.s32 s10, $0x1;
	s10 =	sld [smem:$0x3FB4];
	_ =	sdelay $0x3  }
0x34: {  	[smem:$0x3FB4] =	sst s10  }
0x35: {  	s10 =	sld [smem:$0x3FB3];
	_ =	sdelay $0x3  }
0x36: {  	p1 =	seq.s32 s10, $0x1;
	s10 =	sld [smem:$0x3FB4];
	_ =	sdelay $0x3  }
0x37: {  	[smem:$0x3FB4] =	sst s10  }
0x38: {  	s10 =	sld [smem:$0x3FB5]  }
0x39: {  	_ = 	snop;
	(pc) =	sbr.ind lr, $3  }
0x3a: {  	_ = 	snop  }
0x3b: {  	_ = 	snop  }
0x3c: {  	p2 =	seq.s32 s10, $0x1;
	s10 =	sld [smem:$0x3FB4]  }
0x3d: {  	_ =	shalt  }
0x3e: {  	_ =	shalt  }
0x3f: {  	_ =	shalt  }
0x40: {  	_ =	shalt  }
0x41: {  	_ =	shalt  }
0x42: {  	_ =	shalt  }
0x43: {  	_ =	shalt  }
0x44: {  	_ =	shalt  }
0x45: {  	_ =	shalt  }
0x46: {  	_ =	shalt  }
0x47: {  	_ =	shalt  }
0x48: {  	_ =	shalt  }
0x49: {  	_ =	shalt  }
0x4a: {  	_ =	shalt  }
0x4b: {  	_ =	shalt  }
0x4c: {  	_ =	shalt  }
0x4d: {  	_ =	shalt  }
0x4e: {  	_ =	shalt  }
0x4f: {  	_ =	shalt  }
0x50: {  	_ =	shalt  }
0x51: {  	_ =	shalt  }
0x52: {  	_ =	shalt  }
0x53: {  	_ =	shalt  }
0x54: {  	_ =	shalt  }
0x55: {  	_ =	shalt  }
0x56: {  	_ =	shalt  }
0x57: {  	_ =	shalt  }
0x58: {  	_ =	shalt  }
0x59: {  	_ =	shalt  }
0x5a: {  	_ =	shalt  }
0x5b: {  	_ =	shalt  }
0x5c: {  	_ =	shalt  }
0x5d: {  	_ =	shalt  }
0x5e: {  	_ =	shalt  }
0x5f: {  	_ =	shalt  }
0x60: {  	_ =	shalt  }
0x61: {  	_ =	shalt  }
0x62: {  	_ =	shalt  }
0x63: {  	_ =	shalt  }
0x64: {  	_ =	shalt  }
0x65: {  	_ =	shalt  }
0x66: {  	_ =	shalt  }
0x67: {  	_ =	shalt  }
0x68: {  	_ =	shalt  }
0x69: {  	_ =	shalt  }
0x6a: {  	_ =	shalt  }
0x6b: {  	_ =	shalt  }
0x6c: {  	_ =	shalt  }
0x6d: {  	_ =	shalt  }
0x6e: {  	_ =	shalt  }
0x6f: {  	_ =	shalt  }
0x70: {  	_ =	shalt  }
0x71: {  	_ =	shalt  }
0x72: {  	_ =	shalt  }
0x73: {  	_ =	shalt  }
0x74: {  	_ =	shalt  }
0x75: {  	_ =	shalt  }
0x76: {  	_ =	shalt  }
0x77: {  	_ =	shalt  }
0x78: {  	_ =	shalt  }
0x79: {  	_ =	shalt  }
0x7a: {  	_ =	shalt  }
0x7b: {  	_ =	shalt  }
0x7c: {  	_ =	shalt  }
0x7d: {  	_ =	shalt  }
0x7e: {  	_ =	shalt  }
0x7f: {  	_ =	shalt  }
0x80: {  	_ =	shalt  }
0x81: {  	_ =	shalt  }
0x82: {  	_ =	shalt  }
0x83: {  	_ =	shalt  }
0x84: {  	_ =	shalt  }
0x85: {  	_ =	shalt  }
0x86: {  	_ =	shalt  }
0x87: {  	_ =	shalt  }
.Lfunc_end0:
.L_simem_size_0:
called_computation_lowered:
.L_overlay_start_0:
0x88: {  	s2 =	sld [smem:$0x3FD9]  }
0x89: {  	s3 =	sld [smem:$0x3FFE];
	_ =	sdelay $0x1  }
0x8a: {  	s1 =	srdreg.scid  }
0x8b: {  	s0 =	sand.u32 $0x1, s1  }
0x8c: {  	s16 =	sshll.u32 s0, $0xA;
	s2 =	sadd.s32 s3, s2  }
0x8d: {  	s2 =	sadd.s32 s2, s16  }
0x8e: {  	[smem:$0x3FC0] =	sst s2  }
0x8f: {  	_ = 	snop  }
0x90: {  	(tm) =	ssettm $0x1  }
0x91: {  	s17 =	sld [smem:$0x3FFB];
	_ =	sdelay $0x3  }
0x92: {  	_ =	strace s17  }
0x93: {  	s2 =	sld [smem:$0x3FFC];
	_ =	sdelay $0x3  }
0x94: {  	_ =	strace s2  }
0x95: {  	s2 =	sld [smem:$0x3FFD];
	_ =	sdelay $0x3  }
0x96: {  	_ =	strace s2  }
0x97: {  	_ =	strace $0x8FFFFFFF  }
0x98: {  	s18 =	sld [smem:$0x3FDB];
	_ =	sdelay $0x1  }
0x99: {  	s19 =	simm.s32 $_scs_section_size  }
0x9a: {  	s4 =	simm.s32 $_size__tile_overlayer_lowered;
	s5 =	simm.s32 $_tile_overlayer_lowered  }
0x9b: {  	s22 =	simm.s32 $0x1BFF;
	s21 =	sshll.u32 s5, $0x1;
	s2 =	sadd.s32 s19, s18  }
0x9c: {  	s6 =	simm.s32 $0x0;
	s20 =	sshll.u32 s4, $0x1;
	s4 =	sadd.s32 s21, s2  }
0x9d: {  	[timem:s6], [sflag:s22] =	dma.local [hbm:s4], s20  }
0x9e: {  	_ =	swait.ge [sflag:s22], s20  }
0x9f: {  	s3 =	ssub.s32 $0x0, s20;
	[sflag:s22] =	ssyncset.done $0x0  }
0xa0: {  	[sflag:s22] =	ssyncadd.s32 s3;
	_ =	sdelay $0x1  }
0xa1: {  	s23 =	simm.s32 $0x1B8B  }
0xa2: {  	_ =	swait.ge [sflag:s23], $0x1  }
0xa3: {  	[sflag:s23] =	ssyncset.done $0x0  }
0xa4: {  	s25 =	simm.s32 $0x1B8E;
	s24 =	sld [smem:$0x3FFE];
	[sflag:s23] =	ssyncadd.s32 $0xFFFFFFFF  }
0xa5: {  	s26 =	simm.s32 $execute0_lowered;
	[smem:$0x3FD2] =	sst s25  }
0xa6: {  	s4 =	sshll.u32 s26, $0x1;
	_ =	strace $0x80000046;
	[dreg:$0x1] =	wrdreg $0xFFFFFFFF  }
0xa7: {  	s28 =	simm.s32 $_size_execute0_lowered;
	s2 =	sadd.s32 s2, s4;
	[dreg:$0x0] =	wrdreg $0x0  }
0xa8: {  	s4 =	sshll.u32 s28, $0x1;
	[dreg:$0x2] =	wrdreg s2  }
0xa9: {  	[dreg:$0x3] =	wrdreg s4  }
0xaa: {  	[dreg:$0x4] =	wrdreg $0xC0  }
0xab: {  	_ =	task [dreg:s6], $0x5FFFF  }
0xac: {  	[dreg:$0x1] =	wrdreg $0xFFFFFFFF  }
0xad: {  	[dreg:$0x0] =	wrdreg $0x60  }
0xae: {  	[dreg:$0x2] =	wrdreg s24  }
0xaf: {  	[dreg:$0x3] =	wrdreg $0x9  }
0xb0: {  	_ =	task.clear_ibuf [dreg:s6], $0x4FFFF;
	_ =	strace $0x90000046  }
0xb1: {  	s29 =	simm.s32 $0x9;
	_ =	strace $0x80000048  }
0xb2: {  	_ =	swait.ge [sflag:s29], $0x1  }
0xb3: {  	[sflag:s29] =	ssyncadd.s32 $0xFFFFFFFF  }
0xb4: {  	_ =	strace $0x90000048  }
0xb5: {  	_ =	sfence  }
0xb6: {  	s30 =	sld [smem:$0x0];
	_ =	sdelay $0x2  }
0xb7: {  	s31 =	sshll.u32 s1, $0xD;
	s1 =	sshrl.u32 s1, $0x2  }
0xb8: {  	s3 =	sand.u32 $0x4000, s31;
	s1 =	sadd.s32 s1, s30  }
0xb9: {  	s0 =	sor.u32 s3, s0;
	s1 =	sshll.u32 s1, $0x11  }
0xba: {  	s0 =	sor.u32 s1, s0  }
0xbb: {  	s0 =	sadd.s32 $0x8F2B, s0  }
0xbc: {  	[sflag:s0] =	ssyncadd.remote.s32 $0x1  }
0xbd: {  	_ =	sfence.sel $0xFFFF  }
0xbe: {  	[dreg:$0x0] =	wrdreg $0xFFFFFFFF;
	(pc) =	sbr.abs _section_cstart, $3  }
0xbf: {  	[dreg:$0x1] =	wrdreg $0xFFFFFFFF  }
0xc0: {  	_ =	task.clear_ibuf [dreg:s6], $0x2FFFF;
	_ =	strace $0x9FFFFFFF  }
0xc1: {  	(tm) =	ssettm $0x7FFFFFFF  }
tec
execute0_lowered:
.L_overlay_start_1:
0x0: {  	(tag) =	ssettag $0x1  }
0x1: {  	s0 =	srdreg.scid;
	s4 =	rddreg [dreg:$0x0]  }
0x2: {  	s1 =	stileid.u32;
	s2 =	simm.s32 $0x0;
	s10 =	simm.s32 $0x400  }
0x3: {  	s11 =	simm.s32 $0x0;
	s3 =	sand.u32 $0x1, s0;
	s0 =	rddreg [dreg:$0x1]  }
0x4: {  	[smem:$0x7FF] =	sst s2;
	s9 =	sshll.u32 s1, $0x7;
	s5 =	sshll.u32 s3, $0x4  }
0x5: {  	_ =	strace $0x80000047;
	s30 =	sand.u32 $0x380, s9;
	s7 =	sor.u32 s1, s5  }
0x6: {  	s3 =	ssub.s32 $0x2, s3;
	s5 =	smul.u32 $0x9C, s7;
	s6 =	sshrl.u32 s7, $0x3  }
0x7: {  	s9 =	simm.s32 $0x80;
	s8 =	smin.u32 s7, $0x8;
	s6 =	smul.u32 $0x14000, s6  }
0x8: {  	s31 =	sshrl.u32 s3, $0x1;
	p0 =	sgt.u32 s7, $0x7;
	s5 =	sadd.s32 s8, s5  }
0x9: {  	s7 =	simm.s32 $0x2800;
	s5 =	sshll.u32 s5, $0x3;
	s6 =	sor.u32 s30, s6  }
0xa: {  	s8 =	ssub.s32 s3, s31;
	s5 =	sadd.s32 s5, s4;
	s6 =	sshrl.u32 s6, $0x3  }
0xb: {  	s6 =	sadd.s32 s6, s4;
	s3 =	sadd.s32 $0xCA40, s5;
	s4 =	sadd.s32 $0xCF20, s5  }
0xc: {  	v0 =	vimm.f32 $0.0e+00;
	v1 =	vimm.f32 $1.000000000e+00;
	s5 =	sadd.s32 $0x16800, s6;
	s6 =	smax.u32 s8, $0x1;
	s8 =	simm.s32 $0x1  }
.LBB2_1:
0xd: {  	s12 =	simm.s32 $0x40;
	s13 =	simm.s32 $0x0  }
.LBB2_2:
0xe: {  	p1 =	sne.s32 s12, $0x9FC0;
	[tilespmem:s13+$0x0] =	vst v0;
	s13 =	smov.u32 s12;
	s12 =	sadd.s32 $0x40, s12  }
.Ltmp0:
0xf: {  	(pc) =	sbr.rel @p1 .LBB2_2-.Ltmp0, $2  }
0x10: {  	_ =	sdelay $0x2  }
0x11: {  	s13 =	sshra.s32 s13, $0x2  }
0x12: {  	[tilespmem:s13+$0x0] =	vst v0  }
0x13: {  	[tilespmem:s7], [sflag:$0x1] =	stream.linear.gather [hbm4b:s3+s2], $0x2700, $0x38;
	[tilespmem:$0x4F80] =	vst v63  }
0x14: {  	_ =	swait.ge [sflag:s8], $0x2700  }
0x15: {  	[sflag:s8] =	ssyncset.done $0x0  }
0x16: {  	s12 =	simm.s32 @!p0 $0x0;
	s13 =	simm.s32 @!p0 $0x4F00;
	[sflag:s8] =	ssyncadd.s32 $0xFFFFD900  }
0x17: {  	[tilespmem:s13], [sflag:$0x1] =	stream.linear.gather @!p0 [hbm4b:s4+s12], $0x40, $0x38;
	[tilespmem:$0x4F80] =	vst v63  }
0x18: {  	s13 =	simm.s32 @!p0 $0x274  }
0x19: {  	s13 =	simm.s32 @p0 $0x270  }
0x1a: {  	p1 =	sne.s32 s13, $0x1  }
.Ltmp1:
0x1b: {  	s12 =	simm.s32 @!p0 $0x1;
	(pc) =	sbr.rel @!p1 .LBB2_5-.Ltmp1, $4  }
0x1c: {  	_ =	swait.ge @!p0 [sflag:s12], $0x40  }
0x1d: {  	[sflag:s12] =	ssyncset.done @!p0 $0x0  }
0x1e: {  	[sflag:s12] =	ssyncadd.s32 @!p0 $0xFFFFFFC0;
	s12 =	simm.s32 $0x2800  }
0x1f: {  	s13 =	sadd.s32 $0xFFFFFFFF, s13;
	v2 =	vld [tilespmem:s12+$0x0]  }
.LBB2_4:
0x20: {  	p1 =	sne.s32 s13, $0x1;
	_ =	sdelay $0x3  }
.Ltmp2:
0x21: {  	(pc) =	sbr.rel @p1 .LBB2_4-.Ltmp2, $3  }
0x22: {  	_ =	sdelay $0x1  }
0x23: {  	s12 =	sadd.s32 $0x10, s12;
	[tilespmem:v2+s2+$0x0] =	vst.idx.add.f32.msk $0xffff, v1  }
0x24: {  	s13 =	sadd.s32 $0xFFFFFFFF, s13;
	v2 =	vld [tilespmem:s12+$0x0]  }
.LBB2_5:
0x25: {  	_ =	sdelay $0x5  }
0x26: {  	s11 =	sadd.s32 $0x1, s11  }
0x27: {  	p1 =	sne.s32 s11, s6  }
.Ltmp3:
0x28: {  	[tilespmem:v2+s2+$0x0] =	vst.idx.add.f32.msk $0xffff, v1;
	(pc) =	sbr.rel @p1 .LBB2_1-.Ltmp3, $4  }
0x29: {  	[hbm4b:s5+s9] =	stream.strided.scatter [tilespmem:s2], [sflag:$0x1], $0x2800, s10, s9, $0x38;
	[tilespmem:$0x4F80] =	vst v63  }
0x2a: {  	_ =	swait.ge [sflag:s8], $0x2800  }
0x2b: {  	[sflag:s8] =	ssyncset.done $0x0  }
0x2c: {  	[sflag:s8] =	ssyncadd.s32 $0xFFFFD800  }
0x2d: {  	_ =	sfence.sel $0x180000  }
0x2e: {  	[bflag:$0x0] =	sbarrier.arrive $0xFFFF  }
0x2f: {  	p0 =	sne.s32 s1, $0x0;
	_ =	strace $0x90000047  }
0x30: {  	s0 =	sadd.s32 @!p0 $0x100000, s0;
	[bflag:$0x2] =	sbarrier.arrive $0xFFFF  }
0x31: {  	[sflag:s0] =	ssyncadd.tile.s32 @!p0 $0x1;
	_ =	shalt  }
.Lfunc_end2:
_tile_overlayer_lowered:
.L_overlay_start_2:
0x32: {  	(tag) =	ssettag $0x2  }
0x33: {  	s0 =	rddreg [dreg:$0x0];
	s2 =	stileid.u32  }
0x34: {  	s1 =	rddreg [dreg:$0x1];
	p0 =	sne.s32 s2, $0x0  }
0x35: {  	s3 =	rddreg [dreg:$0x2];
	[bflag:$0x3] =	sbarrier.arrive $0xFFFF;
	s2 =	simm.s32 @!p0 $0x1C01  }
0x36: {  	[timem:s3], [sflag:s2] =	dma.local @!p0 [hbm:s0], s1  }
0x37: {  	s0 =	simm.s32 @!p0 $0x1  }
0x38: {  	_ =	swait.ge @!p0 [sflag:s0], s1  }
0x39: {  	s1 =	ssub.s32 @!p0 $0x0, s1;
	[sflag:s0] =	ssyncset.done @!p0 $0x0  }
0x3a: {  	[sflag:s0] =	ssyncadd.s32 @!p0 s1  }
0x3b: {  	[bflag:$0x3] =	sbarrier.arrive $0xFFFF  }
0x3c: {  	_ =	shalt  }

</sc_bundles>
